<compile_context>
chip_gen: v7x
topology: tpu7x:2x2x1
jax: 0.10.2.dev20260603
libtpu: 0.0.44.dev20260713+nightly
codegen_flags: <defaults>
</compile_context>

<pallas_src>
import functools

import jax
import jax.numpy as jnp
from jax import lax
from jax.experimental import pallas as pl
from jax.experimental.pallas import tpu as pltpu
from jax.experimental.pallas import tpu_sc as plsc

N = 10000
E = 160000
C = 256
LB = 16
F = 4
NPASS = 2
EC = 4000
ECD = 2000
NEC = E // EC
EPD = E // 16
NECD = EPD // ECD
NP = 10240
RNG = NP // 16


def _zero_1d(ref, nwords, base=0):
    def z(i, _):
        ref[pl.ds(base + i * LB, LB)] = jnp.zeros((LB,), jnp.float32)
        return 0
    lax.fori_loop(0, nwords // LB, z, 0)


def _spmm_body(with_deg, refs):
    if with_deg:
        (xT, rowi, coli, zT, dinv_h,
         xb0, xb1, xb2, xb3, ac0, ac1, ac2, ac3,
         colst, rowst, dinvb, tmpb, dpart, dsp, sems) = refs
    else:
        (xT, rowi, coli, dinv_i, zT,
         xb0, xb1, xb2, xb3, ac0, ac1, ac2, ac3,
         colst, rowst, dinvb, tmpb, dpart, dsp, sems) = refs
    degb = ac0
    xbs = [xb0, xb1, xb2, xb3]
    accbs = [ac0, ac1, ac2, ac3]

    c = lax.axis_index("c")
    s = lax.axis_index("s")
    tid = c * 16 + s
    ones = jnp.ones((LB,), jnp.float32)

    if with_deg:
        _zero_1d(degb, NP)

        def dchunk(j, _):
            e0 = s * EPD + j * ECD
            pltpu.sync_copy(coli.at[pl.ds(e0, ECD)], colst.at[pl.ds(0, ECD)])

            @plsc.parallel_loop(0, ECD // LB, 1, unroll=8)
            def dgrp(g):
                colv = colst[pl.ds(g * LB, LB)]
                plsc.addupdate_scatter(degb, [colv], ones)
            return 0
        lax.fori_loop(0, NECD, dchunk, 0)

        pltpu.sync_copy(degb, dpart.at[s])
        plsc.subcore_barrier()

        r0 = s * RNG
        _zero_1d(degb, RNG, base=r0)
        for t2 in range(16):
            pltpu.sync_copy(dpart.at[t2, pl.ds(r0, RNG)], tmpb)

            def radd(i, _):
                o = r0 + i * LB
                degb[pl.ds(o, LB)] = degb[pl.ds(o, LB)] + tmpb[pl.ds(i * LB, LB)]
                return 0
            lax.fori_loop(0, RNG // LB, radd, 0)

        def rinv(i, _):
            o = r0 + i * LB
            degb[pl.ds(o, LB)] = 1.0 / (degb[pl.ds(o, LB)] + 1.0)
            return 0
        lax.fori_loop(0, RNG // LB, rinv, 0)

        pltpu.sync_copy(degb.at[pl.ds(r0, RNG)], dsp.at[pl.ds(r0, RNG)])

        @pl.when(c == 0)
        def _():
            pltpu.sync_copy(degb.at[pl.ds(r0, RNG)], dinv_h.at[pl.ds(r0, RNG)])
        plsc.subcore_barrier()
        pltpu.sync_copy(dsp, dinvb)
    else:
        pltpu.sync_copy(dinv_i, dinvb)

    def start_stage(j, b):
        pltpu.make_async_copy(coli.at[pl.ds(j * EC, EC)],
                              colst.at[pl.ds(b * EC, EC)], sems.at[b]).start()
        pltpu.make_async_copy(rowi.at[pl.ds(j * EC, EC)],
                              rowst.at[pl.ds(b * EC, EC)], sems.at[b]).start()

    def wait_stage(b):
        pltpu.make_async_copy(coli.at[pl.ds(0, EC)],
                              colst.at[pl.ds(b * EC, EC)], sems.at[b]).wait()
        pltpu.make_async_copy(rowi.at[pl.ds(0, EC)],
                              rowst.at[pl.ds(b * EC, EC)], sems.at[b]).wait()

    for p in range(NPASS):
        fb = (tid * F + p * F * 32) * NP
        for f in range(F):
            pltpu.sync_copy(xT.at[pl.ds(fb + f * NP, N)], xbs[f])
            _zero_1d(accbs[f], N)

        start_stage(0, 0)

        def echunk(j, _):
            b = lax.rem(j, 2)

            @pl.when(j + 1 < NEC)
            def _():
                start_stage(j + 1, 1 - b)
            wait_stage(b)

            @plsc.parallel_loop(0, EC // LB, 1, unroll=8)
            def egrp(g):
                colv = colst[pl.ds(b * EC + g * LB, LB)]
                rowv = rowst[pl.ds(b * EC + g * LB, LB)]
                vals = [plsc.load_gather(xbs[f], [colv]) for f in range(F)]
                for f in range(F):
                    plsc.addupdate_scatter(accbs[f], [rowv], vals[f])
            return 0
        lax.fori_loop(0, NEC, echunk, 0)

        for f in range(F):
            def fin(i, _):
                a = accbs[f][pl.ds(i * LB, LB)]
                xv = xbs[f][pl.ds(i * LB, LB)]
                dv = dinvb[pl.ds(i * LB, LB)]
                accbs[f][pl.ds(i * LB, LB)] = (a + xv) * dv
                return 0
            lax.fori_loop(0, N // LB, fin, 0)
            pltpu.sync_copy(accbs[f].at[pl.ds(0, N)],
                            zT.at[pl.ds(fb + f * NP, N)])


def _make_spmm(with_deg):
    mesh = plsc.VectorSubcoreMesh(core_axis_name="c", subcore_axis_name="s")
    zT_t = jax.ShapeDtypeStruct((C * NP,), jnp.float32)
    dinv_t = jax.ShapeDtypeStruct((NP,), jnp.float32)
    out_type = (zT_t, dinv_t) if with_deg else zT_t
    scratch = (
        [pltpu.VMEM((N,), jnp.float32)] * 4
        + [pltpu.VMEM((NP,), jnp.float32)]
        + [pltpu.VMEM((N,), jnp.float32)] * 3
        + [
            pltpu.VMEM((2 * EC,), jnp.int32),
            pltpu.VMEM((2 * EC,), jnp.int32),
            pltpu.VMEM((NP,), jnp.float32),
            pltpu.VMEM((RNG,), jnp.float32),
            pltpu.VMEM_SHARED((16, NP), jnp.float32),
            pltpu.VMEM_SHARED((NP,), jnp.float32),
            pltpu.SemaphoreType.DMA((2,)),
        ])

    @functools.partial(pl.kernel, mesh=mesh, out_type=out_type,
                       scratch_types=scratch,
                       compiler_params=pltpu.CompilerParams(
                           needs_layout_passes=False))
    def run(*refs):
        _spmm_body(with_deg, refs)

    return run


_spmm_deg = _make_spmm(True)
_spmm_nodeg = _make_spmm(False)


BM = 512


def _tc_layer_body(relu_out, emit_t, x_ref, zT_ref, wl, wh, wm, avl, avh,
                   avm, attv, *out_refs):
    i = pl.program_id(0)
    x = x_ref[...]
    z = zT_ref[:, pl.ds(pl.multiple_of(i * BM, 128), BM)].T
    f32 = jnp.float32
    low = jnp.maximum(jnp.dot(z, wl[...], preferred_element_type=f32), 0.0)
    high = jnp.maximum(jnp.dot(x - z, wh[...], preferred_element_type=f32), 0.0)
    mlp = jnp.maximum(jnp.dot(x, wm[...], preferred_element_type=f32), 0.0)
    l0 = jnp.sum(low * avl[...], axis=1, keepdims=True)
    l1 = jnp.sum(high * avh[...], axis=1, keepdims=True)
    l2 = jnp.sum(mlp * avm[...], axis=1, keepdims=True)
    sig = jnp.concatenate(
        [1.0 / (1.0 + jnp.exp(-l0)),
         1.0 / (1.0 + jnp.exp(-l1)),
         1.0 / (1.0 + jnp.exp(-l2))], axis=1)
    a = attv[...]
    t = (sig[:, 0:1] * a[0:1, :] + sig[:, 1:2] * a[1:2, :]
         + sig[:, 2:3] * a[2:3, :]) / 3.0
    m = jnp.max(t, axis=1, keepdims=True)
    e = jnp.exp(t - m)
    att = e / jnp.sum(e, axis=1, keepdims=True)
    out = 3.0 * (att[:, 0:1] * low + att[:, 1:2] * high + att[:, 2:3] * mlp)
    if relu_out:
        out = jnp.maximum(out, 0.0)
    out_refs[0][...] = out
    if emit_t:
        out_refs[1][:, pl.ds(pl.multiple_of(i * BM, 128), BM)] = out.T


def _make_tc_layer(relu_out, emit_t):
    blk = pl.BlockSpec((BM, C), lambda i: (i, 0))
    blk_t = pl.BlockSpec((C, NP), lambda i: (0, 0))
    wspec = pl.BlockSpec((C, C), lambda i: (0, 0))
    avspec = pl.BlockSpec((1, C), lambda i: (0, 0))
    attspec = pl.BlockSpec((3, 3), lambda i: (0, 0))
    out_specs = [blk, blk_t] if emit_t else [blk]
    out_shape = [jax.ShapeDtypeStruct((N, C), jnp.float32),
                 jax.ShapeDtypeStruct((C, NP), jnp.float32)] if emit_t else [
                     jax.ShapeDtypeStruct((N, C), jnp.float32)]
    return pl.pallas_call(
        functools.partial(_tc_layer_body, relu_out, emit_t),
        grid=(pl.cdiv(N, BM),),
        in_specs=[blk, blk_t, wspec, wspec, wspec, avspec, avspec, avspec,
                  attspec],
        out_specs=out_specs,
        out_shape=out_shape,
        compiler_params=pltpu.CompilerParams(
            dimension_semantics=("parallel",)),
    )


_tc_layer1 = _make_tc_layer(True, True)
_tc_layer2 = _make_tc_layer(False, False)


def kernel(x, edge_index, w_low0, w_high0, w_mlp0, avl0, avh0, avm0, attv0,
           w_low1, w_high1, w_mlp1, avl1, avh1, avm1, attv1):
    f32 = jnp.float32
    x = x.astype(f32)
    row = edge_index[0].astype(jnp.int32)
    col = edge_index[1].astype(jnp.int32)

    xTf = jnp.pad(x.T, ((0, 0), (0, NP - N))).reshape(-1)
    zTf1, dinv = _spmm_deg(xTf, row, col)
    fea, feaT = _tc_layer1(x, zTf1.reshape(C, NP), w_low0, w_high0, w_mlp0,
                           avl0.T, avh0.T, avm0.T, attv0)

    zTf2 = _spmm_nodeg(feaT.reshape(-1), row, col, dinv)
    [out] = _tc_layer2(fea, zTf2.reshape(C, NP), w_low1, w_high1, w_mlp1,
                       avl1.T, avh1.T, avm1.T, attv1)
    return out

# --- scband reference (transcript-rebuilt; emitter-appended) ---
"""Pipeline reference for scband-acmgcn-16604343566806 (READ-ONLY COPY).

The authoritative reference and input builder live on the scoring server;
editing this copy changes nothing except your own understanding.
"""

import jax, jax.numpy as jnp
import numpy as np

N = 10000
E = 160000
IN_C = 256
HID = 256
OUT_C = 256

def _uinit(key, shape):
    std = 1.0 / np.sqrt(shape[1])
    return jax.random.uniform(key, shape, minval=-std, maxval=std, dtype=jnp.float32)

def setup_inputs(seed: int = 0):
    key = jax.random.key(seed)
    ks = jax.random.split(key, 16)
    x = jax.random.normal(ks[0], (N, IN_C), dtype=jnp.float32)
    edge_index = jax.random.randint(ks[1], (2, E), 0, N)
    p = {}
    p['w_low0'] = _uinit(ks[2], (IN_C, HID))
    p['w_high0'] = _uinit(ks[3], (IN_C, HID))
    p['w_mlp0'] = _uinit(ks[4], (IN_C, HID))
    p['avl0'] = _uinit(ks[5], (HID, 1))
    p['avh0'] = _uinit(ks[6], (HID, 1))
    p['avm0'] = _uinit(ks[7], (HID, 1))
    p['attv0'] = _uinit(ks[8], (3, 3))
    p['w_low1'] = _uinit(ks[9], (HID, OUT_C))
    p['w_high1'] = _uinit(ks[10], (HID, OUT_C))
    p['w_mlp1'] = _uinit(ks[11], (HID, OUT_C))
    p['avl1'] = _uinit(ks[12], (OUT_C, 1))
    p['avh1'] = _uinit(ks[13], (OUT_C, 1))
    p['avm1'] = _uinit(ks[14], (OUT_C, 1))
    p['attv1'] = _uinit(ks[15], (3, 3))
    out = {'x': x, 'edge_index': edge_index}
    out.update(p)
    return out

def _spmm_low(y, row, col, norm, n):
    # adj_low[row, col] = norm; out[i] = sum_{edges e with row_e=i} norm_e * y[col_e]
    msg = norm[:, None] * y[col]
    return jax.ops.segment_sum(msg, row, num_segments=n)

def _acm_layer(x, row, col, norm, n, w_low, w_high, w_mlp, avl, avh, avm, attv):
    # variant=False path of ACMGraphConvolution
    out_low = jax.nn.relu(_spmm_low(x @ w_low, row, col, norm, n))
    xh = x @ w_high
    # adj_high = I - adj_low  =>  adj_high @ y = y - adj_low @ y
    out_high = jax.nn.relu(xh - _spmm_low(xh, row, col, norm, n))
    out_mlp = jax.nn.relu(x @ w_mlp)
    logits = jnp.concatenate([out_low @ avl, out_high @ avh, out_mlp @ avm], axis=1)
    att = jax.nn.softmax(jax.nn.sigmoid(logits) @ attv / 3.0, axis=1)
    return 3.0 * (att[:, 0:1] * out_low + att[:, 1:2] * out_high + att[:, 2:3] * out_mlp)

def reference(x, edge_index, w_low0, w_high0, w_mlp0, avl0, avh0, avm0, attv0,
              w_low1, w_high1, w_mlp1, avl1, avh1, avm1, attv1):
    n = x.shape[0]
    loop = jnp.arange(n, dtype=edge_index.dtype)
    row = jnp.concatenate([edge_index[0], loop])
    col = jnp.concatenate([edge_index[1], loop])
    deg = jax.ops.segment_sum(jnp.ones_like(col, dtype=x.dtype), col, num_segments=n)
    deg_inv = jnp.where(deg > 0, 1.0 / deg, 0.0)
    norm = deg_inv[row]
    # dropout is identity in eval mode
    fea = _acm_layer(x, row, col, norm, n, w_low0, w_high0, w_mlp0, avl0, avh0, avm0, attv0)
    fea = jax.nn.relu(fea)
    fea = _acm_layer(fea, row, col, norm, n, w_low1, w_high1, w_mlp1, avl1, avh1, avm1, attv1)
    return fea

if __name__ == "__main__":
    import jax
    _d = setup_inputs()
    print(jax.jit(kernel)(*tuple(_d.values())))

</pallas_src>

<mosaic_0001>
#map = affine_map<(d0, d1) -> (0)>
module attributes {stable_mosaic.version = 14 : i64} {
  func.func @run(%arg0: i32, %arg1: i32, %arg2: memref<2621440xf32, #tpu.memory_space<hbm>>, %arg3: memref<160000xi32, #tpu.memory_space<hbm>>, %arg4: memref<160000xi32, #tpu.memory_space<hbm>>, %arg5: memref<2621440xf32, #tpu.memory_space<hbm>>, %arg6: memref<10240xf32, #tpu.memory_space<hbm>>, %arg7: memref<10000xf32, #tpu.memory_space<vmem>>, %arg8: memref<10000xf32, #tpu.memory_space<vmem>>, %arg9: memref<10000xf32, #tpu.memory_space<vmem>>, %arg10: memref<10000xf32, #tpu.memory_space<vmem>>, %arg11: memref<10240xf32, #tpu.memory_space<vmem>>, %arg12: memref<10000xf32, #tpu.memory_space<vmem>>, %arg13: memref<10000xf32, #tpu.memory_space<vmem>>, %arg14: memref<10000xf32, #tpu.memory_space<vmem>>, %arg15: memref<8000xi32, #tpu.memory_space<vmem>>, %arg16: memref<8000xi32, #tpu.memory_space<vmem>>, %arg17: memref<10240xf32, #tpu.memory_space<vmem>>, %arg18: memref<640xf32, #tpu.memory_space<vmem>>, %arg19: memref<16x10240xf32, #tpu.memory_space<vmem_shared>>, %arg20: memref<10240xf32, #tpu.memory_space<vmem_shared>>, %arg21: memref<2x!tpu.dma_semaphore, #tpu.memory_space<semaphore_mem>>) attributes {dimension_semantics = [#tpu.dimension_semantics<core_parallel>, #tpu.dimension_semantics<subcore_parallel>], iteration_bounds = array<i64: 2, 16>, scalar_prefetch = 0 : i64, scratch_operands = 15 : i64, tpu.core_type = #tpu.core_type<sc_vector_subcore>, window_params = [{transform_indices = #map}, {transform_indices = #map}, {transform_indices = #map}, {transform_indices = #map}, {transform_indices = #map}]} {
    %mul3A = arith.constant 16 : i32
    %mul3A_0 = arith.muli %arg0, %mul3A : i32
    %add3A = arith.addi %mul3A_0, %arg1 : i32
    %broadcast_in_dim3A = arith.constant 1.000000e+00 : f32
    %broadcast_in_dim3A_1 = vector.broadcast %broadcast_in_dim3A : f32 to vector<16xf32>
    %scan3A = arith.constant 0 : i32
    %scan3A_2 = arith.constant 0 : i32
    %scan3A_3 = arith.constant 640 : i32
    %scan3A_4 = arith.addi %scan3A_2, %scan3A_3 : i32
    %scan3A_5 = arith.constant 1 : i32
    %scan3A_6 = scf.for %scan3A_374 = %scan3A_2 to %scan3A_4 step %scan3A_5 iter_args(%scan3A_375 = %scan3A) -> (i32)  : i32 {
      %broadcast_in_dim3A_376 = arith.constant 0.000000e+00 : f32
      %broadcast_in_dim3A_377 = vector.broadcast %broadcast_in_dim3A_376 : f32 to vector<16xf32>
      %mul3A_378 = arith.constant 16 : i32
      %mul3A_379 = arith.muli %scan3A_374, %mul3A_378 : i32
      %add3A_380 = arith.constant 0 : i32
      %add3A_381 = arith.addi %add3A_380, %mul3A_379 : i32
      %swap3A = arith.index_cast %add3A_381 : i32 to index
      %swap3A_382 = tpu.vector_load %arg11[%swap3A] {strides = array<i32>} : memref<10240xf32, #tpu.memory_space<vmem>>, vector<16xf32>,
      tpu.vector_store %arg11[%swap3A], %broadcast_in_dim3A_377 {strides = array<i32>} : memref<10240xf32, #tpu.memory_space<vmem>>, vector<16xf32>,
      %scan3A_383 = arith.constant 0 : i32
      scf.yield %scan3A_383 : i32
    }
    %scan3A_7 = arith.constant 640 : i32
    %scan3A_8 = arith.constant 0 : i32
    %scan3A_9 = arith.constant 0 : i32
    %scan3A_10 = arith.constant 5 : i32
    %scan3A_11 = arith.addi %scan3A_9, %scan3A_10 : i32
    %scan3A_12 = arith.constant 1 : i32
    %scan3A_13 = scf.for %scan3A_374 = %scan3A_9 to %scan3A_11 step %scan3A_12 iter_args(%scan3A_375 = %scan3A_8) -> (i32)  : i32 {
      %mul3A_376 = arith.constant 10000 : i32
      %mul3A_377 = arith.muli %arg1, %mul3A_376 : i32
      %mul3A_378 = arith.constant 2000 : i32
      %mul3A_379 = arith.muli %scan3A_374, %mul3A_378 : i32
      %add3A_380 = arith.addi %mul3A_377, %mul3A_379 : i32
      "tpu.region"() ({
        %run_scoped3A_384 = tpu.sem_alloc : memref<!tpu.dma_semaphore, #tpu.memory_space<semaphore_mem>>
        %dma_start3A_385 = arith.constant 0 : i32
        %dma_start3A_386 = tpu.memref_slice %arg15[%dma_start3A_385] : memref<8000xi32, #tpu.memory_space<vmem>> -> memref<2000xi32, #tpu.memory_space<vmem>>
        %dma_start3A_387 = tpu.memref_slice %arg4[%add3A_380] : memref<160000xi32, #tpu.memory_space<hbm>> -> memref<2000xi32, #tpu.memory_space<hbm>>
        %dma_start3A_388 = arith.constant 0 : i32
        %dma_start3A_389 = tpu.memref_slice %arg15[%dma_start3A_388] : memref<8000xi32, #tpu.memory_space<vmem>> -> memref<2000xi32, #tpu.memory_space<vmem>>
        %dma_start3A_390 = tpu.memref_slice %arg4[%add3A_380] : memref<160000xi32, #tpu.memory_space<hbm>> -> memref<2000xi32, #tpu.memory_space<hbm>>
        tpu.enqueue_dma source(%dma_start3A_390 : memref<2000xi32, #tpu.memory_space<hbm>>) target(%dma_start3A_389 : memref<2000xi32, #tpu.memory_space<vmem>>) target_semaphore(%run_scoped3A_384 : memref<!tpu.dma_semaphore, #tpu.memory_space<semaphore_mem>>)
        %dma_wait3A = arith.constant 0 : i32
        %dma_wait3A_391 = tpu.memref_slice %arg15[%dma_wait3A] : memref<8000xi32, #tpu.memory_space<vmem>> -> memref<2000xi32, #tpu.memory_space<vmem>>
        %dma_wait3A_392 = tpu.memref_slice %arg4[%add3A_380] : memref<160000xi32, #tpu.memory_space<hbm>> -> memref<2000xi32, #tpu.memory_space<hbm>>
        %dma_wait3A_393 = arith.constant 0 : i32
        %dma_wait3A_394 = tpu.memref_slice %arg15[%dma_wait3A_393] : memref<8000xi32, #tpu.memory_space<vmem>> -> memref<2000xi32, #tpu.memory_space<vmem>>
        %dma_wait3A_395 = tpu.memref_slice %arg4[%add3A_380] : memref<160000xi32, #tpu.memory_space<hbm>> -> memref<2000xi32, #tpu.memory_space<hbm>>
        tpu.wait_dma2 semaphore(%run_scoped3A_384 : memref<!tpu.dma_semaphore, #tpu.memory_space<semaphore_mem>>) src(%dma_wait3A_395 : memref<2000xi32, #tpu.memory_space<hbm>>) dst(%dma_wait3A_394 : memref<2000xi32, #tpu.memory_space<vmem>>)
        tpu.yield
      }) : () -> ()
      %parallel_loop3A = arith.constant 0 : i32
      %parallel_loop3A_381 = arith.constant 125 : i32
      %parallel_loop3A_382 = arith.constant 1 : i32
      scf.for %parallel_loop3A_384 = %parallel_loop3A to %parallel_loop3A_381 step %parallel_loop3A_382  : i32 {
        %parallel_loop3A_385 = arith.constant 16 : i32
        %parallel_loop3A_386 = arith.muli %parallel_loop3A_384, %parallel_loop3A_385 : i32
        %parallel_loop3A_387 = arith.index_cast %parallel_loop3A_386 : i32 to index
        %parallel_loop3A_388 = tpu.vector_load %arg15[%parallel_loop3A_387] {strides = array<i32>} : memref<8000xi32, #tpu.memory_space<vmem>>, vector<16xi32>,
        tpu.vector_store_idx %arg11[%parallel_loop3A_388], %broadcast_in_dim3A_1 {add = true} : memref<10240xf32, #tpu.memory_space<vmem>>[vector<16xi32>], vector<16xf32>,
      } {sc.loop_unroll_factor = 8 : i64, sc.parallel_access}
      %scan3A_383 = arith.constant 0 : i32
      scf.yield %scan3A_383 : i32
    }
    %scan3A_14 = arith.constant 5 : i32
    "tpu.region"() ({
      %run_scoped3A_374 = tpu.sem_alloc : memref<!tpu.dma_semaphore, #tpu.memory_space<semaphore_mem>>
      %dma_start3A_375 = arith.constant 0 : i32
      %dma_start3A_376 = tpu.memref_slice %arg19[%arg1, %dma_start3A_375] : memref<16x10240xf32, #tpu.memory_space<vmem_shared>> -> memref<1x10240xf32, #tpu.memory_space<vmem_shared>>
      %dma_start3A_377 = tpu.memref_squeeze %dma_start3A_376 : memref<1x10240xf32, #tpu.memory_space<vmem_shared>> -> memref<10240xf32, #tpu.memory_space<vmem_shared>>
      %dma_start3A_378 = arith.constant 0 : i32
      %dma_start3A_379 = tpu.memref_slice %arg19[%arg1, %dma_start3A_378] : memref<16x10240xf32, #tpu.memory_space<vmem_shared>> -> memref<1x10240xf32, #tpu.memory_space<vmem_shared>>
      %dma_start3A_380 = tpu.memref_squeeze %dma_start3A_379 : memref<1x10240xf32, #tpu.memory_space<vmem_shared>> -> memref<10240xf32, #tpu.memory_space<vmem_shared>>
      tpu.enqueue_dma source(%arg11 : memref<10240xf32, #tpu.memory_space<vmem>>) target(%dma_start3A_380 : memref<10240xf32, #tpu.memory_space<vmem_shared>>) target_semaphore(%run_scoped3A_374 : memref<!tpu.dma_semaphore, #tpu.memory_space<semaphore_mem>>)
      %dma_wait3A = arith.constant 0 : i32
      %dma_wait3A_381 = tpu.memref_slice %arg19[%arg1, %dma_wait3A] : memref<16x10240xf32, #tpu.memory_space<vmem_shared>> -> memref<1x10240xf32, #tpu.memory_space<vmem_shared>>
      %dma_wait3A_382 = tpu.memref_squeeze %dma_wait3A_381 : memref<1x10240xf32, #tpu.memory_space<vmem_shared>> -> memref<10240xf32, #tpu.memory_space<vmem_shared>>
      %dma_wait3A_383 = arith.constant 0 : i32
      %dma_wait3A_384 = tpu.memref_slice %arg19[%arg1, %dma_wait3A_383] : memref<16x10240xf32, #tpu.memory_space<vmem_shared>> -> memref<1x10240xf32, #tpu.memory_space<vmem_shared>>
      %dma_wait3A_385 = tpu.memref_squeeze %dma_wait3A_384 : memref<1x10240xf32, #tpu.memory_space<vmem_shared>> -> memref<10240xf32, #tpu.memory_space<vmem_shared>>
      tpu.wait_dma2 semaphore(%run_scoped3A_374 : memref<!tpu.dma_semaphore, #tpu.memory_space<semaphore_mem>>) src(%arg11 : memref<10240xf32, #tpu.memory_space<vmem>>) dst(%dma_wait3A_385 : memref<10240xf32, #tpu.memory_space<vmem_shared>>)
      tpu.yield
    }) : () -> ()
    %barrier3A = arith.constant 0 : index
    tpu.barrier barrier_id(%barrier3A)
    %mul3A_15 = arith.constant 640 : i32
    %mul3A_16 = arith.muli %arg1, %mul3A_15 : i32
    %scan3A_17 = arith.constant 0 : i32
    %scan3A_18 = arith.constant 0 : i32
    %scan3A_19 = arith.constant 40 : i32
    %scan3A_20 = arith.addi %scan3A_18, %scan3A_19 : i32
    %scan3A_21 = arith.constant 1 : i32
    %scan3A_22 = scf.for %scan3A_374 = %scan3A_18 to %scan3A_20 step %scan3A_21 iter_args(%scan3A_375 = %scan3A_17) -> (i32)  : i32 {
      %broadcast_in_dim3A_376 = arith.constant 0.000000e+00 : f32
      %broadcast_in_dim3A_377 = vector.broadcast %broadcast_in_dim3A_376 : f32 to vector<16xf32>
      %mul3A_378 = arith.constant 16 : i32
      %mul3A_379 = arith.muli %scan3A_374, %mul3A_378 : i32
      %add3A_380 = arith.addi %mul3A_16, %mul3A_379 : i32
      %swap3A = arith.index_cast %add3A_380 : i32 to index
      %swap3A_381 = tpu.vector_load %arg11[%swap3A] {strides = array<i32>} : memref<10240xf32, #tpu.memory_space<vmem>>, vector<16xf32>,
      tpu.vector_store %arg11[%swap3A], %broadcast_in_dim3A_377 {strides = array<i32>} : memref<10240xf32, #tpu.memory_space<vmem>>, vector<16xf32>,
      %scan3A_382 = arith.constant 0 : i32
      scf.yield %scan3A_382 : i32
    }
    %scan3A_23 = arith.constant 40 : i32
    %run_scoped3A = arith.constant 0 : i32
    "tpu.region"() ({
      %run_scoped3A_374 = tpu.sem_alloc : memref<!tpu.dma_semaphore, #tpu.memory_space<semaphore_mem>>
      %dma_start3A_375 = tpu.memref_slice %arg19[%run_scoped3A, %mul3A_16] : memref<16x10240xf32, #tpu.memory_space<vmem_shared>> -> memref<1x640xf32, #tpu.memory_space<vmem_shared>>
      %dma_start3A_376 = tpu.memref_squeeze %dma_start3A_375 : memref<1x640xf32, #tpu.memory_space<vmem_shared>> -> memref<640xf32, #tpu.memory_space<vmem_shared>>
      %dma_start3A_377 = tpu.memref_slice %arg19[%run_scoped3A, %mul3A_16] : memref<16x10240xf32, #tpu.memory_space<vmem_shared>> -> memref<1x640xf32, #tpu.memory_space<vmem_shared>>
      %dma_start3A_378 = tpu.memref_squeeze %dma_start3A_377 : memref<1x640xf32, #tpu.memory_space<vmem_shared>> -> memref<640xf32, #tpu.memory_space<vmem_shared>>
      tpu.enqueue_dma source(%dma_start3A_378 : memref<640xf32, #tpu.memory_space<vmem_shared>>) target(%arg18 : memref<640xf32, #tpu.memory_space<vmem>>) target_semaphore(%run_scoped3A_374 : memref<!tpu.dma_semaphore, #tpu.memory_space<semaphore_mem>>)
      %dma_wait3A = tpu.memref_slice %arg19[%run_scoped3A, %mul3A_16] : memref<16x10240xf32, #tpu.memory_space<vmem_shared>> -> memref<1x640xf32, #tpu.memory_space<vmem_shared>>
      %dma_wait3A_379 = tpu.memref_squeeze %dma_wait3A : memref<1x640xf32, #tpu.memory_space<vmem_shared>> -> memref<640xf32, #tpu.memory_space<vmem_shared>>
      %dma_wait3A_380 = tpu.memref_slice %arg19[%run_scoped3A, %mul3A_16] : memref<16x10240xf32, #tpu.memory_space<vmem_shared>> -> memref<1x640xf32, #tpu.memory_space<vmem_shared>>
      %dma_wait3A_381 = tpu.memref_squeeze %dma_wait3A_380 : memref<1x640xf32, #tpu.memory_space<vmem_shared>> -> memref<640xf32, #tpu.memory_space<vmem_shared>>
      tpu.wait_dma2 semaphore(%run_scoped3A_374 : memref<!tpu.dma_semaphore, #tpu.memory_space<semaphore_mem>>) src(%dma_wait3A_381 : memref<640xf32, #tpu.memory_space<vmem_shared>>) dst(%arg18 : memref<640xf32, #tpu.memory_space<vmem>>)
      tpu.yield
    }) : () -> ()
    %scan3A_24 = arith.constant 0 : i32
    %scan3A_25 = arith.constant 0 : i32
    %scan3A_26 = arith.constant 40 : i32
    %scan3A_27 = arith.addi %scan3A_25, %scan3A_26 : i32
    %scan3A_28 = arith.constant 1 : i32
    %scan3A_29 = scf.for %scan3A_374 = %scan3A_25 to %scan3A_27 step %scan3A_28 iter_args(%scan3A_375 = %scan3A_24) -> (i32)  : i32 {
      %mul3A_376 = arith.constant 16 : i32
      %mul3A_377 = arith.muli %scan3A_374, %mul3A_376 : i32
      %add3A_378 = arith.addi %mul3A_16, %mul3A_377 : i32
      %get3A = arith.index_cast %add3A_378 : i32 to index
      %get3A_379 = tpu.vector_load %arg11[%get3A] {strides = array<i32>} : memref<10240xf32, #tpu.memory_space<vmem>>, vector<16xf32>,
      %mul3A_380 = arith.constant 16 : i32
      %mul3A_381 = arith.muli %scan3A_374, %mul3A_380 : i32
      %get3A_382 = arith.index_cast %mul3A_381 : i32 to index
      %get3A_383 = tpu.vector_load %arg18[%get3A_382] {strides = array<i32>} : memref<640xf32, #tpu.memory_space<vmem>>, vector<16xf32>,
      %add3A_384 = arith.addf %get3A_379, %get3A_383 : vector<16xf32>
      %swap3A = arith.index_cast %add3A_378 : i32 to index
      %swap3A_385 = tpu.vector_load %arg11[%swap3A] {strides = array<i32>} : memref<10240xf32, #tpu.memory_space<vmem>>, vector<16xf32>,
      tpu.vector_store %arg11[%swap3A], %add3A_384 {strides = array<i32>} : memref<10240xf32, #tpu.memory_space<vmem>>, vector<16xf32>,
      %scan3A_386 = arith.constant 0 : i32
      scf.yield %scan3A_386 : i32
    }
    %scan3A_30 = arith.constant 40 : i32
    %run_scoped3A_31 = arith.constant 1 : i32
    "tpu.region"() ({
      %run_scoped3A_374 = tpu.sem_alloc : memref<!tpu.dma_semaphore, #tpu.memory_space<semaphore_mem>>
      %dma_start3A_375 = tpu.memref_slice %arg19[%run_scoped3A_31, %mul3A_16] : memref<16x10240xf32, #tpu.memory_space<vmem_shared>> -> memref<1x640xf32, #tpu.memory_space<vmem_shared>>
      %dma_start3A_376 = tpu.memref_squeeze %dma_start3A_375 : memref<1x640xf32, #tpu.memory_space<vmem_shared>> -> memref<640xf32, #tpu.memory_space<vmem_shared>>
      %dma_start3A_377 = tpu.memref_slice %arg19[%run_scoped3A_31, %mul3A_16] : memref<16x10240xf32, #tpu.memory_space<vmem_shared>> -> memref<1x640xf32, #tpu.memory_space<vmem_shared>>
      %dma_start3A_378 = tpu.memref_squeeze %dma_start3A_377 : memref<1x640xf32, #tpu.memory_space<vmem_shared>> -> memref<640xf32, #tpu.memory_space<vmem_shared>>
      tpu.enqueue_dma source(%dma_start3A_378 : memref<640xf32, #tpu.memory_space<vmem_shared>>) target(%arg18 : memref<640xf32, #tpu.memory_space<vmem>>) target_semaphore(%run_scoped3A_374 : memref<!tpu.dma_semaphore, #tpu.memory_space<semaphore_mem>>)
      %dma_wait3A = tpu.memref_slice %arg19[%run_scoped3A_31, %mul3A_16] : memref<16x10240xf32, #tpu.memory_space<vmem_shared>> -> memref<1x640xf32, #tpu.memory_space<vmem_shared>>
      %dma_wait3A_379 = tpu.memref_squeeze %dma_wait3A : memref<1x640xf32, #tpu.memory_space<vmem_shared>> -> memref<640xf32, #tpu.memory_space<vmem_shared>>
      %dma_wait3A_380 = tpu.memref_slice %arg19[%run_scoped3A_31, %mul3A_16] : memref<16x10240xf32, #tpu.memory_space<vmem_shared>> -> memref<1x640xf32, #tpu.memory_space<vmem_shared>>
      %dma_wait3A_381 = tpu.memref_squeeze %dma_wait3A_380 : memref<1x640xf32, #tpu.memory_space<vmem_shared>> -> memref<640xf32, #tpu.memory_space<vmem_shared>>
      tpu.wait_dma2 semaphore(%run_scoped3A_374 : memref<!tpu.dma_semaphore, #tpu.memory_space<semaphore_mem>>) src(%dma_wait3A_381 : memref<640xf32, #tpu.memory_space<vmem_shared>>) dst(%arg18 : memref<640xf32, #tpu.memory_space<vmem>>)
      tpu.yield
    }) : () -> ()
    %scan3A_32 = arith.constant 0 : i32
    %scan3A_33 = arith.constant 0 : i32
    %scan3A_34 = arith.constant 40 : i32
    %scan3A_35 = arith.addi %scan3A_33, %scan3A_34 : i32
    %scan3A_36 = arith.constant 1 : i32
    %scan3A_37 = scf.for %scan3A_374 = %scan3A_33 to %scan3A_35 step %scan3A_36 iter_args(%scan3A_375 = %scan3A_32) -> (i32)  : i32 {
      %mul3A_376 = arith.constant 16 : i32
      %mul3A_377 = arith.muli %scan3A_374, %mul3A_376 : i32
      %add3A_378 = arith.addi %mul3A_16, %mul3A_377 : i32
      %get3A = arith.index_cast %add3A_378 : i32 to index
      %get3A_379 = tpu.vector_load %arg11[%get3A] {strides = array<i32>} : memref<10240xf32, #tpu.memory_space<vmem>>, vector<16xf32>,
      %mul3A_380 = arith.constant 16 : i32
      %mul3A_381 = arith.muli %scan3A_374, %mul3A_380 : i32
      %get3A_382 = arith.index_cast %mul3A_381 : i32 to index
      %get3A_383 = tpu.vector_load %arg18[%get3A_382] {strides = array<i32>} : memref<640xf32, #tpu.memory_space<vmem>>, vector<16xf32>,
      %add3A_384 = arith.addf %get3A_379, %get3A_383 : vector<16xf32>
      %swap3A = arith.index_cast %add3A_378 : i32 to index
      %swap3A_385 = tpu.vector_load %arg11[%swap3A] {strides = array<i32>} : memref<10240xf32, #tpu.memory_space<vmem>>, vector<16xf32>,
      tpu.vector_store %arg11[%swap3A], %add3A_384 {strides = array<i32>} : memref<10240xf32, #tpu.memory_space<vmem>>, vector<16xf32>,
      %scan3A_386 = arith.constant 0 : i32
      scf.yield %scan3A_386 : i32
    }
    %scan3A_38 = arith.constant 40 : i32
    %run_scoped3A_39 = arith.constant 2 : i32
    "tpu.region"() ({
      %run_scoped3A_374 = tpu.sem_alloc : memref<!tpu.dma_semaphore, #tpu.memory_space<semaphore_mem>>
      %dma_start3A_375 = tpu.memref_slice %arg19[%run_scoped3A_39, %mul3A_16] : memref<16x10240xf32, #tpu.memory_space<vmem_shared>> -> memref<1x640xf32, #tpu.memory_space<vmem_shared>>
      %dma_start3A_376 = tpu.memref_squeeze %dma_start3A_375 : memref<1x640xf32, #tpu.memory_space<vmem_shared>> -> memref<640xf32, #tpu.memory_space<vmem_shared>>
      %dma_start3A_377 = tpu.memref_slice %arg19[%run_scoped3A_39, %mul3A_16] : memref<16x10240xf32, #tpu.memory_space<vmem_shared>> -> memref<1x640xf32, #tpu.memory_space<vmem_shared>>
      %dma_start3A_378 = tpu.memref_squeeze %dma_start3A_377 : memref<1x640xf32, #tpu.memory_space<vmem_shared>> -> memref<640xf32, #tpu.memory_space<vmem_shared>>
      tpu.enqueue_dma source(%dma_start3A_378 : memref<640xf32, #tpu.memory_space<vmem_shared>>) target(%arg18 : memref<640xf32, #tpu.memory_space<vmem>>) target_semaphore(%run_scoped3A_374 : memref<!tpu.dma_semaphore, #tpu.memory_space<semaphore_mem>>)
      %dma_wait3A = tpu.memref_slice %arg19[%run_scoped3A_39, %mul3A_16] : memref<16x10240xf32, #tpu.memory_space<vmem_shared>> -> memref<1x640xf32, #tpu.memory_space<vmem_shared>>
      %dma_wait3A_379 = tpu.memref_squeeze %dma_wait3A : memref<1x640xf32, #tpu.memory_space<vmem_shared>> -> memref<640xf32, #tpu.memory_space<vmem_shared>>
      %dma_wait3A_380 = tpu.memref_slice %arg19[%run_scoped3A_39, %mul3A_16] : memref<16x10240xf32, #tpu.memory_space<vmem_shared>> -> memref<1x640xf32, #tpu.memory_space<vmem_shared>>
      %dma_wait3A_381 = tpu.memref_squeeze %dma_wait3A_380 : memref<1x640xf32, #tpu.memory_space<vmem_shared>> -> memref<640xf32, #tpu.memory_space<vmem_shared>>
      tpu.wait_dma2 semaphore(%run_scoped3A_374 : memref<!tpu.dma_semaphore, #tpu.memory_space<semaphore_mem>>) src(%dma_wait3A_381 : memref<640xf32, #tpu.memory_space<vmem_shared>>) dst(%arg18 : memref<640xf32, #tpu.memory_space<vmem>>)
      tpu.yield
    }) : () -> ()
    %scan3A_40 = arith.constant 0 : i32
    %scan3A_41 = arith.constant 0 : i32
    %scan3A_42 = arith.constant 40 : i32
    %scan3A_43 = arith.addi %scan3A_41, %scan3A_42 : i32
    %scan3A_44 = arith.constant 1 : i32
    %scan3A_45 = scf.for %scan3A_374 = %scan3A_41 to %scan3A_43 step %scan3A_44 iter_args(%scan3A_375 = %scan3A_40) -> (i32)  : i32 {
      %mul3A_376 = arith.constant 16 : i32
      %mul3A_377 = arith.muli %scan3A_374, %mul3A_376 : i32
      %add3A_378 = arith.addi %mul3A_16, %mul3A_377 : i32
      %get3A = arith.index_cast %add3A_378 : i32 to index
      %get3A_379 = tpu.vector_load %arg11[%get3A] {strides = array<i32>} : memref<10240xf32, #tpu.memory_space<vmem>>, vector<16xf32>,
      %mul3A_380 = arith.constant 16 : i32
      %mul3A_381 = arith.muli %scan3A_374, %mul3A_380 : i32
      %get3A_382 = arith.index_cast %mul3A_381 : i32 to index
      %get3A_383 = tpu.vector_load %arg18[%get3A_382] {strides = array<i32>} : memref<640xf32, #tpu.memory_space<vmem>>, vector<16xf32>,
      %add3A_384 = arith.addf %get3A_379, %get3A_383 : vector<16xf32>
      %swap3A = arith.index_cast %add3A_378 : i32 to index
      %swap3A_385 = tpu.vector_load %arg11[%swap3A] {strides = array<i32>} : memref<10240xf32, #tpu.memory_space<vmem>>, vector<16xf32>,
      tpu.vector_store %arg11[%swap3A], %add3A_384 {strides = array<i32>} : memref<10240xf32, #tpu.memory_space<vmem>>, vector<16xf32>,
      %scan3A_386 = arith.constant 0 : i32
      scf.yield %scan3A_386 : i32
    }
    %scan3A_46 = arith.constant 40 : i32
    %run_scoped3A_47 = arith.constant 3 : i32
    "tpu.region"() ({
      %run_scoped3A_374 = tpu.sem_alloc : memref<!tpu.dma_semaphore, #tpu.memory_space<semaphore_mem>>
      %dma_start3A_375 = tpu.memref_slice %arg19[%run_scoped3A_47, %mul3A_16] : memref<16x10240xf32, #tpu.memory_space<vmem_shared>> -> memref<1x640xf32, #tpu.memory_space<vmem_shared>>
      %dma_start3A_376 = tpu.memref_squeeze %dma_start3A_375 : memref<1x640xf32, #tpu.memory_space<vmem_shared>> -> memref<640xf32, #tpu.memory_space<vmem_shared>>
      %dma_start3A_377 = tpu.memref_slice %arg19[%run_scoped3A_47, %mul3A_16] : memref<16x10240xf32, #tpu.memory_space<vmem_shared>> -> memref<1x640xf32, #tpu.memory_space<vmem_shared>>
      %dma_start3A_378 = tpu.memref_squeeze %dma_start3A_377 : memref<1x640xf32, #tpu.memory_space<vmem_shared>> -> memref<640xf32, #tpu.memory_space<vmem_shared>>
      tpu.enqueue_dma source(%dma_start3A_378 : memref<640xf32, #tpu.memory_space<vmem_shared>>) target(%arg18 : memref<640xf32, #tpu.memory_space<vmem>>) target_semaphore(%run_scoped3A_374 : memref<!tpu.dma_semaphore, #tpu.memory_space<semaphore_mem>>)
      %dma_wait3A = tpu.memref_slice %arg19[%run_scoped3A_47, %mul3A_16] : memref<16x10240xf32, #tpu.memory_space<vmem_shared>> -> memref<1x640xf32, #tpu.memory_space<vmem_shared>>
      %dma_wait3A_379 = tpu.memref_squeeze %dma_wait3A : memref<1x640xf32, #tpu.memory_space<vmem_shared>> -> memref<640xf32, #tpu.memory_space<vmem_shared>>
      %dma_wait3A_380 = tpu.memref_slice %arg19[%run_scoped3A_47, %mul3A_16] : memref<16x10240xf32, #tpu.memory_space<vmem_shared>> -> memref<1x640xf32, #tpu.memory_space<vmem_shared>>
      %dma_wait3A_381 = tpu.memref_squeeze %dma_wait3A_380 : memref<1x640xf32, #tpu.memory_space<vmem_shared>> -> memref<640xf32, #tpu.memory_space<vmem_shared>>
      tpu.wait_dma2 semaphore(%run_scoped3A_374 : memref<!tpu.dma_semaphore, #tpu.memory_space<semaphore_mem>>) src(%dma_wait3A_381 : memref<640xf32, #tpu.memory_space<vmem_shared>>) dst(%arg18 : memref<640xf32, #tpu.memory_space<vmem>>)
      tpu.yield
    }) : () -> ()
    %scan3A_48 = arith.constant 0 : i32
    %scan3A_49 = arith.constant 0 : i32
    %scan3A_50 = arith.constant 40 : i32
    %scan3A_51 = arith.addi %scan3A_49, %scan3A_50 : i32
    %scan3A_52 = arith.constant 1 : i32
    %scan3A_53 = scf.for %scan3A_374 = %scan3A_49 to %scan3A_51 step %scan3A_52 iter_args(%scan3A_375 = %scan3A_48) -> (i32)  : i32 {
      %mul3A_376 = arith.constant 16 : i32
      %mul3A_377 = arith.muli %scan3A_374, %mul3A_376 : i32
      %add3A_378 = arith.addi %mul3A_16, %mul3A_377 : i32
      %get3A = arith.index_cast %add3A_378 : i32 to index
      %get3A_379 = tpu.vector_load %arg11[%get3A] {strides = array<i32>} : memref<10240xf32, #tpu.memory_space<vmem>>, vector<16xf32>,
      %mul3A_380 = arith.constant 16 : i32
      %mul3A_381 = arith.muli %scan3A_374, %mul3A_380 : i32
      %get3A_382 = arith.index_cast %mul3A_381 : i32 to index
      %get3A_383 = tpu.vector_load %arg18[%get3A_382] {strides = array<i32>} : memref<640xf32, #tpu.memory_space<vmem>>, vector<16xf32>,
      %add3A_384 = arith.addf %get3A_379, %get3A_383 : vector<16xf32>
      %swap3A = arith.index_cast %add3A_378 : i32 to index
      %swap3A_385 = tpu.vector_load %arg11[%swap3A] {strides = array<i32>} : memref<10240xf32, #tpu.memory_space<vmem>>, vector<16xf32>,
      tpu.vector_store %arg11[%swap3A], %add3A_384 {strides = array<i32>} : memref<10240xf32, #tpu.memory_space<vmem>>, vector<16xf32>,
      %scan3A_386 = arith.constant 0 : i32
      scf.yield %scan3A_386 : i32
    }
    %scan3A_54 = arith.constant 40 : i32
    %run_scoped3A_55 = arith.constant 4 : i32
    "tpu.region"() ({
      %run_scoped3A_374 = tpu.sem_alloc : memref<!tpu.dma_semaphore, #tpu.memory_space<semaphore_mem>>
      %dma_start3A_375 = tpu.memref_slice %arg19[%run_scoped3A_55, %mul3A_16] : memref<16x10240xf32, #tpu.memory_space<vmem_shared>> -> memref<1x640xf32, #tpu.memory_space<vmem_shared>>
      %dma_start3A_376 = tpu.memref_squeeze %dma_start3A_375 : memref<1x640xf32, #tpu.memory_space<vmem_shared>> -> memref<640xf32, #tpu.memory_space<vmem_shared>>
      %dma_start3A_377 = tpu.memref_slice %arg19[%run_scoped3A_55, %mul3A_16] : memref<16x10240xf32, #tpu.memory_space<vmem_shared>> -> memref<1x640xf32, #tpu.memory_space<vmem_shared>>
      %dma_start3A_378 = tpu.memref_squeeze %dma_start3A_377 : memref<1x640xf32, #tpu.memory_space<vmem_shared>> -> memref<640xf32, #tpu.memory_space<vmem_shared>>
      tpu.enqueue_dma source(%dma_start3A_378 : memref<640xf32, #tpu.memory_space<vmem_shared>>) target(%arg18 : memref<640xf32, #tpu.memory_space<vmem>>) target_semaphore(%run_scoped3A_374 : memref<!tpu.dma_semaphore, #tpu.memory_space<semaphore_mem>>)
      %dma_wait3A = tpu.memref_slice %arg19[%run_scoped3A_55, %mul3A_16] : memref<16x10240xf32, #tpu.memory_space<vmem_shared>> -> memref<1x640xf32, #tpu.memory_space<vmem_shared>>
      %dma_wait3A_379 = tpu.memref_squeeze %dma_wait3A : memref<1x640xf32, #tpu.memory_space<vmem_shared>> -> memref<640xf32, #tpu.memory_space<vmem_shared>>
      %dma_wait3A_380 = tpu.memref_slice %arg19[%run_scoped3A_55, %mul3A_16] : memref<16x10240xf32, #tpu.memory_space<vmem_shared>> -> memref<1x640xf32, #tpu.memory_space<vmem_shared>>
      %dma_wait3A_381 = tpu.memref_squeeze %dma_wait3A_380 : memref<1x640xf32, #tpu.memory_space<vmem_shared>> -> memref<640xf32, #tpu.memory_space<vmem_shared>>
      tpu.wait_dma2 semaphore(%run_scoped3A_374 : memref<!tpu.dma_semaphore, #tpu.memory_space<semaphore_mem>>) src(%dma_wait3A_381 : memref<640xf32, #tpu.memory_space<vmem_shared>>) dst(%arg18 : memref<640xf32, #tpu.memory_space<vmem>>)
      tpu.yield
    }) : () -> ()
    %scan3A_56 = arith.constant 0 : i32
    %scan3A_57 = arith.constant 0 : i32
    %scan3A_58 = arith.constant 40 : i32
    %scan3A_59 = arith.addi %scan3A_57, %scan3A_58 : i32
    %scan3A_60 = arith.constant 1 : i32
    %scan3A_61 = scf.for %scan3A_374 = %scan3A_57 to %scan3A_59 step %scan3A_60 iter_args(%scan3A_375 = %scan3A_56) -> (i32)  : i32 {
      %mul3A_376 = arith.constant 16 : i32
      %mul3A_377 = arith.muli %scan3A_374, %mul3A_376 : i32
      %add3A_378 = arith.addi %mul3A_16, %mul3A_377 : i32
      %get3A = arith.index_cast %add3A_378 : i32 to index
      %get3A_379 = tpu.vector_load %arg11[%get3A] {strides = array<i32>} : memref<10240xf32, #tpu.memory_space<vmem>>, vector<16xf32>,
      %mul3A_380 = arith.constant 16 : i32
      %mul3A_381 = arith.muli %scan3A_374, %mul3A_380 : i32
      %get3A_382 = arith.index_cast %mul3A_381 : i32 to index
      %get3A_383 = tpu.vector_load %arg18[%get3A_382] {strides = array<i32>} : memref<640xf32, #tpu.memory_space<vmem>>, vector<16xf32>,
      %add3A_384 = arith.addf %get3A_379, %get3A_383 : vector<16xf32>
      %swap3A = arith.index_cast %add3A_378 : i32 to index
      %swap3A_385 = tpu.vector_load %arg11[%swap3A] {strides = array<i32>} : memref<10240xf32, #tpu.memory_space<vmem>>, vector<16xf32>,
      tpu.vector_store %arg11[%swap3A], %add3A_384 {strides = array<i32>} : memref<10240xf32, #tpu.memory_space<vmem>>, vector<16xf32>,
      %scan3A_386 = arith.constant 0 : i32
      scf.yield %scan3A_386 : i32
    }
    %scan3A_62 = arith.constant 40 : i32
    %run_scoped3A_63 = arith.constant 5 : i32
    "tpu.region"() ({
      %run_scoped3A_374 = tpu.sem_alloc : memref<!tpu.dma_semaphore, #tpu.memory_space<semaphore_mem>>
      %dma_start3A_375 = tpu.memref_slice %arg19[%run_scoped3A_63, %mul3A_16] : memref<16x10240xf32, #tpu.memory_space<vmem_shared>> -> memref<1x640xf32, #tpu.memory_space<vmem_shared>>
      %dma_start3A_376 = tpu.memref_squeeze %dma_start3A_375 : memref<1x640xf32, #tpu.memory_space<vmem_shared>> -> memref<640xf32, #tpu.memory_space<vmem_shared>>
      %dma_start3A_377 = tpu.memref_slice %arg19[%run_scoped3A_63, %mul3A_16] : memref<16x10240xf32, #tpu.memory_space<vmem_shared>> -> memref<1x640xf32, #tpu.memory_space<vmem_shared>>
      %dma_start3A_378 = tpu.memref_squeeze %dma_start3A_377 : memref<1x640xf32, #tpu.memory_space<vmem_shared>> -> memref<640xf32, #tpu.memory_space<vmem_shared>>
      tpu.enqueue_dma source(%dma_start3A_378 : memref<640xf32, #tpu.memory_space<vmem_shared>>) target(%arg18 : memref<640xf32, #tpu.memory_space<vmem>>) target_semaphore(%run_scoped3A_374 : memref<!tpu.dma_semaphore, #tpu.memory_space<semaphore_mem>>)
      %dma_wait3A = tpu.memref_slice %arg19[%run_scoped3A_63, %mul3A_16] : memref<16x10240xf32, #tpu.memory_space<vmem_shared>> -> memref<1x640xf32, #tpu.memory_space<vmem_shared>>
      %dma_wait3A_379 = tpu.memref_squeeze %dma_wait3A : memref<1x640xf32, #tpu.memory_space<vmem_shared>> -> memref<640xf32, #tpu.memory_space<vmem_shared>>
      %dma_wait3A_380 = tpu.memref_slice %arg19[%run_scoped3A_63, %mul3A_16] : memref<16x10240xf32, #tpu.memory_space<vmem_shared>> -> memref<1x640xf32, #tpu.memory_space<vmem_shared>>
      %dma_wait3A_381 = tpu.memref_squeeze %dma_wait3A_380 : memref<1x640xf32, #tpu.memory_space<vmem_shared>> -> memref<640xf32, #tpu.memory_space<vmem_shared>>
      tpu.wait_dma2 semaphore(%run_scoped3A_374 : memref<!tpu.dma_semaphore, #tpu.memory_space<semaphore_mem>>) src(%dma_wait3A_381 : memref<640xf32, #tpu.memory_space<vmem_shared>>) dst(%arg18 : memref<640xf32, #tpu.memory_space<vmem>>)
      tpu.yield
    }) : () -> ()
    %scan3A_64 = arith.constant 0 : i32
    %scan3A_65 = arith.constant 0 : i32
    %scan3A_66 = arith.constant 40 : i32
    %scan3A_67 = arith.addi %scan3A_65, %scan3A_66 : i32
    %scan3A_68 = arith.constant 1 : i32
    %scan3A_69 = scf.for %scan3A_374 = %scan3A_65 to %scan3A_67 step %scan3A_68 iter_args(%scan3A_375 = %scan3A_64) -> (i32)  : i32 {
      %mul3A_376 = arith.constant 16 : i32
      %mul3A_377 = arith.muli %scan3A_374, %mul3A_376 : i32
      %add3A_378 = arith.addi %mul3A_16, %mul3A_377 : i32
      %get3A = arith.index_cast %add3A_378 : i32 to index
      %get3A_379 = tpu.vector_load %arg11[%get3A] {strides = array<i32>} : memref<10240xf32, #tpu.memory_space<vmem>>, vector<16xf32>,
      %mul3A_380 = arith.constant 16 : i32
      %mul3A_381 = arith.muli %scan3A_374, %mul3A_380 : i32
      %get3A_382 = arith.index_cast %mul3A_381 : i32 to index
      %get3A_383 = tpu.vector_load %arg18[%get3A_382] {strides = array<i32>} : memref<640xf32, #tpu.memory_space<vmem>>, vector<16xf32>,
      %add3A_384 = arith.addf %get3A_379, %get3A_383 : vector<16xf32>
      %swap3A = arith.index_cast %add3A_378 : i32 to index
      %swap3A_385 = tpu.vector_load %arg11[%swap3A] {strides = array<i32>} : memref<10240xf32, #tpu.memory_space<vmem>>, vector<16xf32>,
      tpu.vector_store %arg11[%swap3A], %add3A_384 {strides = array<i32>} : memref<10240xf32, #tpu.memory_space<vmem>>, vector<16xf32>,
      %scan3A_386 = arith.constant 0 : i32
      scf.yield %scan3A_386 : i32
    }
    %scan3A_70 = arith.constant 40 : i32
    %run_scoped3A_71 = arith.constant 6 : i32
    "tpu.region"() ({
      %run_scoped3A_374 = tpu.sem_alloc : memref<!tpu.dma_semaphore, #tpu.memory_space<semaphore_mem>>
      %dma_start3A_375 = tpu.memref_slice %arg19[%run_scoped3A_71, %mul3A_16] : memref<16x10240xf32, #tpu.memory_space<vmem_shared>> -> memref<1x640xf32, #tpu.memory_space<vmem_shared>>
      %dma_start3A_376 = tpu.memref_squeeze %dma_start3A_375 : memref<1x640xf32, #tpu.memory_space<vmem_shared>> -> memref<640xf32, #tpu.memory_space<vmem_shared>>
      %dma_start3A_377 = tpu.memref_slice %arg19[%run_scoped3A_71, %mul3A_16] : memref<16x10240xf32, #tpu.memory_space<vmem_shared>> -> memref<1x640xf32, #tpu.memory_space<vmem_shared>>
      %dma_start3A_378 = tpu.memref_squeeze %dma_start3A_377 : memref<1x640xf32, #tpu.memory_space<vmem_shared>> -> memref<640xf32, #tpu.memory_space<vmem_shared>>
      tpu.enqueue_dma source(%dma_start3A_378 : memref<640xf32, #tpu.memory_space<vmem_shared>>) target(%arg18 : memref<640xf32, #tpu.memory_space<vmem>>) target_semaphore(%run_scoped3A_374 : memref<!tpu.dma_semaphore, #tpu.memory_space<semaphore_mem>>)
      %dma_wait3A = tpu.memref_slice %arg19[%run_scoped3A_71, %mul3A_16] : memref<16x10240xf32, #tpu.memory_space<vmem_shared>> -> memref<1x640xf32, #tpu.memory_space<vmem_shared>>
      %dma_wait3A_379 = tpu.memref_squeeze %dma_wait3A : memref<1x640xf32, #tpu.memory_space<vmem_shared>> -> memref<640xf32, #tpu.memory_space<vmem_shared>>
      %dma_wait3A_380 = tpu.memref_slice %arg19[%run_scoped3A_71, %mul3A_16] : memref<16x10240xf32, #tpu.memory_space<vmem_shared>> -> memref<1x640xf32, #tpu.memory_space<vmem_shared>>
      %dma_wait3A_381 = tpu.memref_squeeze %dma_wait3A_380 : memref<1x640xf32, #tpu.memory_space<vmem_shared>> -> memref<640xf32, #tpu.memory_space<vmem_shared>>
      tpu.wait_dma2 semaphore(%run_scoped3A_374 : memref<!tpu.dma_semaphore, #tpu.memory_space<semaphore_mem>>) src(%dma_wait3A_381 : memref<640xf32, #tpu.memory_space<vmem_shared>>) dst(%arg18 : memref<640xf32, #tpu.memory_space<vmem>>)
      tpu.yield
    }) : () -> ()
    %scan3A_72 = arith.constant 0 : i32
    %scan3A_73 = arith.constant 0 : i32
    %scan3A_74 = arith.constant 40 : i32
    %scan3A_75 = arith.addi %scan3A_73, %scan3A_74 : i32
    %scan3A_76 = arith.constant 1 : i32
    %scan3A_77 = scf.for %scan3A_374 = %scan3A_73 to %scan3A_75 step %scan3A_76 iter_args(%scan3A_375 = %scan3A_72) -> (i32)  : i32 {
      %mul3A_376 = arith.constant 16 : i32
      %mul3A_377 = arith.muli %scan3A_374, %mul3A_376 : i32
      %add3A_378 = arith.addi %mul3A_16, %mul3A_377 : i32
      %get3A = arith.index_cast %add3A_378 : i32 to index
      %get3A_379 = tpu.vector_load %arg11[%get3A] {strides = array<i32>} : memref<10240xf32, #tpu.memory_space<vmem>>, vector<16xf32>,
      %mul3A_380 = arith.constant 16 : i32
      %mul3A_381 = arith.muli %scan3A_374, %mul3A_380 : i32
      %get3A_382 = arith.index_cast %mul3A_381 : i32 to index
      %get3A_383 = tpu.vector_load %arg18[%get3A_382] {strides = array<i32>} : memref<640xf32, #tpu.memory_space<vmem>>, vector<16xf32>,
      %add3A_384 = arith.addf %get3A_379, %get3A_383 : vector<16xf32>
      %swap3A = arith.index_cast %add3A_378 : i32 to index
      %swap3A_385 = tpu.vector_load %arg11[%swap3A] {strides = array<i32>} : memref<10240xf32, #tpu.memory_space<vmem>>, vector<16xf32>,
      tpu.vector_store %arg11[%swap3A], %add3A_384 {strides = array<i32>} : memref<10240xf32, #tpu.memory_space<vmem>>, vector<16xf32>,
      %scan3A_386 = arith.constant 0 : i32
      scf.yield %scan3A_386 : i32
    }
    %scan3A_78 = arith.constant 40 : i32
    %run_scoped3A_79 = arith.constant 7 : i32
    "tpu.region"() ({
      %run_scoped3A_374 = tpu.sem_alloc : memref<!tpu.dma_semaphore, #tpu.memory_space<semaphore_mem>>
      %dma_start3A_375 = tpu.memref_slice %arg19[%run_scoped3A_79, %mul3A_16] : memref<16x10240xf32, #tpu.memory_space<vmem_shared>> -> memref<1x640xf32, #tpu.memory_space<vmem_shared>>
      %dma_start3A_376 = tpu.memref_squeeze %dma_start3A_375 : memref<1x640xf32, #tpu.memory_space<vmem_shared>> -> memref<640xf32, #tpu.memory_space<vmem_shared>>
      %dma_start3A_377 = tpu.memref_slice %arg19[%run_scoped3A_79, %mul3A_16] : memref<16x10240xf32, #tpu.memory_space<vmem_shared>> -> memref<1x640xf32, #tpu.memory_space<vmem_shared>>
      %dma_start3A_378 = tpu.memref_squeeze %dma_start3A_377 : memref<1x640xf32, #tpu.memory_space<vmem_shared>> -> memref<640xf32, #tpu.memory_space<vmem_shared>>
      tpu.enqueue_dma source(%dma_start3A_378 : memref<640xf32, #tpu.memory_space<vmem_shared>>) target(%arg18 : memref<640xf32, #tpu.memory_space<vmem>>) target_semaphore(%run_scoped3A_374 : memref<!tpu.dma_semaphore, #tpu.memory_space<semaphore_mem>>)
      %dma_wait3A = tpu.memref_slice %arg19[%run_scoped3A_79, %mul3A_16] : memref<16x10240xf32, #tpu.memory_space<vmem_shared>> -> memref<1x640xf32, #tpu.memory_space<vmem_shared>>
      %dma_wait3A_379 = tpu.memref_squeeze %dma_wait3A : memref<1x640xf32, #tpu.memory_space<vmem_shared>> -> memref<640xf32, #tpu.memory_space<vmem_shared>>
      %dma_wait3A_380 = tpu.memref_slice %arg19[%run_scoped3A_79, %mul3A_16] : memref<16x10240xf32, #tpu.memory_space<vmem_shared>> -> memref<1x640xf32, #tpu.memory_space<vmem_shared>>
      %dma_wait3A_381 = tpu.memref_squeeze %dma_wait3A_380 : memref<1x640xf32, #tpu.memory_space<vmem_shared>> -> memref<640xf32, #tpu.memory_space<vmem_shared>>
      tpu.wait_dma2 semaphore(%run_scoped3A_374 : memref<!tpu.dma_semaphore, #tpu.memory_space<semaphore_mem>>) src(%dma_wait3A_381 : memref<640xf32, #tpu.memory_space<vmem_shared>>) dst(%arg18 : memref<640xf32, #tpu.memory_space<vmem>>)
      tpu.yield
    }) : () -> ()
    %scan3A_80 = arith.constant 0 : i32
    %scan3A_81 = arith.constant 0 : i32
    %scan3A_82 = arith.constant 40 : i32
    %scan3A_83 = arith.addi %scan3A_81, %scan3A_82 : i32
    %scan3A_84 = arith.constant 1 : i32
    %scan3A_85 = scf.for %scan3A_374 = %scan3A_81 to %scan3A_83 step %scan3A_84 iter_args(%scan3A_375 = %scan3A_80) -> (i32)  : i32 {
      %mul3A_376 = arith.constant 16 : i32
      %mul3A_377 = arith.muli %scan3A_374, %mul3A_376 : i32
      %add3A_378 = arith.addi %mul3A_16, %mul3A_377 : i32
      %get3A = arith.index_cast %add3A_378 : i32 to index
      %get3A_379 = tpu.vector_load %arg11[%get3A] {strides = array<i32>} : memref<10240xf32, #tpu.memory_space<vmem>>, vector<16xf32>,
      %mul3A_380 = arith.constant 16 : i32
      %mul3A_381 = arith.muli %scan3A_374, %mul3A_380 : i32
      %get3A_382 = arith.index_cast %mul3A_381 : i32 to index
      %get3A_383 = tpu.vector_load %arg18[%get3A_382] {strides = array<i32>} : memref<640xf32, #tpu.memory_space<vmem>>, vector<16xf32>,
      %add3A_384 = arith.addf %get3A_379, %get3A_383 : vector<16xf32>
      %swap3A = arith.index_cast %add3A_378 : i32 to index
      %swap3A_385 = tpu.vector_load %arg11[%swap3A] {strides = array<i32>} : memref<10240xf32, #tpu.memory_space<vmem>>, vector<16xf32>,
      tpu.vector_store %arg11[%swap3A], %add3A_384 {strides = array<i32>} : memref<10240xf32, #tpu.memory_space<vmem>>, vector<16xf32>,
      %scan3A_386 = arith.constant 0 : i32
      scf.yield %scan3A_386 : i32
    }
    %scan3A_86 = arith.constant 40 : i32
    %run_scoped3A_87 = arith.constant 8 : i32
    "tpu.region"() ({
      %run_scoped3A_374 = tpu.sem_alloc : memref<!tpu.dma_semaphore, #tpu.memory_space<semaphore_mem>>
      %dma_start3A_375 = tpu.memref_slice %arg19[%run_scoped3A_87, %mul3A_16] : memref<16x10240xf32, #tpu.memory_space<vmem_shared>> -> memref<1x640xf32, #tpu.memory_space<vmem_shared>>
      %dma_start3A_376 = tpu.memref_squeeze %dma_start3A_375 : memref<1x640xf32, #tpu.memory_space<vmem_shared>> -> memref<640xf32, #tpu.memory_space<vmem_shared>>
      %dma_start3A_377 = tpu.memref_slice %arg19[%run_scoped3A_87, %mul3A_16] : memref<16x10240xf32, #tpu.memory_space<vmem_shared>> -> memref<1x640xf32, #tpu.memory_space<vmem_shared>>
      %dma_start3A_378 = tpu.memref_squeeze %dma_start3A_377 : memref<1x640xf32, #tpu.memory_space<vmem_shared>> -> memref<640xf32, #tpu.memory_space<vmem_shared>>
      tpu.enqueue_dma source(%dma_start3A_378 : memref<640xf32, #tpu.memory_space<vmem_shared>>) target(%arg18 : memref<640xf32, #tpu.memory_space<vmem>>) target_semaphore(%run_scoped3A_374 : memref<!tpu.dma_semaphore, #tpu.memory_space<semaphore_mem>>)
      %dma_wait3A = tpu.memref_slice %arg19[%run_scoped3A_87, %mul3A_16] : memref<16x10240xf32, #tpu.memory_space<vmem_shared>> -> memref<1x640xf32, #tpu.memory_space<vmem_shared>>
      %dma_wait3A_379 = tpu.memref_squeeze %dma_wait3A : memref<1x640xf32, #tpu.memory_space<vmem_shared>> -> memref<640xf32, #tpu.memory_space<vmem_shared>>
      %dma_wait3A_380 = tpu.memref_slice %arg19[%run_scoped3A_87, %mul3A_16] : memref<16x10240xf32, #tpu.memory_space<vmem_shared>> -> memref<1x640xf32, #tpu.memory_space<vmem_shared>>
      %dma_wait3A_381 = tpu.memref_squeeze %dma_wait3A_380 : memref<1x640xf32, #tpu.memory_space<vmem_shared>> -> memref<640xf32, #tpu.memory_space<vmem_shared>>
      tpu.wait_dma2 semaphore(%run_scoped3A_374 : memref<!tpu.dma_semaphore, #tpu.memory_space<semaphore_mem>>) src(%dma_wait3A_381 : memref<640xf32, #tpu.memory_space<vmem_shared>>) dst(%arg18 : memref<640xf32, #tpu.memory_space<vmem>>)
      tpu.yield
    }) : () -> ()
    %scan3A_88 = arith.constant 0 : i32
    %scan3A_89 = arith.constant 0 : i32
    %scan3A_90 = arith.constant 40 : i32
    %scan3A_91 = arith.addi %scan3A_89, %scan3A_90 : i32
    %scan3A_92 = arith.constant 1 : i32
    %scan3A_93 = scf.for %scan3A_374 = %scan3A_89 to %scan3A_91 step %scan3A_92 iter_args(%scan3A_375 = %scan3A_88) -> (i32)  : i32 {
      %mul3A_376 = arith.constant 16 : i32
      %mul3A_377 = arith.muli %scan3A_374, %mul3A_376 : i32
      %add3A_378 = arith.addi %mul3A_16, %mul3A_377 : i32
      %get3A = arith.index_cast %add3A_378 : i32 to index
      %get3A_379 = tpu.vector_load %arg11[%get3A] {strides = array<i32>} : memref<10240xf32, #tpu.memory_space<vmem>>, vector<16xf32>,
      %mul3A_380 = arith.constant 16 : i32
      %mul3A_381 = arith.muli %scan3A_374, %mul3A_380 : i32
      %get3A_382 = arith.index_cast %mul3A_381 : i32 to index
      %get3A_383 = tpu.vector_load %arg18[%get3A_382] {strides = array<i32>} : memref<640xf32, #tpu.memory_space<vmem>>, vector<16xf32>,
      %add3A_384 = arith.addf %get3A_379, %get3A_383 : vector<16xf32>
      %swap3A = arith.index_cast %add3A_378 : i32 to index
      %swap3A_385 = tpu.vector_load %arg11[%swap3A] {strides = array<i32>} : memref<10240xf32, #tpu.memory_space<vmem>>, vector<16xf32>,
      tpu.vector_store %arg11[%swap3A], %add3A_384 {strides = array<i32>} : memref<10240xf32, #tpu.memory_space<vmem>>, vector<16xf32>,
      %scan3A_386 = arith.constant 0 : i32
      scf.yield %scan3A_386 : i32
    }
    %scan3A_94 = arith.constant 40 : i32
    %run_scoped3A_95 = arith.constant 9 : i32
    "tpu.region"() ({
      %run_scoped3A_374 = tpu.sem_alloc : memref<!tpu.dma_semaphore, #tpu.memory_space<semaphore_mem>>
      %dma_start3A_375 = tpu.memref_slice %arg19[%run_scoped3A_95, %mul3A_16] : memref<16x10240xf32, #tpu.memory_space<vmem_shared>> -> memref<1x640xf32, #tpu.memory_space<vmem_shared>>
      %dma_start3A_376 = tpu.memref_squeeze %dma_start3A_375 : memref<1x640xf32, #tpu.memory_space<vmem_shared>> -> memref<640xf32, #tpu.memory_space<vmem_shared>>
      %dma_start3A_377 = tpu.memref_slice %arg19[%run_scoped3A_95, %mul3A_16] : memref<16x10240xf32, #tpu.memory_space<vmem_shared>> -> memref<1x640xf32, #tpu.memory_space<vmem_shared>>
      %dma_start3A_378 = tpu.memref_squeeze %dma_start3A_377 : memref<1x640xf32, #tpu.memory_space<vmem_shared>> -> memref<640xf32, #tpu.memory_space<vmem_shared>>
      tpu.enqueue_dma source(%dma_start3A_378 : memref<640xf32, #tpu.memory_space<vmem_shared>>) target(%arg18 : memref<640xf32, #tpu.memory_space<vmem>>) target_semaphore(%run_scoped3A_374 : memref<!tpu.dma_semaphore, #tpu.memory_space<semaphore_mem>>)
      %dma_wait3A = tpu.memref_slice %arg19[%run_scoped3A_95, %mul3A_16] : memref<16x10240xf32, #tpu.memory_space<vmem_shared>> -> memref<1x640xf32, #tpu.memory_space<vmem_shared>>
      %dma_wait3A_379 = tpu.memref_squeeze %dma_wait3A : memref<1x640xf32, #tpu.memory_space<vmem_shared>> -> memref<640xf32, #tpu.memory_space<vmem_shared>>
      %dma_wait3A_380 = tpu.memref_slice %arg19[%run_scoped3A_95, %mul3A_16] : memref<16x10240xf32, #tpu.memory_space<vmem_shared>> -> memref<1x640xf32, #tpu.memory_space<vmem_shared>>
      %dma_wait3A_381 = tpu.memref_squeeze %dma_wait3A_380 : memref<1x640xf32, #tpu.memory_space<vmem_shared>> -> memref<640xf32, #tpu.memory_space<vmem_shared>>
      tpu.wait_dma2 semaphore(%run_scoped3A_374 : memref<!tpu.dma_semaphore, #tpu.memory_space<semaphore_mem>>) src(%dma_wait3A_381 : memref<640xf32, #tpu.memory_space<vmem_shared>>) dst(%arg18 : memref<640xf32, #tpu.memory_space<vmem>>)
      tpu.yield
    }) : () -> ()
    %scan3A_96 = arith.constant 0 : i32
    %scan3A_97 = arith.constant 0 : i32
    %scan3A_98 = arith.constant 40 : i32
    %scan3A_99 = arith.addi %scan3A_97, %scan3A_98 : i32
    %scan3A_100 = arith.constant 1 : i32
    %scan3A_101 = scf.for %scan3A_374 = %scan3A_97 to %scan3A_99 step %scan3A_100 iter_args(%scan3A_375 = %scan3A_96) -> (i32)  : i32 {
      %mul3A_376 = arith.constant 16 : i32
      %mul3A_377 = arith.muli %scan3A_374, %mul3A_376 : i32
      %add3A_378 = arith.addi %mul3A_16, %mul3A_377 : i32
      %get3A = arith.index_cast %add3A_378 : i32 to index
      %get3A_379 = tpu.vector_load %arg11[%get3A] {strides = array<i32>} : memref<10240xf32, #tpu.memory_space<vmem>>, vector<16xf32>,
      %mul3A_380 = arith.constant 16 : i32
      %mul3A_381 = arith.muli %scan3A_374, %mul3A_380 : i32
      %get3A_382 = arith.index_cast %mul3A_381 : i32 to index
      %get3A_383 = tpu.vector_load %arg18[%get3A_382] {strides = array<i32>} : memref<640xf32, #tpu.memory_space<vmem>>, vector<16xf32>,
      %add3A_384 = arith.addf %get3A_379, %get3A_383 : vector<16xf32>
      %swap3A = arith.index_cast %add3A_378 : i32 to index
      %swap3A_385 = tpu.vector_load %arg11[%swap3A] {strides = array<i32>} : memref<10240xf32, #tpu.memory_space<vmem>>, vector<16xf32>,
      tpu.vector_store %arg11[%swap3A], %add3A_384 {strides = array<i32>} : memref<10240xf32, #tpu.memory_space<vmem>>, vector<16xf32>,
      %scan3A_386 = arith.constant 0 : i32
      scf.yield %scan3A_386 : i32
    }
    %scan3A_102 = arith.constant 40 : i32
    %run_scoped3A_103 = arith.constant 10 : i32
    "tpu.region"() ({
      %run_scoped3A_374 = tpu.sem_alloc : memref<!tpu.dma_semaphore, #tpu.memory_space<semaphore_mem>>
      %dma_start3A_375 = tpu.memref_slice %arg19[%run_scoped3A_103, %mul3A_16] : memref<16x10240xf32, #tpu.memory_space<vmem_shared>> -> memref<1x640xf32, #tpu.memory_space<vmem_shared>>
      %dma_start3A_376 = tpu.memref_squeeze %dma_start3A_375 : memref<1x640xf32, #tpu.memory_space<vmem_shared>> -> memref<640xf32, #tpu.memory_space<vmem_shared>>
      %dma_start3A_377 = tpu.memref_slice %arg19[%run_scoped3A_103, %mul3A_16] : memref<16x10240xf32, #tpu.memory_space<vmem_shared>> -> memref<1x640xf32, #tpu.memory_space<vmem_shared>>
      %dma_start3A_378 = tpu.memref_squeeze %dma_start3A_377 : memref<1x640xf32, #tpu.memory_space<vmem_shared>> -> memref<640xf32, #tpu.memory_space<vmem_shared>>
      tpu.enqueue_dma source(%dma_start3A_378 : memref<640xf32, #tpu.memory_space<vmem_shared>>) target(%arg18 : memref<640xf32, #tpu.memory_space<vmem>>) target_semaphore(%run_scoped3A_374 : memref<!tpu.dma_semaphore, #tpu.memory_space<semaphore_mem>>)
      %dma_wait3A = tpu.memref_slice %arg19[%run_scoped3A_103, %mul3A_16] : memref<16x10240xf32, #tpu.memory_space<vmem_shared>> -> memref<1x640xf32, #tpu.memory_space<vmem_shared>>
      %dma_wait3A_379 = tpu.memref_squeeze %dma_wait3A : memref<1x640xf32, #tpu.memory_space<vmem_shared>> -> memref<640xf32, #tpu.memory_space<vmem_shared>>
      %dma_wait3A_380 = tpu.memref_slice %arg19[%run_scoped3A_103, %mul3A_16] : memref<16x10240xf32, #tpu.memory_space<vmem_shared>> -> memref<1x640xf32, #tpu.memory_space<vmem_shared>>
      %dma_wait3A_381 = tpu.memref_squeeze %dma_wait3A_380 : memref<1x640xf32, #tpu.memory_space<vmem_shared>> -> memref<640xf32, #tpu.memory_space<vmem_shared>>
      tpu.wait_dma2 semaphore(%run_scoped3A_374 : memref<!tpu.dma_semaphore, #tpu.memory_space<semaphore_mem>>) src(%dma_wait3A_381 : memref<640xf32, #tpu.memory_space<vmem_shared>>) dst(%arg18 : memref<640xf32, #tpu.memory_space<vmem>>)
      tpu.yield
    }) : () -> ()
    %scan3A_104 = arith.constant 0 : i32
    %scan3A_105 = arith.constant 0 : i32
    %scan3A_106 = arith.constant 40 : i32
    %scan3A_107 = arith.addi %scan3A_105, %scan3A_106 : i32
    %scan3A_108 = arith.constant 1 : i32
    %scan3A_109 = scf.for %scan3A_374 = %scan3A_105 to %scan3A_107 step %scan3A_108 iter_args(%scan3A_375 = %scan3A_104) -> (i32)  : i32 {
      %mul3A_376 = arith.constant 16 : i32
      %mul3A_377 = arith.muli %scan3A_374, %mul3A_376 : i32
      %add3A_378 = arith.addi %mul3A_16, %mul3A_377 : i32
      %get3A = arith.index_cast %add3A_378 : i32 to index
      %get3A_379 = tpu.vector_load %arg11[%get3A] {strides = array<i32>} : memref<10240xf32, #tpu.memory_space<vmem>>, vector<16xf32>,
      %mul3A_380 = arith.constant 16 : i32
      %mul3A_381 = arith.muli %scan3A_374, %mul3A_380 : i32
      %get3A_382 = arith.index_cast %mul3A_381 : i32 to index
      %get3A_383 = tpu.vector_load %arg18[%get3A_382] {strides = array<i32>} : memref<640xf32, #tpu.memory_space<vmem>>, vector<16xf32>,
      %add3A_384 = arith.addf %get3A_379, %get3A_383 : vector<16xf32>
      %swap3A = arith.index_cast %add3A_378 : i32 to index
      %swap3A_385 = tpu.vector_load %arg11[%swap3A] {strides = array<i32>} : memref<10240xf32, #tpu.memory_space<vmem>>, vector<16xf32>,
      tpu.vector_store %arg11[%swap3A], %add3A_384 {strides = array<i32>} : memref<10240xf32, #tpu.memory_space<vmem>>, vector<16xf32>,
      %scan3A_386 = arith.constant 0 : i32
      scf.yield %scan3A_386 : i32
    }
    %scan3A_110 = arith.constant 40 : i32
    %run_scoped3A_111 = arith.constant 11 : i32
    "tpu.region"() ({
      %run_scoped3A_374 = tpu.sem_alloc : memref<!tpu.dma_semaphore, #tpu.memory_space<semaphore_mem>>
      %dma_start3A_375 = tpu.memref_slice %arg19[%run_scoped3A_111, %mul3A_16] : memref<16x10240xf32, #tpu.memory_space<vmem_shared>> -> memref<1x640xf32, #tpu.memory_space<vmem_shared>>
      %dma_start3A_376 = tpu.memref_squeeze %dma_start3A_375 : memref<1x640xf32, #tpu.memory_space<vmem_shared>> -> memref<640xf32, #tpu.memory_space<vmem_shared>>
      %dma_start3A_377 = tpu.memref_slice %arg19[%run_scoped3A_111, %mul3A_16] : memref<16x10240xf32, #tpu.memory_space<vmem_shared>> -> memref<1x640xf32, #tpu.memory_space<vmem_shared>>
      %dma_start3A_378 = tpu.memref_squeeze %dma_start3A_377 : memref<1x640xf32, #tpu.memory_space<vmem_shared>> -> memref<640xf32, #tpu.memory_space<vmem_shared>>
      tpu.enqueue_dma source(%dma_start3A_378 : memref<640xf32, #tpu.memory_space<vmem_shared>>) target(%arg18 : memref<640xf32, #tpu.memory_space<vmem>>) target_semaphore(%run_scoped3A_374 : memref<!tpu.dma_semaphore, #tpu.memory_space<semaphore_mem>>)
      %dma_wait3A = tpu.memref_slice %arg19[%run_scoped3A_111, %mul3A_16] : memref<16x10240xf32, #tpu.memory_space<vmem_shared>> -> memref<1x640xf32, #tpu.memory_space<vmem_shared>>
      %dma_wait3A_379 = tpu.memref_squeeze %dma_wait3A : memref<1x640xf32, #tpu.memory_space<vmem_shared>> -> memref<640xf32, #tpu.memory_space<vmem_shared>>
      %dma_wait3A_380 = tpu.memref_slice %arg19[%run_scoped3A_111, %mul3A_16] : memref<16x10240xf32, #tpu.memory_space<vmem_shared>> -> memref<1x640xf32, #tpu.memory_space<vmem_shared>>
      %dma_wait3A_381 = tpu.memref_squeeze %dma_wait3A_380 : memref<1x640xf32, #tpu.memory_space<vmem_shared>> -> memref<640xf32, #tpu.memory_space<vmem_shared>>
      tpu.wait_dma2 semaphore(%run_scoped3A_374 : memref<!tpu.dma_semaphore, #tpu.memory_space<semaphore_mem>>) src(%dma_wait3A_381 : memref<640xf32, #tpu.memory_space<vmem_shared>>) dst(%arg18 : memref<640xf32, #tpu.memory_space<vmem>>)
      tpu.yield
    }) : () -> ()
    %scan3A_112 = arith.constant 0 : i32
    %scan3A_113 = arith.constant 0 : i32
    %scan3A_114 = arith.constant 40 : i32
    %scan3A_115 = arith.addi %scan3A_113, %scan3A_114 : i32
    %scan3A_116 = arith.constant 1 : i32
    %scan3A_117 = scf.for %scan3A_374 = %scan3A_113 to %scan3A_115 step %scan3A_116 iter_args(%scan3A_375 = %scan3A_112) -> (i32)  : i32 {
      %mul3A_376 = arith.constant 16 : i32
      %mul3A_377 = arith.muli %scan3A_374, %mul3A_376 : i32
      %add3A_378 = arith.addi %mul3A_16, %mul3A_377 : i32
      %get3A = arith.index_cast %add3A_378 : i32 to index
      %get3A_379 = tpu.vector_load %arg11[%get3A] {strides = array<i32>} : memref<10240xf32, #tpu.memory_space<vmem>>, vector<16xf32>,
      %mul3A_380 = arith.constant 16 : i32
      %mul3A_381 = arith.muli %scan3A_374, %mul3A_380 : i32
      %get3A_382 = arith.index_cast %mul3A_381 : i32 to index
      %get3A_383 = tpu.vector_load %arg18[%get3A_382] {strides = array<i32>} : memref<640xf32, #tpu.memory_space<vmem>>, vector<16xf32>,
      %add3A_384 = arith.addf %get3A_379, %get3A_383 : vector<16xf32>
      %swap3A = arith.index_cast %add3A_378 : i32 to index
      %swap3A_385 = tpu.vector_load %arg11[%swap3A] {strides = array<i32>} : memref<10240xf32, #tpu.memory_space<vmem>>, vector<16xf32>,
      tpu.vector_store %arg11[%swap3A], %add3A_384 {strides = array<i32>} : memref<10240xf32, #tpu.memory_space<vmem>>, vector<16xf32>,
      %scan3A_386 = arith.constant 0 : i32
      scf.yield %scan3A_386 : i32
    }
    %scan3A_118 = arith.constant 40 : i32
    %run_scoped3A_119 = arith.constant 12 : i32
    "tpu.region"() ({
      %run_scoped3A_374 = tpu.sem_alloc : memref<!tpu.dma_semaphore, #tpu.memory_space<semaphore_mem>>
      %dma_start3A_375 = tpu.memref_slice %arg19[%run_scoped3A_119, %mul3A_16] : memref<16x10240xf32, #tpu.memory_space<vmem_shared>> -> memref<1x640xf32, #tpu.memory_space<vmem_shared>>
      %dma_start3A_376 = tpu.memref_squeeze %dma_start3A_375 : memref<1x640xf32, #tpu.memory_space<vmem_shared>> -> memref<640xf32, #tpu.memory_space<vmem_shared>>
      %dma_start3A_377 = tpu.memref_slice %arg19[%run_scoped3A_119, %mul3A_16] : memref<16x10240xf32, #tpu.memory_space<vmem_shared>> -> memref<1x640xf32, #tpu.memory_space<vmem_shared>>
      %dma_start3A_378 = tpu.memref_squeeze %dma_start3A_377 : memref<1x640xf32, #tpu.memory_space<vmem_shared>> -> memref<640xf32, #tpu.memory_space<vmem_shared>>
      tpu.enqueue_dma source(%dma_start3A_378 : memref<640xf32, #tpu.memory_space<vmem_shared>>) target(%arg18 : memref<640xf32, #tpu.memory_space<vmem>>) target_semaphore(%run_scoped3A_374 : memref<!tpu.dma_semaphore, #tpu.memory_space<semaphore_mem>>)
      %dma_wait3A = tpu.memref_slice %arg19[%run_scoped3A_119, %mul3A_16] : memref<16x10240xf32, #tpu.memory_space<vmem_shared>> -> memref<1x640xf32, #tpu.memory_space<vmem_shared>>
      %dma_wait3A_379 = tpu.memref_squeeze %dma_wait3A : memref<1x640xf32, #tpu.memory_space<vmem_shared>> -> memref<640xf32, #tpu.memory_space<vmem_shared>>
      %dma_wait3A_380 = tpu.memref_slice %arg19[%run_scoped3A_119, %mul3A_16] : memref<16x10240xf32, #tpu.memory_space<vmem_shared>> -> memref<1x640xf32, #tpu.memory_space<vmem_shared>>
      %dma_wait3A_381 = tpu.memref_squeeze %dma_wait3A_380 : memref<1x640xf32, #tpu.memory_space<vmem_shared>> -> memref<640xf32, #tpu.memory_space<vmem_shared>>
      tpu.wait_dma2 semaphore(%run_scoped3A_374 : memref<!tpu.dma_semaphore, #tpu.memory_space<semaphore_mem>>) src(%dma_wait3A_381 : memref<640xf32, #tpu.memory_space<vmem_shared>>) dst(%arg18 : memref<640xf32, #tpu.memory_space<vmem>>)
      tpu.yield
    }) : () -> ()
    %scan3A_120 = arith.constant 0 : i32
    %scan3A_121 = arith.constant 0 : i32
    %scan3A_122 = arith.constant 40 : i32
    %scan3A_123 = arith.addi %scan3A_121, %scan3A_122 : i32
    %scan3A_124 = arith.constant 1 : i32
    %scan3A_125 = scf.for %scan3A_374 = %scan3A_121 to %scan3A_123 step %scan3A_124 iter_args(%scan3A_375 = %scan3A_120) -> (i32)  : i32 {
      %mul3A_376 = arith.constant 16 : i32
      %mul3A_377 = arith.muli %scan3A_374, %mul3A_376 : i32
      %add3A_378 = arith.addi %mul3A_16, %mul3A_377 : i32
      %get3A = arith.index_cast %add3A_378 : i32 to index
      %get3A_379 = tpu.vector_load %arg11[%get3A] {strides = array<i32>} : memref<10240xf32, #tpu.memory_space<vmem>>, vector<16xf32>,
      %mul3A_380 = arith.constant 16 : i32
      %mul3A_381 = arith.muli %scan3A_374, %mul3A_380 : i32
      %get3A_382 = arith.index_cast %mul3A_381 : i32 to index
      %get3A_383 = tpu.vector_load %arg18[%get3A_382] {strides = array<i32>} : memref<640xf32, #tpu.memory_space<vmem>>, vector<16xf32>,
      %add3A_384 = arith.addf %get3A_379, %get3A_383 : vector<16xf32>
      %swap3A = arith.index_cast %add3A_378 : i32 to index
      %swap3A_385 = tpu.vector_load %arg11[%swap3A] {strides = array<i32>} : memref<10240xf32, #tpu.memory_space<vmem>>, vector<16xf32>,
      tpu.vector_store %arg11[%swap3A], %add3A_384 {strides = array<i32>} : memref<10240xf32, #tpu.memory_space<vmem>>, vector<16xf32>,
      %scan3A_386 = arith.constant 0 : i32
      scf.yield %scan3A_386 : i32
    }
    %scan3A_126 = arith.constant 40 : i32
    %run_scoped3A_127 = arith.constant 13 : i32
    "tpu.region"() ({
      %run_scoped3A_374 = tpu.sem_alloc : memref<!tpu.dma_semaphore, #tpu.memory_space<semaphore_mem>>
      %dma_start3A_375 = tpu.memref_slice %arg19[%run_scoped3A_127, %mul3A_16] : memref<16x10240xf32, #tpu.memory_space<vmem_shared>> -> memref<1x640xf32, #tpu.memory_space<vmem_shared>>
      %dma_start3A_376 = tpu.memref_squeeze %dma_start3A_375 : memref<1x640xf32, #tpu.memory_space<vmem_shared>> -> memref<640xf32, #tpu.memory_space<vmem_shared>>
      %dma_start3A_377 = tpu.memref_slice %arg19[%run_scoped3A_127, %mul3A_16] : memref<16x10240xf32, #tpu.memory_space<vmem_shared>> -> memref<1x640xf32, #tpu.memory_space<vmem_shared>>
      %dma_start3A_378 = tpu.memref_squeeze %dma_start3A_377 : memref<1x640xf32, #tpu.memory_space<vmem_shared>> -> memref<640xf32, #tpu.memory_space<vmem_shared>>
      tpu.enqueue_dma source(%dma_start3A_378 : memref<640xf32, #tpu.memory_space<vmem_shared>>) target(%arg18 : memref<640xf32, #tpu.memory_space<vmem>>) target_semaphore(%run_scoped3A_374 : memref<!tpu.dma_semaphore, #tpu.memory_space<semaphore_mem>>)
      %dma_wait3A = tpu.memref_slice %arg19[%run_scoped3A_127, %mul3A_16] : memref<16x10240xf32, #tpu.memory_space<vmem_shared>> -> memref<1x640xf32, #tpu.memory_space<vmem_shared>>
      %dma_wait3A_379 = tpu.memref_squeeze %dma_wait3A : memref<1x640xf32, #tpu.memory_space<vmem_shared>> -> memref<640xf32, #tpu.memory_space<vmem_shared>>
      %dma_wait3A_380 = tpu.memref_slice %arg19[%run_scoped3A_127, %mul3A_16] : memref<16x10240xf32, #tpu.memory_space<vmem_shared>> -> memref<1x640xf32, #tpu.memory_space<vmem_shared>>
      %dma_wait3A_381 = tpu.memref_squeeze %dma_wait3A_380 : memref<1x640xf32, #tpu.memory_space<vmem_shared>> -> memref<640xf32, #tpu.memory_space<vmem_shared>>
      tpu.wait_dma2 semaphore(%run_scoped3A_374 : memref<!tpu.dma_semaphore, #tpu.memory_space<semaphore_mem>>) src(%dma_wait3A_381 : memref<640xf32, #tpu.memory_space<vmem_shared>>) dst(%arg18 : memref<640xf32, #tpu.memory_space<vmem>>)
      tpu.yield
    }) : () -> ()
    %scan3A_128 = arith.constant 0 : i32
    %scan3A_129 = arith.constant 0 : i32
    %scan3A_130 = arith.constant 40 : i32
    %scan3A_131 = arith.addi %scan3A_129, %scan3A_130 : i32
    %scan3A_132 = arith.constant 1 : i32
    %scan3A_133 = scf.for %scan3A_374 = %scan3A_129 to %scan3A_131 step %scan3A_132 iter_args(%scan3A_375 = %scan3A_128) -> (i32)  : i32 {
      %mul3A_376 = arith.constant 16 : i32
      %mul3A_377 = arith.muli %scan3A_374, %mul3A_376 : i32
      %add3A_378 = arith.addi %mul3A_16, %mul3A_377 : i32
      %get3A = arith.index_cast %add3A_378 : i32 to index
      %get3A_379 = tpu.vector_load %arg11[%get3A] {strides = array<i32>} : memref<10240xf32, #tpu.memory_space<vmem>>, vector<16xf32>,
      %mul3A_380 = arith.constant 16 : i32
      %mul3A_381 = arith.muli %scan3A_374, %mul3A_380 : i32
      %get3A_382 = arith.index_cast %mul3A_381 : i32 to index
      %get3A_383 = tpu.vector_load %arg18[%get3A_382] {strides = array<i32>} : memref<640xf32, #tpu.memory_space<vmem>>, vector<16xf32>,
      %add3A_384 = arith.addf %get3A_379, %get3A_383 : vector<16xf32>
      %swap3A = arith.index_cast %add3A_378 : i32 to index
      %swap3A_385 = tpu.vector_load %arg11[%swap3A] {strides = array<i32>} : memref<10240xf32, #tpu.memory_space<vmem>>, vector<16xf32>,
      tpu.vector_store %arg11[%swap3A], %add3A_384 {strides = array<i32>} : memref<10240xf32, #tpu.memory_space<vmem>>, vector<16xf32>,
      %scan3A_386 = arith.constant 0 : i32
      scf.yield %scan3A_386 : i32
    }
    %scan3A_134 = arith.constant 40 : i32
    %run_scoped3A_135 = arith.constant 14 : i32
    "tpu.region"() ({
      %run_scoped3A_374 = tpu.sem_alloc : memref<!tpu.dma_semaphore, #tpu.memory_space<semaphore_mem>>
      %dma_start3A_375 = tpu.memref_slice %arg19[%run_scoped3A_135, %mul3A_16] : memref<16x10240xf32, #tpu.memory_space<vmem_shared>> -> memref<1x640xf32, #tpu.memory_space<vmem_shared>>
      %dma_start3A_376 = tpu.memref_squeeze %dma_start3A_375 : memref<1x640xf32, #tpu.memory_space<vmem_shared>> -> memref<640xf32, #tpu.memory_space<vmem_shared>>
      %dma_start3A_377 = tpu.memref_slice %arg19[%run_scoped3A_135, %mul3A_16] : memref<16x10240xf32, #tpu.memory_space<vmem_shared>> -> memref<1x640xf32, #tpu.memory_space<vmem_shared>>
      %dma_start3A_378 = tpu.memref_squeeze %dma_start3A_377 : memref<1x640xf32, #tpu.memory_space<vmem_shared>> -> memref<640xf32, #tpu.memory_space<vmem_shared>>
      tpu.enqueue_dma source(%dma_start3A_378 : memref<640xf32, #tpu.memory_space<vmem_shared>>) target(%arg18 : memref<640xf32, #tpu.memory_space<vmem>>) target_semaphore(%run_scoped3A_374 : memref<!tpu.dma_semaphore, #tpu.memory_space<semaphore_mem>>)
      %dma_wait3A = tpu.memref_slice %arg19[%run_scoped3A_135, %mul3A_16] : memref<16x10240xf32, #tpu.memory_space<vmem_shared>> -> memref<1x640xf32, #tpu.memory_space<vmem_shared>>
      %dma_wait3A_379 = tpu.memref_squeeze %dma_wait3A : memref<1x640xf32, #tpu.memory_space<vmem_shared>> -> memref<640xf32, #tpu.memory_space<vmem_shared>>
      %dma_wait3A_380 = tpu.memref_slice %arg19[%run_scoped3A_135, %mul3A_16] : memref<16x10240xf32, #tpu.memory_space<vmem_shared>> -> memref<1x640xf32, #tpu.memory_space<vmem_shared>>
      %dma_wait3A_381 = tpu.memref_squeeze %dma_wait3A_380 : memref<1x640xf32, #tpu.memory_space<vmem_shared>> -> memref<640xf32, #tpu.memory_space<vmem_shared>>
      tpu.wait_dma2 semaphore(%run_scoped3A_374 : memref<!tpu.dma_semaphore, #tpu.memory_space<semaphore_mem>>) src(%dma_wait3A_381 : memref<640xf32, #tpu.memory_space<vmem_shared>>) dst(%arg18 : memref<640xf32, #tpu.memory_space<vmem>>)
      tpu.yield
    }) : () -> ()
    %scan3A_136 = arith.constant 0 : i32
    %scan3A_137 = arith.constant 0 : i32
    %scan3A_138 = arith.constant 40 : i32
    %scan3A_139 = arith.addi %scan3A_137, %scan3A_138 : i32
    %scan3A_140 = arith.constant 1 : i32
    %scan3A_141 = scf.for %scan3A_374 = %scan3A_137 to %scan3A_139 step %scan3A_140 iter_args(%scan3A_375 = %scan3A_136) -> (i32)  : i32 {
      %mul3A_376 = arith.constant 16 : i32
      %mul3A_377 = arith.muli %scan3A_374, %mul3A_376 : i32
      %add3A_378 = arith.addi %mul3A_16, %mul3A_377 : i32
      %get3A = arith.index_cast %add3A_378 : i32 to index
      %get3A_379 = tpu.vector_load %arg11[%get3A] {strides = array<i32>} : memref<10240xf32, #tpu.memory_space<vmem>>, vector<16xf32>,
      %mul3A_380 = arith.constant 16 : i32
      %mul3A_381 = arith.muli %scan3A_374, %mul3A_380 : i32
      %get3A_382 = arith.index_cast %mul3A_381 : i32 to index
      %get3A_383 = tpu.vector_load %arg18[%get3A_382] {strides = array<i32>} : memref<640xf32, #tpu.memory_space<vmem>>, vector<16xf32>,
      %add3A_384 = arith.addf %get3A_379, %get3A_383 : vector<16xf32>
      %swap3A = arith.index_cast %add3A_378 : i32 to index
      %swap3A_385 = tpu.vector_load %arg11[%swap3A] {strides = array<i32>} : memref<10240xf32, #tpu.memory_space<vmem>>, vector<16xf32>,
      tpu.vector_store %arg11[%swap3A], %add3A_384 {strides = array<i32>} : memref<10240xf32, #tpu.memory_space<vmem>>, vector<16xf32>,
      %scan3A_386 = arith.constant 0 : i32
      scf.yield %scan3A_386 : i32
    }
    %scan3A_142 = arith.constant 40 : i32
    %run_scoped3A_143 = arith.constant 15 : i32
    "tpu.region"() ({
      %run_scoped3A_374 = tpu.sem_alloc : memref<!tpu.dma_semaphore, #tpu.memory_space<semaphore_mem>>
      %dma_start3A_375 = tpu.memref_slice %arg19[%run_scoped3A_143, %mul3A_16] : memref<16x10240xf32, #tpu.memory_space<vmem_shared>> -> memref<1x640xf32, #tpu.memory_space<vmem_shared>>
      %dma_start3A_376 = tpu.memref_squeeze %dma_start3A_375 : memref<1x640xf32, #tpu.memory_space<vmem_shared>> -> memref<640xf32, #tpu.memory_space<vmem_shared>>
      %dma_start3A_377 = tpu.memref_slice %arg19[%run_scoped3A_143, %mul3A_16] : memref<16x10240xf32, #tpu.memory_space<vmem_shared>> -> memref<1x640xf32, #tpu.memory_space<vmem_shared>>
      %dma_start3A_378 = tpu.memref_squeeze %dma_start3A_377 : memref<1x640xf32, #tpu.memory_space<vmem_shared>> -> memref<640xf32, #tpu.memory_space<vmem_shared>>
      tpu.enqueue_dma source(%dma_start3A_378 : memref<640xf32, #tpu.memory_space<vmem_shared>>) target(%arg18 : memref<640xf32, #tpu.memory_space<vmem>>) target_semaphore(%run_scoped3A_374 : memref<!tpu.dma_semaphore, #tpu.memory_space<semaphore_mem>>)
      %dma_wait3A = tpu.memref_slice %arg19[%run_scoped3A_143, %mul3A_16] : memref<16x10240xf32, #tpu.memory_space<vmem_shared>> -> memref<1x640xf32, #tpu.memory_space<vmem_shared>>
      %dma_wait3A_379 = tpu.memref_squeeze %dma_wait3A : memref<1x640xf32, #tpu.memory_space<vmem_shared>> -> memref<640xf32, #tpu.memory_space<vmem_shared>>
      %dma_wait3A_380 = tpu.memref_slice %arg19[%run_scoped3A_143, %mul3A_16] : memref<16x10240xf32, #tpu.memory_space<vmem_shared>> -> memref<1x640xf32, #tpu.memory_space<vmem_shared>>
      %dma_wait3A_381 = tpu.memref_squeeze %dma_wait3A_380 : memref<1x640xf32, #tpu.memory_space<vmem_shared>> -> memref<640xf32, #tpu.memory_space<vmem_shared>>
      tpu.wait_dma2 semaphore(%run_scoped3A_374 : memref<!tpu.dma_semaphore, #tpu.memory_space<semaphore_mem>>) src(%dma_wait3A_381 : memref<640xf32, #tpu.memory_space<vmem_shared>>) dst(%arg18 : memref<640xf32, #tpu.memory_space<vmem>>)
      tpu.yield
    }) : () -> ()
    %scan3A_144 = arith.constant 0 : i32
    %scan3A_145 = arith.constant 0 : i32
    %scan3A_146 = arith.constant 40 : i32
    %scan3A_147 = arith.addi %scan3A_145, %scan3A_146 : i32
    %scan3A_148 = arith.constant 1 : i32
    %scan3A_149 = scf.for %scan3A_374 = %scan3A_145 to %scan3A_147 step %scan3A_148 iter_args(%scan3A_375 = %scan3A_144) -> (i32)  : i32 {
      %mul3A_376 = arith.constant 16 : i32
      %mul3A_377 = arith.muli %scan3A_374, %mul3A_376 : i32
      %add3A_378 = arith.addi %mul3A_16, %mul3A_377 : i32
      %get3A = arith.index_cast %add3A_378 : i32 to index
      %get3A_379 = tpu.vector_load %arg11[%get3A] {strides = array<i32>} : memref<10240xf32, #tpu.memory_space<vmem>>, vector<16xf32>,
      %mul3A_380 = arith.constant 16 : i32
      %mul3A_381 = arith.muli %scan3A_374, %mul3A_380 : i32
      %get3A_382 = arith.index_cast %mul3A_381 : i32 to index
      %get3A_383 = tpu.vector_load %arg18[%get3A_382] {strides = array<i32>} : memref<640xf32, #tpu.memory_space<vmem>>, vector<16xf32>,
      %add3A_384 = arith.addf %get3A_379, %get3A_383 : vector<16xf32>
      %swap3A = arith.index_cast %add3A_378 : i32 to index
      %swap3A_385 = tpu.vector_load %arg11[%swap3A] {strides = array<i32>} : memref<10240xf32, #tpu.memory_space<vmem>>, vector<16xf32>,
      tpu.vector_store %arg11[%swap3A], %add3A_384 {strides = array<i32>} : memref<10240xf32, #tpu.memory_space<vmem>>, vector<16xf32>,
      %scan3A_386 = arith.constant 0 : i32
      scf.yield %scan3A_386 : i32
    }
    %scan3A_150 = arith.constant 40 : i32
    %scan3A_151 = arith.constant 0 : i32
    %scan3A_152 = arith.constant 0 : i32
    %scan3A_153 = arith.constant 40 : i32
    %scan3A_154 = arith.addi %scan3A_152, %scan3A_153 : i32
    %scan3A_155 = arith.constant 1 : i32
    %scan3A_156 = scf.for %scan3A_374 = %scan3A_152 to %scan3A_154 step %scan3A_155 iter_args(%scan3A_375 = %scan3A_151) -> (i32)  : i32 {
      %mul3A_376 = arith.constant 16 : i32
      %mul3A_377 = arith.muli %scan3A_374, %mul3A_376 : i32
      %add3A_378 = arith.addi %mul3A_16, %mul3A_377 : i32
      %get3A = arith.index_cast %add3A_378 : i32 to index
      %get3A_379 = tpu.vector_load %arg11[%get3A] {strides = array<i32>} : memref<10240xf32, #tpu.memory_space<vmem>>, vector<16xf32>,
      %add3A_380 = arith.constant 1.000000e+00 : f32
      %add3A_381 = vector.broadcast %add3A_380 : f32 to vector<16xf32>
      %add3A_382 = arith.addf %get3A_379, %add3A_381 : vector<16xf32>
      %div3A = arith.constant 1.000000e+00 : f32
      %div3A_383 = vector.broadcast %div3A : f32 to vector<16xf32>
      %div3A_384 = arith.divf %div3A_383, %add3A_382 : vector<16xf32>
      %swap3A = arith.index_cast %add3A_378 : i32 to index
      %swap3A_385 = tpu.vector_load %arg11[%swap3A] {strides = array<i32>} : memref<10240xf32, #tpu.memory_space<vmem>>, vector<16xf32>,
      tpu.vector_store %arg11[%swap3A], %div3A_384 {strides = array<i32>} : memref<10240xf32, #tpu.memory_space<vmem>>, vector<16xf32>,
      %scan3A_386 = arith.constant 0 : i32
      scf.yield %scan3A_386 : i32
    }
    %scan3A_157 = arith.constant 40 : i32
    "tpu.region"() ({
      %run_scoped3A_374 = tpu.sem_alloc : memref<!tpu.dma_semaphore, #tpu.memory_space<semaphore_mem>>
      %dma_start3A_375 = tpu.memref_slice %arg11[%mul3A_16] : memref<10240xf32, #tpu.memory_space<vmem>> -> memref<640xf32, #tpu.memory_space<vmem>>
      %dma_start3A_376 = tpu.memref_slice %arg20[%mul3A_16] : memref<10240xf32, #tpu.memory_space<vmem_shared>> -> memref<640xf32, #tpu.memory_space<vmem_shared>>
      %dma_start3A_377 = tpu.memref_slice %arg20[%mul3A_16] : memref<10240xf32, #tpu.memory_space<vmem_shared>> -> memref<640xf32, #tpu.memory_space<vmem_shared>>
      %dma_start3A_378 = tpu.memref_slice %arg11[%mul3A_16] : memref<10240xf32, #tpu.memory_space<vmem>> -> memref<640xf32, #tpu.memory_space<vmem>>
      tpu.enqueue_dma source(%dma_start3A_378 : memref<640xf32, #tpu.memory_space<vmem>>) target(%dma_start3A_377 : memref<640xf32, #tpu.memory_space<vmem_shared>>) target_semaphore(%run_scoped3A_374 : memref<!tpu.dma_semaphore, #tpu.memory_space<semaphore_mem>>)
      %dma_wait3A = tpu.memref_slice %arg11[%mul3A_16] : memref<10240xf32, #tpu.memory_space<vmem>> -> memref<640xf32, #tpu.memory_space<vmem>>
      %dma_wait3A_379 = tpu.memref_slice %arg20[%mul3A_16] : memref<10240xf32, #tpu.memory_space<vmem_shared>> -> memref<640xf32, #tpu.memory_space<vmem_shared>>
      %dma_wait3A_380 = tpu.memref_slice %arg20[%mul3A_16] : memref<10240xf32, #tpu.memory_space<vmem_shared>> -> memref<640xf32, #tpu.memory_space<vmem_shared>>
      %dma_wait3A_381 = tpu.memref_slice %arg11[%mul3A_16] : memref<10240xf32, #tpu.memory_space<vmem>> -> memref<640xf32, #tpu.memory_space<vmem>>
      tpu.wait_dma2 semaphore(%run_scoped3A_374 : memref<!tpu.dma_semaphore, #tpu.memory_space<semaphore_mem>>) src(%dma_wait3A_381 : memref<640xf32, #tpu.memory_space<vmem>>) dst(%dma_wait3A_380 : memref<640xf32, #tpu.memory_space<vmem_shared>>)
      tpu.yield
    }) : () -> ()
    %eq3A = arith.constant 0 : i32
    %eq3A_158 = arith.cmpi eq, %arg0, %eq3A : i32
    %convert_element_type3A = arith.extui %eq3A_158 : i1 to i32
    %cond3A = arith.constant 0 : i32
    %cond3A_159 = arith.cmpi ne, %convert_element_type3A, %cond3A : i32
    scf.if %cond3A_159 {
      "tpu.region"() ({
        %run_scoped3A_374 = tpu.sem_alloc : memref<!tpu.dma_semaphore, #tpu.memory_space<semaphore_mem>>
        %dma_start3A_375 = tpu.memref_slice %arg11[%mul3A_16] : memref<10240xf32, #tpu.memory_space<vmem>> -> memref<640xf32, #tpu.memory_space<vmem>>
        %dma_start3A_376 = tpu.memref_slice %arg6[%mul3A_16] : memref<10240xf32, #tpu.memory_space<hbm>> -> memref<640xf32, #tpu.memory_space<hbm>>
        %dma_start3A_377 = tpu.memref_slice %arg6[%mul3A_16] : memref<10240xf32, #tpu.memory_space<hbm>> -> memref<640xf32, #tpu.memory_space<hbm>>
        %dma_start3A_378 = tpu.memref_slice %arg11[%mul3A_16] : memref<10240xf32, #tpu.memory_space<vmem>> -> memref<640xf32, #tpu.memory_space<vmem>>
        tpu.enqueue_dma source(%dma_start3A_378 : memref<640xf32, #tpu.memory_space<vmem>>) target(%dma_start3A_377 : memref<640xf32, #tpu.memory_space<hbm>>) target_semaphore(%run_scoped3A_374 : memref<!tpu.dma_semaphore, #tpu.memory_space<semaphore_mem>>)
        %dma_wait3A = tpu.memref_slice %arg11[%mul3A_16] : memref<10240xf32, #tpu.memory_space<vmem>> -> memref<640xf32, #tpu.memory_space<vmem>>
        %dma_wait3A_379 = tpu.memref_slice %arg6[%mul3A_16] : memref<10240xf32, #tpu.memory_space<hbm>> -> memref<640xf32, #tpu.memory_space<hbm>>
        %dma_wait3A_380 = tpu.memref_slice %arg6[%mul3A_16] : memref<10240xf32, #tpu.memory_space<hbm>> -> memref<640xf32, #tpu.memory_space<hbm>>
        %dma_wait3A_381 = tpu.memref_slice %arg11[%mul3A_16] : memref<10240xf32, #tpu.memory_space<vmem>> -> memref<640xf32, #tpu.memory_space<vmem>>
        tpu.wait_dma2 semaphore(%run_scoped3A_374 : memref<!tpu.dma_semaphore, #tpu.memory_space<semaphore_mem>>) src(%dma_wait3A_381 : memref<640xf32, #tpu.memory_space<vmem>>) dst(%dma_wait3A_380 : memref<640xf32, #tpu.memory_space<hbm>>)
        tpu.yield
      }) : () -> ()
    } else {
    }
    %barrier3A_160 = arith.constant 0 : index
    tpu.barrier barrier_id(%barrier3A_160)
    "tpu.region"() ({
      %run_scoped3A_374 = tpu.sem_alloc : memref<!tpu.dma_semaphore, #tpu.memory_space<semaphore_mem>>
      tpu.enqueue_dma source(%arg20 : memref<10240xf32, #tpu.memory_space<vmem_shared>>) target(%arg17 : memref<10240xf32, #tpu.memory_space<vmem>>) target_semaphore(%run_scoped3A_374 : memref<!tpu.dma_semaphore, #tpu.memory_space<semaphore_mem>>)
      tpu.wait_dma2 semaphore(%run_scoped3A_374 : memref<!tpu.dma_semaphore, #tpu.memory_space<semaphore_mem>>) src(%arg20 : memref<10240xf32, #tpu.memory_space<vmem_shared>>) dst(%arg17 : memref<10240xf32, #tpu.memory_space<vmem>>)
      tpu.yield
    }) : () -> ()
    %mul3A_161 = arith.constant 4 : i32
    %mul3A_162 = arith.muli %add3A, %mul3A_161 : i32
    %add3A_163 = arith.constant 0 : i32
    %add3A_164 = arith.addi %mul3A_162, %add3A_163 : i32
    %mul3A_165 = arith.constant 10240 : i32
    %mul3A_166 = arith.muli %add3A_164, %mul3A_165 : i32
    %add3A_167 = arith.constant 0 : i32
    %add3A_168 = arith.addi %mul3A_166, %add3A_167 : i32
    "tpu.region"() ({
      %run_scoped3A_374 = tpu.sem_alloc : memref<!tpu.dma_semaphore, #tpu.memory_space<semaphore_mem>>
      %dma_start3A_375 = tpu.memref_slice %arg2[%add3A_168] : memref<2621440xf32, #tpu.memory_space<hbm>> -> memref<10000xf32, #tpu.memory_space<hbm>>
      %dma_start3A_376 = tpu.memref_slice %arg2[%add3A_168] : memref<2621440xf32, #tpu.memory_space<hbm>> -> memref<10000xf32, #tpu.memory_space<hbm>>
      tpu.enqueue_dma source(%dma_start3A_376 : memref<10000xf32, #tpu.memory_space<hbm>>) target(%arg7 : memref<10000xf32, #tpu.memory_space<vmem>>) target_semaphore(%run_scoped3A_374 : memref<!tpu.dma_semaphore, #tpu.memory_space<semaphore_mem>>)
      %dma_wait3A = tpu.memref_slice %arg2[%add3A_168] : memref<2621440xf32, #tpu.memory_space<hbm>> -> memref<10000xf32, #tpu.memory_space<hbm>>
      %dma_wait3A_377 = tpu.memref_slice %arg2[%add3A_168] : memref<2621440xf32, #tpu.memory_space<hbm>> -> memref<10000xf32, #tpu.memory_space<hbm>>
      tpu.wait_dma2 semaphore(%run_scoped3A_374 : memref<!tpu.dma_semaphore, #tpu.memory_space<semaphore_mem>>) src(%dma_wait3A_377 : memref<10000xf32, #tpu.memory_space<hbm>>) dst(%arg7 : memref<10000xf32, #tpu.memory_space<vmem>>)
      tpu.yield
    }) : () -> ()
    %scan3A_169 = arith.constant 0 : i32
    %scan3A_170 = arith.constant 0 : i32
    %scan3A_171 = arith.constant 625 : i32
    %scan3A_172 = arith.addi %scan3A_170, %scan3A_171 : i32
    %scan3A_173 = arith.constant 1 : i32
    %scan3A_174 = scf.for %scan3A_374 = %scan3A_170 to %scan3A_172 step %scan3A_173 iter_args(%scan3A_375 = %scan3A_169) -> (i32)  : i32 {
      %broadcast_in_dim3A_376 = arith.constant 0.000000e+00 : f32
      %broadcast_in_dim3A_377 = vector.broadcast %broadcast_in_dim3A_376 : f32 to vector<16xf32>
      %mul3A_378 = arith.constant 16 : i32
      %mul3A_379 = arith.muli %scan3A_374, %mul3A_378 : i32
      %add3A_380 = arith.constant 0 : i32
      %add3A_381 = arith.addi %add3A_380, %mul3A_379 : i32
      %swap3A = arith.index_cast %add3A_381 : i32 to index
      %swap3A_382 = tpu.vector_load %arg11[%swap3A] {strides = array<i32>} : memref<10240xf32, #tpu.memory_space<vmem>>, vector<16xf32>,
      tpu.vector_store %arg11[%swap3A], %broadcast_in_dim3A_377 {strides = array<i32>} : memref<10240xf32, #tpu.memory_space<vmem>>, vector<16xf32>,
      %scan3A_383 = arith.constant 0 : i32
      scf.yield %scan3A_383 : i32
    }
    %scan3A_175 = arith.constant 625 : i32
    %add3A_176 = arith.constant 10240 : i32
    %add3A_177 = arith.addi %mul3A_166, %add3A_176 : i32
    "tpu.region"() ({
      %run_scoped3A_374 = tpu.sem_alloc : memref<!tpu.dma_semaphore, #tpu.memory_space<semaphore_mem>>
      %dma_start3A_375 = tpu.memref_slice %arg2[%add3A_177] : memref<2621440xf32, #tpu.memory_space<hbm>> -> memref<10000xf32, #tpu.memory_space<hbm>>
      %dma_start3A_376 = tpu.memref_slice %arg2[%add3A_177] : memref<2621440xf32, #tpu.memory_space<hbm>> -> memref<10000xf32, #tpu.memory_space<hbm>>
      tpu.enqueue_dma source(%dma_start3A_376 : memref<10000xf32, #tpu.memory_space<hbm>>) target(%arg8 : memref<10000xf32, #tpu.memory_space<vmem>>) target_semaphore(%run_scoped3A_374 : memref<!tpu.dma_semaphore, #tpu.memory_space<semaphore_mem>>)
      %dma_wait3A = tpu.memref_slice %arg2[%add3A_177] : memref<2621440xf32, #tpu.memory_space<hbm>> -> memref<10000xf32, #tpu.memory_space<hbm>>
      %dma_wait3A_377 = tpu.memref_slice %arg2[%add3A_177] : memref<2621440xf32, #tpu.memory_space<hbm>> -> memref<10000xf32, #tpu.memory_space<hbm>>
      tpu.wait_dma2 semaphore(%run_scoped3A_374 : memref<!tpu.dma_semaphore, #tpu.memory_space<semaphore_mem>>) src(%dma_wait3A_377 : memref<10000xf32, #tpu.memory_space<hbm>>) dst(%arg8 : memref<10000xf32, #tpu.memory_space<vmem>>)
      tpu.yield
    }) : () -> ()
    %scan3A_178 = arith.constant 0 : i32
    %scan3A_179 = arith.constant 0 : i32
    %scan3A_180 = arith.constant 625 : i32
    %scan3A_181 = arith.addi %scan3A_179, %scan3A_180 : i32
    %scan3A_182 = arith.constant 1 : i32
    %scan3A_183 = scf.for %scan3A_374 = %scan3A_179 to %scan3A_181 step %scan3A_182 iter_args(%scan3A_375 = %scan3A_178) -> (i32)  : i32 {
      %broadcast_in_dim3A_376 = arith.constant 0.000000e+00 : f32
      %broadcast_in_dim3A_377 = vector.broadcast %broadcast_in_dim3A_376 : f32 to vector<16xf32>
      %mul3A_378 = arith.constant 16 : i32
      %mul3A_379 = arith.muli %scan3A_374, %mul3A_378 : i32
      %add3A_380 = arith.constant 0 : i32
      %add3A_381 = arith.addi %add3A_380, %mul3A_379 : i32
      %swap3A = arith.index_cast %add3A_381 : i32 to index
      %swap3A_382 = tpu.vector_load %arg12[%swap3A] {strides = array<i32>} : memref<10000xf32, #tpu.memory_space<vmem>>, vector<16xf32>,
      tpu.vector_store %arg12[%swap3A], %broadcast_in_dim3A_377 {strides = array<i32>} : memref<10000xf32, #tpu.memory_space<vmem>>, vector<16xf32>,
      %scan3A_383 = arith.constant 0 : i32
      scf.yield %scan3A_383 : i32
    }
    %scan3A_184 = arith.constant 625 : i32
    %add3A_185 = arith.constant 20480 : i32
    %add3A_186 = arith.addi %mul3A_166, %add3A_185 : i32
    "tpu.region"() ({
      %run_scoped3A_374 = tpu.sem_alloc : memref<!tpu.dma_semaphore, #tpu.memory_space<semaphore_mem>>
      %dma_start3A_375 = tpu.memref_slice %arg2[%add3A_186] : memref<2621440xf32, #tpu.memory_space<hbm>> -> memref<10000xf32, #tpu.memory_space<hbm>>
      %dma_start3A_376 = tpu.memref_slice %arg2[%add3A_186] : memref<2621440xf32, #tpu.memory_space<hbm>> -> memref<10000xf32, #tpu.memory_space<hbm>>
      tpu.enqueue_dma source(%dma_start3A_376 : memref<10000xf32, #tpu.memory_space<hbm>>) target(%arg9 : memref<10000xf32, #tpu.memory_space<vmem>>) target_semaphore(%run_scoped3A_374 : memref<!tpu.dma_semaphore, #tpu.memory_space<semaphore_mem>>)
      %dma_wait3A = tpu.memref_slice %arg2[%add3A_186] : memref<2621440xf32, #tpu.memory_space<hbm>> -> memref<10000xf32, #tpu.memory_space<hbm>>
      %dma_wait3A_377 = tpu.memref_slice %arg2[%add3A_186] : memref<2621440xf32, #tpu.memory_space<hbm>> -> memref<10000xf32, #tpu.memory_space<hbm>>
      tpu.wait_dma2 semaphore(%run_scoped3A_374 : memref<!tpu.dma_semaphore, #tpu.memory_space<semaphore_mem>>) src(%dma_wait3A_377 : memref<10000xf32, #tpu.memory_space<hbm>>) dst(%arg9 : memref<10000xf32, #tpu.memory_space<vmem>>)
      tpu.yield
    }) : () -> ()
    %scan3A_187 = arith.constant 0 : i32
    %scan3A_188 = arith.constant 0 : i32
    %scan3A_189 = arith.constant 625 : i32
    %scan3A_190 = arith.addi %scan3A_188, %scan3A_189 : i32
    %scan3A_191 = arith.constant 1 : i32
    %scan3A_192 = scf.for %scan3A_374 = %scan3A_188 to %scan3A_190 step %scan3A_191 iter_args(%scan3A_375 = %scan3A_187) -> (i32)  : i32 {
      %broadcast_in_dim3A_376 = arith.constant 0.000000e+00 : f32
      %broadcast_in_dim3A_377 = vector.broadcast %broadcast_in_dim3A_376 : f32 to vector<16xf32>
      %mul3A_378 = arith.constant 16 : i32
      %mul3A_379 = arith.muli %scan3A_374, %mul3A_378 : i32
      %add3A_380 = arith.constant 0 : i32
      %add3A_381 = arith.addi %add3A_380, %mul3A_379 : i32
      %swap3A = arith.index_cast %add3A_381 : i32 to index
      %swap3A_382 = tpu.vector_load %arg13[%swap3A] {strides = array<i32>} : memref<10000xf32, #tpu.memory_space<vmem>>, vector<16xf32>,
      tpu.vector_store %arg13[%swap3A], %broadcast_in_dim3A_377 {strides = array<i32>} : memref<10000xf32, #tpu.memory_space<vmem>>, vector<16xf32>,
      %scan3A_383 = arith.constant 0 : i32
      scf.yield %scan3A_383 : i32
    }
    %scan3A_193 = arith.constant 625 : i32
    %add3A_194 = arith.constant 30720 : i32
    %add3A_195 = arith.addi %mul3A_166, %add3A_194 : i32
    "tpu.region"() ({
      %run_scoped3A_374 = tpu.sem_alloc : memref<!tpu.dma_semaphore, #tpu.memory_space<semaphore_mem>>
      %dma_start3A_375 = tpu.memref_slice %arg2[%add3A_195] : memref<2621440xf32, #tpu.memory_space<hbm>> -> memref<10000xf32, #tpu.memory_space<hbm>>
      %dma_start3A_376 = tpu.memref_slice %arg2[%add3A_195] : memref<2621440xf32, #tpu.memory_space<hbm>> -> memref<10000xf32, #tpu.memory_space<hbm>>
      tpu.enqueue_dma source(%dma_start3A_376 : memref<10000xf32, #tpu.memory_space<hbm>>) target(%arg10 : memref<10000xf32, #tpu.memory_space<vmem>>) target_semaphore(%run_scoped3A_374 : memref<!tpu.dma_semaphore, #tpu.memory_space<semaphore_mem>>)
      %dma_wait3A = tpu.memref_slice %arg2[%add3A_195] : memref<2621440xf32, #tpu.memory_space<hbm>> -> memref<10000xf32, #tpu.memory_space<hbm>>
      %dma_wait3A_377 = tpu.memref_slice %arg2[%add3A_195] : memref<2621440xf32, #tpu.memory_space<hbm>> -> memref<10000xf32, #tpu.memory_space<hbm>>
      tpu.wait_dma2 semaphore(%run_scoped3A_374 : memref<!tpu.dma_semaphore, #tpu.memory_space<semaphore_mem>>) src(%dma_wait3A_377 : memref<10000xf32, #tpu.memory_space<hbm>>) dst(%arg10 : memref<10000xf32, #tpu.memory_space<vmem>>)
      tpu.yield
    }) : () -> ()
    %scan3A_196 = arith.constant 0 : i32
    %scan3A_197 = arith.constant 0 : i32
    %scan3A_198 = arith.constant 625 : i32
    %scan3A_199 = arith.addi %scan3A_197, %scan3A_198 : i32
    %scan3A_200 = arith.constant 1 : i32
    %scan3A_201 = scf.for %scan3A_374 = %scan3A_197 to %scan3A_199 step %scan3A_200 iter_args(%scan3A_375 = %scan3A_196) -> (i32)  : i32 {
      %broadcast_in_dim3A_376 = arith.constant 0.000000e+00 : f32
      %broadcast_in_dim3A_377 = vector.broadcast %broadcast_in_dim3A_376 : f32 to vector<16xf32>
      %mul3A_378 = arith.constant 16 : i32
      %mul3A_379 = arith.muli %scan3A_374, %mul3A_378 : i32
      %add3A_380 = arith.constant 0 : i32
      %add3A_381 = arith.addi %add3A_380, %mul3A_379 : i32
      %swap3A = arith.index_cast %add3A_381 : i32 to index
      %swap3A_382 = tpu.vector_load %arg14[%swap3A] {strides = array<i32>} : memref<10000xf32, #tpu.memory_space<vmem>>, vector<16xf32>,
      tpu.vector_store %arg14[%swap3A], %broadcast_in_dim3A_377 {strides = array<i32>} : memref<10000xf32, #tpu.memory_space<vmem>>, vector<16xf32>,
      %scan3A_383 = arith.constant 0 : i32
      scf.yield %scan3A_383 : i32
    }
    %scan3A_202 = arith.constant 625 : i32
    %dma_start3A = arith.constant 0 : i32
    %dma_start3A_203 = arith.constant 0 : i32
    %dma_start3A_204 = tpu.memref_slice %arg15[%dma_start3A_203] : memref<8000xi32, #tpu.memory_space<vmem>> -> memref<4000xi32, #tpu.memory_space<vmem>>
    %dma_start3A_205 = arith.constant 0 : i32
    %dma_start3A_206 = tpu.memref_slice %arg4[%dma_start3A_205] : memref<160000xi32, #tpu.memory_space<hbm>> -> memref<4000xi32, #tpu.memory_space<hbm>>
    %dma_start3A_207 = tpu.memref_slice %arg21[%dma_start3A] : memref<2x!tpu.dma_semaphore, #tpu.memory_space<semaphore_mem>> -> memref<1x!tpu.dma_semaphore, #tpu.memory_space<semaphore_mem>>
    %dma_start3A_208 = tpu.memref_squeeze %dma_start3A_207 : memref<1x!tpu.dma_semaphore, #tpu.memory_space<semaphore_mem>> -> memref<!tpu.dma_semaphore, #tpu.memory_space<semaphore_mem>>
    %dma_start3A_209 = arith.constant 0 : i32
    %dma_start3A_210 = tpu.memref_slice %arg15[%dma_start3A_209] : memref<8000xi32, #tpu.memory_space<vmem>> -> memref<4000xi32, #tpu.memory_space<vmem>>
    %dma_start3A_211 = arith.constant 0 : i32
    %dma_start3A_212 = tpu.memref_slice %arg4[%dma_start3A_211] : memref<160000xi32, #tpu.memory_space<hbm>> -> memref<4000xi32, #tpu.memory_space<hbm>>
    tpu.enqueue_dma source(%dma_start3A_212 : memref<4000xi32, #tpu.memory_space<hbm>>) target(%dma_start3A_210 : memref<4000xi32, #tpu.memory_space<vmem>>) target_semaphore(%dma_start3A_208 : memref<!tpu.dma_semaphore, #tpu.memory_space<semaphore_mem>>)
    %dma_start3A_213 = arith.constant 0 : i32
    %dma_start3A_214 = arith.constant 0 : i32
    %dma_start3A_215 = tpu.memref_slice %arg16[%dma_start3A_214] : memref<8000xi32, #tpu.memory_space<vmem>> -> memref<4000xi32, #tpu.memory_space<vmem>>
    %dma_start3A_216 = arith.constant 0 : i32
    %dma_start3A_217 = tpu.memref_slice %arg3[%dma_start3A_216] : memref<160000xi32, #tpu.memory_space<hbm>> -> memref<4000xi32, #tpu.memory_space<hbm>>
    %dma_start3A_218 = tpu.memref_slice %arg21[%dma_start3A_213] : memref<2x!tpu.dma_semaphore, #tpu.memory_space<semaphore_mem>> -> memref<1x!tpu.dma_semaphore, #tpu.memory_space<semaphore_mem>>
    %dma_start3A_219 = tpu.memref_squeeze %dma_start3A_218 : memref<1x!tpu.dma_semaphore, #tpu.memory_space<semaphore_mem>> -> memref<!tpu.dma_semaphore, #tpu.memory_space<semaphore_mem>>
    %dma_start3A_220 = arith.constant 0 : i32
    %dma_start3A_221 = tpu.memref_slice %arg16[%dma_start3A_220] : memref<8000xi32, #tpu.memory_space<vmem>> -> memref<4000xi32, #tpu.memory_space<vmem>>
    %dma_start3A_222 = arith.constant 0 : i32
    %dma_start3A_223 = tpu.memref_slice %arg3[%dma_start3A_222] : memref<160000xi32, #tpu.memory_space<hbm>> -> memref<4000xi32, #tpu.memory_space<hbm>>
    tpu.enqueue_dma source(%dma_start3A_223 : memref<4000xi32, #tpu.memory_space<hbm>>) target(%dma_start3A_221 : memref<4000xi32, #tpu.memory_space<vmem>>) target_semaphore(%dma_start3A_219 : memref<!tpu.dma_semaphore, #tpu.memory_space<semaphore_mem>>)
    %scan3A_224 = arith.constant 0 : i32
    %scan3A_225 = arith.constant 0 : i32
    %scan3A_226 = arith.constant 40 : i32
    %scan3A_227 = arith.addi %scan3A_225, %scan3A_226 : i32
    %scan3A_228 = arith.constant 1 : i32
    %scan3A_229 = scf.for %scan3A_374 = %scan3A_225 to %scan3A_227 step %scan3A_228 iter_args(%scan3A_375 = %scan3A_224) -> (i32)  : i32 {
      %rem3A = arith.constant 2 : i32
      %rem3A_376 = arith.remsi %scan3A_374, %rem3A : i32
      %add3A_377 = arith.constant 1 : i32
      %add3A_378 = arith.addi %scan3A_374, %add3A_377 : i32
      %lt3A = arith.constant 40 : i32
      %lt3A_379 = arith.cmpi slt, %add3A_378, %lt3A : i32
      %convert_element_type3A_380 = arith.extui %lt3A_379 : i1 to i32
      %cond3A_381 = arith.constant 0 : i32
      %cond3A_382 = arith.cmpi ne, %convert_element_type3A_380, %cond3A_381 : i32
      scf.if %cond3A_382 {
        %add3A_405 = arith.constant 1 : i32
        %add3A_406 = arith.addi %scan3A_374, %add3A_405 : i32
        %sub3A = arith.constant 1 : i32
        %sub3A_407 = arith.subi %sub3A, %rem3A_376 : i32
        %mul3A_408 = arith.constant 4000 : i32
        %mul3A_409 = arith.muli %add3A_406, %mul3A_408 : i32
        %mul3A_410 = arith.constant 4000 : i32
        %mul3A_411 = arith.muli %sub3A_407, %mul3A_410 : i32
        %dma_start3A_412 = tpu.memref_slice %arg15[%mul3A_411] : memref<8000xi32, #tpu.memory_space<vmem>> -> memref<4000xi32, #tpu.memory_space<vmem>>
        %dma_start3A_413 = tpu.memref_slice %arg4[%mul3A_409] : memref<160000xi32, #tpu.memory_space<hbm>> -> memref<4000xi32, #tpu.memory_space<hbm>>
        %dma_start3A_414 = tpu.memref_slice %arg21[%sub3A_407] : memref<2x!tpu.dma_semaphore, #tpu.memory_space<semaphore_mem>> -> memref<1x!tpu.dma_semaphore, #tpu.memory_space<semaphore_mem>>
        %dma_start3A_415 = tpu.memref_squeeze %dma_start3A_414 : memref<1x!tpu.dma_semaphore, #tpu.memory_space<semaphore_mem>> -> memref<!tpu.dma_semaphore, #tpu.memory_space<semaphore_mem>>
        %dma_start3A_416 = tpu.memref_slice %arg15[%mul3A_411] : memref<8000xi32, #tpu.memory_space<vmem>> -> memref<4000xi32, #tpu.memory_space<vmem>>
        %dma_start3A_417 = tpu.memref_slice %arg4[%mul3A_409] : memref<160000xi32, #tpu.memory_space<hbm>> -> memref<4000xi32, #tpu.memory_space<hbm>>
        tpu.enqueue_dma source(%dma_start3A_417 : memref<4000xi32, #tpu.memory_space<hbm>>) target(%dma_start3A_416 : memref<4000xi32, #tpu.memory_space<vmem>>) target_semaphore(%dma_start3A_415 : memref<!tpu.dma_semaphore, #tpu.memory_space<semaphore_mem>>)
        %mul3A_418 = arith.constant 4000 : i32
        %mul3A_419 = arith.muli %add3A_406, %mul3A_418 : i32
        %mul3A_420 = arith.constant 4000 : i32
        %mul3A_421 = arith.muli %sub3A_407, %mul3A_420 : i32
        %dma_start3A_422 = tpu.memref_slice %arg16[%mul3A_421] : memref<8000xi32, #tpu.memory_space<vmem>> -> memref<4000xi32, #tpu.memory_space<vmem>>
        %dma_start3A_423 = tpu.memref_slice %arg3[%mul3A_419] : memref<160000xi32, #tpu.memory_space<hbm>> -> memref<4000xi32, #tpu.memory_space<hbm>>
        %dma_start3A_424 = tpu.memref_slice %arg21[%sub3A_407] : memref<2x!tpu.dma_semaphore, #tpu.memory_space<semaphore_mem>> -> memref<1x!tpu.dma_semaphore, #tpu.memory_space<semaphore_mem>>
        %dma_start3A_425 = tpu.memref_squeeze %dma_start3A_424 : memref<1x!tpu.dma_semaphore, #tpu.memory_space<semaphore_mem>> -> memref<!tpu.dma_semaphore, #tpu.memory_space<semaphore_mem>>
        %dma_start3A_426 = tpu.memref_slice %arg16[%mul3A_421] : memref<8000xi32, #tpu.memory_space<vmem>> -> memref<4000xi32, #tpu.memory_space<vmem>>
        %dma_start3A_427 = tpu.memref_slice %arg3[%mul3A_419] : memref<160000xi32, #tpu.memory_space<hbm>> -> memref<4000xi32, #tpu.memory_space<hbm>>
        tpu.enqueue_dma source(%dma_start3A_427 : memref<4000xi32, #tpu.memory_space<hbm>>) target(%dma_start3A_426 : memref<4000xi32, #tpu.memory_space<vmem>>) target_semaphore(%dma_start3A_425 : memref<!tpu.dma_semaphore, #tpu.memory_space<semaphore_mem>>)
      } else {
      }
      %mul3A_383 = arith.constant 4000 : i32
      %mul3A_384 = arith.muli %rem3A_376, %mul3A_383 : i32
      %dma_wait3A = tpu.memref_slice %arg15[%mul3A_384] : memref<8000xi32, #tpu.memory_space<vmem>> -> memref<4000xi32, #tpu.memory_space<vmem>>
      %dma_wait3A_385 = arith.constant 0 : i32
      %dma_wait3A_386 = tpu.memref_slice %arg4[%dma_wait3A_385] : memref<160000xi32, #tpu.memory_space<hbm>> -> memref<4000xi32, #tpu.memory_space<hbm>>
      %dma_wait3A_387 = tpu.memref_slice %arg21[%rem3A_376] : memref<2x!tpu.dma_semaphore, #tpu.memory_space<semaphore_mem>> -> memref<1x!tpu.dma_semaphore, #tpu.memory_space<semaphore_mem>>
      %dma_wait3A_388 = tpu.memref_squeeze %dma_wait3A_387 : memref<1x!tpu.dma_semaphore, #tpu.memory_space<semaphore_mem>> -> memref<!tpu.dma_semaphore, #tpu.memory_space<semaphore_mem>>
      %dma_wait3A_389 = tpu.memref_slice %arg15[%mul3A_384] : memref<8000xi32, #tpu.memory_space<vmem>> -> memref<4000xi32, #tpu.memory_space<vmem>>
      %dma_wait3A_390 = arith.constant 0 : i32
      %dma_wait3A_391 = tpu.memref_slice %arg4[%dma_wait3A_390] : memref<160000xi32, #tpu.memory_space<hbm>> -> memref<4000xi32, #tpu.memory_space<hbm>>
      tpu.wait_dma2 semaphore(%dma_wait3A_388 : memref<!tpu.dma_semaphore, #tpu.memory_space<semaphore_mem>>) src(%dma_wait3A_391 : memref<4000xi32, #tpu.memory_space<hbm>>) dst(%dma_wait3A_389 : memref<4000xi32, #tpu.memory_space<vmem>>)
      %mul3A_392 = arith.constant 4000 : i32
      %mul3A_393 = arith.muli %rem3A_376, %mul3A_392 : i32
      %dma_wait3A_394 = tpu.memref_slice %arg16[%mul3A_393] : memref<8000xi32, #tpu.memory_space<vmem>> -> memref<4000xi32, #tpu.memory_space<vmem>>
      %dma_wait3A_395 = arith.constant 0 : i32
      %dma_wait3A_396 = tpu.memref_slice %arg3[%dma_wait3A_395] : memref<160000xi32, #tpu.memory_space<hbm>> -> memref<4000xi32, #tpu.memory_space<hbm>>
      %dma_wait3A_397 = tpu.memref_slice %arg21[%rem3A_376] : memref<2x!tpu.dma_semaphore, #tpu.memory_space<semaphore_mem>> -> memref<1x!tpu.dma_semaphore, #tpu.memory_space<semaphore_mem>>
      %dma_wait3A_398 = tpu.memref_squeeze %dma_wait3A_397 : memref<1x!tpu.dma_semaphore, #tpu.memory_space<semaphore_mem>> -> memref<!tpu.dma_semaphore, #tpu.memory_space<semaphore_mem>>
      %dma_wait3A_399 = tpu.memref_slice %arg16[%mul3A_393] : memref<8000xi32, #tpu.memory_space<vmem>> -> memref<4000xi32, #tpu.memory_space<vmem>>
      %dma_wait3A_400 = arith.constant 0 : i32
      %dma_wait3A_401 = tpu.memref_slice %arg3[%dma_wait3A_400] : memref<160000xi32, #tpu.memory_space<hbm>> -> memref<4000xi32, #tpu.memory_space<hbm>>
      tpu.wait_dma2 semaphore(%dma_wait3A_398 : memref<!tpu.dma_semaphore, #tpu.memory_space<semaphore_mem>>) src(%dma_wait3A_401 : memref<4000xi32, #tpu.memory_space<hbm>>) dst(%dma_wait3A_399 : memref<4000xi32, #tpu.memory_space<vmem>>)
      %parallel_loop3A = arith.constant 0 : i32
      %parallel_loop3A_402 = arith.constant 250 : i32
      %parallel_loop3A_403 = arith.constant 1 : i32
      scf.for %parallel_loop3A_405 = %parallel_loop3A to %parallel_loop3A_402 step %parallel_loop3A_403  : i32 {
        %parallel_loop3A_406 = arith.constant 4000 : i32
        %parallel_loop3A_407 = arith.muli %rem3A_376, %parallel_loop3A_406 : i32
        %parallel_loop3A_408 = arith.constant 16 : i32
        %parallel_loop3A_409 = arith.muli %parallel_loop3A_405, %parallel_loop3A_408 : i32
        %parallel_loop3A_410 = arith.addi %parallel_loop3A_407, %parallel_loop3A_409 : i32
        %parallel_loop3A_411 = arith.index_cast %parallel_loop3A_410 : i32 to index
        %parallel_loop3A_412 = tpu.vector_load %arg15[%parallel_loop3A_411] {strides = array<i32>} : memref<8000xi32, #tpu.memory_space<vmem>>, vector<16xi32>,
        %parallel_loop3A_413 = arith.constant 4000 : i32
        %parallel_loop3A_414 = arith.muli %rem3A_376, %parallel_loop3A_413 : i32
        %parallel_loop3A_415 = arith.constant 16 : i32
        %parallel_loop3A_416 = arith.muli %parallel_loop3A_405, %parallel_loop3A_415 : i32
        %parallel_loop3A_417 = arith.addi %parallel_loop3A_414, %parallel_loop3A_416 : i32
        %parallel_loop3A_418 = arith.index_cast %parallel_loop3A_417 : i32 to index
        %parallel_loop3A_419 = tpu.vector_load %arg16[%parallel_loop3A_418] {strides = array<i32>} : memref<8000xi32, #tpu.memory_space<vmem>>, vector<16xi32>,
        %parallel_loop3A_420 = tpu.vector_load_idx %arg7[%parallel_loop3A_412] : memref<10000xf32, #tpu.memory_space<vmem>>[vector<16xi32>], vector<16xf32>,
        %parallel_loop3A_421 = tpu.vector_load_idx %arg8[%parallel_loop3A_412] : memref<10000xf32, #tpu.memory_space<vmem>>[vector<16xi32>], vector<16xf32>,
        %parallel_loop3A_422 = tpu.vector_load_idx %arg9[%parallel_loop3A_412] : memref<10000xf32, #tpu.memory_space<vmem>>[vector<16xi32>], vector<16xf32>,
        %parallel_loop3A_423 = tpu.vector_load_idx %arg10[%parallel_loop3A_412] : memref<10000xf32, #tpu.memory_space<vmem>>[vector<16xi32>], vector<16xf32>,
        tpu.vector_store_idx %arg11[%parallel_loop3A_419], %parallel_loop3A_420 {add = true} : memref<10240xf32, #tpu.memory_space<vmem>>[vector<16xi32>], vector<16xf32>,
        tpu.vector_store_idx %arg12[%parallel_loop3A_419], %parallel_loop3A_421 {add = true} : memref<10000xf32, #tpu.memory_space<vmem>>[vector<16xi32>], vector<16xf32>,
        tpu.vector_store_idx %arg13[%parallel_loop3A_419], %parallel_loop3A_422 {add = true} : memref<10000xf32, #tpu.memory_space<vmem>>[vector<16xi32>], vector<16xf32>,
        tpu.vector_store_idx %arg14[%parallel_loop3A_419], %parallel_loop3A_423 {add = true} : memref<10000xf32, #tpu.memory_space<vmem>>[vector<16xi32>], vector<16xf32>,
      } {sc.loop_unroll_factor = 8 : i64, sc.parallel_access}
      %scan3A_404 = arith.constant 0 : i32
      scf.yield %scan3A_404 : i32
    }
    %scan3A_230 = arith.constant 40 : i32
    %scan3A_231 = arith.constant 0 : i32
    %scan3A_232 = arith.constant 0 : i32
    %scan3A_233 = arith.constant 625 : i32
    %scan3A_234 = arith.addi %scan3A_232, %scan3A_233 : i32
    %scan3A_235 = arith.constant 1 : i32
    %scan3A_236 = scf.for %scan3A_374 = %scan3A_232 to %scan3A_234 step %scan3A_235 iter_args(%scan3A_375 = %scan3A_231) -> (i32)  : i32 {
      %mul3A_376 = arith.constant 16 : i32
      %mul3A_377 = arith.muli %scan3A_374, %mul3A_376 : i32
      %get3A = arith.index_cast %mul3A_377 : i32 to index
      %get3A_378 = tpu.vector_load %arg11[%get3A] {strides = array<i32>} : memref<10240xf32, #tpu.memory_space<vmem>>, vector<16xf32>,
      %mul3A_379 = arith.constant 16 : i32
      %mul3A_380 = arith.muli %scan3A_374, %mul3A_379 : i32
      %get3A_381 = arith.index_cast %mul3A_380 : i32 to index
      %get3A_382 = tpu.vector_load %arg7[%get3A_381] {strides = array<i32>} : memref<10000xf32, #tpu.memory_space<vmem>>, vector<16xf32>,
      %mul3A_383 = arith.constant 16 : i32
      %mul3A_384 = arith.muli %scan3A_374, %mul3A_383 : i32
      %get3A_385 = arith.index_cast %mul3A_384 : i32 to index
      %get3A_386 = tpu.vector_load %arg17[%get3A_385] {strides = array<i32>} : memref<10240xf32, #tpu.memory_space<vmem>>, vector<16xf32>,
      %add3A_387 = arith.addf %get3A_378, %get3A_382 : vector<16xf32>
      %mul3A_388 = arith.mulf %add3A_387, %get3A_386 : vector<16xf32>
      %mul3A_389 = arith.constant 16 : i32
      %mul3A_390 = arith.muli %scan3A_374, %mul3A_389 : i32
      %swap3A = arith.index_cast %mul3A_390 : i32 to index
      %swap3A_391 = tpu.vector_load %arg11[%swap3A] {strides = array<i32>} : memref<10240xf32, #tpu.memory_space<vmem>>, vector<16xf32>,
      tpu.vector_store %arg11[%swap3A], %mul3A_388 {strides = array<i32>} : memref<10240xf32, #tpu.memory_space<vmem>>, vector<16xf32>,
      %scan3A_392 = arith.constant 0 : i32
      scf.yield %scan3A_392 : i32
    }
    %scan3A_237 = arith.constant 625 : i32
    %add3A_238 = arith.constant 0 : i32
    %add3A_239 = arith.addi %mul3A_166, %add3A_238 : i32
    "tpu.region"() ({
      %run_scoped3A_374 = tpu.sem_alloc : memref<!tpu.dma_semaphore, #tpu.memory_space<semaphore_mem>>
      %dma_start3A_375 = arith.constant 0 : i32
      %dma_start3A_376 = tpu.memref_slice %arg11[%dma_start3A_375] : memref<10240xf32, #tpu.memory_space<vmem>> -> memref<10000xf32, #tpu.memory_space<vmem>>
      %dma_start3A_377 = tpu.memref_slice %arg5[%add3A_239] : memref<2621440xf32, #tpu.memory_space<hbm>> -> memref<10000xf32, #tpu.memory_space<hbm>>
      %dma_start3A_378 = tpu.memref_slice %arg5[%add3A_239] : memref<2621440xf32, #tpu.memory_space<hbm>> -> memref<10000xf32, #tpu.memory_space<hbm>>
      %dma_start3A_379 = arith.constant 0 : i32
      %dma_start3A_380 = tpu.memref_slice %arg11[%dma_start3A_379] : memref<10240xf32, #tpu.memory_space<vmem>> -> memref<10000xf32, #tpu.memory_space<vmem>>
      tpu.enqueue_dma source(%dma_start3A_380 : memref<10000xf32, #tpu.memory_space<vmem>>) target(%dma_start3A_378 : memref<10000xf32, #tpu.memory_space<hbm>>) target_semaphore(%run_scoped3A_374 : memref<!tpu.dma_semaphore, #tpu.memory_space<semaphore_mem>>)
      %dma_wait3A = arith.constant 0 : i32
      %dma_wait3A_381 = tpu.memref_slice %arg11[%dma_wait3A] : memref<10240xf32, #tpu.memory_space<vmem>> -> memref<10000xf32, #tpu.memory_space<vmem>>
      %dma_wait3A_382 = tpu.memref_slice %arg5[%add3A_239] : memref<2621440xf32, #tpu.memory_space<hbm>> -> memref<10000xf32, #tpu.memory_space<hbm>>
      %dma_wait3A_383 = tpu.memref_slice %arg5[%add3A_239] : memref<2621440xf32, #tpu.memory_space<hbm>> -> memref<10000xf32, #tpu.memory_space<hbm>>
      %dma_wait3A_384 = arith.constant 0 : i32
      %dma_wait3A_385 = tpu.memref_slice %arg11[%dma_wait3A_384] : memref<10240xf32, #tpu.memory_space<vmem>> -> memref<10000xf32, #tpu.memory_space<vmem>>
      tpu.wait_dma2 semaphore(%run_scoped3A_374 : memref<!tpu.dma_semaphore, #tpu.memory_space<semaphore_mem>>) src(%dma_wait3A_385 : memref<10000xf32, #tpu.memory_space<vmem>>) dst(%dma_wait3A_383 : memref<10000xf32, #tpu.memory_space<hbm>>)
      tpu.yield
    }) : () -> ()
    %scan3A_240 = arith.constant 0 : i32
    %scan3A_241 = arith.constant 0 : i32
    %scan3A_242 = arith.constant 625 : i32
    %scan3A_243 = arith.addi %scan3A_241, %scan3A_242 : i32
    %scan3A_244 = arith.constant 1 : i32
    %scan3A_245 = scf.for %scan3A_374 = %scan3A_241 to %scan3A_243 step %scan3A_244 iter_args(%scan3A_375 = %scan3A_240) -> (i32)  : i32 {
      %mul3A_376 = arith.constant 16 : i32
      %mul3A_377 = arith.muli %scan3A_374, %mul3A_376 : i32
      %get3A = arith.index_cast %mul3A_377 : i32 to index
      %get3A_378 = tpu.vector_load %arg12[%get3A] {strides = array<i32>} : memref<10000xf32, #tpu.memory_space<vmem>>, vector<16xf32>,
      %mul3A_379 = arith.constant 16 : i32
      %mul3A_380 = arith.muli %scan3A_374, %mul3A_379 : i32
      %get3A_381 = arith.index_cast %mul3A_380 : i32 to index
      %get3A_382 = tpu.vector_load %arg8[%get3A_381] {strides = array<i32>} : memref<10000xf32, #tpu.memory_space<vmem>>, vector<16xf32>,
      %mul3A_383 = arith.constant 16 : i32
      %mul3A_384 = arith.muli %scan3A_374, %mul3A_383 : i32
      %get3A_385 = arith.index_cast %mul3A_384 : i32 to index
      %get3A_386 = tpu.vector_load %arg17[%get3A_385] {strides = array<i32>} : memref<10240xf32, #tpu.memory_space<vmem>>, vector<16xf32>,
      %add3A_387 = arith.addf %get3A_378, %get3A_382 : vector<16xf32>
      %mul3A_388 = arith.mulf %add3A_387, %get3A_386 : vector<16xf32>
      %mul3A_389 = arith.constant 16 : i32
      %mul3A_390 = arith.muli %scan3A_374, %mul3A_389 : i32
      %swap3A = arith.index_cast %mul3A_390 : i32 to index
      %swap3A_391 = tpu.vector_load %arg12[%swap3A] {strides = array<i32>} : memref<10000xf32, #tpu.memory_space<vmem>>, vector<16xf32>,
      tpu.vector_store %arg12[%swap3A], %mul3A_388 {strides = array<i32>} : memref<10000xf32, #tpu.memory_space<vmem>>, vector<16xf32>,
      %scan3A_392 = arith.constant 0 : i32
      scf.yield %scan3A_392 : i32
    }
    %scan3A_246 = arith.constant 625 : i32
    %add3A_247 = arith.constant 10240 : i32
    %add3A_248 = arith.addi %mul3A_166, %add3A_247 : i32
    "tpu.region"() ({
      %run_scoped3A_374 = tpu.sem_alloc : memref<!tpu.dma_semaphore, #tpu.memory_space<semaphore_mem>>
      %dma_start3A_375 = arith.constant 0 : i32
      %dma_start3A_376 = tpu.memref_slice %arg12[%dma_start3A_375] : memref<10000xf32, #tpu.memory_space<vmem>> -> memref<10000xf32, #tpu.memory_space<vmem>>
      %dma_start3A_377 = tpu.memref_slice %arg5[%add3A_248] : memref<2621440xf32, #tpu.memory_space<hbm>> -> memref<10000xf32, #tpu.memory_space<hbm>>
      %dma_start3A_378 = tpu.memref_slice %arg5[%add3A_248] : memref<2621440xf32, #tpu.memory_space<hbm>> -> memref<10000xf32, #tpu.memory_space<hbm>>
      %dma_start3A_379 = arith.constant 0 : i32
      %dma_start3A_380 = tpu.memref_slice %arg12[%dma_start3A_379] : memref<10000xf32, #tpu.memory_space<vmem>> -> memref<10000xf32, #tpu.memory_space<vmem>>
      tpu.enqueue_dma source(%dma_start3A_380 : memref<10000xf32, #tpu.memory_space<vmem>>) target(%dma_start3A_378 : memref<10000xf32, #tpu.memory_space<hbm>>) target_semaphore(%run_scoped3A_374 : memref<!tpu.dma_semaphore, #tpu.memory_space<semaphore_mem>>)
      %dma_wait3A = arith.constant 0 : i32
      %dma_wait3A_381 = tpu.memref_slice %arg12[%dma_wait3A] : memref<10000xf32, #tpu.memory_space<vmem>> -> memref<10000xf32, #tpu.memory_space<vmem>>
      %dma_wait3A_382 = tpu.memref_slice %arg5[%add3A_248] : memref<2621440xf32, #tpu.memory_space<hbm>> -> memref<10000xf32, #tpu.memory_space<hbm>>
      %dma_wait3A_383 = tpu.memref_slice %arg5[%add3A_248] : memref<2621440xf32, #tpu.memory_space<hbm>> -> memref<10000xf32, #tpu.memory_space<hbm>>
      %dma_wait3A_384 = arith.constant 0 : i32
      %dma_wait3A_385 = tpu.memref_slice %arg12[%dma_wait3A_384] : memref<10000xf32, #tpu.memory_space<vmem>> -> memref<10000xf32, #tpu.memory_space<vmem>>
      tpu.wait_dma2 semaphore(%run_scoped3A_374 : memref<!tpu.dma_semaphore, #tpu.memory_space<semaphore_mem>>) src(%dma_wait3A_385 : memref<10000xf32, #tpu.memory_space<vmem>>) dst(%dma_wait3A_383 : memref<10000xf32, #tpu.memory_space<hbm>>)
      tpu.yield
    }) : () -> ()
    %scan3A_249 = arith.constant 0 : i32
    %scan3A_250 = arith.constant 0 : i32
    %scan3A_251 = arith.constant 625 : i32
    %scan3A_252 = arith.addi %scan3A_250, %scan3A_251 : i32
    %scan3A_253 = arith.constant 1 : i32
    %scan3A_254 = scf.for %scan3A_374 = %scan3A_250 to %scan3A_252 step %scan3A_253 iter_args(%scan3A_375 = %scan3A_249) -> (i32)  : i32 {
      %mul3A_376 = arith.constant 16 : i32
      %mul3A_377 = arith.muli %scan3A_374, %mul3A_376 : i32
      %get3A = arith.index_cast %mul3A_377 : i32 to index
      %get3A_378 = tpu.vector_load %arg13[%get3A] {strides = array<i32>} : memref<10000xf32, #tpu.memory_space<vmem>>, vector<16xf32>,
      %mul3A_379 = arith.constant 16 : i32
      %mul3A_380 = arith.muli %scan3A_374, %mul3A_379 : i32
      %get3A_381 = arith.index_cast %mul3A_380 : i32 to index
      %get3A_382 = tpu.vector_load %arg9[%get3A_381] {strides = array<i32>} : memref<10000xf32, #tpu.memory_space<vmem>>, vector<16xf32>,
      %mul3A_383 = arith.constant 16 : i32
      %mul3A_384 = arith.muli %scan3A_374, %mul3A_383 : i32
      %get3A_385 = arith.index_cast %mul3A_384 : i32 to index
      %get3A_386 = tpu.vector_load %arg17[%get3A_385] {strides = array<i32>} : memref<10240xf32, #tpu.memory_space<vmem>>, vector<16xf32>,
      %add3A_387 = arith.addf %get3A_378, %get3A_382 : vector<16xf32>
      %mul3A_388 = arith.mulf %add3A_387, %get3A_386 : vector<16xf32>
      %mul3A_389 = arith.constant 16 : i32
      %mul3A_390 = arith.muli %scan3A_374, %mul3A_389 : i32
      %swap3A = arith.index_cast %mul3A_390 : i32 to index
      %swap3A_391 = tpu.vector_load %arg13[%swap3A] {strides = array<i32>} : memref<10000xf32, #tpu.memory_space<vmem>>, vector<16xf32>,
      tpu.vector_store %arg13[%swap3A], %mul3A_388 {strides = array<i32>} : memref<10000xf32, #tpu.memory_space<vmem>>, vector<16xf32>,
      %scan3A_392 = arith.constant 0 : i32
      scf.yield %scan3A_392 : i32
    }
    %scan3A_255 = arith.constant 625 : i32
    %add3A_256 = arith.constant 20480 : i32
    %add3A_257 = arith.addi %mul3A_166, %add3A_256 : i32
    "tpu.region"() ({
      %run_scoped3A_374 = tpu.sem_alloc : memref<!tpu.dma_semaphore, #tpu.memory_space<semaphore_mem>>
      %dma_start3A_375 = arith.constant 0 : i32
      %dma_start3A_376 = tpu.memref_slice %arg13[%dma_start3A_375] : memref<10000xf32, #tpu.memory_space<vmem>> -> memref<10000xf32, #tpu.memory_space<vmem>>
      %dma_start3A_377 = tpu.memref_slice %arg5[%add3A_257] : memref<2621440xf32, #tpu.memory_space<hbm>> -> memref<10000xf32, #tpu.memory_space<hbm>>
      %dma_start3A_378 = tpu.memref_slice %arg5[%add3A_257] : memref<2621440xf32, #tpu.memory_space<hbm>> -> memref<10000xf32, #tpu.memory_space<hbm>>
      %dma_start3A_379 = arith.constant 0 : i32
      %dma_start3A_380 = tpu.memref_slice %arg13[%dma_start3A_379] : memref<10000xf32, #tpu.memory_space<vmem>> -> memref<10000xf32, #tpu.memory_space<vmem>>
      tpu.enqueue_dma source(%dma_start3A_380 : memref<10000xf32, #tpu.memory_space<vmem>>) target(%dma_start3A_378 : memref<10000xf32, #tpu.memory_space<hbm>>) target_semaphore(%run_scoped3A_374 : memref<!tpu.dma_semaphore, #tpu.memory_space<semaphore_mem>>)
      %dma_wait3A = arith.constant 0 : i32
      %dma_wait3A_381 = tpu.memref_slice %arg13[%dma_wait3A] : memref<10000xf32, #tpu.memory_space<vmem>> -> memref<10000xf32, #tpu.memory_space<vmem>>
      %dma_wait3A_382 = tpu.memref_slice %arg5[%add3A_257] : memref<2621440xf32, #tpu.memory_space<hbm>> -> memref<10000xf32, #tpu.memory_space<hbm>>
      %dma_wait3A_383 = tpu.memref_slice %arg5[%add3A_257] : memref<2621440xf32, #tpu.memory_space<hbm>> -> memref<10000xf32, #tpu.memory_space<hbm>>
      %dma_wait3A_384 = arith.constant 0 : i32
      %dma_wait3A_385 = tpu.memref_slice %arg13[%dma_wait3A_384] : memref<10000xf32, #tpu.memory_space<vmem>> -> memref<10000xf32, #tpu.memory_space<vmem>>
      tpu.wait_dma2 semaphore(%run_scoped3A_374 : memref<!tpu.dma_semaphore, #tpu.memory_space<semaphore_mem>>) src(%dma_wait3A_385 : memref<10000xf32, #tpu.memory_space<vmem>>) dst(%dma_wait3A_383 : memref<10000xf32, #tpu.memory_space<hbm>>)
      tpu.yield
    }) : () -> ()
    %scan3A_258 = arith.constant 0 : i32
    %scan3A_259 = arith.constant 0 : i32
    %scan3A_260 = arith.constant 625 : i32
    %scan3A_261 = arith.addi %scan3A_259, %scan3A_260 : i32
    %scan3A_262 = arith.constant 1 : i32
    %scan3A_263 = scf.for %scan3A_374 = %scan3A_259 to %scan3A_261 step %scan3A_262 iter_args(%scan3A_375 = %scan3A_258) -> (i32)  : i32 {
      %mul3A_376 = arith.constant 16 : i32
      %mul3A_377 = arith.muli %scan3A_374, %mul3A_376 : i32
      %get3A = arith.index_cast %mul3A_377 : i32 to index
      %get3A_378 = tpu.vector_load %arg14[%get3A] {strides = array<i32>} : memref<10000xf32, #tpu.memory_space<vmem>>, vector<16xf32>,
      %mul3A_379 = arith.constant 16 : i32
      %mul3A_380 = arith.muli %scan3A_374, %mul3A_379 : i32
      %get3A_381 = arith.index_cast %mul3A_380 : i32 to index
      %get3A_382 = tpu.vector_load %arg10[%get3A_381] {strides = array<i32>} : memref<10000xf32, #tpu.memory_space<vmem>>, vector<16xf32>,
      %mul3A_383 = arith.constant 16 : i32
      %mul3A_384 = arith.muli %scan3A_374, %mul3A_383 : i32
      %get3A_385 = arith.index_cast %mul3A_384 : i32 to index
      %get3A_386 = tpu.vector_load %arg17[%get3A_385] {strides = array<i32>} : memref<10240xf32, #tpu.memory_space<vmem>>, vector<16xf32>,
      %add3A_387 = arith.addf %get3A_378, %get3A_382 : vector<16xf32>
      %mul3A_388 = arith.mulf %add3A_387, %get3A_386 : vector<16xf32>
      %mul3A_389 = arith.constant 16 : i32
      %mul3A_390 = arith.muli %scan3A_374, %mul3A_389 : i32
      %swap3A = arith.index_cast %mul3A_390 : i32 to index
      %swap3A_391 = tpu.vector_load %arg14[%swap3A] {strides = array<i32>} : memref<10000xf32, #tpu.memory_space<vmem>>, vector<16xf32>,
      tpu.vector_store %arg14[%swap3A], %mul3A_388 {strides = array<i32>} : memref<10000xf32, #tpu.memory_space<vmem>>, vector<16xf32>,
      %scan3A_392 = arith.constant 0 : i32
      scf.yield %scan3A_392 : i32
    }
    %scan3A_264 = arith.constant 625 : i32
    %add3A_265 = arith.constant 30720 : i32
    %add3A_266 = arith.addi %mul3A_166, %add3A_265 : i32
    "tpu.region"() ({
      %run_scoped3A_374 = tpu.sem_alloc : memref<!tpu.dma_semaphore, #tpu.memory_space<semaphore_mem>>
      %dma_start3A_375 = arith.constant 0 : i32
      %dma_start3A_376 = tpu.memref_slice %arg14[%dma_start3A_375] : memref<10000xf32, #tpu.memory_space<vmem>> -> memref<10000xf32, #tpu.memory_space<vmem>>
      %dma_start3A_377 = tpu.memref_slice %arg5[%add3A_266] : memref<2621440xf32, #tpu.memory_space<hbm>> -> memref<10000xf32, #tpu.memory_space<hbm>>
      %dma_start3A_378 = tpu.memref_slice %arg5[%add3A_266] : memref<2621440xf32, #tpu.memory_space<hbm>> -> memref<10000xf32, #tpu.memory_space<hbm>>
      %dma_start3A_379 = arith.constant 0 : i32
      %dma_start3A_380 = tpu.memref_slice %arg14[%dma_start3A_379] : memref<10000xf32, #tpu.memory_space<vmem>> -> memref<10000xf32, #tpu.memory_space<vmem>>
      tpu.enqueue_dma source(%dma_start3A_380 : memref<10000xf32, #tpu.memory_space<vmem>>) target(%dma_start3A_378 : memref<10000xf32, #tpu.memory_space<hbm>>) target_semaphore(%run_scoped3A_374 : memref<!tpu.dma_semaphore, #tpu.memory_space<semaphore_mem>>)
      %dma_wait3A = arith.constant 0 : i32
      %dma_wait3A_381 = tpu.memref_slice %arg14[%dma_wait3A] : memref<10000xf32, #tpu.memory_space<vmem>> -> memref<10000xf32, #tpu.memory_space<vmem>>
      %dma_wait3A_382 = tpu.memref_slice %arg5[%add3A_266] : memref<2621440xf32, #tpu.memory_space<hbm>> -> memref<10000xf32, #tpu.memory_space<hbm>>
      %dma_wait3A_383 = tpu.memref_slice %arg5[%add3A_266] : memref<2621440xf32, #tpu.memory_space<hbm>> -> memref<10000xf32, #tpu.memory_space<hbm>>
      %dma_wait3A_384 = arith.constant 0 : i32
      %dma_wait3A_385 = tpu.memref_slice %arg14[%dma_wait3A_384] : memref<10000xf32, #tpu.memory_space<vmem>> -> memref<10000xf32, #tpu.memory_space<vmem>>
      tpu.wait_dma2 semaphore(%run_scoped3A_374 : memref<!tpu.dma_semaphore, #tpu.memory_space<semaphore_mem>>) src(%dma_wait3A_385 : memref<10000xf32, #tpu.memory_space<vmem>>) dst(%dma_wait3A_383 : memref<10000xf32, #tpu.memory_space<hbm>>)
      tpu.yield
    }) : () -> ()
    %mul3A_267 = arith.constant 4 : i32
    %mul3A_268 = arith.muli %add3A, %mul3A_267 : i32
    %add3A_269 = arith.constant 128 : i32
    %add3A_270 = arith.addi %mul3A_268, %add3A_269 : i32
    %mul3A_271 = arith.constant 10240 : i32
    %mul3A_272 = arith.muli %add3A_270, %mul3A_271 : i32
    %add3A_273 = arith.constant 0 : i32
    %add3A_274 = arith.addi %mul3A_272, %add3A_273 : i32
    "tpu.region"() ({
      %run_scoped3A_374 = tpu.sem_alloc : memref<!tpu.dma_semaphore, #tpu.memory_space<semaphore_mem>>
      %dma_start3A_375 = tpu.memref_slice %arg2[%add3A_274] : memref<2621440xf32, #tpu.memory_space<hbm>> -> memref<10000xf32, #tpu.memory_space<hbm>>
      %dma_start3A_376 = tpu.memref_slice %arg2[%add3A_274] : memref<2621440xf32, #tpu.memory_space<hbm>> -> memref<10000xf32, #tpu.memory_space<hbm>>
      tpu.enqueue_dma source(%dma_start3A_376 : memref<10000xf32, #tpu.memory_space<hbm>>) target(%arg7 : memref<10000xf32, #tpu.memory_space<vmem>>) target_semaphore(%run_scoped3A_374 : memref<!tpu.dma_semaphore, #tpu.memory_space<semaphore_mem>>)
      %dma_wait3A = tpu.memref_slice %arg2[%add3A_274] : memref<2621440xf32, #tpu.memory_space<hbm>> -> memref<10000xf32, #tpu.memory_space<hbm>>
      %dma_wait3A_377 = tpu.memref_slice %arg2[%add3A_274] : memref<2621440xf32, #tpu.memory_space<hbm>> -> memref<10000xf32, #tpu.memory_space<hbm>>
      tpu.wait_dma2 semaphore(%run_scoped3A_374 : memref<!tpu.dma_semaphore, #tpu.memory_space<semaphore_mem>>) src(%dma_wait3A_377 : memref<10000xf32, #tpu.memory_space<hbm>>) dst(%arg7 : memref<10000xf32, #tpu.memory_space<vmem>>)
      tpu.yield
    }) : () -> ()
    %scan3A_275 = arith.constant 0 : i32
    %scan3A_276 = arith.constant 0 : i32
    %scan3A_277 = arith.constant 625 : i32
    %scan3A_278 = arith.addi %scan3A_276, %scan3A_277 : i32
    %scan3A_279 = arith.constant 1 : i32
    %scan3A_280 = scf.for %scan3A_374 = %scan3A_276 to %scan3A_278 step %scan3A_279 iter_args(%scan3A_375 = %scan3A_275) -> (i32)  : i32 {
      %broadcast_in_dim3A_376 = arith.constant 0.000000e+00 : f32
      %broadcast_in_dim3A_377 = vector.broadcast %broadcast_in_dim3A_376 : f32 to vector<16xf32>
      %mul3A_378 = arith.constant 16 : i32
      %mul3A_379 = arith.muli %scan3A_374, %mul3A_378 : i32
      %add3A_380 = arith.constant 0 : i32
      %add3A_381 = arith.addi %add3A_380, %mul3A_379 : i32
      %swap3A = arith.index_cast %add3A_381 : i32 to index
      %swap3A_382 = tpu.vector_load %arg11[%swap3A] {strides = array<i32>} : memref<10240xf32, #tpu.memory_space<vmem>>, vector<16xf32>,
      tpu.vector_store %arg11[%swap3A], %broadcast_in_dim3A_377 {strides = array<i32>} : memref<10240xf32, #tpu.memory_space<vmem>>, vector<16xf32>,
      %scan3A_383 = arith.constant 0 : i32
      scf.yield %scan3A_383 : i32
    }
    %scan3A_281 = arith.constant 625 : i32
    %add3A_282 = arith.constant 10240 : i32
    %add3A_283 = arith.addi %mul3A_272, %add3A_282 : i32
    "tpu.region"() ({
      %run_scoped3A_374 = tpu.sem_alloc : memref<!tpu.dma_semaphore, #tpu.memory_space<semaphore_mem>>
      %dma_start3A_375 = tpu.memref_slice %arg2[%add3A_283] : memref<2621440xf32, #tpu.memory_space<hbm>> -> memref<10000xf32, #tpu.memory_space<hbm>>
      %dma_start3A_376 = tpu.memref_slice %arg2[%add3A_283] : memref<2621440xf32, #tpu.memory_space<hbm>> -> memref<10000xf32, #tpu.memory_space<hbm>>
      tpu.enqueue_dma source(%dma_start3A_376 : memref<10000xf32, #tpu.memory_space<hbm>>) target(%arg8 : memref<10000xf32, #tpu.memory_space<vmem>>) target_semaphore(%run_scoped3A_374 : memref<!tpu.dma_semaphore, #tpu.memory_space<semaphore_mem>>)
      %dma_wait3A = tpu.memref_slice %arg2[%add3A_283] : memref<2621440xf32, #tpu.memory_space<hbm>> -> memref<10000xf32, #tpu.memory_space<hbm>>
      %dma_wait3A_377 = tpu.memref_slice %arg2[%add3A_283] : memref<2621440xf32, #tpu.memory_space<hbm>> -> memref<10000xf32, #tpu.memory_space<hbm>>
      tpu.wait_dma2 semaphore(%run_scoped3A_374 : memref<!tpu.dma_semaphore, #tpu.memory_space<semaphore_mem>>) src(%dma_wait3A_377 : memref<10000xf32, #tpu.memory_space<hbm>>) dst(%arg8 : memref<10000xf32, #tpu.memory_space<vmem>>)
      tpu.yield
    }) : () -> ()
    %scan3A_284 = arith.constant 0 : i32
    %scan3A_285 = arith.constant 0 : i32
    %scan3A_286 = arith.constant 625 : i32
    %scan3A_287 = arith.addi %scan3A_285, %scan3A_286 : i32
    %scan3A_288 = arith.constant 1 : i32
    %scan3A_289 = scf.for %scan3A_374 = %scan3A_285 to %scan3A_287 step %scan3A_288 iter_args(%scan3A_375 = %scan3A_284) -> (i32)  : i32 {
      %broadcast_in_dim3A_376 = arith.constant 0.000000e+00 : f32
      %broadcast_in_dim3A_377 = vector.broadcast %broadcast_in_dim3A_376 : f32 to vector<16xf32>
      %mul3A_378 = arith.constant 16 : i32
      %mul3A_379 = arith.muli %scan3A_374, %mul3A_378 : i32
      %add3A_380 = arith.constant 0 : i32
      %add3A_381 = arith.addi %add3A_380, %mul3A_379 : i32
      %swap3A = arith.index_cast %add3A_381 : i32 to index
      %swap3A_382 = tpu.vector_load %arg12[%swap3A] {strides = array<i32>} : memref<10000xf32, #tpu.memory_space<vmem>>, vector<16xf32>,
      tpu.vector_store %arg12[%swap3A], %broadcast_in_dim3A_377 {strides = array<i32>} : memref<10000xf32, #tpu.memory_space<vmem>>, vector<16xf32>,
      %scan3A_383 = arith.constant 0 : i32
      scf.yield %scan3A_383 : i32
    }
    %scan3A_290 = arith.constant 625 : i32
    %add3A_291 = arith.constant 20480 : i32
    %add3A_292 = arith.addi %mul3A_272, %add3A_291 : i32
    "tpu.region"() ({
      %run_scoped3A_374 = tpu.sem_alloc : memref<!tpu.dma_semaphore, #tpu.memory_space<semaphore_mem>>
      %dma_start3A_375 = tpu.memref_slice %arg2[%add3A_292] : memref<2621440xf32, #tpu.memory_space<hbm>> -> memref<10000xf32, #tpu.memory_space<hbm>>
      %dma_start3A_376 = tpu.memref_slice %arg2[%add3A_292] : memref<2621440xf32, #tpu.memory_space<hbm>> -> memref<10000xf32, #tpu.memory_space<hbm>>
      tpu.enqueue_dma source(%dma_start3A_376 : memref<10000xf32, #tpu.memory_space<hbm>>) target(%arg9 : memref<10000xf32, #tpu.memory_space<vmem>>) target_semaphore(%run_scoped3A_374 : memref<!tpu.dma_semaphore, #tpu.memory_space<semaphore_mem>>)
      %dma_wait3A = tpu.memref_slice %arg2[%add3A_292] : memref<2621440xf32, #tpu.memory_space<hbm>> -> memref<10000xf32, #tpu.memory_space<hbm>>
      %dma_wait3A_377 = tpu.memref_slice %arg2[%add3A_292] : memref<2621440xf32, #tpu.memory_space<hbm>> -> memref<10000xf32, #tpu.memory_space<hbm>>
      tpu.wait_dma2 semaphore(%run_scoped3A_374 : memref<!tpu.dma_semaphore, #tpu.memory_space<semaphore_mem>>) src(%dma_wait3A_377 : memref<10000xf32, #tpu.memory_space<hbm>>) dst(%arg9 : memref<10000xf32, #tpu.memory_space<vmem>>)
      tpu.yield
    }) : () -> ()
    %scan3A_293 = arith.constant 0 : i32
    %scan3A_294 = arith.constant 0 : i32
    %scan3A_295 = arith.constant 625 : i32
    %scan3A_296 = arith.addi %scan3A_294, %scan3A_295 : i32
    %scan3A_297 = arith.constant 1 : i32
    %scan3A_298 = scf.for %scan3A_374 = %scan3A_294 to %scan3A_296 step %scan3A_297 iter_args(%scan3A_375 = %scan3A_293) -> (i32)  : i32 {
      %broadcast_in_dim3A_376 = arith.constant 0.000000e+00 : f32
      %broadcast_in_dim3A_377 = vector.broadcast %broadcast_in_dim3A_376 : f32 to vector<16xf32>
      %mul3A_378 = arith.constant 16 : i32
      %mul3A_379 = arith.muli %scan3A_374, %mul3A_378 : i32
      %add3A_380 = arith.constant 0 : i32
      %add3A_381 = arith.addi %add3A_380, %mul3A_379 : i32
      %swap3A = arith.index_cast %add3A_381 : i32 to index
      %swap3A_382 = tpu.vector_load %arg13[%swap3A] {strides = array<i32>} : memref<10000xf32, #tpu.memory_space<vmem>>, vector<16xf32>,
      tpu.vector_store %arg13[%swap3A], %broadcast_in_dim3A_377 {strides = array<i32>} : memref<10000xf32, #tpu.memory_space<vmem>>, vector<16xf32>,
      %scan3A_383 = arith.constant 0 : i32
      scf.yield %scan3A_383 : i32
    }
    %scan3A_299 = arith.constant 625 : i32
    %add3A_300 = arith.constant 30720 : i32
    %add3A_301 = arith.addi %mul3A_272, %add3A_300 : i32
    "tpu.region"() ({
      %run_scoped3A_374 = tpu.sem_alloc : memref<!tpu.dma_semaphore, #tpu.memory_space<semaphore_mem>>
      %dma_start3A_375 = tpu.memref_slice %arg2[%add3A_301] : memref<2621440xf32, #tpu.memory_space<hbm>> -> memref<10000xf32, #tpu.memory_space<hbm>>
      %dma_start3A_376 = tpu.memref_slice %arg2[%add3A_301] : memref<2621440xf32, #tpu.memory_space<hbm>> -> memref<10000xf32, #tpu.memory_space<hbm>>
      tpu.enqueue_dma source(%dma_start3A_376 : memref<10000xf32, #tpu.memory_space<hbm>>) target(%arg10 : memref<10000xf32, #tpu.memory_space<vmem>>) target_semaphore(%run_scoped3A_374 : memref<!tpu.dma_semaphore, #tpu.memory_space<semaphore_mem>>)
      %dma_wait3A = tpu.memref_slice %arg2[%add3A_301] : memref<2621440xf32, #tpu.memory_space<hbm>> -> memref<10000xf32, #tpu.memory_space<hbm>>
      %dma_wait3A_377 = tpu.memref_slice %arg2[%add3A_301] : memref<2621440xf32, #tpu.memory_space<hbm>> -> memref<10000xf32, #tpu.memory_space<hbm>>
      tpu.wait_dma2 semaphore(%run_scoped3A_374 : memref<!tpu.dma_semaphore, #tpu.memory_space<semaphore_mem>>) src(%dma_wait3A_377 : memref<10000xf32, #tpu.memory_space<hbm>>) dst(%arg10 : memref<10000xf32, #tpu.memory_space<vmem>>)
      tpu.yield
    }) : () -> ()
    %scan3A_302 = arith.constant 0 : i32
    %scan3A_303 = arith.constant 0 : i32
    %scan3A_304 = arith.constant 625 : i32
    %scan3A_305 = arith.addi %scan3A_303, %scan3A_304 : i32
    %scan3A_306 = arith.constant 1 : i32
    %scan3A_307 = scf.for %scan3A_374 = %scan3A_303 to %scan3A_305 step %scan3A_306 iter_args(%scan3A_375 = %scan3A_302) -> (i32)  : i32 {
      %broadcast_in_dim3A_376 = arith.constant 0.000000e+00 : f32
      %broadcast_in_dim3A_377 = vector.broadcast %broadcast_in_dim3A_376 : f32 to vector<16xf32>
      %mul3A_378 = arith.constant 16 : i32
      %mul3A_379 = arith.muli %scan3A_374, %mul3A_378 : i32
      %add3A_380 = arith.constant 0 : i32
      %add3A_381 = arith.addi %add3A_380, %mul3A_379 : i32
      %swap3A = arith.index_cast %add3A_381 : i32 to index
      %swap3A_382 = tpu.vector_load %arg14[%swap3A] {strides = array<i32>} : memref<10000xf32, #tpu.memory_space<vmem>>, vector<16xf32>,
      tpu.vector_store %arg14[%swap3A], %broadcast_in_dim3A_377 {strides = array<i32>} : memref<10000xf32, #tpu.memory_space<vmem>>, vector<16xf32>,
      %scan3A_383 = arith.constant 0 : i32
      scf.yield %scan3A_383 : i32
    }
    %scan3A_308 = arith.constant 625 : i32
    %dma_start3A_309 = arith.constant 0 : i32
    %dma_start3A_310 = arith.constant 0 : i32
    %dma_start3A_311 = tpu.memref_slice %arg15[%dma_start3A_310] : memref<8000xi32, #tpu.memory_space<vmem>> -> memref<4000xi32, #tpu.memory_space<vmem>>
    %dma_start3A_312 = arith.constant 0 : i32
    %dma_start3A_313 = tpu.memref_slice %arg4[%dma_start3A_312] : memref<160000xi32, #tpu.memory_space<hbm>> -> memref<4000xi32, #tpu.memory_space<hbm>>
    %dma_start3A_314 = tpu.memref_slice %arg21[%dma_start3A_309] : memref<2x!tpu.dma_semaphore, #tpu.memory_space<semaphore_mem>> -> memref<1x!tpu.dma_semaphore, #tpu.memory_space<semaphore_mem>>
    %dma_start3A_315 = tpu.memref_squeeze %dma_start3A_314 : memref<1x!tpu.dma_semaphore, #tpu.memory_space<semaphore_mem>> -> memref<!tpu.dma_semaphore, #tpu.memory_space<semaphore_mem>>
    %dma_start3A_316 = arith.constant 0 : i32
    %dma_start3A_317 = tpu.memref_slice %arg15[%dma_start3A_316] : memref<8000xi32, #tpu.memory_space<vmem>> -> memref<4000xi32, #tpu.memory_space<vmem>>
    %dma_start3A_318 = arith.constant 0 : i32
    %dma_start3A_319 = tpu.memref_slice %arg4[%dma_start3A_318] : memref<160000xi32, #tpu.memory_space<hbm>> -> memref<4000xi32, #tpu.memory_space<hbm>>
    tpu.enqueue_dma source(%dma_start3A_319 : memref<4000xi32, #tpu.memory_space<hbm>>) target(%dma_start3A_317 : memref<4000xi32, #tpu.memory_space<vmem>>) target_semaphore(%dma_start3A_315 : memref<!tpu.dma_semaphore, #tpu.memory_space<semaphore_mem>>)
    %dma_start3A_320 = arith.constant 0 : i32
    %dma_start3A_321 = arith.constant 0 : i32
    %dma_start3A_322 = tpu.memref_slice %arg16[%dma_start3A_321] : memref<8000xi32, #tpu.memory_space<vmem>> -> memref<4000xi32, #tpu.memory_space<vmem>>
    %dma_start3A_323 = arith.constant 0 : i32
    %dma_start3A_324 = tpu.memref_slice %arg3[%dma_start3A_323] : memref<160000xi32, #tpu.memory_space<hbm>> -> memref<4000xi32, #tpu.memory_space<hbm>>
    %dma_start3A_325 = tpu.memref_slice %arg21[%dma_start3A_320] : memref<2x!tpu.dma_semaphore, #tpu.memory_space<semaphore_mem>> -> memref<1x!tpu.dma_semaphore, #tpu.memory_space<semaphore_mem>>
    %dma_start3A_326 = tpu.memref_squeeze %dma_start3A_325 : memref<1x!tpu.dma_semaphore, #tpu.memory_space<semaphore_mem>> -> memref<!tpu.dma_semaphore, #tpu.memory_space<semaphore_mem>>
    %dma_start3A_327 = arith.constant 0 : i32
    %dma_start3A_328 = tpu.memref_slice %arg16[%dma_start3A_327] : memref<8000xi32, #tpu.memory_space<vmem>> -> memref<4000xi32, #tpu.memory_space<vmem>>
    %dma_start3A_329 = arith.constant 0 : i32
    %dma_start3A_330 = tpu.memref_slice %arg3[%dma_start3A_329] : memref<160000xi32, #tpu.memory_space<hbm>> -> memref<4000xi32, #tpu.memory_space<hbm>>
    tpu.enqueue_dma source(%dma_start3A_330 : memref<4000xi32, #tpu.memory_space<hbm>>) target(%dma_start3A_328 : memref<4000xi32, #tpu.memory_space<vmem>>) target_semaphore(%dma_start3A_326 : memref<!tpu.dma_semaphore, #tpu.memory_space<semaphore_mem>>)
    %scan3A_331 = arith.constant 0 : i32
    %scan3A_332 = arith.constant 0 : i32
    %scan3A_333 = arith.constant 40 : i32
    %scan3A_334 = arith.addi %scan3A_332, %scan3A_333 : i32
    %scan3A_335 = arith.constant 1 : i32
    %scan3A_336 = scf.for %scan3A_374 = %scan3A_332 to %scan3A_334 step %scan3A_335 iter_args(%scan3A_375 = %scan3A_331) -> (i32)  : i32 {
      %rem3A = arith.constant 2 : i32
      %rem3A_376 = arith.remsi %scan3A_374, %rem3A : i32
      %add3A_377 = arith.constant 1 : i32
      %add3A_378 = arith.addi %scan3A_374, %add3A_377 : i32
      %lt3A = arith.constant 40 : i32
      %lt3A_379 = arith.cmpi slt, %add3A_378, %lt3A : i32
      %convert_element_type3A_380 = arith.extui %lt3A_379 : i1 to i32
      %cond3A_381 = arith.constant 0 : i32
      %cond3A_382 = arith.cmpi ne, %convert_element_type3A_380, %cond3A_381 : i32
      scf.if %cond3A_382 {
        %add3A_405 = arith.constant 1 : i32
        %add3A_406 = arith.addi %scan3A_374, %add3A_405 : i32
        %sub3A = arith.constant 1 : i32
        %sub3A_407 = arith.subi %sub3A, %rem3A_376 : i32
        %mul3A_408 = arith.constant 4000 : i32
        %mul3A_409 = arith.muli %add3A_406, %mul3A_408 : i32
        %mul3A_410 = arith.constant 4000 : i32
        %mul3A_411 = arith.muli %sub3A_407, %mul3A_410 : i32
        %dma_start3A_412 = tpu.memref_slice %arg15[%mul3A_411] : memref<8000xi32, #tpu.memory_space<vmem>> -> memref<4000xi32, #tpu.memory_space<vmem>>
        %dma_start3A_413 = tpu.memref_slice %arg4[%mul3A_409] : memref<160000xi32, #tpu.memory_space<hbm>> -> memref<4000xi32, #tpu.memory_space<hbm>>
        %dma_start3A_414 = tpu.memref_slice %arg21[%sub3A_407] : memref<2x!tpu.dma_semaphore, #tpu.memory_space<semaphore_mem>> -> memref<1x!tpu.dma_semaphore, #tpu.memory_space<semaphore_mem>>
        %dma_start3A_415 = tpu.memref_squeeze %dma_start3A_414 : memref<1x!tpu.dma_semaphore, #tpu.memory_space<semaphore_mem>> -> memref<!tpu.dma_semaphore, #tpu.memory_space<semaphore_mem>>
        %dma_start3A_416 = tpu.memref_slice %arg15[%mul3A_411] : memref<8000xi32, #tpu.memory_space<vmem>> -> memref<4000xi32, #tpu.memory_space<vmem>>
        %dma_start3A_417 = tpu.memref_slice %arg4[%mul3A_409] : memref<160000xi32, #tpu.memory_space<hbm>> -> memref<4000xi32, #tpu.memory_space<hbm>>
        tpu.enqueue_dma source(%dma_start3A_417 : memref<4000xi32, #tpu.memory_space<hbm>>) target(%dma_start3A_416 : memref<4000xi32, #tpu.memory_space<vmem>>) target_semaphore(%dma_start3A_415 : memref<!tpu.dma_semaphore, #tpu.memory_space<semaphore_mem>>)
        %mul3A_418 = arith.constant 4000 : i32
        %mul3A_419 = arith.muli %add3A_406, %mul3A_418 : i32
        %mul3A_420 = arith.constant 4000 : i32
        %mul3A_421 = arith.muli %sub3A_407, %mul3A_420 : i32
        %dma_start3A_422 = tpu.memref_slice %arg16[%mul3A_421] : memref<8000xi32, #tpu.memory_space<vmem>> -> memref<4000xi32, #tpu.memory_space<vmem>>
        %dma_start3A_423 = tpu.memref_slice %arg3[%mul3A_419] : memref<160000xi32, #tpu.memory_space<hbm>> -> memref<4000xi32, #tpu.memory_space<hbm>>
        %dma_start3A_424 = tpu.memref_slice %arg21[%sub3A_407] : memref<2x!tpu.dma_semaphore, #tpu.memory_space<semaphore_mem>> -> memref<1x!tpu.dma_semaphore, #tpu.memory_space<semaphore_mem>>
        %dma_start3A_425 = tpu.memref_squeeze %dma_start3A_424 : memref<1x!tpu.dma_semaphore, #tpu.memory_space<semaphore_mem>> -> memref<!tpu.dma_semaphore, #tpu.memory_space<semaphore_mem>>
        %dma_start3A_426 = tpu.memref_slice %arg16[%mul3A_421] : memref<8000xi32, #tpu.memory_space<vmem>> -> memref<4000xi32, #tpu.memory_space<vmem>>
        %dma_start3A_427 = tpu.memref_slice %arg3[%mul3A_419] : memref<160000xi32, #tpu.memory_space<hbm>> -> memref<4000xi32, #tpu.memory_space<hbm>>
        tpu.enqueue_dma source(%dma_start3A_427 : memref<4000xi32, #tpu.memory_space<hbm>>) target(%dma_start3A_426 : memref<4000xi32, #tpu.memory_space<vmem>>) target_semaphore(%dma_start3A_425 : memref<!tpu.dma_semaphore, #tpu.memory_space<semaphore_mem>>)
      } else {
      }
      %mul3A_383 = arith.constant 4000 : i32
      %mul3A_384 = arith.muli %rem3A_376, %mul3A_383 : i32
      %dma_wait3A = tpu.memref_slice %arg15[%mul3A_384] : memref<8000xi32, #tpu.memory_space<vmem>> -> memref<4000xi32, #tpu.memory_space<vmem>>
      %dma_wait3A_385 = arith.constant 0 : i32
      %dma_wait3A_386 = tpu.memref_slice %arg4[%dma_wait3A_385] : memref<160000xi32, #tpu.memory_space<hbm>> -> memref<4000xi32, #tpu.memory_space<hbm>>
      %dma_wait3A_387 = tpu.memref_slice %arg21[%rem3A_376] : memref<2x!tpu.dma_semaphore, #tpu.memory_space<semaphore_mem>> -> memref<1x!tpu.dma_semaphore, #tpu.memory_space<semaphore_mem>>
      %dma_wait3A_388 = tpu.memref_squeeze %dma_wait3A_387 : memref<1x!tpu.dma_semaphore, #tpu.memory_space<semaphore_mem>> -> memref<!tpu.dma_semaphore, #tpu.memory_space<semaphore_mem>>
      %dma_wait3A_389 = tpu.memref_slice %arg15[%mul3A_384] : memref<8000xi32, #tpu.memory_space<vmem>> -> memref<4000xi32, #tpu.memory_space<vmem>>
      %dma_wait3A_390 = arith.constant 0 : i32
      %dma_wait3A_391 = tpu.memref_slice %arg4[%dma_wait3A_390] : memref<160000xi32, #tpu.memory_space<hbm>> -> memref<4000xi32, #tpu.memory_space<hbm>>
      tpu.wait_dma2 semaphore(%dma_wait3A_388 : memref<!tpu.dma_semaphore, #tpu.memory_space<semaphore_mem>>) src(%dma_wait3A_391 : memref<4000xi32, #tpu.memory_space<hbm>>) dst(%dma_wait3A_389 : memref<4000xi32, #tpu.memory_space<vmem>>)
      %mul3A_392 = arith.constant 4000 : i32
      %mul3A_393 = arith.muli %rem3A_376, %mul3A_392 : i32
      %dma_wait3A_394 = tpu.memref_slice %arg16[%mul3A_393] : memref<8000xi32, #tpu.memory_space<vmem>> -> memref<4000xi32, #tpu.memory_space<vmem>>
      %dma_wait3A_395 = arith.constant 0 : i32
      %dma_wait3A_396 = tpu.memref_slice %arg3[%dma_wait3A_395] : memref<160000xi32, #tpu.memory_space<hbm>> -> memref<4000xi32, #tpu.memory_space<hbm>>
      %dma_wait3A_397 = tpu.memref_slice %arg21[%rem3A_376] : memref<2x!tpu.dma_semaphore, #tpu.memory_space<semaphore_mem>> -> memref<1x!tpu.dma_semaphore, #tpu.memory_space<semaphore_mem>>
      %dma_wait3A_398 = tpu.memref_squeeze %dma_wait3A_397 : memref<1x!tpu.dma_semaphore, #tpu.memory_space<semaphore_mem>> -> memref<!tpu.dma_semaphore, #tpu.memory_space<semaphore_mem>>
      %dma_wait3A_399 = tpu.memref_slice %arg16[%mul3A_393] : memref<8000xi32, #tpu.memory_space<vmem>> -> memref<4000xi32, #tpu.memory_space<vmem>>
      %dma_wait3A_400 = arith.constant 0 : i32
      %dma_wait3A_401 = tpu.memref_slice %arg3[%dma_wait3A_400] : memref<160000xi32, #tpu.memory_space<hbm>> -> memref<4000xi32, #tpu.memory_space<hbm>>
      tpu.wait_dma2 semaphore(%dma_wait3A_398 : memref<!tpu.dma_semaphore, #tpu.memory_space<semaphore_mem>>) src(%dma_wait3A_401 : memref<4000xi32, #tpu.memory_space<hbm>>) dst(%dma_wait3A_399 : memref<4000xi32, #tpu.memory_space<vmem>>)
      %parallel_loop3A = arith.constant 0 : i32
      %parallel_loop3A_402 = arith.constant 250 : i32
      %parallel_loop3A_403 = arith.constant 1 : i32
      scf.for %parallel_loop3A_405 = %parallel_loop3A to %parallel_loop3A_402 step %parallel_loop3A_403  : i32 {
        %parallel_loop3A_406 = arith.constant 4000 : i32
        %parallel_loop3A_407 = arith.muli %rem3A_376, %parallel_loop3A_406 : i32
        %parallel_loop3A_408 = arith.constant 16 : i32
        %parallel_loop3A_409 = arith.muli %parallel_loop3A_405, %parallel_loop3A_408 : i32
        %parallel_loop3A_410 = arith.addi %parallel_loop3A_407, %parallel_loop3A_409 : i32
        %parallel_loop3A_411 = arith.index_cast %parallel_loop3A_410 : i32 to index
        %parallel_loop3A_412 = tpu.vector_load %arg15[%parallel_loop3A_411] {strides = array<i32>} : memref<8000xi32, #tpu.memory_space<vmem>>, vector<16xi32>,
        %parallel_loop3A_413 = arith.constant 4000 : i32
        %parallel_loop3A_414 = arith.muli %rem3A_376, %parallel_loop3A_413 : i32
        %parallel_loop3A_415 = arith.constant 16 : i32
        %parallel_loop3A_416 = arith.muli %parallel_loop3A_405, %parallel_loop3A_415 : i32
        %parallel_loop3A_417 = arith.addi %parallel_loop3A_414, %parallel_loop3A_416 : i32
        %parallel_loop3A_418 = arith.index_cast %parallel_loop3A_417 : i32 to index
        %parallel_loop3A_419 = tpu.vector_load %arg16[%parallel_loop3A_418] {strides = array<i32>} : memref<8000xi32, #tpu.memory_space<vmem>>, vector<16xi32>,
        %parallel_loop3A_420 = tpu.vector_load_idx %arg7[%parallel_loop3A_412] : memref<10000xf32, #tpu.memory_space<vmem>>[vector<16xi32>], vector<16xf32>,
        %parallel_loop3A_421 = tpu.vector_load_idx %arg8[%parallel_loop3A_412] : memref<10000xf32, #tpu.memory_space<vmem>>[vector<16xi32>], vector<16xf32>,
        %parallel_loop3A_422 = tpu.vector_load_idx %arg9[%parallel_loop3A_412] : memref<10000xf32, #tpu.memory_space<vmem>>[vector<16xi32>], vector<16xf32>,
        %parallel_loop3A_423 = tpu.vector_load_idx %arg10[%parallel_loop3A_412] : memref<10000xf32, #tpu.memory_space<vmem>>[vector<16xi32>], vector<16xf32>,
        tpu.vector_store_idx %arg11[%parallel_loop3A_419], %parallel_loop3A_420 {add = true} : memref<10240xf32, #tpu.memory_space<vmem>>[vector<16xi32>], vector<16xf32>,
        tpu.vector_store_idx %arg12[%parallel_loop3A_419], %parallel_loop3A_421 {add = true} : memref<10000xf32, #tpu.memory_space<vmem>>[vector<16xi32>], vector<16xf32>,
        tpu.vector_store_idx %arg13[%parallel_loop3A_419], %parallel_loop3A_422 {add = true} : memref<10000xf32, #tpu.memory_space<vmem>>[vector<16xi32>], vector<16xf32>,
        tpu.vector_store_idx %arg14[%parallel_loop3A_419], %parallel_loop3A_423 {add = true} : memref<10000xf32, #tpu.memory_space<vmem>>[vector<16xi32>], vector<16xf32>,
      } {sc.loop_unroll_factor = 8 : i64, sc.parallel_access}
      %scan3A_404 = arith.constant 0 : i32
      scf.yield %scan3A_404 : i32
    }
    %scan3A_337 = arith.constant 40 : i32
    %scan3A_338 = arith.constant 0 : i32
    %scan3A_339 = arith.constant 0 : i32
    %scan3A_340 = arith.constant 625 : i32
    %scan3A_341 = arith.addi %scan3A_339, %scan3A_340 : i32
    %scan3A_342 = arith.constant 1 : i32
    %scan3A_343 = scf.for %scan3A_374 = %scan3A_339 to %scan3A_341 step %scan3A_342 iter_args(%scan3A_375 = %scan3A_338) -> (i32)  : i32 {
      %mul3A_376 = arith.constant 16 : i32
      %mul3A_377 = arith.muli %scan3A_374, %mul3A_376 : i32
      %get3A = arith.index_cast %mul3A_377 : i32 to index
      %get3A_378 = tpu.vector_load %arg11[%get3A] {strides = array<i32>} : memref<10240xf32, #tpu.memory_space<vmem>>, vector<16xf32>,
      %mul3A_379 = arith.constant 16 : i32
      %mul3A_380 = arith.muli %scan3A_374, %mul3A_379 : i32
      %get3A_381 = arith.index_cast %mul3A_380 : i32 to index
      %get3A_382 = tpu.vector_load %arg7[%get3A_381] {strides = array<i32>} : memref<10000xf32, #tpu.memory_space<vmem>>, vector<16xf32>,
      %mul3A_383 = arith.constant 16 : i32
      %mul3A_384 = arith.muli %scan3A_374, %mul3A_383 : i32
      %get3A_385 = arith.index_cast %mul3A_384 : i32 to index
      %get3A_386 = tpu.vector_load %arg17[%get3A_385] {strides = array<i32>} : memref<10240xf32, #tpu.memory_space<vmem>>, vector<16xf32>,
      %add3A_387 = arith.addf %get3A_378, %get3A_382 : vector<16xf32>
      %mul3A_388 = arith.mulf %add3A_387, %get3A_386 : vector<16xf32>
      %mul3A_389 = arith.constant 16 : i32
      %mul3A_390 = arith.muli %scan3A_374, %mul3A_389 : i32
      %swap3A = arith.index_cast %mul3A_390 : i32 to index
      %swap3A_391 = tpu.vector_load %arg11[%swap3A] {strides = array<i32>} : memref<10240xf32, #tpu.memory_space<vmem>>, vector<16xf32>,
      tpu.vector_store %arg11[%swap3A], %mul3A_388 {strides = array<i32>} : memref<10240xf32, #tpu.memory_space<vmem>>, vector<16xf32>,
      %scan3A_392 = arith.constant 0 : i32
      scf.yield %scan3A_392 : i32
    }
    %scan3A_344 = arith.constant 625 : i32
    %add3A_345 = arith.constant 0 : i32
    %add3A_346 = arith.addi %mul3A_272, %add3A_345 : i32
    "tpu.region"() ({
      %run_scoped3A_374 = tpu.sem_alloc : memref<!tpu.dma_semaphore, #tpu.memory_space<semaphore_mem>>
      %dma_start3A_375 = arith.constant 0 : i32
      %dma_start3A_376 = tpu.memref_slice %arg11[%dma_start3A_375] : memref<10240xf32, #tpu.memory_space<vmem>> -> memref<10000xf32, #tpu.memory_space<vmem>>
      %dma_start3A_377 = tpu.memref_slice %arg5[%add3A_346] : memref<2621440xf32, #tpu.memory_space<hbm>> -> memref<10000xf32, #tpu.memory_space<hbm>>
      %dma_start3A_378 = tpu.memref_slice %arg5[%add3A_346] : memref<2621440xf32, #tpu.memory_space<hbm>> -> memref<10000xf32, #tpu.memory_space<hbm>>
      %dma_start3A_379 = arith.constant 0 : i32
      %dma_start3A_380 = tpu.memref_slice %arg11[%dma_start3A_379] : memref<10240xf32, #tpu.memory_space<vmem>> -> memref<10000xf32, #tpu.memory_space<vmem>>
      tpu.enqueue_dma source(%dma_start3A_380 : memref<10000xf32, #tpu.memory_space<vmem>>) target(%dma_start3A_378 : memref<10000xf32, #tpu.memory_space<hbm>>) target_semaphore(%run_scoped3A_374 : memref<!tpu.dma_semaphore, #tpu.memory_space<semaphore_mem>>)
      %dma_wait3A = arith.constant 0 : i32
      %dma_wait3A_381 = tpu.memref_slice %arg11[%dma_wait3A] : memref<10240xf32, #tpu.memory_space<vmem>> -> memref<10000xf32, #tpu.memory_space<vmem>>
      %dma_wait3A_382 = tpu.memref_slice %arg5[%add3A_346] : memref<2621440xf32, #tpu.memory_space<hbm>> -> memref<10000xf32, #tpu.memory_space<hbm>>
      %dma_wait3A_383 = tpu.memref_slice %arg5[%add3A_346] : memref<2621440xf32, #tpu.memory_space<hbm>> -> memref<10000xf32, #tpu.memory_space<hbm>>
      %dma_wait3A_384 = arith.constant 0 : i32
      %dma_wait3A_385 = tpu.memref_slice %arg11[%dma_wait3A_384] : memref<10240xf32, #tpu.memory_space<vmem>> -> memref<10000xf32, #tpu.memory_space<vmem>>
      tpu.wait_dma2 semaphore(%run_scoped3A_374 : memref<!tpu.dma_semaphore, #tpu.memory_space<semaphore_mem>>) src(%dma_wait3A_385 : memref<10000xf32, #tpu.memory_space<vmem>>) dst(%dma_wait3A_383 : memref<10000xf32, #tpu.memory_space<hbm>>)
      tpu.yield
    }) : () -> ()
    %scan3A_347 = arith.constant 0 : i32
    %scan3A_348 = arith.constant 0 : i32
    %scan3A_349 = arith.constant 625 : i32
    %scan3A_350 = arith.addi %scan3A_348, %scan3A_349 : i32
    %scan3A_351 = arith.constant 1 : i32
    %scan3A_352 = scf.for %scan3A_374 = %scan3A_348 to %scan3A_350 step %scan3A_351 iter_args(%scan3A_375 = %scan3A_347) -> (i32)  : i32 {
      %mul3A_376 = arith.constant 16 : i32
      %mul3A_377 = arith.muli %scan3A_374, %mul3A_376 : i32
      %get3A = arith.index_cast %mul3A_377 : i32 to index
      %get3A_378 = tpu.vector_load %arg12[%get3A] {strides = array<i32>} : memref<10000xf32, #tpu.memory_space<vmem>>, vector<16xf32>,
      %mul3A_379 = arith.constant 16 : i32
      %mul3A_380 = arith.muli %scan3A_374, %mul3A_379 : i32
      %get3A_381 = arith.index_cast %mul3A_380 : i32 to index
      %get3A_382 = tpu.vector_load %arg8[%get3A_381] {strides = array<i32>} : memref<10000xf32, #tpu.memory_space<vmem>>, vector<16xf32>,
      %mul3A_383 = arith.constant 16 : i32
      %mul3A_384 = arith.muli %scan3A_374, %mul3A_383 : i32
      %get3A_385 = arith.index_cast %mul3A_384 : i32 to index
      %get3A_386 = tpu.vector_load %arg17[%get3A_385] {strides = array<i32>} : memref<10240xf32, #tpu.memory_space<vmem>>, vector<16xf32>,
      %add3A_387 = arith.addf %get3A_378, %get3A_382 : vector<16xf32>
      %mul3A_388 = arith.mulf %add3A_387, %get3A_386 : vector<16xf32>
      %mul3A_389 = arith.constant 16 : i32
      %mul3A_390 = arith.muli %scan3A_374, %mul3A_389 : i32
      %swap3A = arith.index_cast %mul3A_390 : i32 to index
      %swap3A_391 = tpu.vector_load %arg12[%swap3A] {strides = array<i32>} : memref<10000xf32, #tpu.memory_space<vmem>>, vector<16xf32>,
      tpu.vector_store %arg12[%swap3A], %mul3A_388 {strides = array<i32>} : memref<10000xf32, #tpu.memory_space<vmem>>, vector<16xf32>,
      %scan3A_392 = arith.constant 0 : i32
      scf.yield %scan3A_392 : i32
    }
    %scan3A_353 = arith.constant 625 : i32
    %add3A_354 = arith.constant 10240 : i32
    %add3A_355 = arith.addi %mul3A_272, %add3A_354 : i32
    "tpu.region"() ({
      %run_scoped3A_374 = tpu.sem_alloc : memref<!tpu.dma_semaphore, #tpu.memory_space<semaphore_mem>>
      %dma_start3A_375 = arith.constant 0 : i32
      %dma_start3A_376 = tpu.memref_slice %arg12[%dma_start3A_375] : memref<10000xf32, #tpu.memory_space<vmem>> -> memref<10000xf32, #tpu.memory_space<vmem>>
      %dma_start3A_377 = tpu.memref_slice %arg5[%add3A_355] : memref<2621440xf32, #tpu.memory_space<hbm>> -> memref<10000xf32, #tpu.memory_space<hbm>>
      %dma_start3A_378 = tpu.memref_slice %arg5[%add3A_355] : memref<2621440xf32, #tpu.memory_space<hbm>> -> memref<10000xf32, #tpu.memory_space<hbm>>
      %dma_start3A_379 = arith.constant 0 : i32
      %dma_start3A_380 = tpu.memref_slice %arg12[%dma_start3A_379] : memref<10000xf32, #tpu.memory_space<vmem>> -> memref<10000xf32, #tpu.memory_space<vmem>>
      tpu.enqueue_dma source(%dma_start3A_380 : memref<10000xf32, #tpu.memory_space<vmem>>) target(%dma_start3A_378 : memref<10000xf32, #tpu.memory_space<hbm>>) target_semaphore(%run_scoped3A_374 : memref<!tpu.dma_semaphore, #tpu.memory_space<semaphore_mem>>)
      %dma_wait3A = arith.constant 0 : i32
      %dma_wait3A_381 = tpu.memref_slice %arg12[%dma_wait3A] : memref<10000xf32, #tpu.memory_space<vmem>> -> memref<10000xf32, #tpu.memory_space<vmem>>
      %dma_wait3A_382 = tpu.memref_slice %arg5[%add3A_355] : memref<2621440xf32, #tpu.memory_space<hbm>> -> memref<10000xf32, #tpu.memory_space<hbm>>
      %dma_wait3A_383 = tpu.memref_slice %arg5[%add3A_355] : memref<2621440xf32, #tpu.memory_space<hbm>> -> memref<10000xf32, #tpu.memory_space<hbm>>
      %dma_wait3A_384 = arith.constant 0 : i32
      %dma_wait3A_385 = tpu.memref_slice %arg12[%dma_wait3A_384] : memref<10000xf32, #tpu.memory_space<vmem>> -> memref<10000xf32, #tpu.memory_space<vmem>>
      tpu.wait_dma2 semaphore(%run_scoped3A_374 : memref<!tpu.dma_semaphore, #tpu.memory_space<semaphore_mem>>) src(%dma_wait3A_385 : memref<10000xf32, #tpu.memory_space<vmem>>) dst(%dma_wait3A_383 : memref<10000xf32, #tpu.memory_space<hbm>>)
      tpu.yield
    }) : () -> ()
    %scan3A_356 = arith.constant 0 : i32
    %scan3A_357 = arith.constant 0 : i32
    %scan3A_358 = arith.constant 625 : i32
    %scan3A_359 = arith.addi %scan3A_357, %scan3A_358 : i32
    %scan3A_360 = arith.constant 1 : i32
    %scan3A_361 = scf.for %scan3A_374 = %scan3A_357 to %scan3A_359 step %scan3A_360 iter_args(%scan3A_375 = %scan3A_356) -> (i32)  : i32 {
      %mul3A_376 = arith.constant 16 : i32
      %mul3A_377 = arith.muli %scan3A_374, %mul3A_376 : i32
      %get3A = arith.index_cast %mul3A_377 : i32 to index
      %get3A_378 = tpu.vector_load %arg13[%get3A] {strides = array<i32>} : memref<10000xf32, #tpu.memory_space<vmem>>, vector<16xf32>,
      %mul3A_379 = arith.constant 16 : i32
      %mul3A_380 = arith.muli %scan3A_374, %mul3A_379 : i32
      %get3A_381 = arith.index_cast %mul3A_380 : i32 to index
      %get3A_382 = tpu.vector_load %arg9[%get3A_381] {strides = array<i32>} : memref<10000xf32, #tpu.memory_space<vmem>>, vector<16xf32>,
      %mul3A_383 = arith.constant 16 : i32
      %mul3A_384 = arith.muli %scan3A_374, %mul3A_383 : i32
      %get3A_385 = arith.index_cast %mul3A_384 : i32 to index
      %get3A_386 = tpu.vector_load %arg17[%get3A_385] {strides = array<i32>} : memref<10240xf32, #tpu.memory_space<vmem>>, vector<16xf32>,
      %add3A_387 = arith.addf %get3A_378, %get3A_382 : vector<16xf32>
      %mul3A_388 = arith.mulf %add3A_387, %get3A_386 : vector<16xf32>
      %mul3A_389 = arith.constant 16 : i32
      %mul3A_390 = arith.muli %scan3A_374, %mul3A_389 : i32
      %swap3A = arith.index_cast %mul3A_390 : i32 to index
      %swap3A_391 = tpu.vector_load %arg13[%swap3A] {strides = array<i32>} : memref<10000xf32, #tpu.memory_space<vmem>>, vector<16xf32>,
      tpu.vector_store %arg13[%swap3A], %mul3A_388 {strides = array<i32>} : memref<10000xf32, #tpu.memory_space<vmem>>, vector<16xf32>,
      %scan3A_392 = arith.constant 0 : i32
      scf.yield %scan3A_392 : i32
    }
    %scan3A_362 = arith.constant 625 : i32
    %add3A_363 = arith.constant 20480 : i32
    %add3A_364 = arith.addi %mul3A_272, %add3A_363 : i32
    "tpu.region"() ({
      %run_scoped3A_374 = tpu.sem_alloc : memref<!tpu.dma_semaphore, #tpu.memory_space<semaphore_mem>>
      %dma_start3A_375 = arith.constant 0 : i32
      %dma_start3A_376 = tpu.memref_slice %arg13[%dma_start3A_375] : memref<10000xf32, #tpu.memory_space<vmem>> -> memref<10000xf32, #tpu.memory_space<vmem>>
      %dma_start3A_377 = tpu.memref_slice %arg5[%add3A_364] : memref<2621440xf32, #tpu.memory_space<hbm>> -> memref<10000xf32, #tpu.memory_space<hbm>>
      %dma_start3A_378 = tpu.memref_slice %arg5[%add3A_364] : memref<2621440xf32, #tpu.memory_space<hbm>> -> memref<10000xf32, #tpu.memory_space<hbm>>
      %dma_start3A_379 = arith.constant 0 : i32
      %dma_start3A_380 = tpu.memref_slice %arg13[%dma_start3A_379] : memref<10000xf32, #tpu.memory_space<vmem>> -> memref<10000xf32, #tpu.memory_space<vmem>>
      tpu.enqueue_dma source(%dma_start3A_380 : memref<10000xf32, #tpu.memory_space<vmem>>) target(%dma_start3A_378 : memref<10000xf32, #tpu.memory_space<hbm>>) target_semaphore(%run_scoped3A_374 : memref<!tpu.dma_semaphore, #tpu.memory_space<semaphore_mem>>)
      %dma_wait3A = arith.constant 0 : i32
      %dma_wait3A_381 = tpu.memref_slice %arg13[%dma_wait3A] : memref<10000xf32, #tpu.memory_space<vmem>> -> memref<10000xf32, #tpu.memory_space<vmem>>
      %dma_wait3A_382 = tpu.memref_slice %arg5[%add3A_364] : memref<2621440xf32, #tpu.memory_space<hbm>> -> memref<10000xf32, #tpu.memory_space<hbm>>
      %dma_wait3A_383 = tpu.memref_slice %arg5[%add3A_364] : memref<2621440xf32, #tpu.memory_space<hbm>> -> memref<10000xf32, #tpu.memory_space<hbm>>
      %dma_wait3A_384 = arith.constant 0 : i32
      %dma_wait3A_385 = tpu.memref_slice %arg13[%dma_wait3A_384] : memref<10000xf32, #tpu.memory_space<vmem>> -> memref<10000xf32, #tpu.memory_space<vmem>>
      tpu.wait_dma2 semaphore(%run_scoped3A_374 : memref<!tpu.dma_semaphore, #tpu.memory_space<semaphore_mem>>) src(%dma_wait3A_385 : memref<10000xf32, #tpu.memory_space<vmem>>) dst(%dma_wait3A_383 : memref<10000xf32, #tpu.memory_space<hbm>>)
      tpu.yield
    }) : () -> ()
    %scan3A_365 = arith.constant 0 : i32
    %scan3A_366 = arith.constant 0 : i32
    %scan3A_367 = arith.constant 625 : i32
    %scan3A_368 = arith.addi %scan3A_366, %scan3A_367 : i32
    %scan3A_369 = arith.constant 1 : i32
    %scan3A_370 = scf.for %scan3A_374 = %scan3A_366 to %scan3A_368 step %scan3A_369 iter_args(%scan3A_375 = %scan3A_365) -> (i32)  : i32 {
      %mul3A_376 = arith.constant 16 : i32
      %mul3A_377 = arith.muli %scan3A_374, %mul3A_376 : i32
      %get3A = arith.index_cast %mul3A_377 : i32 to index
      %get3A_378 = tpu.vector_load %arg14[%get3A] {strides = array<i32>} : memref<10000xf32, #tpu.memory_space<vmem>>, vector<16xf32>,
      %mul3A_379 = arith.constant 16 : i32
      %mul3A_380 = arith.muli %scan3A_374, %mul3A_379 : i32
      %get3A_381 = arith.index_cast %mul3A_380 : i32 to index
      %get3A_382 = tpu.vector_load %arg10[%get3A_381] {strides = array<i32>} : memref<10000xf32, #tpu.memory_space<vmem>>, vector<16xf32>,
      %mul3A_383 = arith.constant 16 : i32
      %mul3A_384 = arith.muli %scan3A_374, %mul3A_383 : i32
      %get3A_385 = arith.index_cast %mul3A_384 : i32 to index
      %get3A_386 = tpu.vector_load %arg17[%get3A_385] {strides = array<i32>} : memref<10240xf32, #tpu.memory_space<vmem>>, vector<16xf32>,
      %add3A_387 = arith.addf %get3A_378, %get3A_382 : vector<16xf32>
      %mul3A_388 = arith.mulf %add3A_387, %get3A_386 : vector<16xf32>
      %mul3A_389 = arith.constant 16 : i32
      %mul3A_390 = arith.muli %scan3A_374, %mul3A_389 : i32
      %swap3A = arith.index_cast %mul3A_390 : i32 to index
      %swap3A_391 = tpu.vector_load %arg14[%swap3A] {strides = array<i32>} : memref<10000xf32, #tpu.memory_space<vmem>>, vector<16xf32>,
      tpu.vector_store %arg14[%swap3A], %mul3A_388 {strides = array<i32>} : memref<10000xf32, #tpu.memory_space<vmem>>, vector<16xf32>,
      %scan3A_392 = arith.constant 0 : i32
      scf.yield %scan3A_392 : i32
    }
    %scan3A_371 = arith.constant 625 : i32
    %add3A_372 = arith.constant 30720 : i32
    %add3A_373 = arith.addi %mul3A_272, %add3A_372 : i32
    "tpu.region"() ({
      %run_scoped3A_374 = tpu.sem_alloc : memref<!tpu.dma_semaphore, #tpu.memory_space<semaphore_mem>>
      %dma_start3A_375 = arith.constant 0 : i32
      %dma_start3A_376 = tpu.memref_slice %arg14[%dma_start3A_375] : memref<10000xf32, #tpu.memory_space<vmem>> -> memref<10000xf32, #tpu.memory_space<vmem>>
      %dma_start3A_377 = tpu.memref_slice %arg5[%add3A_373] : memref<2621440xf32, #tpu.memory_space<hbm>> -> memref<10000xf32, #tpu.memory_space<hbm>>
      %dma_start3A_378 = tpu.memref_slice %arg5[%add3A_373] : memref<2621440xf32, #tpu.memory_space<hbm>> -> memref<10000xf32, #tpu.memory_space<hbm>>
      %dma_start3A_379 = arith.constant 0 : i32
      %dma_start3A_380 = tpu.memref_slice %arg14[%dma_start3A_379] : memref<10000xf32, #tpu.memory_space<vmem>> -> memref<10000xf32, #tpu.memory_space<vmem>>
      tpu.enqueue_dma source(%dma_start3A_380 : memref<10000xf32, #tpu.memory_space<vmem>>) target(%dma_start3A_378 : memref<10000xf32, #tpu.memory_space<hbm>>) target_semaphore(%run_scoped3A_374 : memref<!tpu.dma_semaphore, #tpu.memory_space<semaphore_mem>>)
      %dma_wait3A = arith.constant 0 : i32
      %dma_wait3A_381 = tpu.memref_slice %arg14[%dma_wait3A] : memref<10000xf32, #tpu.memory_space<vmem>> -> memref<10000xf32, #tpu.memory_space<vmem>>
      %dma_wait3A_382 = tpu.memref_slice %arg5[%add3A_373] : memref<2621440xf32, #tpu.memory_space<hbm>> -> memref<10000xf32, #tpu.memory_space<hbm>>
      %dma_wait3A_383 = tpu.memref_slice %arg5[%add3A_373] : memref<2621440xf32, #tpu.memory_space<hbm>> -> memref<10000xf32, #tpu.memory_space<hbm>>
      %dma_wait3A_384 = arith.constant 0 : i32
      %dma_wait3A_385 = tpu.memref_slice %arg14[%dma_wait3A_384] : memref<10000xf32, #tpu.memory_space<vmem>> -> memref<10000xf32, #tpu.memory_space<vmem>>
      tpu.wait_dma2 semaphore(%run_scoped3A_374 : memref<!tpu.dma_semaphore, #tpu.memory_space<semaphore_mem>>) src(%dma_wait3A_385 : memref<10000xf32, #tpu.memory_space<vmem>>) dst(%dma_wait3A_383 : memref<10000xf32, #tpu.memory_space<hbm>>)
      tpu.yield
    }) : () -> ()
    return
  }
}

#map = affine_map<(d0, d1) -> (0)>
module attributes {stable_mosaic.version = 14 : i64} {
  func.func @run(%arg0: i32, %arg1: i32, %arg2: memref<2621440xf32, #tpu.memory_space<hbm>>, %arg3: memref<160000xi32, #tpu.memory_space<hbm>>, %arg4: memref<160000xi32, #tpu.memory_space<hbm>>, %arg5: memref<10240xf32, #tpu.memory_space<hbm>>, %arg6: memref<2621440xf32, #tpu.memory_space<hbm>>, %arg7: memref<10000xf32, #tpu.memory_space<vmem>>, %arg8: memref<10000xf32, #tpu.memory_space<vmem>>, %arg9: memref<10000xf32, #tpu.memory_space<vmem>>, %arg10: memref<10000xf32, #tpu.memory_space<vmem>>, %arg11: memref<10240xf32, #tpu.memory_space<vmem>>, %arg12: memref<10000xf32, #tpu.memory_space<vmem>>, %arg13: memref<10000xf32, #tpu.memory_space<vmem>>, %arg14: memref<10000xf32, #tpu.memory_space<vmem>>, %arg15: memref<8000xi32, #tpu.memory_space<vmem>>, %arg16: memref<8000xi32, #tpu.memory_space<vmem>>, %arg17: memref<10240xf32, #tpu.memory_space<vmem>>, %arg18: memref<640xf32, #tpu.memory_space<vmem>>, %arg19: memref<16x10240xf32, #tpu.memory_space<vmem_shared>>, %arg20: memref<10240xf32, #tpu.memory_space<vmem_shared>>, %arg21: memref<2x!tpu.dma_semaphore, #tpu.memory_space<semaphore_mem>>) attributes {dimension_semantics = [#tpu.dimension_semantics<core_parallel>, #tpu.dimension_semantics<subcore_parallel>], iteration_bounds = array<i64: 2, 16>, scalar_prefetch = 0 : i64, scratch_operands = 15 : i64, tpu.core_type = #tpu.core_type<sc_vector_subcore>, window_params = [{transform_indices = #map}, {transform_indices = #map}, {transform_indices = #map}, {transform_indices = #map}, {transform_indices = #map}]} {
    %mul3A = arith.constant 16 : i32
    %mul3A_0 = arith.muli %arg0, %mul3A : i32
    %add3A = arith.addi %mul3A_0, %arg1 : i32
    %broadcast_in_dim3A = arith.constant 1.000000e+00 : f32
    %broadcast_in_dim3A_1 = vector.broadcast %broadcast_in_dim3A : f32 to vector<16xf32>
    "tpu.region"() ({
      %run_scoped3A = tpu.sem_alloc : memref<!tpu.dma_semaphore, #tpu.memory_space<semaphore_mem>>
      tpu.enqueue_dma source(%arg5 : memref<10240xf32, #tpu.memory_space<hbm>>) target(%arg17 : memref<10240xf32, #tpu.memory_space<vmem>>) target_semaphore(%run_scoped3A : memref<!tpu.dma_semaphore, #tpu.memory_space<semaphore_mem>>)
      tpu.wait_dma2 semaphore(%run_scoped3A : memref<!tpu.dma_semaphore, #tpu.memory_space<semaphore_mem>>) src(%arg5 : memref<10240xf32, #tpu.memory_space<hbm>>) dst(%arg17 : memref<10240xf32, #tpu.memory_space<vmem>>)
      tpu.yield
    }) : () -> ()
    %mul3A_2 = arith.constant 4 : i32
    %mul3A_3 = arith.muli %add3A, %mul3A_2 : i32
    %add3A_4 = arith.constant 0 : i32
    %add3A_5 = arith.addi %mul3A_3, %add3A_4 : i32
    %mul3A_6 = arith.constant 10240 : i32
    %mul3A_7 = arith.muli %add3A_5, %mul3A_6 : i32
    %add3A_8 = arith.constant 0 : i32
    %add3A_9 = arith.addi %mul3A_7, %add3A_8 : i32
    "tpu.region"() ({
      %run_scoped3A = tpu.sem_alloc : memref<!tpu.dma_semaphore, #tpu.memory_space<semaphore_mem>>
      %dma_start3A_214 = tpu.memref_slice %arg2[%add3A_9] : memref<2621440xf32, #tpu.memory_space<hbm>> -> memref<10000xf32, #tpu.memory_space<hbm>>
      %dma_start3A_215 = tpu.memref_slice %arg2[%add3A_9] : memref<2621440xf32, #tpu.memory_space<hbm>> -> memref<10000xf32, #tpu.memory_space<hbm>>
      tpu.enqueue_dma source(%dma_start3A_215 : memref<10000xf32, #tpu.memory_space<hbm>>) target(%arg7 : memref<10000xf32, #tpu.memory_space<vmem>>) target_semaphore(%run_scoped3A : memref<!tpu.dma_semaphore, #tpu.memory_space<semaphore_mem>>)
      %dma_wait3A = tpu.memref_slice %arg2[%add3A_9] : memref<2621440xf32, #tpu.memory_space<hbm>> -> memref<10000xf32, #tpu.memory_space<hbm>>
      %dma_wait3A_216 = tpu.memref_slice %arg2[%add3A_9] : memref<2621440xf32, #tpu.memory_space<hbm>> -> memref<10000xf32, #tpu.memory_space<hbm>>
      tpu.wait_dma2 semaphore(%run_scoped3A : memref<!tpu.dma_semaphore, #tpu.memory_space<semaphore_mem>>) src(%dma_wait3A_216 : memref<10000xf32, #tpu.memory_space<hbm>>) dst(%arg7 : memref<10000xf32, #tpu.memory_space<vmem>>)
      tpu.yield
    }) : () -> ()
    %scan3A = arith.constant 0 : i32
    %scan3A_10 = arith.constant 0 : i32
    %scan3A_11 = arith.constant 625 : i32
    %scan3A_12 = arith.addi %scan3A_10, %scan3A_11 : i32
    %scan3A_13 = arith.constant 1 : i32
    %scan3A_14 = scf.for %scan3A_214 = %scan3A_10 to %scan3A_12 step %scan3A_13 iter_args(%scan3A_215 = %scan3A) -> (i32)  : i32 {
      %broadcast_in_dim3A_216 = arith.constant 0.000000e+00 : f32
      %broadcast_in_dim3A_217 = vector.broadcast %broadcast_in_dim3A_216 : f32 to vector<16xf32>
      %mul3A_218 = arith.constant 16 : i32
      %mul3A_219 = arith.muli %scan3A_214, %mul3A_218 : i32
      %add3A_220 = arith.constant 0 : i32
      %add3A_221 = arith.addi %add3A_220, %mul3A_219 : i32
      %swap3A = arith.index_cast %add3A_221 : i32 to index
      %swap3A_222 = tpu.vector_load %arg11[%swap3A] {strides = array<i32>} : memref<10240xf32, #tpu.memory_space<vmem>>, vector<16xf32>,
      tpu.vector_store %arg11[%swap3A], %broadcast_in_dim3A_217 {strides = array<i32>} : memref<10240xf32, #tpu.memory_space<vmem>>, vector<16xf32>,
      %scan3A_223 = arith.constant 0 : i32
      scf.yield %scan3A_223 : i32
    }
    %scan3A_15 = arith.constant 625 : i32
    %add3A_16 = arith.constant 10240 : i32
    %add3A_17 = arith.addi %mul3A_7, %add3A_16 : i32
    "tpu.region"() ({
      %run_scoped3A = tpu.sem_alloc : memref<!tpu.dma_semaphore, #tpu.memory_space<semaphore_mem>>
      %dma_start3A_214 = tpu.memref_slice %arg2[%add3A_17] : memref<2621440xf32, #tpu.memory_space<hbm>> -> memref<10000xf32, #tpu.memory_space<hbm>>
      %dma_start3A_215 = tpu.memref_slice %arg2[%add3A_17] : memref<2621440xf32, #tpu.memory_space<hbm>> -> memref<10000xf32, #tpu.memory_space<hbm>>
      tpu.enqueue_dma source(%dma_start3A_215 : memref<10000xf32, #tpu.memory_space<hbm>>) target(%arg8 : memref<10000xf32, #tpu.memory_space<vmem>>) target_semaphore(%run_scoped3A : memref<!tpu.dma_semaphore, #tpu.memory_space<semaphore_mem>>)
      %dma_wait3A = tpu.memref_slice %arg2[%add3A_17] : memref<2621440xf32, #tpu.memory_space<hbm>> -> memref<10000xf32, #tpu.memory_space<hbm>>
      %dma_wait3A_216 = tpu.memref_slice %arg2[%add3A_17] : memref<2621440xf32, #tpu.memory_space<hbm>> -> memref<10000xf32, #tpu.memory_space<hbm>>
      tpu.wait_dma2 semaphore(%run_scoped3A : memref<!tpu.dma_semaphore, #tpu.memory_space<semaphore_mem>>) src(%dma_wait3A_216 : memref<10000xf32, #tpu.memory_space<hbm>>) dst(%arg8 : memref<10000xf32, #tpu.memory_space<vmem>>)
      tpu.yield
    }) : () -> ()
    %scan3A_18 = arith.constant 0 : i32
    %scan3A_19 = arith.constant 0 : i32
    %scan3A_20 = arith.constant 625 : i32
    %scan3A_21 = arith.addi %scan3A_19, %scan3A_20 : i32
    %scan3A_22 = arith.constant 1 : i32
    %scan3A_23 = scf.for %scan3A_214 = %scan3A_19 to %scan3A_21 step %scan3A_22 iter_args(%scan3A_215 = %scan3A_18) -> (i32)  : i32 {
      %broadcast_in_dim3A_216 = arith.constant 0.000000e+00 : f32
      %broadcast_in_dim3A_217 = vector.broadcast %broadcast_in_dim3A_216 : f32 to vector<16xf32>
      %mul3A_218 = arith.constant 16 : i32
      %mul3A_219 = arith.muli %scan3A_214, %mul3A_218 : i32
      %add3A_220 = arith.constant 0 : i32
      %add3A_221 = arith.addi %add3A_220, %mul3A_219 : i32
      %swap3A = arith.index_cast %add3A_221 : i32 to index
      %swap3A_222 = tpu.vector_load %arg12[%swap3A] {strides = array<i32>} : memref<10000xf32, #tpu.memory_space<vmem>>, vector<16xf32>,
      tpu.vector_store %arg12[%swap3A], %broadcast_in_dim3A_217 {strides = array<i32>} : memref<10000xf32, #tpu.memory_space<vmem>>, vector<16xf32>,
      %scan3A_223 = arith.constant 0 : i32
      scf.yield %scan3A_223 : i32
    }
    %scan3A_24 = arith.constant 625 : i32
    %add3A_25 = arith.constant 20480 : i32
    %add3A_26 = arith.addi %mul3A_7, %add3A_25 : i32
    "tpu.region"() ({
      %run_scoped3A = tpu.sem_alloc : memref<!tpu.dma_semaphore, #tpu.memory_space<semaphore_mem>>
      %dma_start3A_214 = tpu.memref_slice %arg2[%add3A_26] : memref<2621440xf32, #tpu.memory_space<hbm>> -> memref<10000xf32, #tpu.memory_space<hbm>>
      %dma_start3A_215 = tpu.memref_slice %arg2[%add3A_26] : memref<2621440xf32, #tpu.memory_space<hbm>> -> memref<10000xf32, #tpu.memory_space<hbm>>
      tpu.enqueue_dma source(%dma_start3A_215 : memref<10000xf32, #tpu.memory_space<hbm>>) target(%arg9 : memref<10000xf32, #tpu.memory_space<vmem>>) target_semaphore(%run_scoped3A : memref<!tpu.dma_semaphore, #tpu.memory_space<semaphore_mem>>)
      %dma_wait3A = tpu.memref_slice %arg2[%add3A_26] : memref<2621440xf32, #tpu.memory_space<hbm>> -> memref<10000xf32, #tpu.memory_space<hbm>>
      %dma_wait3A_216 = tpu.memref_slice %arg2[%add3A_26] : memref<2621440xf32, #tpu.memory_space<hbm>> -> memref<10000xf32, #tpu.memory_space<hbm>>
      tpu.wait_dma2 semaphore(%run_scoped3A : memref<!tpu.dma_semaphore, #tpu.memory_space<semaphore_mem>>) src(%dma_wait3A_216 : memref<10000xf32, #tpu.memory_space<hbm>>) dst(%arg9 : memref<10000xf32, #tpu.memory_space<vmem>>)
      tpu.yield
    }) : () -> ()
    %scan3A_27 = arith.constant 0 : i32
    %scan3A_28 = arith.constant 0 : i32
    %scan3A_29 = arith.constant 625 : i32
    %scan3A_30 = arith.addi %scan3A_28, %scan3A_29 : i32
    %scan3A_31 = arith.constant 1 : i32
    %scan3A_32 = scf.for %scan3A_214 = %scan3A_28 to %scan3A_30 step %scan3A_31 iter_args(%scan3A_215 = %scan3A_27) -> (i32)  : i32 {
      %broadcast_in_dim3A_216 = arith.constant 0.000000e+00 : f32
      %broadcast_in_dim3A_217 = vector.broadcast %broadcast_in_dim3A_216 : f32 to vector<16xf32>
      %mul3A_218 = arith.constant 16 : i32
      %mul3A_219 = arith.muli %scan3A_214, %mul3A_218 : i32
      %add3A_220 = arith.constant 0 : i32
      %add3A_221 = arith.addi %add3A_220, %mul3A_219 : i32
      %swap3A = arith.index_cast %add3A_221 : i32 to index
      %swap3A_222 = tpu.vector_load %arg13[%swap3A] {strides = array<i32>} : memref<10000xf32, #tpu.memory_space<vmem>>, vector<16xf32>,
      tpu.vector_store %arg13[%swap3A], %broadcast_in_dim3A_217 {strides = array<i32>} : memref<10000xf32, #tpu.memory_space<vmem>>, vector<16xf32>,
      %scan3A_223 = arith.constant 0 : i32
      scf.yield %scan3A_223 : i32
    }
    %scan3A_33 = arith.constant 625 : i32
    %add3A_34 = arith.constant 30720 : i32
    %add3A_35 = arith.addi %mul3A_7, %add3A_34 : i32
    "tpu.region"() ({
      %run_scoped3A = tpu.sem_alloc : memref<!tpu.dma_semaphore, #tpu.memory_space<semaphore_mem>>
      %dma_start3A_214 = tpu.memref_slice %arg2[%add3A_35] : memref<2621440xf32, #tpu.memory_space<hbm>> -> memref<10000xf32, #tpu.memory_space<hbm>>
      %dma_start3A_215 = tpu.memref_slice %arg2[%add3A_35] : memref<2621440xf32, #tpu.memory_space<hbm>> -> memref<10000xf32, #tpu.memory_space<hbm>>
      tpu.enqueue_dma source(%dma_start3A_215 : memref<10000xf32, #tpu.memory_space<hbm>>) target(%arg10 : memref<10000xf32, #tpu.memory_space<vmem>>) target_semaphore(%run_scoped3A : memref<!tpu.dma_semaphore, #tpu.memory_space<semaphore_mem>>)
      %dma_wait3A = tpu.memref_slice %arg2[%add3A_35] : memref<2621440xf32, #tpu.memory_space<hbm>> -> memref<10000xf32, #tpu.memory_space<hbm>>
      %dma_wait3A_216 = tpu.memref_slice %arg2[%add3A_35] : memref<2621440xf32, #tpu.memory_space<hbm>> -> memref<10000xf32, #tpu.memory_space<hbm>>
      tpu.wait_dma2 semaphore(%run_scoped3A : memref<!tpu.dma_semaphore, #tpu.memory_space<semaphore_mem>>) src(%dma_wait3A_216 : memref<10000xf32, #tpu.memory_space<hbm>>) dst(%arg10 : memref<10000xf32, #tpu.memory_space<vmem>>)
      tpu.yield
    }) : () -> ()
    %scan3A_36 = arith.constant 0 : i32
    %scan3A_37 = arith.constant 0 : i32
    %scan3A_38 = arith.constant 625 : i32
    %scan3A_39 = arith.addi %scan3A_37, %scan3A_38 : i32
    %scan3A_40 = arith.constant 1 : i32
    %scan3A_41 = scf.for %scan3A_214 = %scan3A_37 to %scan3A_39 step %scan3A_40 iter_args(%scan3A_215 = %scan3A_36) -> (i32)  : i32 {
      %broadcast_in_dim3A_216 = arith.constant 0.000000e+00 : f32
      %broadcast_in_dim3A_217 = vector.broadcast %broadcast_in_dim3A_216 : f32 to vector<16xf32>
      %mul3A_218 = arith.constant 16 : i32
      %mul3A_219 = arith.muli %scan3A_214, %mul3A_218 : i32
      %add3A_220 = arith.constant 0 : i32
      %add3A_221 = arith.addi %add3A_220, %mul3A_219 : i32
      %swap3A = arith.index_cast %add3A_221 : i32 to index
      %swap3A_222 = tpu.vector_load %arg14[%swap3A] {strides = array<i32>} : memref<10000xf32, #tpu.memory_space<vmem>>, vector<16xf32>,
      tpu.vector_store %arg14[%swap3A], %broadcast_in_dim3A_217 {strides = array<i32>} : memref<10000xf32, #tpu.memory_space<vmem>>, vector<16xf32>,
      %scan3A_223 = arith.constant 0 : i32
      scf.yield %scan3A_223 : i32
    }
    %scan3A_42 = arith.constant 625 : i32
    %dma_start3A = arith.constant 0 : i32
    %dma_start3A_43 = arith.constant 0 : i32
    %dma_start3A_44 = tpu.memref_slice %arg15[%dma_start3A_43] : memref<8000xi32, #tpu.memory_space<vmem>> -> memref<4000xi32, #tpu.memory_space<vmem>>
    %dma_start3A_45 = arith.constant 0 : i32
    %dma_start3A_46 = tpu.memref_slice %arg4[%dma_start3A_45] : memref<160000xi32, #tpu.memory_space<hbm>> -> memref<4000xi32, #tpu.memory_space<hbm>>
    %dma_start3A_47 = tpu.memref_slice %arg21[%dma_start3A] : memref<2x!tpu.dma_semaphore, #tpu.memory_space<semaphore_mem>> -> memref<1x!tpu.dma_semaphore, #tpu.memory_space<semaphore_mem>>
    %dma_start3A_48 = tpu.memref_squeeze %dma_start3A_47 : memref<1x!tpu.dma_semaphore, #tpu.memory_space<semaphore_mem>> -> memref<!tpu.dma_semaphore, #tpu.memory_space<semaphore_mem>>
    %dma_start3A_49 = arith.constant 0 : i32
    %dma_start3A_50 = tpu.memref_slice %arg15[%dma_start3A_49] : memref<8000xi32, #tpu.memory_space<vmem>> -> memref<4000xi32, #tpu.memory_space<vmem>>
    %dma_start3A_51 = arith.constant 0 : i32
    %dma_start3A_52 = tpu.memref_slice %arg4[%dma_start3A_51] : memref<160000xi32, #tpu.memory_space<hbm>> -> memref<4000xi32, #tpu.memory_space<hbm>>
    tpu.enqueue_dma source(%dma_start3A_52 : memref<4000xi32, #tpu.memory_space<hbm>>) target(%dma_start3A_50 : memref<4000xi32, #tpu.memory_space<vmem>>) target_semaphore(%dma_start3A_48 : memref<!tpu.dma_semaphore, #tpu.memory_space<semaphore_mem>>)
    %dma_start3A_53 = arith.constant 0 : i32
    %dma_start3A_54 = arith.constant 0 : i32
    %dma_start3A_55 = tpu.memref_slice %arg16[%dma_start3A_54] : memref<8000xi32, #tpu.memory_space<vmem>> -> memref<4000xi32, #tpu.memory_space<vmem>>
    %dma_start3A_56 = arith.constant 0 : i32
    %dma_start3A_57 = tpu.memref_slice %arg3[%dma_start3A_56] : memref<160000xi32, #tpu.memory_space<hbm>> -> memref<4000xi32, #tpu.memory_space<hbm>>
    %dma_start3A_58 = tpu.memref_slice %arg21[%dma_start3A_53] : memref<2x!tpu.dma_semaphore, #tpu.memory_space<semaphore_mem>> -> memref<1x!tpu.dma_semaphore, #tpu.memory_space<semaphore_mem>>
    %dma_start3A_59 = tpu.memref_squeeze %dma_start3A_58 : memref<1x!tpu.dma_semaphore, #tpu.memory_space<semaphore_mem>> -> memref<!tpu.dma_semaphore, #tpu.memory_space<semaphore_mem>>
    %dma_start3A_60 = arith.constant 0 : i32
    %dma_start3A_61 = tpu.memref_slice %arg16[%dma_start3A_60] : memref<8000xi32, #tpu.memory_space<vmem>> -> memref<4000xi32, #tpu.memory_space<vmem>>
    %dma_start3A_62 = arith.constant 0 : i32
    %dma_start3A_63 = tpu.memref_slice %arg3[%dma_start3A_62] : memref<160000xi32, #tpu.memory_space<hbm>> -> memref<4000xi32, #tpu.memory_space<hbm>>
    tpu.enqueue_dma source(%dma_start3A_63 : memref<4000xi32, #tpu.memory_space<hbm>>) target(%dma_start3A_61 : memref<4000xi32, #tpu.memory_space<vmem>>) target_semaphore(%dma_start3A_59 : memref<!tpu.dma_semaphore, #tpu.memory_space<semaphore_mem>>)
    %scan3A_64 = arith.constant 0 : i32
    %scan3A_65 = arith.constant 0 : i32
    %scan3A_66 = arith.constant 40 : i32
    %scan3A_67 = arith.addi %scan3A_65, %scan3A_66 : i32
    %scan3A_68 = arith.constant 1 : i32
    %scan3A_69 = scf.for %scan3A_214 = %scan3A_65 to %scan3A_67 step %scan3A_68 iter_args(%scan3A_215 = %scan3A_64) -> (i32)  : i32 {
      %rem3A = arith.constant 2 : i32
      %rem3A_216 = arith.remsi %scan3A_214, %rem3A : i32
      %add3A_217 = arith.constant 1 : i32
      %add3A_218 = arith.addi %scan3A_214, %add3A_217 : i32
      %lt3A = arith.constant 40 : i32
      %lt3A_219 = arith.cmpi slt, %add3A_218, %lt3A : i32
      %convert_element_type3A = arith.extui %lt3A_219 : i1 to i32
      %cond3A = arith.constant 0 : i32
      %cond3A_220 = arith.cmpi ne, %convert_element_type3A, %cond3A : i32
      scf.if %cond3A_220 {
        %add3A_243 = arith.constant 1 : i32
        %add3A_244 = arith.addi %scan3A_214, %add3A_243 : i32
        %sub3A = arith.constant 1 : i32
        %sub3A_245 = arith.subi %sub3A, %rem3A_216 : i32
        %mul3A_246 = arith.constant 4000 : i32
        %mul3A_247 = arith.muli %add3A_244, %mul3A_246 : i32
        %mul3A_248 = arith.constant 4000 : i32
        %mul3A_249 = arith.muli %sub3A_245, %mul3A_248 : i32
        %dma_start3A_250 = tpu.memref_slice %arg15[%mul3A_249] : memref<8000xi32, #tpu.memory_space<vmem>> -> memref<4000xi32, #tpu.memory_space<vmem>>
        %dma_start3A_251 = tpu.memref_slice %arg4[%mul3A_247] : memref<160000xi32, #tpu.memory_space<hbm>> -> memref<4000xi32, #tpu.memory_space<hbm>>
        %dma_start3A_252 = tpu.memref_slice %arg21[%sub3A_245] : memref<2x!tpu.dma_semaphore, #tpu.memory_space<semaphore_mem>> -> memref<1x!tpu.dma_semaphore, #tpu.memory_space<semaphore_mem>>
        %dma_start3A_253 = tpu.memref_squeeze %dma_start3A_252 : memref<1x!tpu.dma_semaphore, #tpu.memory_space<semaphore_mem>> -> memref<!tpu.dma_semaphore, #tpu.memory_space<semaphore_mem>>
        %dma_start3A_254 = tpu.memref_slice %arg15[%mul3A_249] : memref<8000xi32, #tpu.memory_space<vmem>> -> memref<4000xi32, #tpu.memory_space<vmem>>
        %dma_start3A_255 = tpu.memref_slice %arg4[%mul3A_247] : memref<160000xi32, #tpu.memory_space<hbm>> -> memref<4000xi32, #tpu.memory_space<hbm>>
        tpu.enqueue_dma source(%dma_start3A_255 : memref<4000xi32, #tpu.memory_space<hbm>>) target(%dma_start3A_254 : memref<4000xi32, #tpu.memory_space<vmem>>) target_semaphore(%dma_start3A_253 : memref<!tpu.dma_semaphore, #tpu.memory_space<semaphore_mem>>)
        %mul3A_256 = arith.constant 4000 : i32
        %mul3A_257 = arith.muli %add3A_244, %mul3A_256 : i32
        %mul3A_258 = arith.constant 4000 : i32
        %mul3A_259 = arith.muli %sub3A_245, %mul3A_258 : i32
        %dma_start3A_260 = tpu.memref_slice %arg16[%mul3A_259] : memref<8000xi32, #tpu.memory_space<vmem>> -> memref<4000xi32, #tpu.memory_space<vmem>>
        %dma_start3A_261 = tpu.memref_slice %arg3[%mul3A_257] : memref<160000xi32, #tpu.memory_space<hbm>> -> memref<4000xi32, #tpu.memory_space<hbm>>
        %dma_start3A_262 = tpu.memref_slice %arg21[%sub3A_245] : memref<2x!tpu.dma_semaphore, #tpu.memory_space<semaphore_mem>> -> memref<1x!tpu.dma_semaphore, #tpu.memory_space<semaphore_mem>>
        %dma_start3A_263 = tpu.memref_squeeze %dma_start3A_262 : memref<1x!tpu.dma_semaphore, #tpu.memory_space<semaphore_mem>> -> memref<!tpu.dma_semaphore, #tpu.memory_space<semaphore_mem>>
        %dma_start3A_264 = tpu.memref_slice %arg16[%mul3A_259] : memref<8000xi32, #tpu.memory_space<vmem>> -> memref<4000xi32, #tpu.memory_space<vmem>>
        %dma_start3A_265 = tpu.memref_slice %arg3[%mul3A_257] : memref<160000xi32, #tpu.memory_space<hbm>> -> memref<4000xi32, #tpu.memory_space<hbm>>
        tpu.enqueue_dma source(%dma_start3A_265 : memref<4000xi32, #tpu.memory_space<hbm>>) target(%dma_start3A_264 : memref<4000xi32, #tpu.memory_space<vmem>>) target_semaphore(%dma_start3A_263 : memref<!tpu.dma_semaphore, #tpu.memory_space<semaphore_mem>>)
      } else {
      }
      %mul3A_221 = arith.constant 4000 : i32
      %mul3A_222 = arith.muli %rem3A_216, %mul3A_221 : i32
      %dma_wait3A = tpu.memref_slice %arg15[%mul3A_222] : memref<8000xi32, #tpu.memory_space<vmem>> -> memref<4000xi32, #tpu.memory_space<vmem>>
      %dma_wait3A_223 = arith.constant 0 : i32
      %dma_wait3A_224 = tpu.memref_slice %arg4[%dma_wait3A_223] : memref<160000xi32, #tpu.memory_space<hbm>> -> memref<4000xi32, #tpu.memory_space<hbm>>
      %dma_wait3A_225 = tpu.memref_slice %arg21[%rem3A_216] : memref<2x!tpu.dma_semaphore, #tpu.memory_space<semaphore_mem>> -> memref<1x!tpu.dma_semaphore, #tpu.memory_space<semaphore_mem>>
      %dma_wait3A_226 = tpu.memref_squeeze %dma_wait3A_225 : memref<1x!tpu.dma_semaphore, #tpu.memory_space<semaphore_mem>> -> memref<!tpu.dma_semaphore, #tpu.memory_space<semaphore_mem>>
      %dma_wait3A_227 = tpu.memref_slice %arg15[%mul3A_222] : memref<8000xi32, #tpu.memory_space<vmem>> -> memref<4000xi32, #tpu.memory_space<vmem>>
      %dma_wait3A_228 = arith.constant 0 : i32
      %dma_wait3A_229 = tpu.memref_slice %arg4[%dma_wait3A_228] : memref<160000xi32, #tpu.memory_space<hbm>> -> memref<4000xi32, #tpu.memory_space<hbm>>
      tpu.wait_dma2 semaphore(%dma_wait3A_226 : memref<!tpu.dma_semaphore, #tpu.memory_space<semaphore_mem>>) src(%dma_wait3A_229 : memref<4000xi32, #tpu.memory_space<hbm>>) dst(%dma_wait3A_227 : memref<4000xi32, #tpu.memory_space<vmem>>)
      %mul3A_230 = arith.constant 4000 : i32
      %mul3A_231 = arith.muli %rem3A_216, %mul3A_230 : i32
      %dma_wait3A_232 = tpu.memref_slice %arg16[%mul3A_231] : memref<8000xi32, #tpu.memory_space<vmem>> -> memref<4000xi32, #tpu.memory_space<vmem>>
      %dma_wait3A_233 = arith.constant 0 : i32
      %dma_wait3A_234 = tpu.memref_slice %arg3[%dma_wait3A_233] : memref<160000xi32, #tpu.memory_space<hbm>> -> memref<4000xi32, #tpu.memory_space<hbm>>
      %dma_wait3A_235 = tpu.memref_slice %arg21[%rem3A_216] : memref<2x!tpu.dma_semaphore, #tpu.memory_space<semaphore_mem>> -> memref<1x!tpu.dma_semaphore, #tpu.memory_space<semaphore_mem>>
      %dma_wait3A_236 = tpu.memref_squeeze %dma_wait3A_235 : memref<1x!tpu.dma_semaphore, #tpu.memory_space<semaphore_mem>> -> memref<!tpu.dma_semaphore, #tpu.memory_space<semaphore_mem>>
      %dma_wait3A_237 = tpu.memref_slice %arg16[%mul3A_231] : memref<8000xi32, #tpu.memory_space<vmem>> -> memref<4000xi32, #tpu.memory_space<vmem>>
      %dma_wait3A_238 = arith.constant 0 : i32
      %dma_wait3A_239 = tpu.memref_slice %arg3[%dma_wait3A_238] : memref<160000xi32, #tpu.memory_space<hbm>> -> memref<4000xi32, #tpu.memory_space<hbm>>
      tpu.wait_dma2 semaphore(%dma_wait3A_236 : memref<!tpu.dma_semaphore, #tpu.memory_space<semaphore_mem>>) src(%dma_wait3A_239 : memref<4000xi32, #tpu.memory_space<hbm>>) dst(%dma_wait3A_237 : memref<4000xi32, #tpu.memory_space<vmem>>)
      %parallel_loop3A = arith.constant 0 : i32
      %parallel_loop3A_240 = arith.constant 250 : i32
      %parallel_loop3A_241 = arith.constant 1 : i32
      scf.for %parallel_loop3A_243 = %parallel_loop3A to %parallel_loop3A_240 step %parallel_loop3A_241  : i32 {
        %parallel_loop3A_244 = arith.constant 4000 : i32
        %parallel_loop3A_245 = arith.muli %rem3A_216, %parallel_loop3A_244 : i32
        %parallel_loop3A_246 = arith.constant 16 : i32
        %parallel_loop3A_247 = arith.muli %parallel_loop3A_243, %parallel_loop3A_246 : i32
        %parallel_loop3A_248 = arith.addi %parallel_loop3A_245, %parallel_loop3A_247 : i32
        %parallel_loop3A_249 = arith.index_cast %parallel_loop3A_248 : i32 to index
        %parallel_loop3A_250 = tpu.vector_load %arg15[%parallel_loop3A_249] {strides = array<i32>} : memref<8000xi32, #tpu.memory_space<vmem>>, vector<16xi32>,
        %parallel_loop3A_251 = arith.constant 4000 : i32
        %parallel_loop3A_252 = arith.muli %rem3A_216, %parallel_loop3A_251 : i32
        %parallel_loop3A_253 = arith.constant 16 : i32
        %parallel_loop3A_254 = arith.muli %parallel_loop3A_243, %parallel_loop3A_253 : i32
        %parallel_loop3A_255 = arith.addi %parallel_loop3A_252, %parallel_loop3A_254 : i32
        %parallel_loop3A_256 = arith.index_cast %parallel_loop3A_255 : i32 to index
        %parallel_loop3A_257 = tpu.vector_load %arg16[%parallel_loop3A_256] {strides = array<i32>} : memref<8000xi32, #tpu.memory_space<vmem>>, vector<16xi32>,
        %parallel_loop3A_258 = tpu.vector_load_idx %arg7[%parallel_loop3A_250] : memref<10000xf32, #tpu.memory_space<vmem>>[vector<16xi32>], vector<16xf32>,
        %parallel_loop3A_259 = tpu.vector_load_idx %arg8[%parallel_loop3A_250] : memref<10000xf32, #tpu.memory_space<vmem>>[vector<16xi32>], vector<16xf32>,
        %parallel_loop3A_260 = tpu.vector_load_idx %arg9[%parallel_loop3A_250] : memref<10000xf32, #tpu.memory_space<vmem>>[vector<16xi32>], vector<16xf32>,
        %parallel_loop3A_261 = tpu.vector_load_idx %arg10[%parallel_loop3A_250] : memref<10000xf32, #tpu.memory_space<vmem>>[vector<16xi32>], vector<16xf32>,
        tpu.vector_store_idx %arg11[%parallel_loop3A_257], %parallel_loop3A_258 {add = true} : memref<10240xf32, #tpu.memory_space<vmem>>[vector<16xi32>], vector<16xf32>,
        tpu.vector_store_idx %arg12[%parallel_loop3A_257], %parallel_loop3A_259 {add = true} : memref<10000xf32, #tpu.memory_space<vmem>>[vector<16xi32>], vector<16xf32>,
        tpu.vector_store_idx %arg13[%parallel_loop3A_257], %parallel_loop3A_260 {add = true} : memref<10000xf32, #tpu.memory_space<vmem>>[vector<16xi32>], vector<16xf32>,
        tpu.vector_store_idx %arg14[%parallel_loop3A_257], %parallel_loop3A_261 {add = true} : memref<10000xf32, #tpu.memory_space<vmem>>[vector<16xi32>], vector<16xf32>,
      } {sc.loop_unroll_factor = 8 : i64, sc.parallel_access}
      %scan3A_242 = arith.constant 0 : i32
      scf.yield %scan3A_242 : i32
    }
    %scan3A_70 = arith.constant 40 : i32
    %scan3A_71 = arith.constant 0 : i32
    %scan3A_72 = arith.constant 0 : i32
    %scan3A_73 = arith.constant 625 : i32
    %scan3A_74 = arith.addi %scan3A_72, %scan3A_73 : i32
    %scan3A_75 = arith.constant 1 : i32
    %scan3A_76 = scf.for %scan3A_214 = %scan3A_72 to %scan3A_74 step %scan3A_75 iter_args(%scan3A_215 = %scan3A_71) -> (i32)  : i32 {
      %mul3A_216 = arith.constant 16 : i32
      %mul3A_217 = arith.muli %scan3A_214, %mul3A_216 : i32
      %get3A = arith.index_cast %mul3A_217 : i32 to index
      %get3A_218 = tpu.vector_load %arg11[%get3A] {strides = array<i32>} : memref<10240xf32, #tpu.memory_space<vmem>>, vector<16xf32>,
      %mul3A_219 = arith.constant 16 : i32
      %mul3A_220 = arith.muli %scan3A_214, %mul3A_219 : i32
      %get3A_221 = arith.index_cast %mul3A_220 : i32 to index
      %get3A_222 = tpu.vector_load %arg7[%get3A_221] {strides = array<i32>} : memref<10000xf32, #tpu.memory_space<vmem>>, vector<16xf32>,
      %mul3A_223 = arith.constant 16 : i32
      %mul3A_224 = arith.muli %scan3A_214, %mul3A_223 : i32
      %get3A_225 = arith.index_cast %mul3A_224 : i32 to index
      %get3A_226 = tpu.vector_load %arg17[%get3A_225] {strides = array<i32>} : memref<10240xf32, #tpu.memory_space<vmem>>, vector<16xf32>,
      %add3A_227 = arith.addf %get3A_218, %get3A_222 : vector<16xf32>
      %mul3A_228 = arith.mulf %add3A_227, %get3A_226 : vector<16xf32>
      %mul3A_229 = arith.constant 16 : i32
      %mul3A_230 = arith.muli %scan3A_214, %mul3A_229 : i32
      %swap3A = arith.index_cast %mul3A_230 : i32 to index
      %swap3A_231 = tpu.vector_load %arg11[%swap3A] {strides = array<i32>} : memref<10240xf32, #tpu.memory_space<vmem>>, vector<16xf32>,
      tpu.vector_store %arg11[%swap3A], %mul3A_228 {strides = array<i32>} : memref<10240xf32, #tpu.memory_space<vmem>>, vector<16xf32>,
      %scan3A_232 = arith.constant 0 : i32
      scf.yield %scan3A_232 : i32
    }
    %scan3A_77 = arith.constant 625 : i32
    %add3A_78 = arith.constant 0 : i32
    %add3A_79 = arith.addi %mul3A_7, %add3A_78 : i32
    "tpu.region"() ({
      %run_scoped3A = tpu.sem_alloc : memref<!tpu.dma_semaphore, #tpu.memory_space<semaphore_mem>>
      %dma_start3A_214 = arith.constant 0 : i32
      %dma_start3A_215 = tpu.memref_slice %arg11[%dma_start3A_214] : memref<10240xf32, #tpu.memory_space<vmem>> -> memref<10000xf32, #tpu.memory_space<vmem>>
      %dma_start3A_216 = tpu.memref_slice %arg6[%add3A_79] : memref<2621440xf32, #tpu.memory_space<hbm>> -> memref<10000xf32, #tpu.memory_space<hbm>>
      %dma_start3A_217 = tpu.memref_slice %arg6[%add3A_79] : memref<2621440xf32, #tpu.memory_space<hbm>> -> memref<10000xf32, #tpu.memory_space<hbm>>
      %dma_start3A_218 = arith.constant 0 : i32
      %dma_start3A_219 = tpu.memref_slice %arg11[%dma_start3A_218] : memref<10240xf32, #tpu.memory_space<vmem>> -> memref<10000xf32, #tpu.memory_space<vmem>>
      tpu.enqueue_dma source(%dma_start3A_219 : memref<10000xf32, #tpu.memory_space<vmem>>) target(%dma_start3A_217 : memref<10000xf32, #tpu.memory_space<hbm>>) target_semaphore(%run_scoped3A : memref<!tpu.dma_semaphore, #tpu.memory_space<semaphore_mem>>)
      %dma_wait3A = arith.constant 0 : i32
      %dma_wait3A_220 = tpu.memref_slice %arg11[%dma_wait3A] : memref<10240xf32, #tpu.memory_space<vmem>> -> memref<10000xf32, #tpu.memory_space<vmem>>
      %dma_wait3A_221 = tpu.memref_slice %arg6[%add3A_79] : memref<2621440xf32, #tpu.memory_space<hbm>> -> memref<10000xf32, #tpu.memory_space<hbm>>
      %dma_wait3A_222 = tpu.memref_slice %arg6[%add3A_79] : memref<2621440xf32, #tpu.memory_space<hbm>> -> memref<10000xf32, #tpu.memory_space<hbm>>
      %dma_wait3A_223 = arith.constant 0 : i32
      %dma_wait3A_224 = tpu.memref_slice %arg11[%dma_wait3A_223] : memref<10240xf32, #tpu.memory_space<vmem>> -> memref<10000xf32, #tpu.memory_space<vmem>>
      tpu.wait_dma2 semaphore(%run_scoped3A : memref<!tpu.dma_semaphore, #tpu.memory_space<semaphore_mem>>) src(%dma_wait3A_224 : memref<10000xf32, #tpu.memory_space<vmem>>) dst(%dma_wait3A_222 : memref<10000xf32, #tpu.memory_space<hbm>>)
      tpu.yield
    }) : () -> ()
    %scan3A_80 = arith.constant 0 : i32
    %scan3A_81 = arith.constant 0 : i32
    %scan3A_82 = arith.constant 625 : i32
    %scan3A_83 = arith.addi %scan3A_81, %scan3A_82 : i32
    %scan3A_84 = arith.constant 1 : i32
    %scan3A_85 = scf.for %scan3A_214 = %scan3A_81 to %scan3A_83 step %scan3A_84 iter_args(%scan3A_215 = %scan3A_80) -> (i32)  : i32 {
      %mul3A_216 = arith.constant 16 : i32
      %mul3A_217 = arith.muli %scan3A_214, %mul3A_216 : i32
      %get3A = arith.index_cast %mul3A_217 : i32 to index
      %get3A_218 = tpu.vector_load %arg12[%get3A] {strides = array<i32>} : memref<10000xf32, #tpu.memory_space<vmem>>, vector<16xf32>,
      %mul3A_219 = arith.constant 16 : i32
      %mul3A_220 = arith.muli %scan3A_214, %mul3A_219 : i32
      %get3A_221 = arith.index_cast %mul3A_220 : i32 to index
      %get3A_222 = tpu.vector_load %arg8[%get3A_221] {strides = array<i32>} : memref<10000xf32, #tpu.memory_space<vmem>>, vector<16xf32>,
      %mul3A_223 = arith.constant 16 : i32
      %mul3A_224 = arith.muli %scan3A_214, %mul3A_223 : i32
      %get3A_225 = arith.index_cast %mul3A_224 : i32 to index
      %get3A_226 = tpu.vector_load %arg17[%get3A_225] {strides = array<i32>} : memref<10240xf32, #tpu.memory_space<vmem>>, vector<16xf32>,
      %add3A_227 = arith.addf %get3A_218, %get3A_222 : vector<16xf32>
      %mul3A_228 = arith.mulf %add3A_227, %get3A_226 : vector<16xf32>
      %mul3A_229 = arith.constant 16 : i32
      %mul3A_230 = arith.muli %scan3A_214, %mul3A_229 : i32
      %swap3A = arith.index_cast %mul3A_230 : i32 to index
      %swap3A_231 = tpu.vector_load %arg12[%swap3A] {strides = array<i32>} : memref<10000xf32, #tpu.memory_space<vmem>>, vector<16xf32>,
      tpu.vector_store %arg12[%swap3A], %mul3A_228 {strides = array<i32>} : memref<10000xf32, #tpu.memory_space<vmem>>, vector<16xf32>,
      %scan3A_232 = arith.constant 0 : i32
      scf.yield %scan3A_232 : i32
    }
    %scan3A_86 = arith.constant 625 : i32
    %add3A_87 = arith.constant 10240 : i32
    %add3A_88 = arith.addi %mul3A_7, %add3A_87 : i32
    "tpu.region"() ({
      %run_scoped3A = tpu.sem_alloc : memref<!tpu.dma_semaphore, #tpu.memory_space<semaphore_mem>>
      %dma_start3A_214 = arith.constant 0 : i32
      %dma_start3A_215 = tpu.memref_slice %arg12[%dma_start3A_214] : memref<10000xf32, #tpu.memory_space<vmem>> -> memref<10000xf32, #tpu.memory_space<vmem>>
      %dma_start3A_216 = tpu.memref_slice %arg6[%add3A_88] : memref<2621440xf32, #tpu.memory_space<hbm>> -> memref<10000xf32, #tpu.memory_space<hbm>>
      %dma_start3A_217 = tpu.memref_slice %arg6[%add3A_88] : memref<2621440xf32, #tpu.memory_space<hbm>> -> memref<10000xf32, #tpu.memory_space<hbm>>
      %dma_start3A_218 = arith.constant 0 : i32
      %dma_start3A_219 = tpu.memref_slice %arg12[%dma_start3A_218] : memref<10000xf32, #tpu.memory_space<vmem>> -> memref<10000xf32, #tpu.memory_space<vmem>>
      tpu.enqueue_dma source(%dma_start3A_219 : memref<10000xf32, #tpu.memory_space<vmem>>) target(%dma_start3A_217 : memref<10000xf32, #tpu.memory_space<hbm>>) target_semaphore(%run_scoped3A : memref<!tpu.dma_semaphore, #tpu.memory_space<semaphore_mem>>)
      %dma_wait3A = arith.constant 0 : i32
      %dma_wait3A_220 = tpu.memref_slice %arg12[%dma_wait3A] : memref<10000xf32, #tpu.memory_space<vmem>> -> memref<10000xf32, #tpu.memory_space<vmem>>
      %dma_wait3A_221 = tpu.memref_slice %arg6[%add3A_88] : memref<2621440xf32, #tpu.memory_space<hbm>> -> memref<10000xf32, #tpu.memory_space<hbm>>
      %dma_wait3A_222 = tpu.memref_slice %arg6[%add3A_88] : memref<2621440xf32, #tpu.memory_space<hbm>> -> memref<10000xf32, #tpu.memory_space<hbm>>
      %dma_wait3A_223 = arith.constant 0 : i32
      %dma_wait3A_224 = tpu.memref_slice %arg12[%dma_wait3A_223] : memref<10000xf32, #tpu.memory_space<vmem>> -> memref<10000xf32, #tpu.memory_space<vmem>>
      tpu.wait_dma2 semaphore(%run_scoped3A : memref<!tpu.dma_semaphore, #tpu.memory_space<semaphore_mem>>) src(%dma_wait3A_224 : memref<10000xf32, #tpu.memory_space<vmem>>) dst(%dma_wait3A_222 : memref<10000xf32, #tpu.memory_space<hbm>>)
      tpu.yield
    }) : () -> ()
    %scan3A_89 = arith.constant 0 : i32
    %scan3A_90 = arith.constant 0 : i32
    %scan3A_91 = arith.constant 625 : i32
    %scan3A_92 = arith.addi %scan3A_90, %scan3A_91 : i32
    %scan3A_93 = arith.constant 1 : i32
    %scan3A_94 = scf.for %scan3A_214 = %scan3A_90 to %scan3A_92 step %scan3A_93 iter_args(%scan3A_215 = %scan3A_89) -> (i32)  : i32 {
      %mul3A_216 = arith.constant 16 : i32
      %mul3A_217 = arith.muli %scan3A_214, %mul3A_216 : i32
      %get3A = arith.index_cast %mul3A_217 : i32 to index
      %get3A_218 = tpu.vector_load %arg13[%get3A] {strides = array<i32>} : memref<10000xf32, #tpu.memory_space<vmem>>, vector<16xf32>,
      %mul3A_219 = arith.constant 16 : i32
      %mul3A_220 = arith.muli %scan3A_214, %mul3A_219 : i32
      %get3A_221 = arith.index_cast %mul3A_220 : i32 to index
      %get3A_222 = tpu.vector_load %arg9[%get3A_221] {strides = array<i32>} : memref<10000xf32, #tpu.memory_space<vmem>>, vector<16xf32>,
      %mul3A_223 = arith.constant 16 : i32
      %mul3A_224 = arith.muli %scan3A_214, %mul3A_223 : i32
      %get3A_225 = arith.index_cast %mul3A_224 : i32 to index
      %get3A_226 = tpu.vector_load %arg17[%get3A_225] {strides = array<i32>} : memref<10240xf32, #tpu.memory_space<vmem>>, vector<16xf32>,
      %add3A_227 = arith.addf %get3A_218, %get3A_222 : vector<16xf32>
      %mul3A_228 = arith.mulf %add3A_227, %get3A_226 : vector<16xf32>
      %mul3A_229 = arith.constant 16 : i32
      %mul3A_230 = arith.muli %scan3A_214, %mul3A_229 : i32
      %swap3A = arith.index_cast %mul3A_230 : i32 to index
      %swap3A_231 = tpu.vector_load %arg13[%swap3A] {strides = array<i32>} : memref<10000xf32, #tpu.memory_space<vmem>>, vector<16xf32>,
      tpu.vector_store %arg13[%swap3A], %mul3A_228 {strides = array<i32>} : memref<10000xf32, #tpu.memory_space<vmem>>, vector<16xf32>,
      %scan3A_232 = arith.constant 0 : i32
      scf.yield %scan3A_232 : i32
    }
    %scan3A_95 = arith.constant 625 : i32
    %add3A_96 = arith.constant 20480 : i32
    %add3A_97 = arith.addi %mul3A_7, %add3A_96 : i32
    "tpu.region"() ({
      %run_scoped3A = tpu.sem_alloc : memref<!tpu.dma_semaphore, #tpu.memory_space<semaphore_mem>>
      %dma_start3A_214 = arith.constant 0 : i32
      %dma_start3A_215 = tpu.memref_slice %arg13[%dma_start3A_214] : memref<10000xf32, #tpu.memory_space<vmem>> -> memref<10000xf32, #tpu.memory_space<vmem>>
      %dma_start3A_216 = tpu.memref_slice %arg6[%add3A_97] : memref<2621440xf32, #tpu.memory_space<hbm>> -> memref<10000xf32, #tpu.memory_space<hbm>>
      %dma_start3A_217 = tpu.memref_slice %arg6[%add3A_97] : memref<2621440xf32, #tpu.memory_space<hbm>> -> memref<10000xf32, #tpu.memory_space<hbm>>
      %dma_start3A_218 = arith.constant 0 : i32
      %dma_start3A_219 = tpu.memref_slice %arg13[%dma_start3A_218] : memref<10000xf32, #tpu.memory_space<vmem>> -> memref<10000xf32, #tpu.memory_space<vmem>>
      tpu.enqueue_dma source(%dma_start3A_219 : memref<10000xf32, #tpu.memory_space<vmem>>) target(%dma_start3A_217 : memref<10000xf32, #tpu.memory_space<hbm>>) target_semaphore(%run_scoped3A : memref<!tpu.dma_semaphore, #tpu.memory_space<semaphore_mem>>)
      %dma_wait3A = arith.constant 0 : i32
      %dma_wait3A_220 = tpu.memref_slice %arg13[%dma_wait3A] : memref<10000xf32, #tpu.memory_space<vmem>> -> memref<10000xf32, #tpu.memory_space<vmem>>
      %dma_wait3A_221 = tpu.memref_slice %arg6[%add3A_97] : memref<2621440xf32, #tpu.memory_space<hbm>> -> memref<10000xf32, #tpu.memory_space<hbm>>
      %dma_wait3A_222 = tpu.memref_slice %arg6[%add3A_97] : memref<2621440xf32, #tpu.memory_space<hbm>> -> memref<10000xf32, #tpu.memory_space<hbm>>
      %dma_wait3A_223 = arith.constant 0 : i32
      %dma_wait3A_224 = tpu.memref_slice %arg13[%dma_wait3A_223] : memref<10000xf32, #tpu.memory_space<vmem>> -> memref<10000xf32, #tpu.memory_space<vmem>>
      tpu.wait_dma2 semaphore(%run_scoped3A : memref<!tpu.dma_semaphore, #tpu.memory_space<semaphore_mem>>) src(%dma_wait3A_224 : memref<10000xf32, #tpu.memory_space<vmem>>) dst(%dma_wait3A_222 : memref<10000xf32, #tpu.memory_space<hbm>>)
      tpu.yield
    }) : () -> ()
    %scan3A_98 = arith.constant 0 : i32
    %scan3A_99 = arith.constant 0 : i32
    %scan3A_100 = arith.constant 625 : i32
    %scan3A_101 = arith.addi %scan3A_99, %scan3A_100 : i32
    %scan3A_102 = arith.constant 1 : i32
    %scan3A_103 = scf.for %scan3A_214 = %scan3A_99 to %scan3A_101 step %scan3A_102 iter_args(%scan3A_215 = %scan3A_98) -> (i32)  : i32 {
      %mul3A_216 = arith.constant 16 : i32
      %mul3A_217 = arith.muli %scan3A_214, %mul3A_216 : i32
      %get3A = arith.index_cast %mul3A_217 : i32 to index
      %get3A_218 = tpu.vector_load %arg14[%get3A] {strides = array<i32>} : memref<10000xf32, #tpu.memory_space<vmem>>, vector<16xf32>,
      %mul3A_219 = arith.constant 16 : i32
      %mul3A_220 = arith.muli %scan3A_214, %mul3A_219 : i32
      %get3A_221 = arith.index_cast %mul3A_220 : i32 to index
      %get3A_222 = tpu.vector_load %arg10[%get3A_221] {strides = array<i32>} : memref<10000xf32, #tpu.memory_space<vmem>>, vector<16xf32>,
      %mul3A_223 = arith.constant 16 : i32
      %mul3A_224 = arith.muli %scan3A_214, %mul3A_223 : i32
      %get3A_225 = arith.index_cast %mul3A_224 : i32 to index
      %get3A_226 = tpu.vector_load %arg17[%get3A_225] {strides = array<i32>} : memref<10240xf32, #tpu.memory_space<vmem>>, vector<16xf32>,
      %add3A_227 = arith.addf %get3A_218, %get3A_222 : vector<16xf32>
      %mul3A_228 = arith.mulf %add3A_227, %get3A_226 : vector<16xf32>
      %mul3A_229 = arith.constant 16 : i32
      %mul3A_230 = arith.muli %scan3A_214, %mul3A_229 : i32
      %swap3A = arith.index_cast %mul3A_230 : i32 to index
      %swap3A_231 = tpu.vector_load %arg14[%swap3A] {strides = array<i32>} : memref<10000xf32, #tpu.memory_space<vmem>>, vector<16xf32>,
      tpu.vector_store %arg14[%swap3A], %mul3A_228 {strides = array<i32>} : memref<10000xf32, #tpu.memory_space<vmem>>, vector<16xf32>,
      %scan3A_232 = arith.constant 0 : i32
      scf.yield %scan3A_232 : i32
    }
    %scan3A_104 = arith.constant 625 : i32
    %add3A_105 = arith.constant 30720 : i32
    %add3A_106 = arith.addi %mul3A_7, %add3A_105 : i32
    "tpu.region"() ({
      %run_scoped3A = tpu.sem_alloc : memref<!tpu.dma_semaphore, #tpu.memory_space<semaphore_mem>>
      %dma_start3A_214 = arith.constant 0 : i32
      %dma_start3A_215 = tpu.memref_slice %arg14[%dma_start3A_214] : memref<10000xf32, #tpu.memory_space<vmem>> -> memref<10000xf32, #tpu.memory_space<vmem>>
      %dma_start3A_216 = tpu.memref_slice %arg6[%add3A_106] : memref<2621440xf32, #tpu.memory_space<hbm>> -> memref<10000xf32, #tpu.memory_space<hbm>>
      %dma_start3A_217 = tpu.memref_slice %arg6[%add3A_106] : memref<2621440xf32, #tpu.memory_space<hbm>> -> memref<10000xf32, #tpu.memory_space<hbm>>
      %dma_start3A_218 = arith.constant 0 : i32
      %dma_start3A_219 = tpu.memref_slice %arg14[%dma_start3A_218] : memref<10000xf32, #tpu.memory_space<vmem>> -> memref<10000xf32, #tpu.memory_space<vmem>>
      tpu.enqueue_dma source(%dma_start3A_219 : memref<10000xf32, #tpu.memory_space<vmem>>) target(%dma_start3A_217 : memref<10000xf32, #tpu.memory_space<hbm>>) target_semaphore(%run_scoped3A : memref<!tpu.dma_semaphore, #tpu.memory_space<semaphore_mem>>)
      %dma_wait3A = arith.constant 0 : i32
      %dma_wait3A_220 = tpu.memref_slice %arg14[%dma_wait3A] : memref<10000xf32, #tpu.memory_space<vmem>> -> memref<10000xf32, #tpu.memory_space<vmem>>
      %dma_wait3A_221 = tpu.memref_slice %arg6[%add3A_106] : memref<2621440xf32, #tpu.memory_space<hbm>> -> memref<10000xf32, #tpu.memory_space<hbm>>
      %dma_wait3A_222 = tpu.memref_slice %arg6[%add3A_106] : memref<2621440xf32, #tpu.memory_space<hbm>> -> memref<10000xf32, #tpu.memory_space<hbm>>
      %dma_wait3A_223 = arith.constant 0 : i32
      %dma_wait3A_224 = tpu.memref_slice %arg14[%dma_wait3A_223] : memref<10000xf32, #tpu.memory_space<vmem>> -> memref<10000xf32, #tpu.memory_space<vmem>>
      tpu.wait_dma2 semaphore(%run_scoped3A : memref<!tpu.dma_semaphore, #tpu.memory_space<semaphore_mem>>) src(%dma_wait3A_224 : memref<10000xf32, #tpu.memory_space<vmem>>) dst(%dma_wait3A_222 : memref<10000xf32, #tpu.memory_space<hbm>>)
      tpu.yield
    }) : () -> ()
    %mul3A_107 = arith.constant 4 : i32
    %mul3A_108 = arith.muli %add3A, %mul3A_107 : i32
    %add3A_109 = arith.constant 128 : i32
    %add3A_110 = arith.addi %mul3A_108, %add3A_109 : i32
    %mul3A_111 = arith.constant 10240 : i32
    %mul3A_112 = arith.muli %add3A_110, %mul3A_111 : i32
    %add3A_113 = arith.constant 0 : i32
    %add3A_114 = arith.addi %mul3A_112, %add3A_113 : i32
    "tpu.region"() ({
      %run_scoped3A = tpu.sem_alloc : memref<!tpu.dma_semaphore, #tpu.memory_space<semaphore_mem>>
      %dma_start3A_214 = tpu.memref_slice %arg2[%add3A_114] : memref<2621440xf32, #tpu.memory_space<hbm>> -> memref<10000xf32, #tpu.memory_space<hbm>>
      %dma_start3A_215 = tpu.memref_slice %arg2[%add3A_114] : memref<2621440xf32, #tpu.memory_space<hbm>> -> memref<10000xf32, #tpu.memory_space<hbm>>
      tpu.enqueue_dma source(%dma_start3A_215 : memref<10000xf32, #tpu.memory_space<hbm>>) target(%arg7 : memref<10000xf32, #tpu.memory_space<vmem>>) target_semaphore(%run_scoped3A : memref<!tpu.dma_semaphore, #tpu.memory_space<semaphore_mem>>)
      %dma_wait3A = tpu.memref_slice %arg2[%add3A_114] : memref<2621440xf32, #tpu.memory_space<hbm>> -> memref<10000xf32, #tpu.memory_space<hbm>>
      %dma_wait3A_216 = tpu.memref_slice %arg2[%add3A_114] : memref<2621440xf32, #tpu.memory_space<hbm>> -> memref<10000xf32, #tpu.memory_space<hbm>>
      tpu.wait_dma2 semaphore(%run_scoped3A : memref<!tpu.dma_semaphore, #tpu.memory_space<semaphore_mem>>) src(%dma_wait3A_216 : memref<10000xf32, #tpu.memory_space<hbm>>) dst(%arg7 : memref<10000xf32, #tpu.memory_space<vmem>>)
      tpu.yield
    }) : () -> ()
    %scan3A_115 = arith.constant 0 : i32
    %scan3A_116 = arith.constant 0 : i32
    %scan3A_117 = arith.constant 625 : i32
    %scan3A_118 = arith.addi %scan3A_116, %scan3A_117 : i32
    %scan3A_119 = arith.constant 1 : i32
    %scan3A_120 = scf.for %scan3A_214 = %scan3A_116 to %scan3A_118 step %scan3A_119 iter_args(%scan3A_215 = %scan3A_115) -> (i32)  : i32 {
      %broadcast_in_dim3A_216 = arith.constant 0.000000e+00 : f32
      %broadcast_in_dim3A_217 = vector.broadcast %broadcast_in_dim3A_216 : f32 to vector<16xf32>
      %mul3A_218 = arith.constant 16 : i32
      %mul3A_219 = arith.muli %scan3A_214, %mul3A_218 : i32
      %add3A_220 = arith.constant 0 : i32
      %add3A_221 = arith.addi %add3A_220, %mul3A_219 : i32
      %swap3A = arith.index_cast %add3A_221 : i32 to index
      %swap3A_222 = tpu.vector_load %arg11[%swap3A] {strides = array<i32>} : memref<10240xf32, #tpu.memory_space<vmem>>, vector<16xf32>,
      tpu.vector_store %arg11[%swap3A], %broadcast_in_dim3A_217 {strides = array<i32>} : memref<10240xf32, #tpu.memory_space<vmem>>, vector<16xf32>,
      %scan3A_223 = arith.constant 0 : i32
      scf.yield %scan3A_223 : i32
    }
    %scan3A_121 = arith.constant 625 : i32
    %add3A_122 = arith.constant 10240 : i32
    %add3A_123 = arith.addi %mul3A_112, %add3A_122 : i32
    "tpu.region"() ({
      %run_scoped3A = tpu.sem_alloc : memref<!tpu.dma_semaphore, #tpu.memory_space<semaphore_mem>>
      %dma_start3A_214 = tpu.memref_slice %arg2[%add3A_123] : memref<2621440xf32, #tpu.memory_space<hbm>> -> memref<10000xf32, #tpu.memory_space<hbm>>
      %dma_start3A_215 = tpu.memref_slice %arg2[%add3A_123] : memref<2621440xf32, #tpu.memory_space<hbm>> -> memref<10000xf32, #tpu.memory_space<hbm>>
      tpu.enqueue_dma source(%dma_start3A_215 : memref<10000xf32, #tpu.memory_space<hbm>>) target(%arg8 : memref<10000xf32, #tpu.memory_space<vmem>>) target_semaphore(%run_scoped3A : memref<!tpu.dma_semaphore, #tpu.memory_space<semaphore_mem>>)
      %dma_wait3A = tpu.memref_slice %arg2[%add3A_123] : memref<2621440xf32, #tpu.memory_space<hbm>> -> memref<10000xf32, #tpu.memory_space<hbm>>
      %dma_wait3A_216 = tpu.memref_slice %arg2[%add3A_123] : memref<2621440xf32, #tpu.memory_space<hbm>> -> memref<10000xf32, #tpu.memory_space<hbm>>
      tpu.wait_dma2 semaphore(%run_scoped3A : memref<!tpu.dma_semaphore, #tpu.memory_space<semaphore_mem>>) src(%dma_wait3A_216 : memref<10000xf32, #tpu.memory_space<hbm>>) dst(%arg8 : memref<10000xf32, #tpu.memory_space<vmem>>)
      tpu.yield
    }) : () -> ()
    %scan3A_124 = arith.constant 0 : i32
    %scan3A_125 = arith.constant 0 : i32
    %scan3A_126 = arith.constant 625 : i32
    %scan3A_127 = arith.addi %scan3A_125, %scan3A_126 : i32
    %scan3A_128 = arith.constant 1 : i32
    %scan3A_129 = scf.for %scan3A_214 = %scan3A_125 to %scan3A_127 step %scan3A_128 iter_args(%scan3A_215 = %scan3A_124) -> (i32)  : i32 {
      %broadcast_in_dim3A_216 = arith.constant 0.000000e+00 : f32
      %broadcast_in_dim3A_217 = vector.broadcast %broadcast_in_dim3A_216 : f32 to vector<16xf32>
      %mul3A_218 = arith.constant 16 : i32
      %mul3A_219 = arith.muli %scan3A_214, %mul3A_218 : i32
      %add3A_220 = arith.constant 0 : i32
      %add3A_221 = arith.addi %add3A_220, %mul3A_219 : i32
      %swap3A = arith.index_cast %add3A_221 : i32 to index
      %swap3A_222 = tpu.vector_load %arg12[%swap3A] {strides = array<i32>} : memref<10000xf32, #tpu.memory_space<vmem>>, vector<16xf32>,
      tpu.vector_store %arg12[%swap3A], %broadcast_in_dim3A_217 {strides = array<i32>} : memref<10000xf32, #tpu.memory_space<vmem>>, vector<16xf32>,
      %scan3A_223 = arith.constant 0 : i32
      scf.yield %scan3A_223 : i32
    }
    %scan3A_130 = arith.constant 625 : i32
    %add3A_131 = arith.constant 20480 : i32
    %add3A_132 = arith.addi %mul3A_112, %add3A_131 : i32
    "tpu.region"() ({
      %run_scoped3A = tpu.sem_alloc : memref<!tpu.dma_semaphore, #tpu.memory_space<semaphore_mem>>
      %dma_start3A_214 = tpu.memref_slice %arg2[%add3A_132] : memref<2621440xf32, #tpu.memory_space<hbm>> -> memref<10000xf32, #tpu.memory_space<hbm>>
      %dma_start3A_215 = tpu.memref_slice %arg2[%add3A_132] : memref<2621440xf32, #tpu.memory_space<hbm>> -> memref<10000xf32, #tpu.memory_space<hbm>>
      tpu.enqueue_dma source(%dma_start3A_215 : memref<10000xf32, #tpu.memory_space<hbm>>) target(%arg9 : memref<10000xf32, #tpu.memory_space<vmem>>) target_semaphore(%run_scoped3A : memref<!tpu.dma_semaphore, #tpu.memory_space<semaphore_mem>>)
      %dma_wait3A = tpu.memref_slice %arg2[%add3A_132] : memref<2621440xf32, #tpu.memory_space<hbm>> -> memref<10000xf32, #tpu.memory_space<hbm>>
      %dma_wait3A_216 = tpu.memref_slice %arg2[%add3A_132] : memref<2621440xf32, #tpu.memory_space<hbm>> -> memref<10000xf32, #tpu.memory_space<hbm>>
      tpu.wait_dma2 semaphore(%run_scoped3A : memref<!tpu.dma_semaphore, #tpu.memory_space<semaphore_mem>>) src(%dma_wait3A_216 : memref<10000xf32, #tpu.memory_space<hbm>>) dst(%arg9 : memref<10000xf32, #tpu.memory_space<vmem>>)
      tpu.yield
    }) : () -> ()
    %scan3A_133 = arith.constant 0 : i32
    %scan3A_134 = arith.constant 0 : i32
    %scan3A_135 = arith.constant 625 : i32
    %scan3A_136 = arith.addi %scan3A_134, %scan3A_135 : i32
    %scan3A_137 = arith.constant 1 : i32
    %scan3A_138 = scf.for %scan3A_214 = %scan3A_134 to %scan3A_136 step %scan3A_137 iter_args(%scan3A_215 = %scan3A_133) -> (i32)  : i32 {
      %broadcast_in_dim3A_216 = arith.constant 0.000000e+00 : f32
      %broadcast_in_dim3A_217 = vector.broadcast %broadcast_in_dim3A_216 : f32 to vector<16xf32>
      %mul3A_218 = arith.constant 16 : i32
      %mul3A_219 = arith.muli %scan3A_214, %mul3A_218 : i32
      %add3A_220 = arith.constant 0 : i32
      %add3A_221 = arith.addi %add3A_220, %mul3A_219 : i32
      %swap3A = arith.index_cast %add3A_221 : i32 to index
      %swap3A_222 = tpu.vector_load %arg13[%swap3A] {strides = array<i32>} : memref<10000xf32, #tpu.memory_space<vmem>>, vector<16xf32>,
      tpu.vector_store %arg13[%swap3A], %broadcast_in_dim3A_217 {strides = array<i32>} : memref<10000xf32, #tpu.memory_space<vmem>>, vector<16xf32>,
      %scan3A_223 = arith.constant 0 : i32
      scf.yield %scan3A_223 : i32
    }
    %scan3A_139 = arith.constant 625 : i32
    %add3A_140 = arith.constant 30720 : i32
    %add3A_141 = arith.addi %mul3A_112, %add3A_140 : i32
    "tpu.region"() ({
      %run_scoped3A = tpu.sem_alloc : memref<!tpu.dma_semaphore, #tpu.memory_space<semaphore_mem>>
      %dma_start3A_214 = tpu.memref_slice %arg2[%add3A_141] : memref<2621440xf32, #tpu.memory_space<hbm>> -> memref<10000xf32, #tpu.memory_space<hbm>>
      %dma_start3A_215 = tpu.memref_slice %arg2[%add3A_141] : memref<2621440xf32, #tpu.memory_space<hbm>> -> memref<10000xf32, #tpu.memory_space<hbm>>
      tpu.enqueue_dma source(%dma_start3A_215 : memref<10000xf32, #tpu.memory_space<hbm>>) target(%arg10 : memref<10000xf32, #tpu.memory_space<vmem>>) target_semaphore(%run_scoped3A : memref<!tpu.dma_semaphore, #tpu.memory_space<semaphore_mem>>)
      %dma_wait3A = tpu.memref_slice %arg2[%add3A_141] : memref<2621440xf32, #tpu.memory_space<hbm>> -> memref<10000xf32, #tpu.memory_space<hbm>>
      %dma_wait3A_216 = tpu.memref_slice %arg2[%add3A_141] : memref<2621440xf32, #tpu.memory_space<hbm>> -> memref<10000xf32, #tpu.memory_space<hbm>>
      tpu.wait_dma2 semaphore(%run_scoped3A : memref<!tpu.dma_semaphore, #tpu.memory_space<semaphore_mem>>) src(%dma_wait3A_216 : memref<10000xf32, #tpu.memory_space<hbm>>) dst(%arg10 : memref<10000xf32, #tpu.memory_space<vmem>>)
      tpu.yield
    }) : () -> ()
    %scan3A_142 = arith.constant 0 : i32
    %scan3A_143 = arith.constant 0 : i32
    %scan3A_144 = arith.constant 625 : i32
    %scan3A_145 = arith.addi %scan3A_143, %scan3A_144 : i32
    %scan3A_146 = arith.constant 1 : i32
    %scan3A_147 = scf.for %scan3A_214 = %scan3A_143 to %scan3A_145 step %scan3A_146 iter_args(%scan3A_215 = %scan3A_142) -> (i32)  : i32 {
      %broadcast_in_dim3A_216 = arith.constant 0.000000e+00 : f32
      %broadcast_in_dim3A_217 = vector.broadcast %broadcast_in_dim3A_216 : f32 to vector<16xf32>
      %mul3A_218 = arith.constant 16 : i32
      %mul3A_219 = arith.muli %scan3A_214, %mul3A_218 : i32
      %add3A_220 = arith.constant 0 : i32
      %add3A_221 = arith.addi %add3A_220, %mul3A_219 : i32
      %swap3A = arith.index_cast %add3A_221 : i32 to index
      %swap3A_222 = tpu.vector_load %arg14[%swap3A] {strides = array<i32>} : memref<10000xf32, #tpu.memory_space<vmem>>, vector<16xf32>,
      tpu.vector_store %arg14[%swap3A], %broadcast_in_dim3A_217 {strides = array<i32>} : memref<10000xf32, #tpu.memory_space<vmem>>, vector<16xf32>,
      %scan3A_223 = arith.constant 0 : i32
      scf.yield %scan3A_223 : i32
    }
    %scan3A_148 = arith.constant 625 : i32
    %dma_start3A_149 = arith.constant 0 : i32
    %dma_start3A_150 = arith.constant 0 : i32
    %dma_start3A_151 = tpu.memref_slice %arg15[%dma_start3A_150] : memref<8000xi32, #tpu.memory_space<vmem>> -> memref<4000xi32, #tpu.memory_space<vmem>>
    %dma_start3A_152 = arith.constant 0 : i32
    %dma_start3A_153 = tpu.memref_slice %arg4[%dma_start3A_152] : memref<160000xi32, #tpu.memory_space<hbm>> -> memref<4000xi32, #tpu.memory_space<hbm>>
    %dma_start3A_154 = tpu.memref_slice %arg21[%dma_start3A_149] : memref<2x!tpu.dma_semaphore, #tpu.memory_space<semaphore_mem>> -> memref<1x!tpu.dma_semaphore, #tpu.memory_space<semaphore_mem>>
    %dma_start3A_155 = tpu.memref_squeeze %dma_start3A_154 : memref<1x!tpu.dma_semaphore, #tpu.memory_space<semaphore_mem>> -> memref<!tpu.dma_semaphore, #tpu.memory_space<semaphore_mem>>
    %dma_start3A_156 = arith.constant 0 : i32
    %dma_start3A_157 = tpu.memref_slice %arg15[%dma_start3A_156] : memref<8000xi32, #tpu.memory_space<vmem>> -> memref<4000xi32, #tpu.memory_space<vmem>>
    %dma_start3A_158 = arith.constant 0 : i32
    %dma_start3A_159 = tpu.memref_slice %arg4[%dma_start3A_158] : memref<160000xi32, #tpu.memory_space<hbm>> -> memref<4000xi32, #tpu.memory_space<hbm>>
    tpu.enqueue_dma source(%dma_start3A_159 : memref<4000xi32, #tpu.memory_space<hbm>>) target(%dma_start3A_157 : memref<4000xi32, #tpu.memory_space<vmem>>) target_semaphore(%dma_start3A_155 : memref<!tpu.dma_semaphore, #tpu.memory_space<semaphore_mem>>)
    %dma_start3A_160 = arith.constant 0 : i32
    %dma_start3A_161 = arith.constant 0 : i32
    %dma_start3A_162 = tpu.memref_slice %arg16[%dma_start3A_161] : memref<8000xi32, #tpu.memory_space<vmem>> -> memref<4000xi32, #tpu.memory_space<vmem>>
    %dma_start3A_163 = arith.constant 0 : i32
    %dma_start3A_164 = tpu.memref_slice %arg3[%dma_start3A_163] : memref<160000xi32, #tpu.memory_space<hbm>> -> memref<4000xi32, #tpu.memory_space<hbm>>
    %dma_start3A_165 = tpu.memref_slice %arg21[%dma_start3A_160] : memref<2x!tpu.dma_semaphore, #tpu.memory_space<semaphore_mem>> -> memref<1x!tpu.dma_semaphore, #tpu.memory_space<semaphore_mem>>
    %dma_start3A_166 = tpu.memref_squeeze %dma_start3A_165 : memref<1x!tpu.dma_semaphore, #tpu.memory_space<semaphore_mem>> -> memref<!tpu.dma_semaphore, #tpu.memory_space<semaphore_mem>>
    %dma_start3A_167 = arith.constant 0 : i32
    %dma_start3A_168 = tpu.memref_slice %arg16[%dma_start3A_167] : memref<8000xi32, #tpu.memory_space<vmem>> -> memref<4000xi32, #tpu.memory_space<vmem>>
    %dma_start3A_169 = arith.constant 0 : i32
    %dma_start3A_170 = tpu.memref_slice %arg3[%dma_start3A_169] : memref<160000xi32, #tpu.memory_space<hbm>> -> memref<4000xi32, #tpu.memory_space<hbm>>
    tpu.enqueue_dma source(%dma_start3A_170 : memref<4000xi32, #tpu.memory_space<hbm>>) target(%dma_start3A_168 : memref<4000xi32, #tpu.memory_space<vmem>>) target_semaphore(%dma_start3A_166 : memref<!tpu.dma_semaphore, #tpu.memory_space<semaphore_mem>>)
    %scan3A_171 = arith.constant 0 : i32
    %scan3A_172 = arith.constant 0 : i32
    %scan3A_173 = arith.constant 40 : i32
    %scan3A_174 = arith.addi %scan3A_172, %scan3A_173 : i32
    %scan3A_175 = arith.constant 1 : i32
    %scan3A_176 = scf.for %scan3A_214 = %scan3A_172 to %scan3A_174 step %scan3A_175 iter_args(%scan3A_215 = %scan3A_171) -> (i32)  : i32 {
      %rem3A = arith.constant 2 : i32
      %rem3A_216 = arith.remsi %scan3A_214, %rem3A : i32
      %add3A_217 = arith.constant 1 : i32
      %add3A_218 = arith.addi %scan3A_214, %add3A_217 : i32
      %lt3A = arith.constant 40 : i32
      %lt3A_219 = arith.cmpi slt, %add3A_218, %lt3A : i32
      %convert_element_type3A = arith.extui %lt3A_219 : i1 to i32
      %cond3A = arith.constant 0 : i32
      %cond3A_220 = arith.cmpi ne, %convert_element_type3A, %cond3A : i32
      scf.if %cond3A_220 {
        %add3A_243 = arith.constant 1 : i32
        %add3A_244 = arith.addi %scan3A_214, %add3A_243 : i32
        %sub3A = arith.constant 1 : i32
        %sub3A_245 = arith.subi %sub3A, %rem3A_216 : i32
        %mul3A_246 = arith.constant 4000 : i32
        %mul3A_247 = arith.muli %add3A_244, %mul3A_246 : i32
        %mul3A_248 = arith.constant 4000 : i32
        %mul3A_249 = arith.muli %sub3A_245, %mul3A_248 : i32
        %dma_start3A_250 = tpu.memref_slice %arg15[%mul3A_249] : memref<8000xi32, #tpu.memory_space<vmem>> -> memref<4000xi32, #tpu.memory_space<vmem>>
        %dma_start3A_251 = tpu.memref_slice %arg4[%mul3A_247] : memref<160000xi32, #tpu.memory_space<hbm>> -> memref<4000xi32, #tpu.memory_space<hbm>>
        %dma_start3A_252 = tpu.memref_slice %arg21[%sub3A_245] : memref<2x!tpu.dma_semaphore, #tpu.memory_space<semaphore_mem>> -> memref<1x!tpu.dma_semaphore, #tpu.memory_space<semaphore_mem>>
        %dma_start3A_253 = tpu.memref_squeeze %dma_start3A_252 : memref<1x!tpu.dma_semaphore, #tpu.memory_space<semaphore_mem>> -> memref<!tpu.dma_semaphore, #tpu.memory_space<semaphore_mem>>
        %dma_start3A_254 = tpu.memref_slice %arg15[%mul3A_249] : memref<8000xi32, #tpu.memory_space<vmem>> -> memref<4000xi32, #tpu.memory_space<vmem>>
        %dma_start3A_255 = tpu.memref_slice %arg4[%mul3A_247] : memref<160000xi32, #tpu.memory_space<hbm>> -> memref<4000xi32, #tpu.memory_space<hbm>>
        tpu.enqueue_dma source(%dma_start3A_255 : memref<4000xi32, #tpu.memory_space<hbm>>) target(%dma_start3A_254 : memref<4000xi32, #tpu.memory_space<vmem>>) target_semaphore(%dma_start3A_253 : memref<!tpu.dma_semaphore, #tpu.memory_space<semaphore_mem>>)
        %mul3A_256 = arith.constant 4000 : i32
        %mul3A_257 = arith.muli %add3A_244, %mul3A_256 : i32
        %mul3A_258 = arith.constant 4000 : i32
        %mul3A_259 = arith.muli %sub3A_245, %mul3A_258 : i32
        %dma_start3A_260 = tpu.memref_slice %arg16[%mul3A_259] : memref<8000xi32, #tpu.memory_space<vmem>> -> memref<4000xi32, #tpu.memory_space<vmem>>
        %dma_start3A_261 = tpu.memref_slice %arg3[%mul3A_257] : memref<160000xi32, #tpu.memory_space<hbm>> -> memref<4000xi32, #tpu.memory_space<hbm>>
        %dma_start3A_262 = tpu.memref_slice %arg21[%sub3A_245] : memref<2x!tpu.dma_semaphore, #tpu.memory_space<semaphore_mem>> -> memref<1x!tpu.dma_semaphore, #tpu.memory_space<semaphore_mem>>
        %dma_start3A_263 = tpu.memref_squeeze %dma_start3A_262 : memref<1x!tpu.dma_semaphore, #tpu.memory_space<semaphore_mem>> -> memref<!tpu.dma_semaphore, #tpu.memory_space<semaphore_mem>>
        %dma_start3A_264 = tpu.memref_slice %arg16[%mul3A_259] : memref<8000xi32, #tpu.memory_space<vmem>> -> memref<4000xi32, #tpu.memory_space<vmem>>
        %dma_start3A_265 = tpu.memref_slice %arg3[%mul3A_257] : memref<160000xi32, #tpu.memory_space<hbm>> -> memref<4000xi32, #tpu.memory_space<hbm>>
        tpu.enqueue_dma source(%dma_start3A_265 : memref<4000xi32, #tpu.memory_space<hbm>>) target(%dma_start3A_264 : memref<4000xi32, #tpu.memory_space<vmem>>) target_semaphore(%dma_start3A_263 : memref<!tpu.dma_semaphore, #tpu.memory_space<semaphore_mem>>)
      } else {
      }
      %mul3A_221 = arith.constant 4000 : i32
      %mul3A_222 = arith.muli %rem3A_216, %mul3A_221 : i32
      %dma_wait3A = tpu.memref_slice %arg15[%mul3A_222] : memref<8000xi32, #tpu.memory_space<vmem>> -> memref<4000xi32, #tpu.memory_space<vmem>>
      %dma_wait3A_223 = arith.constant 0 : i32
      %dma_wait3A_224 = tpu.memref_slice %arg4[%dma_wait3A_223] : memref<160000xi32, #tpu.memory_space<hbm>> -> memref<4000xi32, #tpu.memory_space<hbm>>
      %dma_wait3A_225 = tpu.memref_slice %arg21[%rem3A_216] : memref<2x!tpu.dma_semaphore, #tpu.memory_space<semaphore_mem>> -> memref<1x!tpu.dma_semaphore, #tpu.memory_space<semaphore_mem>>
      %dma_wait3A_226 = tpu.memref_squeeze %dma_wait3A_225 : memref<1x!tpu.dma_semaphore, #tpu.memory_space<semaphore_mem>> -> memref<!tpu.dma_semaphore, #tpu.memory_space<semaphore_mem>>
      %dma_wait3A_227 = tpu.memref_slice %arg15[%mul3A_222] : memref<8000xi32, #tpu.memory_space<vmem>> -> memref<4000xi32, #tpu.memory_space<vmem>>
      %dma_wait3A_228 = arith.constant 0 : i32
      %dma_wait3A_229 = tpu.memref_slice %arg4[%dma_wait3A_228] : memref<160000xi32, #tpu.memory_space<hbm>> -> memref<4000xi32, #tpu.memory_space<hbm>>
      tpu.wait_dma2 semaphore(%dma_wait3A_226 : memref<!tpu.dma_semaphore, #tpu.memory_space<semaphore_mem>>) src(%dma_wait3A_229 : memref<4000xi32, #tpu.memory_space<hbm>>) dst(%dma_wait3A_227 : memref<4000xi32, #tpu.memory_space<vmem>>)
      %mul3A_230 = arith.constant 4000 : i32
      %mul3A_231 = arith.muli %rem3A_216, %mul3A_230 : i32
      %dma_wait3A_232 = tpu.memref_slice %arg16[%mul3A_231] : memref<8000xi32, #tpu.memory_space<vmem>> -> memref<4000xi32, #tpu.memory_space<vmem>>
      %dma_wait3A_233 = arith.constant 0 : i32
      %dma_wait3A_234 = tpu.memref_slice %arg3[%dma_wait3A_233] : memref<160000xi32, #tpu.memory_space<hbm>> -> memref<4000xi32, #tpu.memory_space<hbm>>
      %dma_wait3A_235 = tpu.memref_slice %arg21[%rem3A_216] : memref<2x!tpu.dma_semaphore, #tpu.memory_space<semaphore_mem>> -> memref<1x!tpu.dma_semaphore, #tpu.memory_space<semaphore_mem>>
      %dma_wait3A_236 = tpu.memref_squeeze %dma_wait3A_235 : memref<1x!tpu.dma_semaphore, #tpu.memory_space<semaphore_mem>> -> memref<!tpu.dma_semaphore, #tpu.memory_space<semaphore_mem>>
      %dma_wait3A_237 = tpu.memref_slice %arg16[%mul3A_231] : memref<8000xi32, #tpu.memory_space<vmem>> -> memref<4000xi32, #tpu.memory_space<vmem>>
      %dma_wait3A_238 = arith.constant 0 : i32
      %dma_wait3A_239 = tpu.memref_slice %arg3[%dma_wait3A_238] : memref<160000xi32, #tpu.memory_space<hbm>> -> memref<4000xi32, #tpu.memory_space<hbm>>
      tpu.wait_dma2 semaphore(%dma_wait3A_236 : memref<!tpu.dma_semaphore, #tpu.memory_space<semaphore_mem>>) src(%dma_wait3A_239 : memref<4000xi32, #tpu.memory_space<hbm>>) dst(%dma_wait3A_237 : memref<4000xi32, #tpu.memory_space<vmem>>)
      %parallel_loop3A = arith.constant 0 : i32
      %parallel_loop3A_240 = arith.constant 250 : i32
      %parallel_loop3A_241 = arith.constant 1 : i32
      scf.for %parallel_loop3A_243 = %parallel_loop3A to %parallel_loop3A_240 step %parallel_loop3A_241  : i32 {
        %parallel_loop3A_244 = arith.constant 4000 : i32
        %parallel_loop3A_245 = arith.muli %rem3A_216, %parallel_loop3A_244 : i32
        %parallel_loop3A_246 = arith.constant 16 : i32
        %parallel_loop3A_247 = arith.muli %parallel_loop3A_243, %parallel_loop3A_246 : i32
        %parallel_loop3A_248 = arith.addi %parallel_loop3A_245, %parallel_loop3A_247 : i32
        %parallel_loop3A_249 = arith.index_cast %parallel_loop3A_248 : i32 to index
        %parallel_loop3A_250 = tpu.vector_load %arg15[%parallel_loop3A_249] {strides = array<i32>} : memref<8000xi32, #tpu.memory_space<vmem>>, vector<16xi32>,
        %parallel_loop3A_251 = arith.constant 4000 : i32
        %parallel_loop3A_252 = arith.muli %rem3A_216, %parallel_loop3A_251 : i32
        %parallel_loop3A_253 = arith.constant 16 : i32
        %parallel_loop3A_254 = arith.muli %parallel_loop3A_243, %parallel_loop3A_253 : i32
        %parallel_loop3A_255 = arith.addi %parallel_loop3A_252, %parallel_loop3A_254 : i32
        %parallel_loop3A_256 = arith.index_cast %parallel_loop3A_255 : i32 to index
        %parallel_loop3A_257 = tpu.vector_load %arg16[%parallel_loop3A_256] {strides = array<i32>} : memref<8000xi32, #tpu.memory_space<vmem>>, vector<16xi32>,
        %parallel_loop3A_258 = tpu.vector_load_idx %arg7[%parallel_loop3A_250] : memref<10000xf32, #tpu.memory_space<vmem>>[vector<16xi32>], vector<16xf32>,
        %parallel_loop3A_259 = tpu.vector_load_idx %arg8[%parallel_loop3A_250] : memref<10000xf32, #tpu.memory_space<vmem>>[vector<16xi32>], vector<16xf32>,
        %parallel_loop3A_260 = tpu.vector_load_idx %arg9[%parallel_loop3A_250] : memref<10000xf32, #tpu.memory_space<vmem>>[vector<16xi32>], vector<16xf32>,
        %parallel_loop3A_261 = tpu.vector_load_idx %arg10[%parallel_loop3A_250] : memref<10000xf32, #tpu.memory_space<vmem>>[vector<16xi32>], vector<16xf32>,
        tpu.vector_store_idx %arg11[%parallel_loop3A_257], %parallel_loop3A_258 {add = true} : memref<10240xf32, #tpu.memory_space<vmem>>[vector<16xi32>], vector<16xf32>,
        tpu.vector_store_idx %arg12[%parallel_loop3A_257], %parallel_loop3A_259 {add = true} : memref<10000xf32, #tpu.memory_space<vmem>>[vector<16xi32>], vector<16xf32>,
        tpu.vector_store_idx %arg13[%parallel_loop3A_257], %parallel_loop3A_260 {add = true} : memref<10000xf32, #tpu.memory_space<vmem>>[vector<16xi32>], vector<16xf32>,
        tpu.vector_store_idx %arg14[%parallel_loop3A_257], %parallel_loop3A_261 {add = true} : memref<10000xf32, #tpu.memory_space<vmem>>[vector<16xi32>], vector<16xf32>,
      } {sc.loop_unroll_factor = 8 : i64, sc.parallel_access}
      %scan3A_242 = arith.constant 0 : i32
      scf.yield %scan3A_242 : i32
    }
    %scan3A_177 = arith.constant 40 : i32
    %scan3A_178 = arith.constant 0 : i32
    %scan3A_179 = arith.constant 0 : i32
    %scan3A_180 = arith.constant 625 : i32
    %scan3A_181 = arith.addi %scan3A_179, %scan3A_180 : i32
    %scan3A_182 = arith.constant 1 : i32
    %scan3A_183 = scf.for %scan3A_214 = %scan3A_179 to %scan3A_181 step %scan3A_182 iter_args(%scan3A_215 = %scan3A_178) -> (i32)  : i32 {
      %mul3A_216 = arith.constant 16 : i32
      %mul3A_217 = arith.muli %scan3A_214, %mul3A_216 : i32
      %get3A = arith.index_cast %mul3A_217 : i32 to index
      %get3A_218 = tpu.vector_load %arg11[%get3A] {strides = array<i32>} : memref<10240xf32, #tpu.memory_space<vmem>>, vector<16xf32>,
      %mul3A_219 = arith.constant 16 : i32
      %mul3A_220 = arith.muli %scan3A_214, %mul3A_219 : i32
      %get3A_221 = arith.index_cast %mul3A_220 : i32 to index
      %get3A_222 = tpu.vector_load %arg7[%get3A_221] {strides = array<i32>} : memref<10000xf32, #tpu.memory_space<vmem>>, vector<16xf32>,
      %mul3A_223 = arith.constant 16 : i32
      %mul3A_224 = arith.muli %scan3A_214, %mul3A_223 : i32
      %get3A_225 = arith.index_cast %mul3A_224 : i32 to index
      %get3A_226 = tpu.vector_load %arg17[%get3A_225] {strides = array<i32>} : memref<10240xf32, #tpu.memory_space<vmem>>, vector<16xf32>,
      %add3A_227 = arith.addf %get3A_218, %get3A_222 : vector<16xf32>
      %mul3A_228 = arith.mulf %add3A_227, %get3A_226 : vector<16xf32>
      %mul3A_229 = arith.constant 16 : i32
      %mul3A_230 = arith.muli %scan3A_214, %mul3A_229 : i32
      %swap3A = arith.index_cast %mul3A_230 : i32 to index
      %swap3A_231 = tpu.vector_load %arg11[%swap3A] {strides = array<i32>} : memref<10240xf32, #tpu.memory_space<vmem>>, vector<16xf32>,
      tpu.vector_store %arg11[%swap3A], %mul3A_228 {strides = array<i32>} : memref<10240xf32, #tpu.memory_space<vmem>>, vector<16xf32>,
      %scan3A_232 = arith.constant 0 : i32
      scf.yield %scan3A_232 : i32
    }
    %scan3A_184 = arith.constant 625 : i32
    %add3A_185 = arith.constant 0 : i32
    %add3A_186 = arith.addi %mul3A_112, %add3A_185 : i32
    "tpu.region"() ({
      %run_scoped3A = tpu.sem_alloc : memref<!tpu.dma_semaphore, #tpu.memory_space<semaphore_mem>>
      %dma_start3A_214 = arith.constant 0 : i32
      %dma_start3A_215 = tpu.memref_slice %arg11[%dma_start3A_214] : memref<10240xf32, #tpu.memory_space<vmem>> -> memref<10000xf32, #tpu.memory_space<vmem>>
      %dma_start3A_216 = tpu.memref_slice %arg6[%add3A_186] : memref<2621440xf32, #tpu.memory_space<hbm>> -> memref<10000xf32, #tpu.memory_space<hbm>>
      %dma_start3A_217 = tpu.memref_slice %arg6[%add3A_186] : memref<2621440xf32, #tpu.memory_space<hbm>> -> memref<10000xf32, #tpu.memory_space<hbm>>
      %dma_start3A_218 = arith.constant 0 : i32
      %dma_start3A_219 = tpu.memref_slice %arg11[%dma_start3A_218] : memref<10240xf32, #tpu.memory_space<vmem>> -> memref<10000xf32, #tpu.memory_space<vmem>>
      tpu.enqueue_dma source(%dma_start3A_219 : memref<10000xf32, #tpu.memory_space<vmem>>) target(%dma_start3A_217 : memref<10000xf32, #tpu.memory_space<hbm>>) target_semaphore(%run_scoped3A : memref<!tpu.dma_semaphore, #tpu.memory_space<semaphore_mem>>)
      %dma_wait3A = arith.constant 0 : i32
      %dma_wait3A_220 = tpu.memref_slice %arg11[%dma_wait3A] : memref<10240xf32, #tpu.memory_space<vmem>> -> memref<10000xf32, #tpu.memory_space<vmem>>
      %dma_wait3A_221 = tpu.memref_slice %arg6[%add3A_186] : memref<2621440xf32, #tpu.memory_space<hbm>> -> memref<10000xf32, #tpu.memory_space<hbm>>
      %dma_wait3A_222 = tpu.memref_slice %arg6[%add3A_186] : memref<2621440xf32, #tpu.memory_space<hbm>> -> memref<10000xf32, #tpu.memory_space<hbm>>
      %dma_wait3A_223 = arith.constant 0 : i32
      %dma_wait3A_224 = tpu.memref_slice %arg11[%dma_wait3A_223] : memref<10240xf32, #tpu.memory_space<vmem>> -> memref<10000xf32, #tpu.memory_space<vmem>>
      tpu.wait_dma2 semaphore(%run_scoped3A : memref<!tpu.dma_semaphore, #tpu.memory_space<semaphore_mem>>) src(%dma_wait3A_224 : memref<10000xf32, #tpu.memory_space<vmem>>) dst(%dma_wait3A_222 : memref<10000xf32, #tpu.memory_space<hbm>>)
      tpu.yield
    }) : () -> ()
    %scan3A_187 = arith.constant 0 : i32
    %scan3A_188 = arith.constant 0 : i32
    %scan3A_189 = arith.constant 625 : i32
    %scan3A_190 = arith.addi %scan3A_188, %scan3A_189 : i32
    %scan3A_191 = arith.constant 1 : i32
    %scan3A_192 = scf.for %scan3A_214 = %scan3A_188 to %scan3A_190 step %scan3A_191 iter_args(%scan3A_215 = %scan3A_187) -> (i32)  : i32 {
      %mul3A_216 = arith.constant 16 : i32
      %mul3A_217 = arith.muli %scan3A_214, %mul3A_216 : i32
      %get3A = arith.index_cast %mul3A_217 : i32 to index
      %get3A_218 = tpu.vector_load %arg12[%get3A] {strides = array<i32>} : memref<10000xf32, #tpu.memory_space<vmem>>, vector<16xf32>,
      %mul3A_219 = arith.constant 16 : i32
      %mul3A_220 = arith.muli %scan3A_214, %mul3A_219 : i32
      %get3A_221 = arith.index_cast %mul3A_220 : i32 to index
      %get3A_222 = tpu.vector_load %arg8[%get3A_221] {strides = array<i32>} : memref<10000xf32, #tpu.memory_space<vmem>>, vector<16xf32>,
      %mul3A_223 = arith.constant 16 : i32
      %mul3A_224 = arith.muli %scan3A_214, %mul3A_223 : i32
      %get3A_225 = arith.index_cast %mul3A_224 : i32 to index
      %get3A_226 = tpu.vector_load %arg17[%get3A_225] {strides = array<i32>} : memref<10240xf32, #tpu.memory_space<vmem>>, vector<16xf32>,
      %add3A_227 = arith.addf %get3A_218, %get3A_222 : vector<16xf32>
      %mul3A_228 = arith.mulf %add3A_227, %get3A_226 : vector<16xf32>
      %mul3A_229 = arith.constant 16 : i32
      %mul3A_230 = arith.muli %scan3A_214, %mul3A_229 : i32
      %swap3A = arith.index_cast %mul3A_230 : i32 to index
      %swap3A_231 = tpu.vector_load %arg12[%swap3A] {strides = array<i32>} : memref<10000xf32, #tpu.memory_space<vmem>>, vector<16xf32>,
      tpu.vector_store %arg12[%swap3A], %mul3A_228 {strides = array<i32>} : memref<10000xf32, #tpu.memory_space<vmem>>, vector<16xf32>,
      %scan3A_232 = arith.constant 0 : i32
      scf.yield %scan3A_232 : i32
    }
    %scan3A_193 = arith.constant 625 : i32
    %add3A_194 = arith.constant 10240 : i32
    %add3A_195 = arith.addi %mul3A_112, %add3A_194 : i32
    "tpu.region"() ({
      %run_scoped3A = tpu.sem_alloc : memref<!tpu.dma_semaphore, #tpu.memory_space<semaphore_mem>>
      %dma_start3A_214 = arith.constant 0 : i32
      %dma_start3A_215 = tpu.memref_slice %arg12[%dma_start3A_214] : memref<10000xf32, #tpu.memory_space<vmem>> -> memref<10000xf32, #tpu.memory_space<vmem>>
      %dma_start3A_216 = tpu.memref_slice %arg6[%add3A_195] : memref<2621440xf32, #tpu.memory_space<hbm>> -> memref<10000xf32, #tpu.memory_space<hbm>>
      %dma_start3A_217 = tpu.memref_slice %arg6[%add3A_195] : memref<2621440xf32, #tpu.memory_space<hbm>> -> memref<10000xf32, #tpu.memory_space<hbm>>
      %dma_start3A_218 = arith.constant 0 : i32
      %dma_start3A_219 = tpu.memref_slice %arg12[%dma_start3A_218] : memref<10000xf32, #tpu.memory_space<vmem>> -> memref<10000xf32, #tpu.memory_space<vmem>>
      tpu.enqueue_dma source(%dma_start3A_219 : memref<10000xf32, #tpu.memory_space<vmem>>) target(%dma_start3A_217 : memref<10000xf32, #tpu.memory_space<hbm>>) target_semaphore(%run_scoped3A : memref<!tpu.dma_semaphore, #tpu.memory_space<semaphore_mem>>)
      %dma_wait3A = arith.constant 0 : i32
      %dma_wait3A_220 = tpu.memref_slice %arg12[%dma_wait3A] : memref<10000xf32, #tpu.memory_space<vmem>> -> memref<10000xf32, #tpu.memory_space<vmem>>
      %dma_wait3A_221 = tpu.memref_slice %arg6[%add3A_195] : memref<2621440xf32, #tpu.memory_space<hbm>> -> memref<10000xf32, #tpu.memory_space<hbm>>
      %dma_wait3A_222 = tpu.memref_slice %arg6[%add3A_195] : memref<2621440xf32, #tpu.memory_space<hbm>> -> memref<10000xf32, #tpu.memory_space<hbm>>
      %dma_wait3A_223 = arith.constant 0 : i32
      %dma_wait3A_224 = tpu.memref_slice %arg12[%dma_wait3A_223] : memref<10000xf32, #tpu.memory_space<vmem>> -> memref<10000xf32, #tpu.memory_space<vmem>>
      tpu.wait_dma2 semaphore(%run_scoped3A : memref<!tpu.dma_semaphore, #tpu.memory_space<semaphore_mem>>) src(%dma_wait3A_224 : memref<10000xf32, #tpu.memory_space<vmem>>) dst(%dma_wait3A_222 : memref<10000xf32, #tpu.memory_space<hbm>>)
      tpu.yield
    }) : () -> ()
    %scan3A_196 = arith.constant 0 : i32
    %scan3A_197 = arith.constant 0 : i32
    %scan3A_198 = arith.constant 625 : i32
    %scan3A_199 = arith.addi %scan3A_197, %scan3A_198 : i32
    %scan3A_200 = arith.constant 1 : i32
    %scan3A_201 = scf.for %scan3A_214 = %scan3A_197 to %scan3A_199 step %scan3A_200 iter_args(%scan3A_215 = %scan3A_196) -> (i32)  : i32 {
      %mul3A_216 = arith.constant 16 : i32
      %mul3A_217 = arith.muli %scan3A_214, %mul3A_216 : i32
      %get3A = arith.index_cast %mul3A_217 : i32 to index
      %get3A_218 = tpu.vector_load %arg13[%get3A] {strides = array<i32>} : memref<10000xf32, #tpu.memory_space<vmem>>, vector<16xf32>,
      %mul3A_219 = arith.constant 16 : i32
      %mul3A_220 = arith.muli %scan3A_214, %mul3A_219 : i32
      %get3A_221 = arith.index_cast %mul3A_220 : i32 to index
      %get3A_222 = tpu.vector_load %arg9[%get3A_221] {strides = array<i32>} : memref<10000xf32, #tpu.memory_space<vmem>>, vector<16xf32>,
      %mul3A_223 = arith.constant 16 : i32
      %mul3A_224 = arith.muli %scan3A_214, %mul3A_223 : i32
      %get3A_225 = arith.index_cast %mul3A_224 : i32 to index
      %get3A_226 = tpu.vector_load %arg17[%get3A_225] {strides = array<i32>} : memref<10240xf32, #tpu.memory_space<vmem>>, vector<16xf32>,
      %add3A_227 = arith.addf %get3A_218, %get3A_222 : vector<16xf32>
      %mul3A_228 = arith.mulf %add3A_227, %get3A_226 : vector<16xf32>
      %mul3A_229 = arith.constant 16 : i32
      %mul3A_230 = arith.muli %scan3A_214, %mul3A_229 : i32
      %swap3A = arith.index_cast %mul3A_230 : i32 to index
      %swap3A_231 = tpu.vector_load %arg13[%swap3A] {strides = array<i32>} : memref<10000xf32, #tpu.memory_space<vmem>>, vector<16xf32>,
      tpu.vector_store %arg13[%swap3A], %mul3A_228 {strides = array<i32>} : memref<10000xf32, #tpu.memory_space<vmem>>, vector<16xf32>,
      %scan3A_232 = arith.constant 0 : i32
      scf.yield %scan3A_232 : i32
    }
    %scan3A_202 = arith.constant 625 : i32
    %add3A_203 = arith.constant 20480 : i32
    %add3A_204 = arith.addi %mul3A_112, %add3A_203 : i32
    "tpu.region"() ({
      %run_scoped3A = tpu.sem_alloc : memref<!tpu.dma_semaphore, #tpu.memory_space<semaphore_mem>>
      %dma_start3A_214 = arith.constant 0 : i32
      %dma_start3A_215 = tpu.memref_slice %arg13[%dma_start3A_214] : memref<10000xf32, #tpu.memory_space<vmem>> -> memref<10000xf32, #tpu.memory_space<vmem>>
      %dma_start3A_216 = tpu.memref_slice %arg6[%add3A_204] : memref<2621440xf32, #tpu.memory_space<hbm>> -> memref<10000xf32, #tpu.memory_space<hbm>>
      %dma_start3A_217 = tpu.memref_slice %arg6[%add3A_204] : memref<2621440xf32, #tpu.memory_space<hbm>> -> memref<10000xf32, #tpu.memory_space<hbm>>
      %dma_start3A_218 = arith.constant 0 : i32
      %dma_start3A_219 = tpu.memref_slice %arg13[%dma_start3A_218] : memref<10000xf32, #tpu.memory_space<vmem>> -> memref<10000xf32, #tpu.memory_space<vmem>>
      tpu.enqueue_dma source(%dma_start3A_219 : memref<10000xf32, #tpu.memory_space<vmem>>) target(%dma_start3A_217 : memref<10000xf32, #tpu.memory_space<hbm>>) target_semaphore(%run_scoped3A : memref<!tpu.dma_semaphore, #tpu.memory_space<semaphore_mem>>)
      %dma_wait3A = arith.constant 0 : i32
      %dma_wait3A_220 = tpu.memref_slice %arg13[%dma_wait3A] : memref<10000xf32, #tpu.memory_space<vmem>> -> memref<10000xf32, #tpu.memory_space<vmem>>
      %dma_wait3A_221 = tpu.memref_slice %arg6[%add3A_204] : memref<2621440xf32, #tpu.memory_space<hbm>> -> memref<10000xf32, #tpu.memory_space<hbm>>
      %dma_wait3A_222 = tpu.memref_slice %arg6[%add3A_204] : memref<2621440xf32, #tpu.memory_space<hbm>> -> memref<10000xf32, #tpu.memory_space<hbm>>
      %dma_wait3A_223 = arith.constant 0 : i32
      %dma_wait3A_224 = tpu.memref_slice %arg13[%dma_wait3A_223] : memref<10000xf32, #tpu.memory_space<vmem>> -> memref<10000xf32, #tpu.memory_space<vmem>>
      tpu.wait_dma2 semaphore(%run_scoped3A : memref<!tpu.dma_semaphore, #tpu.memory_space<semaphore_mem>>) src(%dma_wait3A_224 : memref<10000xf32, #tpu.memory_space<vmem>>) dst(%dma_wait3A_222 : memref<10000xf32, #tpu.memory_space<hbm>>)
      tpu.yield
    }) : () -> ()
    %scan3A_205 = arith.constant 0 : i32
    %scan3A_206 = arith.constant 0 : i32
    %scan3A_207 = arith.constant 625 : i32
    %scan3A_208 = arith.addi %scan3A_206, %scan3A_207 : i32
    %scan3A_209 = arith.constant 1 : i32
    %scan3A_210 = scf.for %scan3A_214 = %scan3A_206 to %scan3A_208 step %scan3A_209 iter_args(%scan3A_215 = %scan3A_205) -> (i32)  : i32 {
      %mul3A_216 = arith.constant 16 : i32
      %mul3A_217 = arith.muli %scan3A_214, %mul3A_216 : i32
      %get3A = arith.index_cast %mul3A_217 : i32 to index
      %get3A_218 = tpu.vector_load %arg14[%get3A] {strides = array<i32>} : memref<10000xf32, #tpu.memory_space<vmem>>, vector<16xf32>,
      %mul3A_219 = arith.constant 16 : i32
      %mul3A_220 = arith.muli %scan3A_214, %mul3A_219 : i32
      %get3A_221 = arith.index_cast %mul3A_220 : i32 to index
      %get3A_222 = tpu.vector_load %arg10[%get3A_221] {strides = array<i32>} : memref<10000xf32, #tpu.memory_space<vmem>>, vector<16xf32>,
      %mul3A_223 = arith.constant 16 : i32
      %mul3A_224 = arith.muli %scan3A_214, %mul3A_223 : i32
      %get3A_225 = arith.index_cast %mul3A_224 : i32 to index
      %get3A_226 = tpu.vector_load %arg17[%get3A_225] {strides = array<i32>} : memref<10240xf32, #tpu.memory_space<vmem>>, vector<16xf32>,
      %add3A_227 = arith.addf %get3A_218, %get3A_222 : vector<16xf32>
      %mul3A_228 = arith.mulf %add3A_227, %get3A_226 : vector<16xf32>
      %mul3A_229 = arith.constant 16 : i32
      %mul3A_230 = arith.muli %scan3A_214, %mul3A_229 : i32
      %swap3A = arith.index_cast %mul3A_230 : i32 to index
      %swap3A_231 = tpu.vector_load %arg14[%swap3A] {strides = array<i32>} : memref<10000xf32, #tpu.memory_space<vmem>>, vector<16xf32>,
      tpu.vector_store %arg14[%swap3A], %mul3A_228 {strides = array<i32>} : memref<10000xf32, #tpu.memory_space<vmem>>, vector<16xf32>,
      %scan3A_232 = arith.constant 0 : i32
      scf.yield %scan3A_232 : i32
    }
    %scan3A_211 = arith.constant 625 : i32
    %add3A_212 = arith.constant 30720 : i32
    %add3A_213 = arith.addi %mul3A_112, %add3A_212 : i32
    "tpu.region"() ({
      %run_scoped3A = tpu.sem_alloc : memref<!tpu.dma_semaphore, #tpu.memory_space<semaphore_mem>>
      %dma_start3A_214 = arith.constant 0 : i32
      %dma_start3A_215 = tpu.memref_slice %arg14[%dma_start3A_214] : memref<10000xf32, #tpu.memory_space<vmem>> -> memref<10000xf32, #tpu.memory_space<vmem>>
      %dma_start3A_216 = tpu.memref_slice %arg6[%add3A_213] : memref<2621440xf32, #tpu.memory_space<hbm>> -> memref<10000xf32, #tpu.memory_space<hbm>>
      %dma_start3A_217 = tpu.memref_slice %arg6[%add3A_213] : memref<2621440xf32, #tpu.memory_space<hbm>> -> memref<10000xf32, #tpu.memory_space<hbm>>
      %dma_start3A_218 = arith.constant 0 : i32
      %dma_start3A_219 = tpu.memref_slice %arg14[%dma_start3A_218] : memref<10000xf32, #tpu.memory_space<vmem>> -> memref<10000xf32, #tpu.memory_space<vmem>>
      tpu.enqueue_dma source(%dma_start3A_219 : memref<10000xf32, #tpu.memory_space<vmem>>) target(%dma_start3A_217 : memref<10000xf32, #tpu.memory_space<hbm>>) target_semaphore(%run_scoped3A : memref<!tpu.dma_semaphore, #tpu.memory_space<semaphore_mem>>)
      %dma_wait3A = arith.constant 0 : i32
      %dma_wait3A_220 = tpu.memref_slice %arg14[%dma_wait3A] : memref<10000xf32, #tpu.memory_space<vmem>> -> memref<10000xf32, #tpu.memory_space<vmem>>
      %dma_wait3A_221 = tpu.memref_slice %arg6[%add3A_213] : memref<2621440xf32, #tpu.memory_space<hbm>> -> memref<10000xf32, #tpu.memory_space<hbm>>
      %dma_wait3A_222 = tpu.memref_slice %arg6[%add3A_213] : memref<2621440xf32, #tpu.memory_space<hbm>> -> memref<10000xf32, #tpu.memory_space<hbm>>
      %dma_wait3A_223 = arith.constant 0 : i32
      %dma_wait3A_224 = tpu.memref_slice %arg14[%dma_wait3A_223] : memref<10000xf32, #tpu.memory_space<vmem>> -> memref<10000xf32, #tpu.memory_space<vmem>>
      tpu.wait_dma2 semaphore(%run_scoped3A : memref<!tpu.dma_semaphore, #tpu.memory_space<semaphore_mem>>) src(%dma_wait3A_224 : memref<10000xf32, #tpu.memory_space<vmem>>) dst(%dma_wait3A_222 : memref<10000xf32, #tpu.memory_space<hbm>>)
      tpu.yield
    }) : () -> ()
    return
  }
}

module attributes {stable_mosaic.version = 14 : i64} {
  func.func @_tc_layer_body(%arg0: i32, %arg1: memref<512x256xf32, #tpu.memory_space<vmem>>, %arg2: memref<256x10240xf32, #tpu.memory_space<vmem>>, %arg3: memref<256x256xf32, #tpu.memory_space<vmem>>, %arg4: memref<256x256xf32, #tpu.memory_space<vmem>>, %arg5: memref<256x256xf32, #tpu.memory_space<vmem>>, %arg6: memref<1x256xf32, #tpu.memory_space<vmem>>, %arg7: memref<1x256xf32, #tpu.memory_space<vmem>>, %arg8: memref<1x256xf32, #tpu.memory_space<vmem>>, %arg9: memref<3x3xf32, #tpu.memory_space<vmem>>, %arg10: memref<512x256xf32, #tpu.memory_space<vmem>>, %arg11: memref<256x10240xf32, #tpu.memory_space<vmem>>) attributes {dimension_semantics = [#tpu.dimension_semantics<parallel>], iteration_bounds = array<i64: 20>, scalar_prefetch = 0 : i64, scratch_operands = 0 : i64, tpu.core_type = #tpu.core_type<tc>, window_params = [{transform_indices = @transform_0, window_bounds = array<i64: 512, 256>}, {pipeline_mode = #tpu.pipeline_mode<synchronous>, transform_indices = @transform_1, window_bounds = array<i64: 256, 10240>}, {pipeline_mode = #tpu.pipeline_mode<synchronous>, transform_indices = @transform_2, window_bounds = array<i64: 256, 256>}, {pipeline_mode = #tpu.pipeline_mode<synchronous>, transform_indices = @transform_3, window_bounds = array<i64: 256, 256>}, {pipeline_mode = #tpu.pipeline_mode<synchronous>, transform_indices = @transform_4, window_bounds = array<i64: 256, 256>}, {pipeline_mode = #tpu.pipeline_mode<synchronous>, transform_indices = @transform_5, window_bounds = array<i64: 1, 256>}, {pipeline_mode = #tpu.pipeline_mode<synchronous>, transform_indices = @transform_6, window_bounds = array<i64: 1, 256>}, {pipeline_mode = #tpu.pipeline_mode<synchronous>, transform_indices = @transform_7, window_bounds = array<i64: 1, 256>}, {pipeline_mode = #tpu.pipeline_mode<synchronous>, transform_indices = @transform_8, window_bounds = array<i64: 3, 3>}, {transform_indices = @transform_9, window_bounds = array<i64: 512, 256>}, {pipeline_mode = #tpu.pipeline_mode<synchronous>, transform_indices = @transform_10, window_bounds = array<i64: 256, 10240>}]} {
    %get3A = arith.constant 0 : index
    %get3A_0 = arith.constant 0 : index
    %get3A_1 = vector.load %arg1[%get3A, %get3A_0] : memref<512x256xf32, #tpu.memory_space<vmem>>, vector<512x256xf32>
    %mul3A = arith.constant 512 : i32
    %mul3A_2 = arith.muli %arg0, %mul3A : i32
    %multiple_of3A = tpu.assume_multiple %mul3A_2, 128 : i32
    %get3A_3 = arith.constant 0 : index
    %get3A_4 = arith.index_cast %multiple_of3A : i32 to index
    %get3A_5 = vector.load %arg2[%get3A_3, %get3A_4] : memref<256x10240xf32, #tpu.memory_space<vmem>>, vector<256x512xf32>
    %transpose3A = tpu.transpose %get3A_5, [1, 0] : vector<256x512xf32> -> vector<512x256xf32>
    %get3A_6 = arith.constant 0 : index
    %get3A_7 = arith.constant 0 : index
    %get3A_8 = vector.load %arg3[%get3A_6, %get3A_7] : memref<256x256xf32, #tpu.memory_space<vmem>>, vector<256x256xf32>
    %dot_general3A = arith.constant dense<0.000000e+00> : vector<512x256xf32>
    %dot_general3A_9 = tpu.matmul %transpose3A, %get3A_8, %dot_general3A {dimension_numbers = #tpu.dot_dimension_numbers<[1], [0], [0], [1], [0, 0, 1, 1], [], []>, transpose_lhs_hint = false} : vector<512x256xf32>, vector<256x256xf32>, vector<512x256xf32> -> vector<512x256xf32>
    %max3A = arith.constant 0.000000e+00 : f32
    %max3A_10 = vector.broadcast %max3A : f32 to vector<512x256xf32>
    %max3A_11 = arith.maximumf %dot_general3A_9, %max3A_10 : vector<512x256xf32>
    %sub3A = arith.subf %get3A_1, %transpose3A : vector<512x256xf32>
    %get3A_12 = arith.constant 0 : index
    %get3A_13 = arith.constant 0 : index
    %get3A_14 = vector.load %arg4[%get3A_12, %get3A_13] : memref<256x256xf32, #tpu.memory_space<vmem>>, vector<256x256xf32>
    %dot_general3A_15 = arith.constant dense<0.000000e+00> : vector<512x256xf32>
    %dot_general3A_16 = tpu.matmul %sub3A, %get3A_14, %dot_general3A_15 {dimension_numbers = #tpu.dot_dimension_numbers<[1], [0], [0], [1], [0, 0, 1, 1], [], []>, transpose_lhs_hint = false} : vector<512x256xf32>, vector<256x256xf32>, vector<512x256xf32> -> vector<512x256xf32>
    %max3A_17 = arith.constant 0.000000e+00 : f32
    %max3A_18 = vector.broadcast %max3A_17 : f32 to vector<512x256xf32>
    %max3A_19 = arith.maximumf %dot_general3A_16, %max3A_18 : vector<512x256xf32>
    %get3A_20 = arith.constant 0 : index
    %get3A_21 = arith.constant 0 : index
    %get3A_22 = vector.load %arg5[%get3A_20, %get3A_21] : memref<256x256xf32, #tpu.memory_space<vmem>>, vector<256x256xf32>
    %dot_general3A_23 = arith.constant dense<0.000000e+00> : vector<512x256xf32>
    %dot_general3A_24 = tpu.matmul %get3A_1, %get3A_22, %dot_general3A_23 {dimension_numbers = #tpu.dot_dimension_numbers<[1], [0], [0], [1], [0, 0, 1, 1], [], []>, transpose_lhs_hint = false} : vector<512x256xf32>, vector<256x256xf32>, vector<512x256xf32> -> vector<512x256xf32>
    %max3A_25 = arith.constant 0.000000e+00 : f32
    %max3A_26 = vector.broadcast %max3A_25 : f32 to vector<512x256xf32>
    %max3A_27 = arith.maximumf %dot_general3A_24, %max3A_26 : vector<512x256xf32>
    %get3A_28 = arith.constant 0 : index
    %get3A_29 = arith.constant 0 : index
    %get3A_30 = vector.load %arg6[%get3A_28, %get3A_29] : memref<1x256xf32, #tpu.memory_space<vmem>>, vector<1x256xf32>
    %mul3A_31 = vector.broadcast %get3A_30 : vector<1x256xf32> to vector<512x256xf32>
    %mul3A_32 = arith.mulf %max3A_11, %mul3A_31 : vector<512x256xf32>
    %reduce_sum3A = arith.constant dense<0.000000e+00> : vector<512xf32>
    %reduce_sum3A_33 = vector.multi_reduction <add>, %mul3A_32, %reduce_sum3A [1] : vector<512x256xf32> to vector<512xf32>
    %broadcast_in_dim3A = vector.shape_cast %reduce_sum3A_33 : vector<512xf32> to vector<512x1xf32>
    %get3A_34 = arith.constant 0 : index
    %get3A_35 = arith.constant 0 : index
    %get3A_36 = vector.load %arg7[%get3A_34, %get3A_35] : memref<1x256xf32, #tpu.memory_space<vmem>>, vector<1x256xf32>
    %mul3A_37 = vector.broadcast %get3A_36 : vector<1x256xf32> to vector<512x256xf32>
    %mul3A_38 = arith.mulf %max3A_19, %mul3A_37 : vector<512x256xf32>
    %reduce_sum3A_39 = arith.constant dense<0.000000e+00> : vector<512xf32>
    %reduce_sum3A_40 = vector.multi_reduction <add>, %mul3A_38, %reduce_sum3A_39 [1] : vector<512x256xf32> to vector<512xf32>
    %broadcast_in_dim3A_41 = vector.shape_cast %reduce_sum3A_40 : vector<512xf32> to vector<512x1xf32>
    %get3A_42 = arith.constant 0 : index
    %get3A_43 = arith.constant 0 : index
    %get3A_44 = vector.load %arg8[%get3A_42, %get3A_43] : memref<1x256xf32, #tpu.memory_space<vmem>>, vector<1x256xf32>
    %mul3A_45 = vector.broadcast %get3A_44 : vector<1x256xf32> to vector<512x256xf32>
    %mul3A_46 = arith.mulf %max3A_27, %mul3A_45 : vector<512x256xf32>
    %reduce_sum3A_47 = arith.constant dense<0.000000e+00> : vector<512xf32>
    %reduce_sum3A_48 = vector.multi_reduction <add>, %mul3A_46, %reduce_sum3A_47 [1] : vector<512x256xf32> to vector<512xf32>
    %broadcast_in_dim3A_49 = vector.shape_cast %reduce_sum3A_48 : vector<512xf32> to vector<512x1xf32>
    %neg3A = arith.constant 0.000000e+00 : f32
    %neg3A_50 = vector.broadcast %neg3A : f32 to vector<512x1xf32>
    %neg3A_51 = arith.subf %neg3A_50, %broadcast_in_dim3A : vector<512x1xf32>
    %exp3A = math.exp %neg3A_51 : vector<512x1xf32>
    %add3A = arith.constant 1.000000e+00 : f32
    %add3A_52 = vector.broadcast %add3A : f32 to vector<512x1xf32>
    %add3A_53 = arith.addf %add3A_52, %exp3A : vector<512x1xf32>
    %div3A = arith.constant 1.000000e+00 : f32
    %div3A_54 = vector.broadcast %div3A : f32 to vector<512x1xf32>
    %div3A_55 = arith.divf %div3A_54, %add3A_53 : vector<512x1xf32>
    %neg3A_56 = arith.constant 0.000000e+00 : f32
    %neg3A_57 = vector.broadcast %neg3A_56 : f32 to vector<512x1xf32>
    %neg3A_58 = arith.subf %neg3A_57, %broadcast_in_dim3A_41 : vector<512x1xf32>
    %exp3A_59 = math.exp %neg3A_58 : vector<512x1xf32>
    %add3A_60 = arith.constant 1.000000e+00 : f32
    %add3A_61 = vector.broadcast %add3A_60 : f32 to vector<512x1xf32>
    %add3A_62 = arith.addf %add3A_61, %exp3A_59 : vector<512x1xf32>
    %div3A_63 = arith.constant 1.000000e+00 : f32
    %div3A_64 = vector.broadcast %div3A_63 : f32 to vector<512x1xf32>
    %div3A_65 = arith.divf %div3A_64, %add3A_62 : vector<512x1xf32>
    %neg3A_66 = arith.constant 0.000000e+00 : f32
    %neg3A_67 = vector.broadcast %neg3A_66 : f32 to vector<512x1xf32>
    %neg3A_68 = arith.subf %neg3A_67, %broadcast_in_dim3A_49 : vector<512x1xf32>
    %exp3A_69 = math.exp %neg3A_68 : vector<512x1xf32>
    %add3A_70 = arith.constant 1.000000e+00 : f32
    %add3A_71 = vector.broadcast %add3A_70 : f32 to vector<512x1xf32>
    %add3A_72 = arith.addf %add3A_71, %exp3A_69 : vector<512x1xf32>
    %div3A_73 = arith.constant 1.000000e+00 : f32
    %div3A_74 = vector.broadcast %div3A_73 : f32 to vector<512x1xf32>
    %div3A_75 = arith.divf %div3A_74, %add3A_72 : vector<512x1xf32>
    %concatenate3A = tpu.concatenate %div3A_55, %div3A_65, %div3A_75 in 1 : vector<512x1xf32>, vector<512x1xf32>, vector<512x1xf32> -> vector<512x3xf32>
    %get3A_76 = arith.constant 0 : index
    %get3A_77 = arith.constant 0 : index
    %get3A_78 = vector.load %arg9[%get3A_76, %get3A_77] : memref<3x3xf32, #tpu.memory_space<vmem>>, vector<3x3xf32>
    %slice3A = vector.extract_strided_slice %concatenate3A {offsets = [0, 0], sizes = [512, 1], strides = [1, 1]} : vector<512x3xf32> to vector<512x1xf32>
    %slice3A_79 = vector.extract_strided_slice %get3A_78 {offsets = [0, 0], sizes = [1, 3], strides = [1, 1]} : vector<3x3xf32> to vector<1x3xf32>
    %mul3A_80 = vector.broadcast %slice3A : vector<512x1xf32> to vector<512x3xf32>
    %mul3A_81 = vector.broadcast %slice3A_79 : vector<1x3xf32> to vector<512x3xf32>
    %mul3A_82 = arith.mulf %mul3A_80, %mul3A_81 : vector<512x3xf32>
    %slice3A_83 = vector.extract_strided_slice %concatenate3A {offsets = [0, 1], sizes = [512, 1], strides = [1, 1]} : vector<512x3xf32> to vector<512x1xf32>
    %slice3A_84 = vector.extract_strided_slice %get3A_78 {offsets = [1, 0], sizes = [1, 3], strides = [1, 1]} : vector<3x3xf32> to vector<1x3xf32>
    %mul3A_85 = vector.broadcast %slice3A_83 : vector<512x1xf32> to vector<512x3xf32>
    %mul3A_86 = vector.broadcast %slice3A_84 : vector<1x3xf32> to vector<512x3xf32>
    %mul3A_87 = arith.mulf %mul3A_85, %mul3A_86 : vector<512x3xf32>
    %add3A_88 = arith.addf %mul3A_82, %mul3A_87 : vector<512x3xf32>
    %slice3A_89 = vector.extract_strided_slice %concatenate3A {offsets = [0, 2], sizes = [512, 1], strides = [1, 1]} : vector<512x3xf32> to vector<512x1xf32>
    %slice3A_90 = vector.extract_strided_slice %get3A_78 {offsets = [2, 0], sizes = [1, 3], strides = [1, 1]} : vector<3x3xf32> to vector<1x3xf32>
    %mul3A_91 = vector.broadcast %slice3A_89 : vector<512x1xf32> to vector<512x3xf32>
    %mul3A_92 = vector.broadcast %slice3A_90 : vector<1x3xf32> to vector<512x3xf32>
    %mul3A_93 = arith.mulf %mul3A_91, %mul3A_92 : vector<512x3xf32>
    %add3A_94 = arith.addf %add3A_88, %mul3A_93 : vector<512x3xf32>
    %div3A_95 = arith.constant 3.000000e+00 : f32
    %div3A_96 = vector.broadcast %div3A_95 : f32 to vector<512x3xf32>
    %div3A_97 = arith.divf %add3A_94, %div3A_96 : vector<512x3xf32>
    %reduce_max3A = arith.constant dense<0xFF800000> : vector<512xf32>
    %reduce_max3A_98 = vector.multi_reduction <maximumf>, %div3A_97, %reduce_max3A [1] : vector<512x3xf32> to vector<512xf32>
    %broadcast_in_dim3A_99 = vector.shape_cast %reduce_max3A_98 : vector<512xf32> to vector<512x1xf32>
    %sub3A_100 = vector.broadcast %broadcast_in_dim3A_99 : vector<512x1xf32> to vector<512x3xf32>
    %sub3A_101 = arith.subf %div3A_97, %sub3A_100 : vector<512x3xf32>
    %exp3A_102 = math.exp %sub3A_101 : vector<512x3xf32>
    %reduce_sum3A_103 = arith.constant dense<0.000000e+00> : vector<512xf32>
    %reduce_sum3A_104 = vector.multi_reduction <add>, %exp3A_102, %reduce_sum3A_103 [1] : vector<512x3xf32> to vector<512xf32>
    %broadcast_in_dim3A_105 = vector.shape_cast %reduce_sum3A_104 : vector<512xf32> to vector<512x1xf32>
    %div3A_106 = vector.broadcast %broadcast_in_dim3A_105 : vector<512x1xf32> to vector<512x3xf32>
    %div3A_107 = arith.divf %exp3A_102, %div3A_106 : vector<512x3xf32>
    %slice3A_108 = vector.extract_strided_slice %div3A_107 {offsets = [0, 0], sizes = [512, 1], strides = [1, 1]} : vector<512x3xf32> to vector<512x1xf32>
    %mul3A_109 = vector.broadcast %slice3A_108 : vector<512x1xf32> to vector<512x256xf32>
    %mul3A_110 = arith.mulf %mul3A_109, %max3A_11 : vector<512x256xf32>
    %slice3A_111 = vector.extract_strided_slice %div3A_107 {offsets = [0, 1], sizes = [512, 1], strides = [1, 1]} : vector<512x3xf32> to vector<512x1xf32>
    %mul3A_112 = vector.broadcast %slice3A_111 : vector<512x1xf32> to vector<512x256xf32>
    %mul3A_113 = arith.mulf %mul3A_112, %max3A_19 : vector<512x256xf32>
    %add3A_114 = arith.addf %mul3A_110, %mul3A_113 : vector<512x256xf32>
    %slice3A_115 = vector.extract_strided_slice %div3A_107 {offsets = [0, 2], sizes = [512, 1], strides = [1, 1]} : vector<512x3xf32> to vector<512x1xf32>
    %mul3A_116 = vector.broadcast %slice3A_115 : vector<512x1xf32> to vector<512x256xf32>
    %mul3A_117 = arith.mulf %mul3A_116, %max3A_27 : vector<512x256xf32>
    %add3A_118 = arith.addf %add3A_114, %mul3A_117 : vector<512x256xf32>
    %mul3A_119 = arith.constant 3.000000e+00 : f32
    %mul3A_120 = vector.broadcast %mul3A_119 : f32 to vector<512x256xf32>
    %mul3A_121 = arith.mulf %mul3A_120, %add3A_118 : vector<512x256xf32>
    %max3A_122 = arith.constant 0.000000e+00 : f32
    %max3A_123 = vector.broadcast %max3A_122 : f32 to vector<512x256xf32>
    %max3A_124 = arith.maximumf %mul3A_121, %max3A_123 : vector<512x256xf32>
    %swap3A = arith.constant 0 : index
    %swap3A_125 = arith.constant 0 : index
    %swap3A_126 = vector.load %arg10[%swap3A, %swap3A_125] : memref<512x256xf32, #tpu.memory_space<vmem>>, vector<512x256xf32>
    tpu.vector_store %arg10[%swap3A, %swap3A_125], %max3A_124 {strides = array<i32>} : memref<512x256xf32, #tpu.memory_space<vmem>>, vector<512x256xf32>,
    %transpose3A_127 = tpu.transpose %max3A_124, [1, 0] : vector<512x256xf32> -> vector<256x512xf32>
    %mul3A_128 = arith.constant 512 : i32
    %mul3A_129 = arith.muli %arg0, %mul3A_128 : i32
    %multiple_of3A_130 = tpu.assume_multiple %mul3A_129, 128 : i32
    %swap3A_131 = arith.constant 0 : index
    %swap3A_132 = arith.index_cast %multiple_of3A_130 : i32 to index
    %swap3A_133 = vector.load %arg11[%swap3A_131, %swap3A_132] : memref<256x10240xf32, #tpu.memory_space<vmem>>, vector<256x512xf32>
    tpu.vector_store %arg11[%swap3A_131, %swap3A_132], %transpose3A_127 {strides = array<i32>} : memref<256x10240xf32, #tpu.memory_space<vmem>>, vector<256x512xf32>,
    return
  }
  func.func @transform_0(%arg0: i32) -> (i32, i32) {
    %c0_i32 = arith.constant 0 : i32
    %c0_i32_0 = arith.constant 0 : i32
    return %arg0, %c0_i32 : i32, i32
  }
  func.func @transform_1(%arg0: i32) -> (i32, i32) {
    %c0_i32 = arith.constant 0 : i32
    %c0_i32_0 = arith.constant 0 : i32
    %c0_i32_1 = arith.constant 0 : i32
    return %c0_i32, %c0_i32_0 : i32, i32
  }
  func.func @transform_2(%arg0: i32) -> (i32, i32) {
    %c0_i32 = arith.constant 0 : i32
    %c0_i32_0 = arith.constant 0 : i32
    %c0_i32_1 = arith.constant 0 : i32
    return %c0_i32, %c0_i32_0 : i32, i32
  }
  func.func @transform_3(%arg0: i32) -> (i32, i32) {
    %c0_i32 = arith.constant 0 : i32
    %c0_i32_0 = arith.constant 0 : i32
    %c0_i32_1 = arith.constant 0 : i32
    return %c0_i32, %c0_i32_0 : i32, i32
  }
  func.func @transform_4(%arg0: i32) -> (i32, i32) {
    %c0_i32 = arith.constant 0 : i32
    %c0_i32_0 = arith.constant 0 : i32
    %c0_i32_1 = arith.constant 0 : i32
    return %c0_i32, %c0_i32_0 : i32, i32
  }
  func.func @transform_5(%arg0: i32) -> (i32, i32) {
    %c0_i32 = arith.constant 0 : i32
    %c0_i32_0 = arith.constant 0 : i32
    %c0_i32_1 = arith.constant 0 : i32
    return %c0_i32, %c0_i32_0 : i32, i32
  }
  func.func @transform_6(%arg0: i32) -> (i32, i32) {
    %c0_i32 = arith.constant 0 : i32
    %c0_i32_0 = arith.constant 0 : i32
    %c0_i32_1 = arith.constant 0 : i32
    return %c0_i32, %c0_i32_0 : i32, i32
  }
  func.func @transform_7(%arg0: i32) -> (i32, i32) {
    %c0_i32 = arith.constant 0 : i32
    %c0_i32_0 = arith.constant 0 : i32
    %c0_i32_1 = arith.constant 0 : i32
    return %c0_i32, %c0_i32_0 : i32, i32
  }
  func.func @transform_8(%arg0: i32) -> (i32, i32) {
    %c0_i32 = arith.constant 0 : i32
    %c0_i32_0 = arith.constant 0 : i32
    %c0_i32_1 = arith.constant 0 : i32
    return %c0_i32, %c0_i32_0 : i32, i32
  }
  func.func @transform_9(%arg0: i32) -> (i32, i32) {
    %c0_i32 = arith.constant 0 : i32
    %c0_i32_0 = arith.constant 0 : i32
    return %arg0, %c0_i32 : i32, i32
  }
  func.func @transform_10(%arg0: i32) -> (i32, i32) {
    %c0_i32 = arith.constant 0 : i32
    %c0_i32_0 = arith.constant 0 : i32
    %c0_i32_1 = arith.constant 0 : i32
    return %c0_i32, %c0_i32_0 : i32, i32
  }
}

module attributes {stable_mosaic.version = 14 : i64} {
  func.func @_tc_layer_body(%arg0: i32, %arg1: memref<512x256xf32, #tpu.memory_space<vmem>>, %arg2: memref<256x10240xf32, #tpu.memory_space<vmem>>, %arg3: memref<256x256xf32, #tpu.memory_space<vmem>>, %arg4: memref<256x256xf32, #tpu.memory_space<vmem>>, %arg5: memref<256x256xf32, #tpu.memory_space<vmem>>, %arg6: memref<1x256xf32, #tpu.memory_space<vmem>>, %arg7: memref<1x256xf32, #tpu.memory_space<vmem>>, %arg8: memref<1x256xf32, #tpu.memory_space<vmem>>, %arg9: memref<3x3xf32, #tpu.memory_space<vmem>>, %arg10: memref<512x256xf32, #tpu.memory_space<vmem>>) attributes {dimension_semantics = [#tpu.dimension_semantics<parallel>], iteration_bounds = array<i64: 20>, scalar_prefetch = 0 : i64, scratch_operands = 0 : i64, tpu.core_type = #tpu.core_type<tc>, window_params = [{transform_indices = @transform_0, window_bounds = array<i64: 512, 256>}, {pipeline_mode = #tpu.pipeline_mode<synchronous>, transform_indices = @transform_1, window_bounds = array<i64: 256, 10240>}, {pipeline_mode = #tpu.pipeline_mode<synchronous>, transform_indices = @transform_2, window_bounds = array<i64: 256, 256>}, {pipeline_mode = #tpu.pipeline_mode<synchronous>, transform_indices = @transform_3, window_bounds = array<i64: 256, 256>}, {pipeline_mode = #tpu.pipeline_mode<synchronous>, transform_indices = @transform_4, window_bounds = array<i64: 256, 256>}, {pipeline_mode = #tpu.pipeline_mode<synchronous>, transform_indices = @transform_5, window_bounds = array<i64: 1, 256>}, {pipeline_mode = #tpu.pipeline_mode<synchronous>, transform_indices = @transform_6, window_bounds = array<i64: 1, 256>}, {pipeline_mode = #tpu.pipeline_mode<synchronous>, transform_indices = @transform_7, window_bounds = array<i64: 1, 256>}, {pipeline_mode = #tpu.pipeline_mode<synchronous>, transform_indices = @transform_8, window_bounds = array<i64: 3, 3>}, {transform_indices = @transform_9, window_bounds = array<i64: 512, 256>}]} {
    %get3A = arith.constant 0 : index
    %get3A_0 = arith.constant 0 : index
    %get3A_1 = vector.load %arg1[%get3A, %get3A_0] : memref<512x256xf32, #tpu.memory_space<vmem>>, vector<512x256xf32>
    %mul3A = arith.constant 512 : i32
    %mul3A_2 = arith.muli %arg0, %mul3A : i32
    %multiple_of3A = tpu.assume_multiple %mul3A_2, 128 : i32
    %get3A_3 = arith.constant 0 : index
    %get3A_4 = arith.index_cast %multiple_of3A : i32 to index
    %get3A_5 = vector.load %arg2[%get3A_3, %get3A_4] : memref<256x10240xf32, #tpu.memory_space<vmem>>, vector<256x512xf32>
    %transpose3A = tpu.transpose %get3A_5, [1, 0] : vector<256x512xf32> -> vector<512x256xf32>
    %get3A_6 = arith.constant 0 : index
    %get3A_7 = arith.constant 0 : index
    %get3A_8 = vector.load %arg3[%get3A_6, %get3A_7] : memref<256x256xf32, #tpu.memory_space<vmem>>, vector<256x256xf32>
    %dot_general3A = arith.constant dense<0.000000e+00> : vector<512x256xf32>
    %dot_general3A_9 = tpu.matmul %transpose3A, %get3A_8, %dot_general3A {dimension_numbers = #tpu.dot_dimension_numbers<[1], [0], [0], [1], [0, 0, 1, 1], [], []>, transpose_lhs_hint = false} : vector<512x256xf32>, vector<256x256xf32>, vector<512x256xf32> -> vector<512x256xf32>
    %max3A = arith.constant 0.000000e+00 : f32
    %max3A_10 = vector.broadcast %max3A : f32 to vector<512x256xf32>
    %max3A_11 = arith.maximumf %dot_general3A_9, %max3A_10 : vector<512x256xf32>
    %sub3A = arith.subf %get3A_1, %transpose3A : vector<512x256xf32>
    %get3A_12 = arith.constant 0 : index
    %get3A_13 = arith.constant 0 : index
    %get3A_14 = vector.load %arg4[%get3A_12, %get3A_13] : memref<256x256xf32, #tpu.memory_space<vmem>>, vector<256x256xf32>
    %dot_general3A_15 = arith.constant dense<0.000000e+00> : vector<512x256xf32>
    %dot_general3A_16 = tpu.matmul %sub3A, %get3A_14, %dot_general3A_15 {dimension_numbers = #tpu.dot_dimension_numbers<[1], [0], [0], [1], [0, 0, 1, 1], [], []>, transpose_lhs_hint = false} : vector<512x256xf32>, vector<256x256xf32>, vector<512x256xf32> -> vector<512x256xf32>
    %max3A_17 = arith.constant 0.000000e+00 : f32
    %max3A_18 = vector.broadcast %max3A_17 : f32 to vector<512x256xf32>
    %max3A_19 = arith.maximumf %dot_general3A_16, %max3A_18 : vector<512x256xf32>
    %get3A_20 = arith.constant 0 : index
    %get3A_21 = arith.constant 0 : index
    %get3A_22 = vector.load %arg5[%get3A_20, %get3A_21] : memref<256x256xf32, #tpu.memory_space<vmem>>, vector<256x256xf32>
    %dot_general3A_23 = arith.constant dense<0.000000e+00> : vector<512x256xf32>
    %dot_general3A_24 = tpu.matmul %get3A_1, %get3A_22, %dot_general3A_23 {dimension_numbers = #tpu.dot_dimension_numbers<[1], [0], [0], [1], [0, 0, 1, 1], [], []>, transpose_lhs_hint = false} : vector<512x256xf32>, vector<256x256xf32>, vector<512x256xf32> -> vector<512x256xf32>
    %max3A_25 = arith.constant 0.000000e+00 : f32
    %max3A_26 = vector.broadcast %max3A_25 : f32 to vector<512x256xf32>
    %max3A_27 = arith.maximumf %dot_general3A_24, %max3A_26 : vector<512x256xf32>
    %get3A_28 = arith.constant 0 : index
    %get3A_29 = arith.constant 0 : index
    %get3A_30 = vector.load %arg6[%get3A_28, %get3A_29] : memref<1x256xf32, #tpu.memory_space<vmem>>, vector<1x256xf32>
    %mul3A_31 = vector.broadcast %get3A_30 : vector<1x256xf32> to vector<512x256xf32>
    %mul3A_32 = arith.mulf %max3A_11, %mul3A_31 : vector<512x256xf32>
    %reduce_sum3A = arith.constant dense<0.000000e+00> : vector<512xf32>
    %reduce_sum3A_33 = vector.multi_reduction <add>, %mul3A_32, %reduce_sum3A [1] : vector<512x256xf32> to vector<512xf32>
    %broadcast_in_dim3A = vector.shape_cast %reduce_sum3A_33 : vector<512xf32> to vector<512x1xf32>
    %get3A_34 = arith.constant 0 : index
    %get3A_35 = arith.constant 0 : index
    %get3A_36 = vector.load %arg7[%get3A_34, %get3A_35] : memref<1x256xf32, #tpu.memory_space<vmem>>, vector<1x256xf32>
    %mul3A_37 = vector.broadcast %get3A_36 : vector<1x256xf32> to vector<512x256xf32>
    %mul3A_38 = arith.mulf %max3A_19, %mul3A_37 : vector<512x256xf32>
    %reduce_sum3A_39 = arith.constant dense<0.000000e+00> : vector<512xf32>
    %reduce_sum3A_40 = vector.multi_reduction <add>, %mul3A_38, %reduce_sum3A_39 [1] : vector<512x256xf32> to vector<512xf32>
    %broadcast_in_dim3A_41 = vector.shape_cast %reduce_sum3A_40 : vector<512xf32> to vector<512x1xf32>
    %get3A_42 = arith.constant 0 : index
    %get3A_43 = arith.constant 0 : index
    %get3A_44 = vector.load %arg8[%get3A_42, %get3A_43] : memref<1x256xf32, #tpu.memory_space<vmem>>, vector<1x256xf32>
    %mul3A_45 = vector.broadcast %get3A_44 : vector<1x256xf32> to vector<512x256xf32>
    %mul3A_46 = arith.mulf %max3A_27, %mul3A_45 : vector<512x256xf32>
    %reduce_sum3A_47 = arith.constant dense<0.000000e+00> : vector<512xf32>
    %reduce_sum3A_48 = vector.multi_reduction <add>, %mul3A_46, %reduce_sum3A_47 [1] : vector<512x256xf32> to vector<512xf32>
    %broadcast_in_dim3A_49 = vector.shape_cast %reduce_sum3A_48 : vector<512xf32> to vector<512x1xf32>
    %neg3A = arith.constant 0.000000e+00 : f32
    %neg3A_50 = vector.broadcast %neg3A : f32 to vector<512x1xf32>
    %neg3A_51 = arith.subf %neg3A_50, %broadcast_in_dim3A : vector<512x1xf32>
    %exp3A = math.exp %neg3A_51 : vector<512x1xf32>
    %add3A = arith.constant 1.000000e+00 : f32
    %add3A_52 = vector.broadcast %add3A : f32 to vector<512x1xf32>
    %add3A_53 = arith.addf %add3A_52, %exp3A : vector<512x1xf32>
    %div3A = arith.constant 1.000000e+00 : f32
    %div3A_54 = vector.broadcast %div3A : f32 to vector<512x1xf32>
    %div3A_55 = arith.divf %div3A_54, %add3A_53 : vector<512x1xf32>
    %neg3A_56 = arith.constant 0.000000e+00 : f32
    %neg3A_57 = vector.broadcast %neg3A_56 : f32 to vector<512x1xf32>
    %neg3A_58 = arith.subf %neg3A_57, %broadcast_in_dim3A_41 : vector<512x1xf32>
    %exp3A_59 = math.exp %neg3A_58 : vector<512x1xf32>
    %add3A_60 = arith.constant 1.000000e+00 : f32
    %add3A_61 = vector.broadcast %add3A_60 : f32 to vector<512x1xf32>
    %add3A_62 = arith.addf %add3A_61, %exp3A_59 : vector<512x1xf32>
    %div3A_63 = arith.constant 1.000000e+00 : f32
    %div3A_64 = vector.broadcast %div3A_63 : f32 to vector<512x1xf32>
    %div3A_65 = arith.divf %div3A_64, %add3A_62 : vector<512x1xf32>
    %neg3A_66 = arith.constant 0.000000e+00 : f32
    %neg3A_67 = vector.broadcast %neg3A_66 : f32 to vector<512x1xf32>
    %neg3A_68 = arith.subf %neg3A_67, %broadcast_in_dim3A_49 : vector<512x1xf32>
    %exp3A_69 = math.exp %neg3A_68 : vector<512x1xf32>
    %add3A_70 = arith.constant 1.000000e+00 : f32
    %add3A_71 = vector.broadcast %add3A_70 : f32 to vector<512x1xf32>
    %add3A_72 = arith.addf %add3A_71, %exp3A_69 : vector<512x1xf32>
    %div3A_73 = arith.constant 1.000000e+00 : f32
    %div3A_74 = vector.broadcast %div3A_73 : f32 to vector<512x1xf32>
    %div3A_75 = arith.divf %div3A_74, %add3A_72 : vector<512x1xf32>
    %concatenate3A = tpu.concatenate %div3A_55, %div3A_65, %div3A_75 in 1 : vector<512x1xf32>, vector<512x1xf32>, vector<512x1xf32> -> vector<512x3xf32>
    %get3A_76 = arith.constant 0 : index
    %get3A_77 = arith.constant 0 : index
    %get3A_78 = vector.load %arg9[%get3A_76, %get3A_77] : memref<3x3xf32, #tpu.memory_space<vmem>>, vector<3x3xf32>
    %slice3A = vector.extract_strided_slice %concatenate3A {offsets = [0, 0], sizes = [512, 1], strides = [1, 1]} : vector<512x3xf32> to vector<512x1xf32>
    %slice3A_79 = vector.extract_strided_slice %get3A_78 {offsets = [0, 0], sizes = [1, 3], strides = [1, 1]} : vector<3x3xf32> to vector<1x3xf32>
    %mul3A_80 = vector.broadcast %slice3A : vector<512x1xf32> to vector<512x3xf32>
    %mul3A_81 = vector.broadcast %slice3A_79 : vector<1x3xf32> to vector<512x3xf32>
    %mul3A_82 = arith.mulf %mul3A_80, %mul3A_81 : vector<512x3xf32>
    %slice3A_83 = vector.extract_strided_slice %concatenate3A {offsets = [0, 1], sizes = [512, 1], strides = [1, 1]} : vector<512x3xf32> to vector<512x1xf32>
    %slice3A_84 = vector.extract_strided_slice %get3A_78 {offsets = [1, 0], sizes = [1, 3], strides = [1, 1]} : vector<3x3xf32> to vector<1x3xf32>
    %mul3A_85 = vector.broadcast %slice3A_83 : vector<512x1xf32> to vector<512x3xf32>
    %mul3A_86 = vector.broadcast %slice3A_84 : vector<1x3xf32> to vector<512x3xf32>
    %mul3A_87 = arith.mulf %mul3A_85, %mul3A_86 : vector<512x3xf32>
    %add3A_88 = arith.addf %mul3A_82, %mul3A_87 : vector<512x3xf32>
    %slice3A_89 = vector.extract_strided_slice %concatenate3A {offsets = [0, 2], sizes = [512, 1], strides = [1, 1]} : vector<512x3xf32> to vector<512x1xf32>
    %slice3A_90 = vector.extract_strided_slice %get3A_78 {offsets = [2, 0], sizes = [1, 3], strides = [1, 1]} : vector<3x3xf32> to vector<1x3xf32>
    %mul3A_91 = vector.broadcast %slice3A_89 : vector<512x1xf32> to vector<512x3xf32>
    %mul3A_92 = vector.broadcast %slice3A_90 : vector<1x3xf32> to vector<512x3xf32>
    %mul3A_93 = arith.mulf %mul3A_91, %mul3A_92 : vector<512x3xf32>
    %add3A_94 = arith.addf %add3A_88, %mul3A_93 : vector<512x3xf32>
    %div3A_95 = arith.constant 3.000000e+00 : f32
    %div3A_96 = vector.broadcast %div3A_95 : f32 to vector<512x3xf32>
    %div3A_97 = arith.divf %add3A_94, %div3A_96 : vector<512x3xf32>
    %reduce_max3A = arith.constant dense<0xFF800000> : vector<512xf32>
    %reduce_max3A_98 = vector.multi_reduction <maximumf>, %div3A_97, %reduce_max3A [1] : vector<512x3xf32> to vector<512xf32>
    %broadcast_in_dim3A_99 = vector.shape_cast %reduce_max3A_98 : vector<512xf32> to vector<512x1xf32>
    %sub3A_100 = vector.broadcast %broadcast_in_dim3A_99 : vector<512x1xf32> to vector<512x3xf32>
    %sub3A_101 = arith.subf %div3A_97, %sub3A_100 : vector<512x3xf32>
    %exp3A_102 = math.exp %sub3A_101 : vector<512x3xf32>
    %reduce_sum3A_103 = arith.constant dense<0.000000e+00> : vector<512xf32>
    %reduce_sum3A_104 = vector.multi_reduction <add>, %exp3A_102, %reduce_sum3A_103 [1] : vector<512x3xf32> to vector<512xf32>
    %broadcast_in_dim3A_105 = vector.shape_cast %reduce_sum3A_104 : vector<512xf32> to vector<512x1xf32>
    %div3A_106 = vector.broadcast %broadcast_in_dim3A_105 : vector<512x1xf32> to vector<512x3xf32>
    %div3A_107 = arith.divf %exp3A_102, %div3A_106 : vector<512x3xf32>
    %slice3A_108 = vector.extract_strided_slice %div3A_107 {offsets = [0, 0], sizes = [512, 1], strides = [1, 1]} : vector<512x3xf32> to vector<512x1xf32>
    %mul3A_109 = vector.broadcast %slice3A_108 : vector<512x1xf32> to vector<512x256xf32>
    %mul3A_110 = arith.mulf %mul3A_109, %max3A_11 : vector<512x256xf32>
    %slice3A_111 = vector.extract_strided_slice %div3A_107 {offsets = [0, 1], sizes = [512, 1], strides = [1, 1]} : vector<512x3xf32> to vector<512x1xf32>
    %mul3A_112 = vector.broadcast %slice3A_111 : vector<512x1xf32> to vector<512x256xf32>
    %mul3A_113 = arith.mulf %mul3A_112, %max3A_19 : vector<512x256xf32>
    %add3A_114 = arith.addf %mul3A_110, %mul3A_113 : vector<512x256xf32>
    %slice3A_115 = vector.extract_strided_slice %div3A_107 {offsets = [0, 2], sizes = [512, 1], strides = [1, 1]} : vector<512x3xf32> to vector<512x1xf32>
    %mul3A_116 = vector.broadcast %slice3A_115 : vector<512x1xf32> to vector<512x256xf32>
    %mul3A_117 = arith.mulf %mul3A_116, %max3A_27 : vector<512x256xf32>
    %add3A_118 = arith.addf %add3A_114, %mul3A_117 : vector<512x256xf32>
    %mul3A_119 = arith.constant 3.000000e+00 : f32
    %mul3A_120 = vector.broadcast %mul3A_119 : f32 to vector<512x256xf32>
    %mul3A_121 = arith.mulf %mul3A_120, %add3A_118 : vector<512x256xf32>
    %swap3A = arith.constant 0 : index
    %swap3A_122 = arith.constant 0 : index
    %swap3A_123 = vector.load %arg10[%swap3A, %swap3A_122] : memref<512x256xf32, #tpu.memory_space<vmem>>, vector<512x256xf32>
    tpu.vector_store %arg10[%swap3A, %swap3A_122], %mul3A_121 {strides = array<i32>} : memref<512x256xf32, #tpu.memory_space<vmem>>, vector<512x256xf32>,
    return
  }
  func.func @transform_0(%arg0: i32) -> (i32, i32) {
    %c0_i32 = arith.constant 0 : i32
    %c0_i32_0 = arith.constant 0 : i32
    return %arg0, %c0_i32 : i32, i32
  }
  func.func @transform_1(%arg0: i32) -> (i32, i32) {
    %c0_i32 = arith.constant 0 : i32
    %c0_i32_0 = arith.constant 0 : i32
    %c0_i32_1 = arith.constant 0 : i32
    return %c0_i32, %c0_i32_0 : i32, i32
  }
  func.func @transform_2(%arg0: i32) -> (i32, i32) {
    %c0_i32 = arith.constant 0 : i32
    %c0_i32_0 = arith.constant 0 : i32
    %c0_i32_1 = arith.constant 0 : i32
    return %c0_i32, %c0_i32_0 : i32, i32
  }
  func.func @transform_3(%arg0: i32) -> (i32, i32) {
    %c0_i32 = arith.constant 0 : i32
    %c0_i32_0 = arith.constant 0 : i32
    %c0_i32_1 = arith.constant 0 : i32
    return %c0_i32, %c0_i32_0 : i32, i32
  }
  func.func @transform_4(%arg0: i32) -> (i32, i32) {
    %c0_i32 = arith.constant 0 : i32
    %c0_i32_0 = arith.constant 0 : i32
    %c0_i32_1 = arith.constant 0 : i32
    return %c0_i32, %c0_i32_0 : i32, i32
  }
  func.func @transform_5(%arg0: i32) -> (i32, i32) {
    %c0_i32 = arith.constant 0 : i32
    %c0_i32_0 = arith.constant 0 : i32
    %c0_i32_1 = arith.constant 0 : i32
    return %c0_i32, %c0_i32_0 : i32, i32
  }
  func.func @transform_6(%arg0: i32) -> (i32, i32) {
    %c0_i32 = arith.constant 0 : i32
    %c0_i32_0 = arith.constant 0 : i32
    %c0_i32_1 = arith.constant 0 : i32
    return %c0_i32, %c0_i32_0 : i32, i32
  }
  func.func @transform_7(%arg0: i32) -> (i32, i32) {
    %c0_i32 = arith.constant 0 : i32
    %c0_i32_0 = arith.constant 0 : i32
    %c0_i32_1 = arith.constant 0 : i32
    return %c0_i32, %c0_i32_0 : i32, i32
  }
  func.func @transform_8(%arg0: i32) -> (i32, i32) {
    %c0_i32 = arith.constant 0 : i32
    %c0_i32_0 = arith.constant 0 : i32
    %c0_i32_1 = arith.constant 0 : i32
    return %c0_i32, %c0_i32_0 : i32, i32
  }
  func.func @transform_9(%arg0: i32) -> (i32, i32) {
    %c0_i32 = arith.constant 0 : i32
    %c0_i32_0 = arith.constant 0 : i32
    return %arg0, %c0_i32 : i32, i32
  }
}

</mosaic_0001>

<sc_bundles>
// kernel: kernel.6.cloned.1.call-start
scs
__scs_entry_jumppad:
0x0: {  	(pc) =	sbr.rel $0x88, $3  }
0x1: {  	(tag) =	ssettag $0x0;
	lr =	simm.s32 $0x1  }
0x2: {  	[smem:$0x3F91] =	sst lr;
	_ =	strace $0xD0000000  }
0x3: {  	_ = 	snop  }
0x4: {  	_ = 	snop  }
0x5: {  	_ = 	snop  }
0x6: {  	_ = 	snop  }
0x7: {  	_ = 	snop  }
__scs_overlays_trampoline_lowered:
0x8: {  	[smem:$0x3FA0] =	sst s0  }
0x9: {  	[smem:$0x3FA1] =	sst s1  }
0xa: {  	[smem:$0x3FA2] =	sst s2  }
0xb: {  	[smem:$0x3FA3] =	sst s3  }
0xc: {  	[smem:$0x3FA4] =	sst s4  }
0xd: {  	[smem:$0x3FA5] =	sst s5  }
0xe: {  	[smem:$0x3FA6] =	sst s6  }
0xf: {  	[smem:$0x3FA7] =	sst s7  }
0x10: {  	[smem:$0x3FA8] =	sst s8  }
0x11: {  	[smem:$0x3FA9] =	sst s9;
	s0 =	simm.s32 @!p0 $0x0  }
0x12: {  	s1 =	sld [smem:$0x3F8F];
	s0 =	simm.s32 @p0 $0x1  }
0x13: {  	[smem:$0x3FAA] =	sst s0;
	s0 =	simm.s32 @!p1 $0x0  }
0x14: {  	s2 =	sld [smem:$0x3F8E];
	s0 =	simm.s32 @p1 $0x1  }
0x15: {  	[smem:$0x3FAB] =	sst s0;
	s0 =	simm.s32 @!p2 $0x0  }
0x16: {  	s3 =	sld [smem:$0x3FDB];
	s0 =	simm.s32 @p2 $0x1  }
0x17: {  	s4 =	simm.s32 $0x1BF5;
	[smem:$0x3FAD] =	sst s0  }
0x18: {  	s0 =	sld [smem:$0x3F90];
	_ =	swait.ge [sflag:s4], $0x0  }
0x19: {  	s7 =	sld [smem:$0x3F91]  }
0x1a: {  	s8 =	sadd.s32 $0xFFFFE003, lr  }
0x1b: {  	s9 =	sadd.s32 $0xFFFFFEF7, lr;
	s5 =	simm.s32 $0xFFFFFFFF;
	p2 =	slt.u32 s8, $0xFFFFF086  }
0x1c: {  	p1 =	slt.u32 s9, $0xF7A;
	s5 =	simm.s32 @!p2 $0x0  }
0x1d: {  	s5 =	simm.s32 @p1 $0x1;
	p0 =	seq.s32 s7, s2  }
0x1e: {  	s7 =	smul.u32 @!p0 $0xF7A, s2;
	p2 =	seq.s32 @!p0 s5, $0x0  }
0x1f: {  	s9 =	smul.u32 $0xF7A, s1;
	s8 =	simm.s32 @!p0 $0x1BF5;
	p2 =	por !p2, p0  }
0x20: {  	[sflag:s8] =	ssyncset.s32 @!p0 $0xFFFFF086;
	s6 =	sadd.s32 @!p0 s3, s7;
	s7 =	simm.s32 @!p0 $0x108  }
0x21: {  	s3 =	sadd.s32 s3, s9;
	s6 =	sadd.s32 @!p0 $0x88, s6;
	s7 =	simm.s32 @p2 $0x1082  }
0x22: {  	[simem:s7], [sflag:s8] =	dma.local @!p0 [hbm:s6], $0xF7A  }
0x23: {  	s9 =	sor.u32 $0xD0000000, s2;
	s6 =	simm.s32 $0x108;
	_ =	swait.ge @!p0 [sflag:s8], $0x0  }
0x24: {  	s3 =	sadd.s32 $0x88, s3;
	s6 =	simm.s32 @!p1 $0x1082;
	[sflag:s4] =	ssyncset.s32 $0xFFFFF086  }
0x25: {  	[simem:s6], [sflag:s4] =	dma.local [hbm:s3], $0xF7A  }
0x26: {  	[smem:$0x3F91] =	sst s1;
	(tag) =	ssettag s2;
	_ =	strace s9  }
0x27: {  	s1 =	sld [smem:$0x3FA1]  }
0x28: {  	s2 =	sld [smem:$0x3FA2]  }
0x29: {  	s4 =	sld [smem:$0x3FA4]  }
0x2a: {  	p0 =	seq.s32 s5, $0x0;
	s5 =	sld [smem:$0x3FA5]  }
0x2b: {  	s6 =	sld [smem:$0x3FA6]  }
0x2c: {  	s7 =	sld [smem:$0x3FA7]  }
0x2d: {  	s3 =	simm.s32 $0x108;
	s8 =	sld [smem:$0x3FA8]  }
0x2e: {  	s3 =	simm.s32 @!p0 $0x1082;
	s9 =	sld [smem:$0x3FA9]  }
0x2f: {  	lr =	sadd.s32 s0, s3;
	s0 =	sld [smem:$0x3FA0]  }
0x30: {  	s3 =	sld [smem:$0x3FA3]  }
0x31: {  	[smem:$0x3FAC] =	sst s10  }
0x32: {  	s10 =	sld [smem:$0x3FAA];
	_ =	sdelay $0x3  }
0x33: {  	p0 =	seq.s32 s10, $0x1;
	s10 =	sld [smem:$0x3FAC];
	_ =	sdelay $0x3  }
0x34: {  	[smem:$0x3FAC] =	sst s10  }
0x35: {  	s10 =	sld [smem:$0x3FAB];
	_ =	sdelay $0x3  }
0x36: {  	p1 =	seq.s32 s10, $0x1;
	s10 =	sld [smem:$0x3FAC];
	_ =	sdelay $0x3  }
0x37: {  	[smem:$0x3FAC] =	sst s10  }
0x38: {  	s10 =	sld [smem:$0x3FAD]  }
0x39: {  	_ = 	snop;
	(pc) =	sbr.ind lr, $3  }
0x3a: {  	_ = 	snop  }
0x3b: {  	_ = 	snop  }
0x3c: {  	p2 =	seq.s32 s10, $0x1;
	s10 =	sld [smem:$0x3FAC]  }
0x3d: {  	_ =	shalt  }
0x3e: {  	_ =	shalt  }
0x3f: {  	_ =	shalt  }
0x40: {  	_ =	shalt  }
0x41: {  	_ =	shalt  }
0x42: {  	_ =	shalt  }
0x43: {  	_ =	shalt  }
0x44: {  	_ =	shalt  }
0x45: {  	_ =	shalt  }
0x46: {  	_ =	shalt  }
0x47: {  	_ =	shalt  }
0x48: {  	_ =	shalt  }
0x49: {  	_ =	shalt  }
0x4a: {  	_ =	shalt  }
0x4b: {  	_ =	shalt  }
0x4c: {  	_ =	shalt  }
0x4d: {  	_ =	shalt  }
0x4e: {  	_ =	shalt  }
0x4f: {  	_ =	shalt  }
0x50: {  	_ =	shalt  }
0x51: {  	_ =	shalt  }
0x52: {  	_ =	shalt  }
0x53: {  	_ =	shalt  }
0x54: {  	_ =	shalt  }
0x55: {  	_ =	shalt  }
0x56: {  	_ =	shalt  }
0x57: {  	_ =	shalt  }
0x58: {  	_ =	shalt  }
0x59: {  	_ =	shalt  }
0x5a: {  	_ =	shalt  }
0x5b: {  	_ =	shalt  }
0x5c: {  	_ =	shalt  }
0x5d: {  	_ =	shalt  }
0x5e: {  	_ =	shalt  }
0x5f: {  	_ =	shalt  }
0x60: {  	_ =	shalt  }
0x61: {  	_ =	shalt  }
0x62: {  	_ =	shalt  }
0x63: {  	_ =	shalt  }
0x64: {  	_ =	shalt  }
0x65: {  	_ =	shalt  }
0x66: {  	_ =	shalt  }
0x67: {  	_ =	shalt  }
0x68: {  	_ =	shalt  }
0x69: {  	_ =	shalt  }
0x6a: {  	_ =	shalt  }
0x6b: {  	_ =	shalt  }
0x6c: {  	_ =	shalt  }
0x6d: {  	_ =	shalt  }
0x6e: {  	_ =	shalt  }
0x6f: {  	_ =	shalt  }
0x70: {  	_ =	shalt  }
0x71: {  	_ =	shalt  }
0x72: {  	_ =	shalt  }
0x73: {  	_ =	shalt  }
0x74: {  	_ =	shalt  }
0x75: {  	_ =	shalt  }
0x76: {  	_ =	shalt  }
0x77: {  	_ =	shalt  }
0x78: {  	_ =	shalt  }
0x79: {  	_ =	shalt  }
0x7a: {  	_ =	shalt  }
0x7b: {  	_ =	shalt  }
0x7c: {  	_ =	shalt  }
0x7d: {  	_ =	shalt  }
0x7e: {  	_ =	shalt  }
0x7f: {  	_ =	shalt  }
0x80: {  	_ =	shalt  }
0x81: {  	_ =	shalt  }
0x82: {  	_ =	shalt  }
0x83: {  	_ =	shalt  }
0x84: {  	_ =	shalt  }
0x85: {  	_ =	shalt  }
0x86: {  	_ =	shalt  }
0x87: {  	_ =	shalt  }
.Lfunc_end0:
.L_simem_size_0:
called_computation_lowered:
.L_overlay_start_0:
0x88: {  	s2 =	sld [smem:$0x3FD9]  }
0x89: {  	s3 =	sld [smem:$0x3FFE];
	_ =	sdelay $0x1  }
0x8a: {  	s1 =	srdreg.scid  }
0x8b: {  	s0 =	sand.u32 $0x1, s1  }
0x8c: {  	s17 =	sshll.u32 s0, $0xA;
	s2 =	sadd.s32 s3, s2  }
0x8d: {  	s2 =	sadd.s32 s2, s17  }
0x8e: {  	[smem:$0x3FB8] =	sst s2  }
0x8f: {  	_ = 	snop  }
0x90: {  	s2 =	sld [smem:$0x3FD0];
	(tm) =	ssettm $0x1  }
0x91: {  	s18 =	sld [smem:$0x3FFB];
	_ =	sdelay $0x3  }
0x92: {  	_ =	strace s18  }
0x93: {  	s3 =	sld [smem:$0x3FFC];
	_ =	sdelay $0x3  }
0x94: {  	_ =	strace s3  }
0x95: {  	s3 =	sld [smem:$0x3FFD];
	_ =	sdelay $0x3  }
0x96: {  	_ =	strace s3  }
0x97: {  	_ =	strace $0x8FFFFFFF  }
0x98: {  	s19 =	sld [smem:$0x3FDB];
	_ =	sdelay $0x1  }
0x99: {  	s4 =	simm.s32 $_scs_section_size  }
0x9a: {  	s5 =	simm.s32 $_size__tile_overlayer_lowered;
	s6 =	simm.s32 $_tile_overlayer_lowered  }
0x9b: {  	s22 =	simm.s32 $0x1BFF;
	s21 =	sshll.u32 s6, $0x1;
	s3 =	sadd.s32 s4, s19  }
0x9c: {  	s7 =	simm.s32 $0x0;
	s20 =	sshll.u32 s5, $0x1;
	s5 =	sadd.s32 s21, s3  }
0x9d: {  	[timem:s7], [sflag:s22] =	dma.local [hbm:s5], s20  }
0x9e: {  	_ =	swait.ge [sflag:s22], s20  }
0x9f: {  	s4 =	ssub.s32 $0x0, s20;
	[sflag:s22] =	ssyncset.done $0x0  }
0xa0: {  	[sflag:s22] =	ssyncadd.s32 s4;
	_ =	sdelay $0x1  }
0xa1: {  	s23 =	simm.s32 $0x1B8B  }
0xa2: {  	_ =	swait.ge [sflag:s23], $0x1  }
0xa3: {  	[sflag:s23] =	ssyncset.done $0x0  }
0xa4: {  	s25 =	simm.s32 $0x1B8E;
	s24 =	sld [smem:$0x3FFE];
	[sflag:s23] =	ssyncadd.s32 $0xFFFFFFFF  }
0xa5: {  	s26 =	simm.s32 $execute0_lowered;
	[smem:$0x3FD2] =	sst s25  }
0xa6: {  	s5 =	sshll.u32 s26, $0x1;
	_ =	strace $0x80000046;
	[dreg:$0x1] =	wrdreg $0xFFFFFFFF  }
0xa7: {  	s28 =	simm.s32 $_size_execute0_lowered;
	s3 =	sadd.s32 s3, s5;
	[dreg:$0x0] =	wrdreg $0x0  }
0xa8: {  	s5 =	sshll.u32 s28, $0x1;
	[dreg:$0x2] =	wrdreg s3  }
0xa9: {  	[dreg:$0x3] =	wrdreg s5  }
0xaa: {  	[dreg:$0x4] =	wrdreg $0xC0  }
0xab: {  	_ =	task [dreg:s7], $0x5FFFF  }
0xac: {  	[dreg:$0x1] =	wrdreg $0xFFFFFFFF  }
0xad: {  	[dreg:$0x0] =	wrdreg $0x60  }
0xae: {  	[dreg:$0x2] =	wrdreg s24  }
0xaf: {  	[dreg:$0x3] =	wrdreg s2  }
0xb0: {  	[dreg:$0x4] =	wrdreg $0x1A6000  }
0xb1: {  	[dreg:$0x5] =	wrdreg $0x1CE000  }
0xb2: {  	[dreg:$0x6] =	wrdreg $0x9  }
0xb3: {  	_ =	task.clear_ibuf [dreg:s7], $0x7FFFF;
	_ =	strace $0x90000046  }
0xb4: {  	s29 =	simm.s32 $0x9;
	_ =	strace $0x80000048  }
0xb5: {  	_ =	swait.ge [sflag:s29], $0x1  }
0xb6: {  	[sflag:s29] =	ssyncadd.s32 $0xFFFFFFFF  }
0xb7: {  	_ =	strace $0x90000048  }
0xb8: {  	_ =	sfence  }
0xb9: {  	s30 =	sld [smem:$0x0];
	_ =	sdelay $0x2  }
0xba: {  	s31 =	sshll.u32 s1, $0xD;
	s1 =	sshrl.u32 s1, $0x2  }
0xbb: {  	s3 =	sand.u32 $0x4000, s31;
	s1 =	sadd.s32 s1, s30  }
0xbc: {  	s0 =	sor.u32 s3, s0;
	s1 =	sshll.u32 s1, $0x11  }
0xbd: {  	s0 =	sor.u32 s1, s0  }
0xbe: {  	s0 =	sadd.s32 $0x8F2B, s0  }
0xbf: {  	[sflag:s0] =	ssyncadd.remote.s32 $0x1  }
0xc0: {  	_ =	sfence.sel $0xFFFF  }
0xc1: {  	[dreg:$0x0] =	wrdreg $0xFFFFFFFF;
	(pc) =	sbr.abs _section_cstart, $3  }
0xc2: {  	[dreg:$0x1] =	wrdreg $0xFFFFFFFF  }
0xc3: {  	_ =	task.clear_ibuf [dreg:s7], $0x2FFFF;
	_ =	strace $0x9FFFFFFF  }
0xc4: {  	(tm) =	ssettm $0x7FFFFFFF  }
0xc5: {  	_ =	shalt  }
tec
execute0_lowered:
.L_overlay_start_1:
0x0: {  	(tag) =	ssettag $0x1  }
0x1: {  	s1 =	rddreg [dreg:$0x0]  }
0x2: {  	s13 =	stileid.u32;
	s5 =	srdreg.scid  }
0x3: {  	s0 =	rddreg [dreg:$0x1];
	s7 =	sand.u32 $0x1, s5;
	s18 =	sshrl.u32 s13, $0x3  }
0x4: {  	s2 =	rddreg [dreg:$0x2];
	s9 =	sshll.u32 s7, $0x4;
	s5 =	smul.u32 $0x50000, s18  }
0x5: {  	s14 =	rddreg [dreg:$0x3];
	s9 =	sor.u32 s13, s9  }
0x6: {  	s12 =	sshll.u32 s13, $0x7;
	s5 =	sshrl.u32 s5, $0x2;
	s9 =	smul.u32 $0xA000, s9  }
0x7: {  	s4 =	sadd.s32 $0x7E00, s1;
	s19 =	sand.u32 $0x380, s12;
	s5 =	sadd.s32 s5, s2  }
0x8: {  	s6 =	sadd.s32 $0x57E00, s1;
	s5 =	sadd.s32 s19, s5;
	s9 =	sshrl.u32 s9, $0x3  }
0x9: {  	s11 =	smul.u32 $0x5000, s13;
	[dreg:$0x5] =	wrdreg s5;
	s21 =	sadd.s32 s4, s9  }
0xa: {  	s22 =	sadd.s32 $0x500, s9;
	s16 =	sadd.s32 s6, s9;
	[dreg:$0x6] =	wrdreg s21  }
0xb: {  	s24 =	sadd.s32 $0xA00, s9;
	s23 =	sadd.s32 s4, s22;
	[dreg:$0xa] =	wrdreg s16  }
0xc: {  	s25 =	sadd.s32 $0xF00, s9;
	s26 =	sadd.s32 s4, s24;
	[dreg:$0x7] =	wrdreg s23  }
0xd: {  	s20 =	sshrl.u32 s11, $0x2;
	s15 =	sadd.s32 s4, s25;
	[dreg:$0x8] =	wrdreg s26  }
0xe: {  	s5 =	sadd.s32 s20, s2;
	s2 =	sadd.s32 s6, s22;
	[dreg:$0x9] =	wrdreg s15  }
0xf: {  	s17 =	sadd.s32 s6, s24;
	[dreg:$0xb] =	wrdreg s2  }
0x10: {  	s18 =	sadd.s32 $0x28000, s9;
	s19 =	sadd.s32 s6, s25;
	[dreg:$0xc] =	wrdreg s17  }
0x11: {  	s20 =	sadd.s32 s4, s18;
	s21 =	sadd.s32 $0x28500, s9;
	[dreg:$0xd] =	wrdreg s19  }
0x12: {  	[dreg:$0xe] =	wrdreg s20;
	s22 =	sadd.s32 s4, s21  }
0x13: {  	s2 =	sadd.s32 s6, s18;
	[dreg:$0xf] =	wrdreg s22  }
0x14: {  	s23 =	sadd.s32 $0x28A00, s9;
	s25 =	sadd.s32 s6, s21;
	[dreg:$0x12] =	wrdreg s2  }
0x15: {  	s9 =	sadd.s32 $0x28F00, s9;
	s24 =	sadd.s32 s4, s23;
	[dreg:$0x13] =	wrdreg s25  }
0x16: {  	s4 =	sadd.s32 s4, s9;
	[dreg:$0x10] =	wrdreg s24  }
0x17: {  	s8 =	ssub.s32 $0x2, s7;
	s26 =	sadd.s32 s6, s23;
	[dreg:$0x11] =	wrdreg s4  }
0x18: {  	s10 =	sshrl.u32 s8, $0x1;
	s22 =	simm.s32 $0x0;
	[dreg:$0x14] =	wrdreg s26  }
0x19: {  	s8 =	ssub.s32 s8, s10;
	s4 =	sadd.s32 s6, s9;
	[smem:$0x7FF] =	sst s22  }
0x1a: {  	s9 =	smax.u32 s8, $0x1;
	[dreg:$0x15] =	wrdreg s4  }
0x1b: {  	s10 =	sadd.s32 $0x80, s5;
	_ =	strace $0x80000047;
	[dreg:$0x17] =	wrdreg s9  }
0x1c: {  	s11 =	sadd.s32 $0x100, s5;
	[dreg:$0x18] =	wrdreg s10  }
0x1d: {  	s3 =	smul.u32 $0x280, s13;
	s12 =	sadd.s32 $0x180, s5;
	[dreg:$0x19] =	wrdreg s11  }
0x1e: {  	s28 =	smul.u32 $0x2710, s13;
	s13 =	sadd.s32 $0x200, s5;
	[dreg:$0x1a] =	wrdreg s12  }
0x1f: {  	s15 =	sadd.s32 $0x280, s5;
	[dreg:$0x1b] =	wrdreg s13  }
0x20: {  	s16 =	sadd.s32 $0x300, s5;
	[dreg:$0x1c] =	wrdreg s15  }
0x21: {  	s17 =	sadd.s32 $0x380, s5;
	[dreg:$0x1d] =	wrdreg s16  }
0x22: {  	s29 =	simm.s32 $0xC600;
	s18 =	sadd.s32 $0x14000, s5;
	[dreg:$0x1e] =	wrdreg s17  }
0x23: {  	s30 =	simm.s32 $0xED80;
	s19 =	sadd.s32 $0x14080, s5;
	[dreg:$0x1f] =	wrdreg s18  }
0x24: {  	s31 =	simm.s32 $0x11500;
	s20 =	sadd.s32 $0x14100, s5;
	[smem:$0x7F8] =	sst s19  }
0x25: {  	p0 =	sne.s32 s7, $0x0;
	s21 =	sadd.s32 $0x14180, s5;
	[smem:$0x7F9] =	sst s20  }
0x26: {  	s14 =	sadd.s32 s3, s14;
	s23 =	sadd.s32 $0x14200, s5;
	[smem:$0x7FA] =	sst s21  }
0x27: {  	s25 =	sadd.s32 $0x14280, s5;
	s6 =	sshrl.u32 s3, $0x3;
	[smem:$0x7FB] =	sst s23  }
0x28: {  	s26 =	sadd.s32 $0x14300, s5;
	s2 =	sadd.s32 s6, s1;
	[smem:$0x7FC] =	sst s25  }
0x29: {  	s24 =	sadd.s32 $0x2E00, s1;
	s7 =	sadd.s32 $0xA7E00, s2;
	[smem:$0x7FD] =	sst s26  }
0x2a: {  	s13 =	sadd.s32 $0x14380, s5;
	s15 =	sadd.s32 $0x9E00, s3;
	s16 =	simm.s32 $0x13C80  }
0x2b: {  	s17 =	simm.s32 $0x3;
	s18 =	simm.s32 $0x9E00;
	s19 =	simm.s32 $0x80  }
0x2c: {  	s20 =	simm.s32 $0x400;
	s23 =	simm.s32 $0x2780;
	s25 =	simm.s32 $0x4F00  }
0x2d: {  	v0 =	vimm.f32 $0.0e+00;
	v1 =	vimm.f32 $1.000000000e+00;
	s26 =	simm.s32 $0x7680;
	s21 =	simm.s32 $0x0;
	[dreg:$0x16] =	wrdreg s7  }
.LBB2_1:
0x2e: {  	s1 =	simm.s32 $0x0  }
.LBB2_2:
0x2f: {  	p1 =	sne.s32 s1, $0x9FC0  }
.Ltmp0:
0x30: {  	_ = 	snop;
	(pc) =	sbr.rel @p1 .LBB2_2-.Ltmp0, $3  }
0x31: {  	_ =	sdelay $0x1  }
0x32: {  	s2 =	sshra.s32 s1, $0x2  }
0x33: {  	s1 =	sadd.s32 $0x40, s1;
	[tilespmem:s2+$0x9E00] =	vst v0  }
0x34: {  	s1 =	simm.s32 $0x0  }
.LBB2_4:
0x35: {  	s2 =	smul.u32 $0x7D0, s1;
	_ =	sdelay $0x1  }
0x36: {  	s2 =	sadd.s32 s28, s2  }
0x37: {  	s2 =	sshrl.u32 s2, $0x3  }
0x38: {  	s2 =	sadd.s32 s0, s2  }
0x39: {  	[tilespmem:s16], [sflag:$0x3] =	stream.linear.gather [hbm4b:s2+s22], $0x7D0, $0x38;
	[tilespmem:$0x1D080] =	vst v63  }
0x3a: {  	_ =	swait.ge [sflag:s17], $0x7D0  }
0x3b: {  	[sflag:s17] =	ssyncset.done $0x0  }
0x3c: {  	s2 =	simm.s32 $0x13CC0;
	[sflag:s17] =	ssyncadd.s32 $0xFFFFF830  }
0x3d: {  	v3 =	vld [tilespmem:s2+$0xFFFFFFC0]  }
0x3e: {  	v4 =	vld [tilespmem:s2+$0x30]  }
0x3f: {  	v5 =	vld [tilespmem:s2+$0x20]  }
0x40: {  	v6 =	vld [tilespmem:s2+$0x10]  }
0x41: {  	v7 =	vld [tilespmem:s2+$0x0]  }
0x42: {  	v8 =	vld [tilespmem:s2+$0xFFFFFFF0]  }
0x43: {  	v9 =	vld [tilespmem:s2+$0xFFFFFFE0]  }
0x44: {  	v2 =	vld [tilespmem:s2+$0xFFFFFFD0]  }
0x45: {  	[tilespmem:v3+s18+$0x0] =	vst.idx.add.f32.msk $0xffff, v1  }
0x46: {  	[tilespmem:v4+s18+$0x0] =	vst.idx.add.f32.msk $0xffff, v1  }
0x47: {  	[tilespmem:v5+s18+$0x0] =	vst.idx.add.f32.msk $0xffff, v1  }
0x48: {  	[tilespmem:v6+s18+$0x0] =	vst.idx.add.f32.msk $0xffff, v1  }
0x49: {  	[tilespmem:v7+s18+$0x0] =	vst.idx.add.f32.msk $0xffff, v1  }
0x4a: {  	[tilespmem:v8+s18+$0x0] =	vst.idx.add.f32.msk $0xffff, v1  }
0x4b: {  	s4 =	simm.s32 $0x0;
	[tilespmem:v9+s18+$0x0] =	vst.idx.add.f32.msk $0xffff, v1  }
.LBB2_5:
0x4c: {  	s4 =	sadd.s32 $0x8, s4;
	[tilespmem:v2+s18+$0x0] =	vst.idx.add.f32.msk $0xffff, v1;
	s2 =	sadd.s32 $0x80, s2  }
0x4d: {  	v3 =	vld [tilespmem:s2+$0xFFFFFFC0];
	p1 =	slt.u32 s4, $0x70  }
0x4e: {  	v4 =	vld [tilespmem:s2+$0x30]  }
0x4f: {  	v5 =	vld [tilespmem:s2+$0x20]  }
0x50: {  	v6 =	vld [tilespmem:s2+$0x10]  }
0x51: {  	v7 =	vld [tilespmem:s2+$0x0]  }
0x52: {  	v8 =	vld [tilespmem:s2+$0xFFFFFFF0]  }
0x53: {  	v9 =	vld [tilespmem:s2+$0xFFFFFFE0]  }
0x54: {  	v2 =	vld [tilespmem:s2+$0xFFFFFFD0]  }
0x55: {  	[tilespmem:v3+s18+$0x0] =	vst.idx.add.f32.msk $0xffff, v1  }
0x56: {  	[tilespmem:v4+s18+$0x0] =	vst.idx.add.f32.msk $0xffff, v1  }
.Ltmp1:
0x57: {  	[tilespmem:v5+s18+$0x0] =	vst.idx.add.f32.msk $0xffff, v1;
	(pc) =	sbr.rel @p1 .LBB2_5-.Ltmp1, $4  }
0x58: {  	[tilespmem:v6+s18+$0x0] =	vst.idx.add.f32.msk $0xffff, v1  }
0x59: {  	[tilespmem:v7+s18+$0x0] =	vst.idx.add.f32.msk $0xffff, v1  }
0x5a: {  	[tilespmem:v8+s18+$0x0] =	vst.idx.add.f32.msk $0xffff, v1  }
0x5b: {  	[tilespmem:v9+s18+$0x0] =	vst.idx.add.f32.msk $0xffff, v1  }
0x5c: {  	_ =	sdelay $0x3  }
0x5d: {  	[tilespmem:v2+s18+$0x0] =	vst.idx.add.f32.msk $0xffff, v1;
	s2 =	simm.s32 $0x0  }
.LBB2_7:
0x5e: {  	s4 =	sshra.s32 s2, $0x2  }
0x5f: {  	v2 =	vld [tilespmem:s4+$0x14400];
	_ =	sdelay $0x2  }
0x60: {  	p1 =	sne.s32 s2, $0x100  }
.Ltmp2:
0x61: {  	_ = 	snop;
	(pc) =	sbr.rel @p1 .LBB2_7-.Ltmp2, $2  }
0x62: {  	_ =	sdelay $0x2  }
0x63: {  	s2 =	sadd.s32 $0x40, s2;
	[tilespmem:v2+s18+$0x0] =	vst.idx.add.f32.msk $0xffff, v1  }
0x64: {  	s1 =	sadd.s32 $0x1, s1  }
0x65: {  	p1 =	sne.s32 s1, $0x5  }
.Ltmp3:
0x66: {  	_ = 	snop;
	(pc) =	sbr.rel @p1 .LBB2_4-.Ltmp3, $1  }
0x67: {  	_ =	sdelay $0x3  }
0x68: {  	s1 =	rddreg [dreg:$0x5]  }
0x69: {  	[spmem:s1] =	stream.strided.scatter [tilespmem:s18], [sflag:$0x3], $0x2800, s20, s19, $0x38;
	[tilespmem:$0x1D080] =	vst v63  }
0x6a: {  	_ =	swait.ge [sflag:s17], $0x2800  }
0x6b: {  	s12 =	simm.s32 $0x0;
	s2 =	sadd.s32 $0x0, s3;
	[sflag:s17] =	ssyncset.done $0x0  }
0x6c: {  	s2 =	sand.u32 $0x7F80, s2;
	s4 =	sand.u32 $0x70, s12;
	[sflag:s17] =	ssyncadd.s32 $0xFFFFD800  }
0x6d: {  	s1 =	simm.s32 $0x10;
	s2 =	sor.u32 s4, s2;
	[bflag:$0x0] =	sbarrier.arrive $0xFFFF  }
.LBB2_10:
0x6e: {  	p1 =	sne.s32 s1, $0x270;
	[tilespmem:s2+$0x9E00] =	vst v0;
	s2 =	smov.u32 s1;
	s1 =	sadd.s32 $0x10, s1  }
.Ltmp4:
0x6f: {  	(pc) =	sbr.rel @p1 .LBB2_10-.Ltmp4, $4  }
0x70: {  	_ = 	snop  }
0x71: {  	s4 =	sadd.s32 s2, s3  }
0x72: {  	s2 =	sand.u32 $0x70, s2;
	s4 =	sand.u32 $0x7F80, s4  }
0x73: {  	s2 =	sor.u32 s2, s4  }
0x74: {  	[tilespmem:s2+$0x9E00] =	vst v0;
	s12 =	simm.s32 $0x1A380  }
0x75: {  	[tilespmem:s12], [sflag:$0x3] =	stream.strided.gather [spmem:s5], $0x280, s20, s19, $0x38;
	[tilespmem:$0x1D080] =	vst v63  }
0x76: {  	_ =	swait.ge [sflag:s17], $0x280  }
0x77: {  	s1 =	simm.s32 $0x0;
	s4 =	sadd.s32 $0x0, s3;
	[sflag:s17] =	ssyncset.done $0x0  }
0x78: {  	s4 =	sand.u32 $0x7F80, s4;
	s1 =	sand.u32 $0x70, s1;
	[sflag:s17] =	ssyncadd.s32 $0xFFFFFD80  }
0x79: {  	s1 =	sor.u32 s1, s4;
	v2 =	vld [tilespmem:s12+$0x0]  }
0x7a: {  	v3 =	vld [tilespmem:s1+$0x9E00];
	_ =	sdelay $0x4  }
0x7b: {  	s7 =	sadd.s32 $0x10, s3;
	v2 =	vadd.f32 v2, v3  }
0x7c: {  	s6 =	simm.s32 $0x20;
	s2 =	simm.s32 $0x1A390;
	s4 =	simm.s32 $0x10  }
.LBB2_12:
0x7d: {  	p1 =	sne.s32 s6, $0x270;
	s7 =	sand.u32 $0x7F80, s7;
	s4 =	sand.u32 $0x70, s4;
	[tilespmem:s1+$0x9E00] =	vst v2  }
0x7e: {  	s1 =	sor.u32 s4, s7;
	v2 =	vld [tilespmem:s2+$0x0];
	s4 =	smov.u32 s6  }
0x7f: {  	v3 =	vld [tilespmem:s1+$0x9E00];
	_ =	sdelay $0x1  }
.Ltmp5:
0x80: {  	(pc) =	sbr.rel @p1 .LBB2_12-.Ltmp5, $3  }
0x81: {  	_ =	sdelay $0x1  }
0x82: {  	v2 =	vadd.f32 v2, v3  }
0x83: {  	s6 =	sadd.s32 $0x10, s6;
	s2 =	sadd.s32 $0x10, s2;
	s7 =	sadd.s32 s4, s3  }
0x84: {  	s6 =	sand.u32 $0x7F80, s7;
	s4 =	sand.u32 $0x70, s4;
	[tilespmem:s1+$0x9E00] =	vst v2  }
0x85: {  	s8 =	sor.u32 s4, s6;
	v2 =	vld [tilespmem:s2+$0x0]  }
0x86: {  	v3 =	vld [tilespmem:s8+$0x9E00];
	_ =	sdelay $0x4  }
0x87: {  	v2 =	vadd.f32 v2, v3;
	_ =	sdelay $0x1  }
0x88: {  	s9 =	simm.s32 $0x1A380;
	s10 =	rddreg [dreg:$0x18];
	[tilespmem:s8+$0x9E00] =	vst v2  }
0x89: {  	[tilespmem:s9], [sflag:$0x3] =	stream.strided.gather [spmem:s10], $0x280, s20, s19, $0x38;
	[tilespmem:$0x1D080] =	vst v63  }
0x8a: {  	_ =	swait.ge [sflag:s17], $0x280  }
0x8b: {  	s11 =	simm.s32 $0x0;
	s12 =	sadd.s32 $0x0, s3;
	[sflag:s17] =	ssyncset.done $0x0  }
0x8c: {  	s4 =	sand.u32 $0x7F80, s12;
	s1 =	sand.u32 $0x70, s11;
	[sflag:s17] =	ssyncadd.s32 $0xFFFFFD80  }
0x8d: {  	s1 =	sor.u32 s1, s4;
	v2 =	vld [tilespmem:s9+$0x0]  }
0x8e: {  	v3 =	vld [tilespmem:s1+$0x9E00];
	_ =	sdelay $0x4  }
0x8f: {  	s7 =	sadd.s32 $0x10, s3;
	v2 =	vadd.f32 v2, v3  }
0x90: {  	s6 =	simm.s32 $0x20;
	s2 =	simm.s32 $0x1A390;
	s4 =	simm.s32 $0x10  }
.LBB2_14:
0x91: {  	p1 =	sne.s32 s6, $0x270;
	s7 =	sand.u32 $0x7F80, s7;
	s4 =	sand.u32 $0x70, s4;
	[tilespmem:s1+$0x9E00] =	vst v2  }
0x92: {  	s1 =	sor.u32 s4, s7;
	v2 =	vld [tilespmem:s2+$0x0];
	s4 =	smov.u32 s6  }
0x93: {  	v3 =	vld [tilespmem:s1+$0x9E00];
	_ =	sdelay $0x1  }
.Ltmp6:
0x94: {  	(pc) =	sbr.rel @p1 .LBB2_14-.Ltmp6, $3  }
0x95: {  	_ =	sdelay $0x1  }
0x96: {  	v2 =	vadd.f32 v2, v3  }
0x97: {  	s6 =	sadd.s32 $0x10, s6;
	s2 =	sadd.s32 $0x10, s2;
	s7 =	sadd.s32 s4, s3  }
0x98: {  	s6 =	sand.u32 $0x7F80, s7;
	s4 =	sand.u32 $0x70, s4;
	[tilespmem:s1+$0x9E00] =	vst v2  }
0x99: {  	s8 =	sor.u32 s4, s6;
	v2 =	vld [tilespmem:s2+$0x0]  }
0x9a: {  	v3 =	vld [tilespmem:s8+$0x9E00];
	_ =	sdelay $0x4  }
0x9b: {  	v2 =	vadd.f32 v2, v3;
	_ =	sdelay $0x1  }
0x9c: {  	s9 =	simm.s32 $0x1A380;
	s10 =	rddreg [dreg:$0x19];
	[tilespmem:s8+$0x9E00] =	vst v2  }
0x9d: {  	[tilespmem:s9], [sflag:$0x3] =	stream.strided.gather [spmem:s10], $0x280, s20, s19, $0x38;
	[tilespmem:$0x1D080] =	vst v63  }
0x9e: {  	_ =	swait.ge [sflag:s17], $0x280  }
0x9f: {  	s11 =	simm.s32 $0x0;
	s12 =	sadd.s32 $0x0, s3;
	[sflag:s17] =	ssyncset.done $0x0  }
0xa0: {  	s4 =	sand.u32 $0x7F80, s12;
	s1 =	sand.u32 $0x70, s11;
	[sflag:s17] =	ssyncadd.s32 $0xFFFFFD80  }
0xa1: {  	s1 =	sor.u32 s1, s4;
	v2 =	vld [tilespmem:s9+$0x0]  }
0xa2: {  	v3 =	vld [tilespmem:s1+$0x9E00];
	_ =	sdelay $0x4  }
0xa3: {  	s7 =	sadd.s32 $0x10, s3;
	v2 =	vadd.f32 v2, v3  }
0xa4: {  	s6 =	simm.s32 $0x20;
	s2 =	simm.s32 $0x1A390;
	s4 =	simm.s32 $0x10  }
.LBB2_16:
0xa5: {  	p1 =	sne.s32 s6, $0x270;
	s7 =	sand.u32 $0x7F80, s7;
	s4 =	sand.u32 $0x70, s4;
	[tilespmem:s1+$0x9E00] =	vst v2  }
0xa6: {  	s1 =	sor.u32 s4, s7;
	v2 =	vld [tilespmem:s2+$0x0];
	s4 =	smov.u32 s6  }
0xa7: {  	v3 =	vld [tilespmem:s1+$0x9E00];
	_ =	sdelay $0x1  }
.Ltmp7:
0xa8: {  	(pc) =	sbr.rel @p1 .LBB2_16-.Ltmp7, $3  }
0xa9: {  	_ =	sdelay $0x1  }
0xaa: {  	v2 =	vadd.f32 v2, v3  }
0xab: {  	s6 =	sadd.s32 $0x10, s6;
	s2 =	sadd.s32 $0x10, s2;
	s7 =	sadd.s32 s4, s3  }
0xac: {  	s6 =	sand.u32 $0x7F80, s7;
	s4 =	sand.u32 $0x70, s4;
	[tilespmem:s1+$0x9E00] =	vst v2  }
0xad: {  	s8 =	sor.u32 s4, s6;
	v2 =	vld [tilespmem:s2+$0x0]  }
0xae: {  	v3 =	vld [tilespmem:s8+$0x9E00];
	_ =	sdelay $0x4  }
0xaf: {  	v2 =	vadd.f32 v2, v3;
	_ =	sdelay $0x1  }
0xb0: {  	s9 =	simm.s32 $0x1A380;
	s10 =	rddreg [dreg:$0x1a];
	[tilespmem:s8+$0x9E00] =	vst v2  }
0xb1: {  	[tilespmem:s9], [sflag:$0x3] =	stream.strided.gather [spmem:s10], $0x280, s20, s19, $0x38;
	[tilespmem:$0x1D080] =	vst v63  }
0xb2: {  	_ =	swait.ge [sflag:s17], $0x280  }
0xb3: {  	s11 =	simm.s32 $0x0;
	s12 =	sadd.s32 $0x0, s3;
	[sflag:s17] =	ssyncset.done $0x0  }
0xb4: {  	s4 =	sand.u32 $0x7F80, s12;
	s1 =	sand.u32 $0x70, s11;
	[sflag:s17] =	ssyncadd.s32 $0xFFFFFD80  }
0xb5: {  	s1 =	sor.u32 s1, s4;
	v2 =	vld [tilespmem:s9+$0x0]  }
0xb6: {  	v3 =	vld [tilespmem:s1+$0x9E00];
	_ =	sdelay $0x4  }
0xb7: {  	s7 =	sadd.s32 $0x10, s3;
	v2 =	vadd.f32 v2, v3  }
0xb8: {  	s6 =	simm.s32 $0x20;
	s2 =	simm.s32 $0x1A390;
	s4 =	simm.s32 $0x10  }
.LBB2_18:
0xb9: {  	p1 =	sne.s32 s6, $0x270;
	s7 =	sand.u32 $0x7F80, s7;
	s4 =	sand.u32 $0x70, s4;
	[tilespmem:s1+$0x9E00] =	vst v2  }
0xba: {  	s1 =	sor.u32 s4, s7;
	v2 =	vld [tilespmem:s2+$0x0];
	s4 =	smov.u32 s6  }
0xbb: {  	v3 =	vld [tilespmem:s1+$0x9E00];
	_ =	sdelay $0x1  }
.Ltmp8:
0xbc: {  	(pc) =	sbr.rel @p1 .LBB2_18-.Ltmp8, $3  }
0xbd: {  	_ =	sdelay $0x1  }
0xbe: {  	v2 =	vadd.f32 v2, v3  }
0xbf: {  	s6 =	sadd.s32 $0x10, s6;
	s2 =	sadd.s32 $0x10, s2;
	s7 =	sadd.s32 s4, s3  }
0xc0: {  	s6 =	sand.u32 $0x7F80, s7;
	s4 =	sand.u32 $0x70, s4;
	[tilespmem:s1+$0x9E00] =	vst v2  }
0xc1: {  	s8 =	sor.u32 s4, s6;
	v2 =	vld [tilespmem:s2+$0x0]  }
0xc2: {  	v3 =	vld [tilespmem:s8+$0x9E00];
	_ =	sdelay $0x4  }
0xc3: {  	v2 =	vadd.f32 v2, v3;
	_ =	sdelay $0x1  }
0xc4: {  	s9 =	simm.s32 $0x1A380;
	s10 =	rddreg [dreg:$0x1b];
	[tilespmem:s8+$0x9E00] =	vst v2  }
0xc5: {  	[tilespmem:s9], [sflag:$0x3] =	stream.strided.gather [spmem:s10], $0x280, s20, s19, $0x38;
	[tilespmem:$0x1D080] =	vst v63  }
0xc6: {  	_ =	swait.ge [sflag:s17], $0x280  }
0xc7: {  	s11 =	simm.s32 $0x0;
	s12 =	sadd.s32 $0x0, s3;
	[sflag:s17] =	ssyncset.done $0x0  }
0xc8: {  	s4 =	sand.u32 $0x7F80, s12;
	s1 =	sand.u32 $0x70, s11;
	[sflag:s17] =	ssyncadd.s32 $0xFFFFFD80  }
0xc9: {  	s1 =	sor.u32 s1, s4;
	v2 =	vld [tilespmem:s9+$0x0]  }
0xca: {  	v3 =	vld [tilespmem:s1+$0x9E00];
	_ =	sdelay $0x4  }
0xcb: {  	s7 =	sadd.s32 $0x10, s3;
	v2 =	vadd.f32 v2, v3  }
0xcc: {  	s6 =	simm.s32 $0x20;
	s2 =	simm.s32 $0x1A390;
	s4 =	simm.s32 $0x10  }
.LBB2_20:
0xcd: {  	p1 =	sne.s32 s6, $0x270;
	s7 =	sand.u32 $0x7F80, s7;
	s4 =	sand.u32 $0x70, s4;
	[tilespmem:s1+$0x9E00] =	vst v2  }
0xce: {  	s1 =	sor.u32 s4, s7;
	v2 =	vld [tilespmem:s2+$0x0];
	s4 =	smov.u32 s6  }
0xcf: {  	v3 =	vld [tilespmem:s1+$0x9E00];
	_ =	sdelay $0x1  }
.Ltmp9:
0xd0: {  	(pc) =	sbr.rel @p1 .LBB2_20-.Ltmp9, $3  }
0xd1: {  	_ =	sdelay $0x1  }
0xd2: {  	v2 =	vadd.f32 v2, v3  }
0xd3: {  	s6 =	sadd.s32 $0x10, s6;
	s2 =	sadd.s32 $0x10, s2;
	s7 =	sadd.s32 s4, s3  }
0xd4: {  	s6 =	sand.u32 $0x7F80, s7;
	s4 =	sand.u32 $0x70, s4;
	[tilespmem:s1+$0x9E00] =	vst v2  }
0xd5: {  	s8 =	sor.u32 s4, s6;
	v2 =	vld [tilespmem:s2+$0x0]  }
0xd6: {  	v3 =	vld [tilespmem:s8+$0x9E00];
	_ =	sdelay $0x4  }
0xd7: {  	v2 =	vadd.f32 v2, v3;
	_ =	sdelay $0x1  }
0xd8: {  	s9 =	simm.s32 $0x1A380;
	s10 =	rddreg [dreg:$0x1c];
	[tilespmem:s8+$0x9E00] =	vst v2  }
0xd9: {  	[tilespmem:s9], [sflag:$0x3] =	stream.strided.gather [spmem:s10], $0x280, s20, s19, $0x38;
	[tilespmem:$0x1D080] =	vst v63  }
0xda: {  	_ =	swait.ge [sflag:s17], $0x280  }
0xdb: {  	s11 =	simm.s32 $0x0;
	s12 =	sadd.s32 $0x0, s3;
	[sflag:s17] =	ssyncset.done $0x0  }
0xdc: {  	s4 =	sand.u32 $0x7F80, s12;
	s1 =	sand.u32 $0x70, s11;
	[sflag:s17] =	ssyncadd.s32 $0xFFFFFD80  }
0xdd: {  	s1 =	sor.u32 s1, s4;
	v2 =	vld [tilespmem:s9+$0x0]  }
0xde: {  	v3 =	vld [tilespmem:s1+$0x9E00];
	_ =	sdelay $0x4  }
0xdf: {  	s7 =	sadd.s32 $0x10, s3;
	v2 =	vadd.f32 v2, v3  }
0xe0: {  	s6 =	simm.s32 $0x20;
	s2 =	simm.s32 $0x1A390;
	s4 =	simm.s32 $0x10  }
.LBB2_22:
0xe1: {  	p1 =	sne.s32 s6, $0x270;
	s7 =	sand.u32 $0x7F80, s7;
	s4 =	sand.u32 $0x70, s4;
	[tilespmem:s1+$0x9E00] =	vst v2  }
0xe2: {  	s1 =	sor.u32 s4, s7;
	v2 =	vld [tilespmem:s2+$0x0];
	s4 =	smov.u32 s6  }
0xe3: {  	v3 =	vld [tilespmem:s1+$0x9E00];
	_ =	sdelay $0x1  }
.Ltmp10:
0xe4: {  	(pc) =	sbr.rel @p1 .LBB2_22-.Ltmp10, $3  }
0xe5: {  	_ =	sdelay $0x1  }
0xe6: {  	v2 =	vadd.f32 v2, v3  }
0xe7: {  	s6 =	sadd.s32 $0x10, s6;
	s2 =	sadd.s32 $0x10, s2;
	s7 =	sadd.s32 s4, s3  }
0xe8: {  	s6 =	sand.u32 $0x7F80, s7;
	s4 =	sand.u32 $0x70, s4;
	[tilespmem:s1+$0x9E00] =	vst v2  }
0xe9: {  	s8 =	sor.u32 s4, s6;
	v2 =	vld [tilespmem:s2+$0x0]  }
0xea: {  	v3 =	vld [tilespmem:s8+$0x9E00];
	_ =	sdelay $0x4  }
0xeb: {  	v2 =	vadd.f32 v2, v3;
	_ =	sdelay $0x1  }
0xec: {  	s9 =	simm.s32 $0x1A380;
	s10 =	rddreg [dreg:$0x1d];
	[tilespmem:s8+$0x9E00] =	vst v2  }
0xed: {  	[tilespmem:s9], [sflag:$0x3] =	stream.strided.gather [spmem:s10], $0x280, s20, s19, $0x38;
	[tilespmem:$0x1D080] =	vst v63  }
0xee: {  	_ =	swait.ge [sflag:s17], $0x280  }
0xef: {  	s11 =	simm.s32 $0x0;
	s12 =	sadd.s32 $0x0, s3;
	[sflag:s17] =	ssyncset.done $0x0  }
0xf0: {  	s4 =	sand.u32 $0x7F80, s12;
	s1 =	sand.u32 $0x70, s11;
	[sflag:s17] =	ssyncadd.s32 $0xFFFFFD80  }
0xf1: {  	s1 =	sor.u32 s1, s4;
	v2 =	vld [tilespmem:s9+$0x0]  }
0xf2: {  	v3 =	vld [tilespmem:s1+$0x9E00];
	_ =	sdelay $0x4  }
0xf3: {  	s7 =	sadd.s32 $0x10, s3;
	v2 =	vadd.f32 v2, v3  }
0xf4: {  	s6 =	simm.s32 $0x20;
	s2 =	simm.s32 $0x1A390;
	s4 =	simm.s32 $0x10  }
.LBB2_24:
0xf5: {  	p1 =	sne.s32 s6, $0x270;
	s7 =	sand.u32 $0x7F80, s7;
	s4 =	sand.u32 $0x70, s4;
	[tilespmem:s1+$0x9E00] =	vst v2  }
0xf6: {  	s1 =	sor.u32 s4, s7;
	v2 =	vld [tilespmem:s2+$0x0];
	s4 =	smov.u32 s6  }
0xf7: {  	v3 =	vld [tilespmem:s1+$0x9E00];
	_ =	sdelay $0x1  }
.Ltmp11:
0xf8: {  	(pc) =	sbr.rel @p1 .LBB2_24-.Ltmp11, $3  }
0xf9: {  	_ =	sdelay $0x1  }
0xfa: {  	v2 =	vadd.f32 v2, v3  }
0xfb: {  	s6 =	sadd.s32 $0x10, s6;
	s2 =	sadd.s32 $0x10, s2;
	s7 =	sadd.s32 s4, s3  }
0xfc: {  	s6 =	sand.u32 $0x7F80, s7;
	s4 =	sand.u32 $0x70, s4;
	[tilespmem:s1+$0x9E00] =	vst v2  }
0xfd: {  	s8 =	sor.u32 s4, s6;
	v2 =	vld [tilespmem:s2+$0x0]  }
0xfe: {  	v3 =	vld [tilespmem:s8+$0x9E00];
	_ =	sdelay $0x4  }
0xff: {  	v2 =	vadd.f32 v2, v3;
	_ =	sdelay $0x1  }
0x100: {  	s9 =	simm.s32 $0x1A380;
	s10 =	rddreg [dreg:$0x1e];
	[tilespmem:s8+$0x9E00] =	vst v2  }
0x101: {  	[tilespmem:s9], [sflag:$0x3] =	stream.strided.gather [spmem:s10], $0x280, s20, s19, $0x38;
	[tilespmem:$0x1D080] =	vst v63  }
0x102: {  	_ =	swait.ge [sflag:s17], $0x280  }
0x103: {  	s11 =	simm.s32 $0x0;
	s12 =	sadd.s32 $0x0, s3;
	[sflag:s17] =	ssyncset.done $0x0  }
0x104: {  	s4 =	sand.u32 $0x7F80, s12;
	s1 =	sand.u32 $0x70, s11;
	[sflag:s17] =	ssyncadd.s32 $0xFFFFFD80  }
0x105: {  	s1 =	sor.u32 s1, s4;
	v2 =	vld [tilespmem:s9+$0x0]  }
0x106: {  	v3 =	vld [tilespmem:s1+$0x9E00];
	_ =	sdelay $0x4  }
0x107: {  	s7 =	sadd.s32 $0x10, s3;
	v2 =	vadd.f32 v2, v3  }
0x108: {  	s6 =	simm.s32 $0x20;
	s2 =	simm.s32 $0x1A390;
	s4 =	simm.s32 $0x10  }
.LBB2_26:
0x109: {  	p1 =	sne.s32 s6, $0x270;
	s7 =	sand.u32 $0x7F80, s7;
	s4 =	sand.u32 $0x70, s4;
	[tilespmem:s1+$0x9E00] =	vst v2  }
0x10a: {  	s1 =	sor.u32 s4, s7;
	v2 =	vld [tilespmem:s2+$0x0];
	s4 =	smov.u32 s6  }
0x10b: {  	v3 =	vld [tilespmem:s1+$0x9E00];
	_ =	sdelay $0x1  }
.Ltmp12:
0x10c: {  	(pc) =	sbr.rel @p1 .LBB2_26-.Ltmp12, $3  }
0x10d: {  	_ =	sdelay $0x1  }
0x10e: {  	v2 =	vadd.f32 v2, v3  }
0x10f: {  	s6 =	sadd.s32 $0x10, s6;
	s2 =	sadd.s32 $0x10, s2;
	s7 =	sadd.s32 s4, s3  }
0x110: {  	s6 =	sand.u32 $0x7F80, s7;
	s4 =	sand.u32 $0x70, s4;
	[tilespmem:s1+$0x9E00] =	vst v2  }
0x111: {  	s8 =	sor.u32 s4, s6;
	v2 =	vld [tilespmem:s2+$0x0]  }
0x112: {  	v3 =	vld [tilespmem:s8+$0x9E00];
	_ =	sdelay $0x4  }
0x113: {  	v2 =	vadd.f32 v2, v3;
	_ =	sdelay $0x1  }
0x114: {  	s9 =	simm.s32 $0x1A380;
	s10 =	rddreg [dreg:$0x1f];
	[tilespmem:s8+$0x9E00] =	vst v2  }
0x115: {  	[tilespmem:s9], [sflag:$0x3] =	stream.strided.gather [spmem:s10], $0x280, s20, s19, $0x38;
	[tilespmem:$0x1D080] =	vst v63  }
0x116: {  	_ =	swait.ge [sflag:s17], $0x280  }
0x117: {  	s11 =	simm.s32 $0x0;
	s12 =	sadd.s32 $0x0, s3;
	[sflag:s17] =	ssyncset.done $0x0  }
0x118: {  	s4 =	sand.u32 $0x7F80, s12;
	s1 =	sand.u32 $0x70, s11;
	[sflag:s17] =	ssyncadd.s32 $0xFFFFFD80  }
0x119: {  	s1 =	sor.u32 s1, s4;
	v2 =	vld [tilespmem:s9+$0x0]  }
0x11a: {  	v3 =	vld [tilespmem:s1+$0x9E00];
	_ =	sdelay $0x4  }
0x11b: {  	s7 =	sadd.s32 $0x10, s3;
	v2 =	vadd.f32 v2, v3  }
0x11c: {  	s6 =	simm.s32 $0x20;
	s2 =	simm.s32 $0x1A390;
	s4 =	simm.s32 $0x10  }
.LBB2_28:
0x11d: {  	p1 =	sne.s32 s6, $0x270;
	s7 =	sand.u32 $0x7F80, s7;
	s4 =	sand.u32 $0x70, s4;
	[tilespmem:s1+$0x9E00] =	vst v2  }
0x11e: {  	s1 =	sor.u32 s4, s7;
	v2 =	vld [tilespmem:s2+$0x0];
	s4 =	smov.u32 s6  }
0x11f: {  	v3 =	vld [tilespmem:s1+$0x9E00];
	_ =	sdelay $0x1  }
.Ltmp13:
0x120: {  	(pc) =	sbr.rel @p1 .LBB2_28-.Ltmp13, $3  }
0x121: {  	_ =	sdelay $0x1  }
0x122: {  	v2 =	vadd.f32 v2, v3  }
0x123: {  	s6 =	sadd.s32 $0x10, s6;
	s2 =	sadd.s32 $0x10, s2;
	s7 =	sadd.s32 s4, s3  }
0x124: {  	s6 =	sand.u32 $0x7F80, s7;
	s4 =	sand.u32 $0x70, s4;
	[tilespmem:s1+$0x9E00] =	vst v2  }
0x125: {  	s8 =	sor.u32 s4, s6;
	v2 =	vld [tilespmem:s2+$0x0]  }
0x126: {  	v3 =	vld [tilespmem:s8+$0x9E00];
	_ =	sdelay $0x4  }
0x127: {  	s10 =	sld [smem:$0x7F8];
	v2 =	vadd.f32 v2, v3;
	_ =	sdelay $0x1  }
0x128: {  	s9 =	simm.s32 $0x1A380;
	[tilespmem:s8+$0x9E00] =	vst v2  }
0x129: {  	[tilespmem:s9], [sflag:$0x3] =	stream.strided.gather [spmem:s10], $0x280, s20, s19, $0x38;
	[tilespmem:$0x1D080] =	vst v63  }
0x12a: {  	_ =	swait.ge [sflag:s17], $0x280  }
0x12b: {  	s11 =	simm.s32 $0x0;
	s12 =	sadd.s32 $0x0, s3;
	[sflag:s17] =	ssyncset.done $0x0  }
0x12c: {  	s4 =	sand.u32 $0x7F80, s12;
	s1 =	sand.u32 $0x70, s11;
	[sflag:s17] =	ssyncadd.s32 $0xFFFFFD80  }
0x12d: {  	s1 =	sor.u32 s1, s4;
	v2 =	vld [tilespmem:s9+$0x0]  }
0x12e: {  	v3 =	vld [tilespmem:s1+$0x9E00];
	_ =	sdelay $0x4  }
0x12f: {  	s7 =	sadd.s32 $0x10, s3;
	v2 =	vadd.f32 v2, v3  }
0x130: {  	s6 =	simm.s32 $0x20;
	s2 =	simm.s32 $0x1A390;
	s4 =	simm.s32 $0x10  }
.LBB2_30:
0x131: {  	p1 =	sne.s32 s6, $0x270;
	s7 =	sand.u32 $0x7F80, s7;
	s4 =	sand.u32 $0x70, s4;
	[tilespmem:s1+$0x9E00] =	vst v2  }
0x132: {  	s1 =	sor.u32 s4, s7;
	v2 =	vld [tilespmem:s2+$0x0];
	s4 =	smov.u32 s6  }
0x133: {  	v3 =	vld [tilespmem:s1+$0x9E00];
	_ =	sdelay $0x1  }
.Ltmp14:
0x134: {  	(pc) =	sbr.rel @p1 .LBB2_30-.Ltmp14, $3  }
0x135: {  	_ =	sdelay $0x1  }
0x136: {  	v2 =	vadd.f32 v2, v3  }
0x137: {  	s6 =	sadd.s32 $0x10, s6;
	s2 =	sadd.s32 $0x10, s2;
	s7 =	sadd.s32 s4, s3  }
0x138: {  	s6 =	sand.u32 $0x7F80, s7;
	s4 =	sand.u32 $0x70, s4;
	[tilespmem:s1+$0x9E00] =	vst v2  }
0x139: {  	s8 =	sor.u32 s4, s6;
	v2 =	vld [tilespmem:s2+$0x0]  }
0x13a: {  	v3 =	vld [tilespmem:s8+$0x9E00];
	_ =	sdelay $0x4  }
0x13b: {  	s10 =	sld [smem:$0x7F9];
	v2 =	vadd.f32 v2, v3;
	_ =	sdelay $0x1  }
0x13c: {  	s9 =	simm.s32 $0x1A380;
	[tilespmem:s8+$0x9E00] =	vst v2  }
0x13d: {  	[tilespmem:s9], [sflag:$0x3] =	stream.strided.gather [spmem:s10], $0x280, s20, s19, $0x38;
	[tilespmem:$0x1D080] =	vst v63  }
0x13e: {  	_ =	swait.ge [sflag:s17], $0x280  }
0x13f: {  	s11 =	simm.s32 $0x0;
	s12 =	sadd.s32 $0x0, s3;
	[sflag:s17] =	ssyncset.done $0x0  }
0x140: {  	s4 =	sand.u32 $0x7F80, s12;
	s1 =	sand.u32 $0x70, s11;
	[sflag:s17] =	ssyncadd.s32 $0xFFFFFD80  }
0x141: {  	s1 =	sor.u32 s1, s4;
	v2 =	vld [tilespmem:s9+$0x0]  }
0x142: {  	v3 =	vld [tilespmem:s1+$0x9E00];
	_ =	sdelay $0x4  }
0x143: {  	s7 =	sadd.s32 $0x10, s3;
	v2 =	vadd.f32 v2, v3  }
0x144: {  	s6 =	simm.s32 $0x20;
	s2 =	simm.s32 $0x1A390;
	s4 =	simm.s32 $0x10  }
.LBB2_32:
0x145: {  	p1 =	sne.s32 s6, $0x270;
	s7 =	sand.u32 $0x7F80, s7;
	s4 =	sand.u32 $0x70, s4;
	[tilespmem:s1+$0x9E00] =	vst v2  }
0x146: {  	s1 =	sor.u32 s4, s7;
	v2 =	vld [tilespmem:s2+$0x0];
	s4 =	smov.u32 s6  }
0x147: {  	v3 =	vld [tilespmem:s1+$0x9E00];
	_ =	sdelay $0x1  }
.Ltmp15:
0x148: {  	(pc) =	sbr.rel @p1 .LBB2_32-.Ltmp15, $3  }
0x149: {  	_ =	sdelay $0x1  }
0x14a: {  	v2 =	vadd.f32 v2, v3  }
0x14b: {  	s6 =	sadd.s32 $0x10, s6;
	s2 =	sadd.s32 $0x10, s2;
	s7 =	sadd.s32 s4, s3  }
0x14c: {  	s6 =	sand.u32 $0x7F80, s7;
	s4 =	sand.u32 $0x70, s4;
	[tilespmem:s1+$0x9E00] =	vst v2  }
0x14d: {  	s8 =	sor.u32 s4, s6;
	v2 =	vld [tilespmem:s2+$0x0]  }
0x14e: {  	v3 =	vld [tilespmem:s8+$0x9E00];
	_ =	sdelay $0x4  }
0x14f: {  	s10 =	sld [smem:$0x7FA];
	v2 =	vadd.f32 v2, v3;
	_ =	sdelay $0x1  }
0x150: {  	s9 =	simm.s32 $0x1A380;
	[tilespmem:s8+$0x9E00] =	vst v2  }
0x151: {  	[tilespmem:s9], [sflag:$0x3] =	stream.strided.gather [spmem:s10], $0x280, s20, s19, $0x38;
	[tilespmem:$0x1D080] =	vst v63  }
0x152: {  	_ =	swait.ge [sflag:s17], $0x280  }
0x153: {  	s11 =	simm.s32 $0x0;
	s12 =	sadd.s32 $0x0, s3;
	[sflag:s17] =	ssyncset.done $0x0  }
0x154: {  	s4 =	sand.u32 $0x7F80, s12;
	s1 =	sand.u32 $0x70, s11;
	[sflag:s17] =	ssyncadd.s32 $0xFFFFFD80  }
0x155: {  	s1 =	sor.u32 s1, s4;
	v2 =	vld [tilespmem:s9+$0x0]  }
0x156: {  	v3 =	vld [tilespmem:s1+$0x9E00];
	_ =	sdelay $0x4  }
0x157: {  	s7 =	sadd.s32 $0x10, s3;
	v2 =	vadd.f32 v2, v3  }
0x158: {  	s6 =	simm.s32 $0x20;
	s2 =	simm.s32 $0x1A390;
	s4 =	simm.s32 $0x10  }
.LBB2_34:
0x159: {  	p1 =	sne.s32 s6, $0x270;
	s7 =	sand.u32 $0x7F80, s7;
	s4 =	sand.u32 $0x70, s4;
	[tilespmem:s1+$0x9E00] =	vst v2  }
0x15a: {  	s1 =	sor.u32 s4, s7;
	v2 =	vld [tilespmem:s2+$0x0];
	s4 =	smov.u32 s6  }
0x15b: {  	v3 =	vld [tilespmem:s1+$0x9E00];
	_ =	sdelay $0x1  }
.Ltmp16:
0x15c: {  	(pc) =	sbr.rel @p1 .LBB2_34-.Ltmp16, $3  }
0x15d: {  	_ =	sdelay $0x1  }
0x15e: {  	v2 =	vadd.f32 v2, v3  }
0x15f: {  	s6 =	sadd.s32 $0x10, s6;
	s2 =	sadd.s32 $0x10, s2;
	s7 =	sadd.s32 s4, s3  }
0x160: {  	s6 =	sand.u32 $0x7F80, s7;
	s4 =	sand.u32 $0x70, s4;
	[tilespmem:s1+$0x9E00] =	vst v2  }
0x161: {  	s8 =	sor.u32 s4, s6;
	v2 =	vld [tilespmem:s2+$0x0]  }
0x162: {  	v3 =	vld [tilespmem:s8+$0x9E00];
	_ =	sdelay $0x4  }
0x163: {  	s10 =	sld [smem:$0x7FB];
	v2 =	vadd.f32 v2, v3;
	_ =	sdelay $0x1  }
0x164: {  	s9 =	simm.s32 $0x1A380;
	[tilespmem:s8+$0x9E00] =	vst v2  }
0x165: {  	[tilespmem:s9], [sflag:$0x3] =	stream.strided.gather [spmem:s10], $0x280, s20, s19, $0x38;
	[tilespmem:$0x1D080] =	vst v63  }
0x166: {  	_ =	swait.ge [sflag:s17], $0x280  }
0x167: {  	s11 =	simm.s32 $0x0;
	s12 =	sadd.s32 $0x0, s3;
	[sflag:s17] =	ssyncset.done $0x0  }
0x168: {  	s4 =	sand.u32 $0x7F80, s12;
	s1 =	sand.u32 $0x70, s11;
	[sflag:s17] =	ssyncadd.s32 $0xFFFFFD80  }
0x169: {  	s1 =	sor.u32 s1, s4;
	v2 =	vld [tilespmem:s9+$0x0]  }
0x16a: {  	v3 =	vld [tilespmem:s1+$0x9E00];
	_ =	sdelay $0x4  }
0x16b: {  	s7 =	sadd.s32 $0x10, s3;
	v2 =	vadd.f32 v2, v3  }
0x16c: {  	s6 =	simm.s32 $0x20;
	s2 =	simm.s32 $0x1A390;
	s4 =	simm.s32 $0x10  }
.LBB2_36:
0x16d: {  	p1 =	sne.s32 s6, $0x270;
	s7 =	sand.u32 $0x7F80, s7;
	s4 =	sand.u32 $0x70, s4;
	[tilespmem:s1+$0x9E00] =	vst v2  }
0x16e: {  	s1 =	sor.u32 s4, s7;
	v2 =	vld [tilespmem:s2+$0x0];
	s4 =	smov.u32 s6  }
0x16f: {  	v3 =	vld [tilespmem:s1+$0x9E00];
	_ =	sdelay $0x1  }
.Ltmp17:
0x170: {  	(pc) =	sbr.rel @p1 .LBB2_36-.Ltmp17, $3  }
0x171: {  	_ =	sdelay $0x1  }
0x172: {  	v2 =	vadd.f32 v2, v3  }
0x173: {  	s6 =	sadd.s32 $0x10, s6;
	s2 =	sadd.s32 $0x10, s2;
	s7 =	sadd.s32 s4, s3  }
0x174: {  	s6 =	sand.u32 $0x7F80, s7;
	s4 =	sand.u32 $0x70, s4;
	[tilespmem:s1+$0x9E00] =	vst v2  }
0x175: {  	s8 =	sor.u32 s4, s6;
	v2 =	vld [tilespmem:s2+$0x0]  }
0x176: {  	v3 =	vld [tilespmem:s8+$0x9E00];
	_ =	sdelay $0x4  }
0x177: {  	s10 =	sld [smem:$0x7FC];
	v2 =	vadd.f32 v2, v3;
	_ =	sdelay $0x1  }
0x178: {  	s9 =	simm.s32 $0x1A380;
	[tilespmem:s8+$0x9E00] =	vst v2  }
0x179: {  	[tilespmem:s9], [sflag:$0x3] =	stream.strided.gather [spmem:s10], $0x280, s20, s19, $0x38;
	[tilespmem:$0x1D080] =	vst v63  }
0x17a: {  	_ =	swait.ge [sflag:s17], $0x280  }
0x17b: {  	s11 =	simm.s32 $0x0;
	s12 =	sadd.s32 $0x0, s3;
	[sflag:s17] =	ssyncset.done $0x0  }
0x17c: {  	s4 =	sand.u32 $0x7F80, s12;
	s1 =	sand.u32 $0x70, s11;
	[sflag:s17] =	ssyncadd.s32 $0xFFFFFD80  }
0x17d: {  	s1 =	sor.u32 s1, s4;
	v2 =	vld [tilespmem:s9+$0x0]  }
0x17e: {  	v3 =	vld [tilespmem:s1+$0x9E00];
	_ =	sdelay $0x4  }
0x17f: {  	s7 =	sadd.s32 $0x10, s3;
	v2 =	vadd.f32 v2, v3  }
0x180: {  	s6 =	simm.s32 $0x20;
	s2 =	simm.s32 $0x1A390;
	s4 =	simm.s32 $0x10  }
.LBB2_38:
0x181: {  	p1 =	sne.s32 s6, $0x270;
	s7 =	sand.u32 $0x7F80, s7;
	s4 =	sand.u32 $0x70, s4;
	[tilespmem:s1+$0x9E00] =	vst v2  }
0x182: {  	s1 =	sor.u32 s4, s7;
	v2 =	vld [tilespmem:s2+$0x0];
	s4 =	smov.u32 s6  }
0x183: {  	v3 =	vld [tilespmem:s1+$0x9E00];
	_ =	sdelay $0x1  }
.Ltmp18:
0x184: {  	(pc) =	sbr.rel @p1 .LBB2_38-.Ltmp18, $3  }
0x185: {  	_ =	sdelay $0x1  }
0x186: {  	v2 =	vadd.f32 v2, v3  }
0x187: {  	s6 =	sadd.s32 $0x10, s6;
	s2 =	sadd.s32 $0x10, s2;
	s7 =	sadd.s32 s4, s3  }
0x188: {  	s6 =	sand.u32 $0x7F80, s7;
	s4 =	sand.u32 $0x70, s4;
	[tilespmem:s1+$0x9E00] =	vst v2  }
0x189: {  	s8 =	sor.u32 s4, s6;
	v2 =	vld [tilespmem:s2+$0x0]  }
0x18a: {  	v3 =	vld [tilespmem:s8+$0x9E00];
	_ =	sdelay $0x4  }
0x18b: {  	s10 =	sld [smem:$0x7FD];
	v2 =	vadd.f32 v2, v3;
	_ =	sdelay $0x1  }
0x18c: {  	s9 =	simm.s32 $0x1A380;
	[tilespmem:s8+$0x9E00] =	vst v2  }
0x18d: {  	[tilespmem:s9], [sflag:$0x3] =	stream.strided.gather [spmem:s10], $0x280, s20, s19, $0x38;
	[tilespmem:$0x1D080] =	vst v63  }
0x18e: {  	_ =	swait.ge [sflag:s17], $0x280  }
0x18f: {  	s11 =	simm.s32 $0x0;
	s12 =	sadd.s32 $0x0, s3;
	[sflag:s17] =	ssyncset.done $0x0  }
0x190: {  	s4 =	sand.u32 $0x7F80, s12;
	s1 =	sand.u32 $0x70, s11;
	[sflag:s17] =	ssyncadd.s32 $0xFFFFFD80  }
0x191: {  	s1 =	sor.u32 s1, s4;
	v2 =	vld [tilespmem:s9+$0x0]  }
0x192: {  	v3 =	vld [tilespmem:s1+$0x9E00];
	_ =	sdelay $0x4  }
0x193: {  	s7 =	sadd.s32 $0x10, s3;
	v2 =	vadd.f32 v2, v3  }
0x194: {  	s6 =	simm.s32 $0x20;
	s2 =	simm.s32 $0x1A390;
	s4 =	simm.s32 $0x10  }
.LBB2_40:
0x195: {  	p1 =	sne.s32 s6, $0x270;
	s7 =	sand.u32 $0x7F80, s7;
	s4 =	sand.u32 $0x70, s4;
	[tilespmem:s1+$0x9E00] =	vst v2  }
0x196: {  	s1 =	sor.u32 s4, s7;
	v2 =	vld [tilespmem:s2+$0x0];
	s4 =	smov.u32 s6  }
0x197: {  	v3 =	vld [tilespmem:s1+$0x9E00];
	_ =	sdelay $0x1  }
.Ltmp19:
0x198: {  	(pc) =	sbr.rel @p1 .LBB2_40-.Ltmp19, $3  }
0x199: {  	_ =	sdelay $0x1  }
0x19a: {  	v2 =	vadd.f32 v2, v3  }
0x19b: {  	s6 =	sadd.s32 $0x10, s6;
	s2 =	sadd.s32 $0x10, s2;
	s7 =	sadd.s32 s4, s3  }
0x19c: {  	s6 =	sand.u32 $0x7F80, s7;
	s4 =	sand.u32 $0x70, s4;
	[tilespmem:s1+$0x9E00] =	vst v2  }
0x19d: {  	s9 =	sor.u32 s4, s6;
	v2 =	vld [tilespmem:s2+$0x0]  }
0x19e: {  	v3 =	vld [tilespmem:s9+$0x9E00];
	_ =	sdelay $0x4  }
0x19f: {  	v2 =	vadd.f32 v2, v3;
	_ =	sdelay $0x1  }
0x1a0: {  	s10 =	simm.s32 $0x1A380;
	[tilespmem:s9+$0x9E00] =	vst v2  }
0x1a1: {  	[tilespmem:s10], [sflag:$0x3] =	stream.strided.gather [spmem:s13], $0x280, s20, s19, $0x38;
	[tilespmem:$0x1D080] =	vst v63  }
0x1a2: {  	_ =	swait.ge [sflag:s17], $0x280  }
0x1a3: {  	s11 =	simm.s32 $0x0;
	s12 =	sadd.s32 $0x0, s3;
	[sflag:s17] =	ssyncset.done $0x0  }
0x1a4: {  	s2 =	sand.u32 $0x7F80, s12;
	s4 =	sand.u32 $0x70, s11;
	[sflag:s17] =	ssyncadd.s32 $0xFFFFFD80  }
0x1a5: {  	s6 =	sor.u32 s4, s2;
	v2 =	vld [tilespmem:s10+$0x0]  }
0x1a6: {  	v3 =	vld [tilespmem:s6+$0x9E00];
	_ =	sdelay $0x4  }
0x1a7: {  	s1 =	simm.s32 $0x10;
	s8 =	simm.s32 $0x20;
	v2 =	vadd.f32 v2, v3  }
0x1a8: {  	s7 =	simm.s32 $0x1A390;
	s9 =	simm.s32 $0x10;
	s10 =	sadd.s32 $0x10, s3  }
.LBB2_42:
0x1a9: {  	p1 =	sne.s32 s8, $0x270;
	s10 =	sand.u32 $0x7F80, s10;
	s9 =	sand.u32 $0x70, s9;
	[tilespmem:s6+$0x9E00] =	vst v2  }
0x1aa: {  	s6 =	sor.u32 s9, s10;
	v2 =	vld [tilespmem:s7+$0x0];
	s9 =	smov.u32 s8  }
0x1ab: {  	v3 =	vld [tilespmem:s6+$0x9E00];
	_ =	sdelay $0x1  }
.Ltmp20:
0x1ac: {  	(pc) =	sbr.rel @p1 .LBB2_42-.Ltmp20, $3  }
0x1ad: {  	_ =	sdelay $0x1  }
0x1ae: {  	v2 =	vadd.f32 v2, v3  }
0x1af: {  	s8 =	sadd.s32 $0x10, s8;
	s7 =	sadd.s32 $0x10, s7;
	s10 =	sadd.s32 s9, s3  }
0x1b0: {  	s8 =	sand.u32 $0x7F80, s10;
	s9 =	sand.u32 $0x70, s9;
	[tilespmem:s6+$0x9E00] =	vst v2  }
0x1b1: {  	s12 =	sor.u32 s9, s8;
	v2 =	vld [tilespmem:s7+$0x0]  }
0x1b2: {  	v3 =	vld [tilespmem:s12+$0x9E00];
	_ =	sdelay $0x4  }
0x1b3: {  	v2 =	vadd.f32 v2, v3;
	_ =	sdelay $0x1  }
0x1b4: {  	s2 =	sor.u32 s4, s2;
	[tilespmem:s12+$0x9E00] =	vst v2  }
0x1b5: {  	v2 =	vld [tilespmem:s2+$0x9E00];
	_ =	sdelay $0x4  }
0x1b6: {  	v2 =	vadd.f32 $1.000000000e+00, v2;
	_ =	sdelay $0x1  }
0x1b7: {  	(erf) = vrcp.f32 v2;
	_ =	sdelay $0x7  }
0x1b8: {  	s6 =	sadd.s32 $0x10, s3;
	s4 =	simm.s32 $0x20  }
.LBB2_44:
0x1b9: {  	p1 =	sne.s32 s4, $0x270;
	s6 =	sand.u32 $0x7F80, s6;
	s1 =	sand.u32 $0x70, s1;
	v2 =	vpop (erf)  }
0x1ba: {  	[tilespmem:s2+$0x9E00] =	vst v2;
	s2 =	sor.u32 s1, s6;
	s1 =	smov.u32 s4  }
0x1bb: {  	v2 =	vld [tilespmem:s2+$0x9E00];
	_ =	sdelay $0x4  }
0x1bc: {  	v2 =	vadd.f32 $1.000000000e+00, v2;
	_ =	sdelay $0x1  }
0x1bd: {  	(erf) = vrcp.f32 v2;
	_ =	sdelay $0x3  }
.Ltmp21:
0x1be: {  	(pc) =	sbr.rel @p1 .LBB2_44-.Ltmp21, $2  }
0x1bf: {  	_ =	sdelay $0x2  }
0x1c0: {  	s4 =	sadd.s32 $0x10, s4;
	s6 =	sadd.s32 s1, s3  }
0x1c1: {  	s4 =	sand.u32 $0x7F80, s6;
	s1 =	sand.u32 $0x70, s1;
	v2 =	vpop (erf)  }
0x1c2: {  	s1 =	sor.u32 s1, s4;
	[tilespmem:s2+$0x9E00] =	vst v2  }
0x1c3: {  	v2 =	vld [tilespmem:s1+$0x9E00];
	_ =	sdelay $0x4  }
0x1c4: {  	v2 =	vadd.f32 $1.000000000e+00, v2;
	_ =	sdelay $0x1  }
0x1c5: {  	(erf) = vrcp.f32 v2;
	_ =	sdelay $0x8  }
0x1c6: {  	v2 =	vpop (erf)  }
0x1c7: {  	[tilespmem:s1+$0x9E00] =	vst v2  }
0x1c8: {  	[spmem:s14] =	stream.linear.scatter [tilespmem:s15], [sflag:$0x3], $0x280, $0x38;
	[tilespmem:$0x1D080] =	vst v63  }
0x1c9: {  	_ =	swait.ge [sflag:s17], $0x280  }
0x1ca: {  	[sflag:s17] =	ssyncset.done $0x0  }
0x1cb: {  	s1 =	simm.s32 @!p0 $0x0;
	s2 =	rddreg [dreg:$0x16];
	[sflag:s17] =	ssyncadd.s32 $0xFFFFFD80  }
0x1cc: {  	[hbm4b:s2+s1] =	stream.linear.scatter @!p0 [tilespmem:s15], [sflag:$0x3], $0x280, $0x38;
	[tilespmem:$0x1D080] =	vst v63  }
0x1cd: {  	s1 =	simm.s32 @!p0 $0x3  }
0x1ce: {  	_ =	swait.ge @!p0 [sflag:s1], $0x280  }
0x1cf: {  	[sflag:s1] =	ssyncset.done @!p0 $0x0  }
0x1d0: {  	[sflag:s1] =	ssyncadd.s32 @!p0 $0xFFFFFD80  }
0x1d1: {  	[bflag:$0x0] =	sbarrier.arrive $0xFFFF  }
0x1d2: {  	s10 =	simm.s32 $0x17B80;
	s9 =	rddreg [dreg:$0x3]  }
0x1d3: {  	[tilespmem:s10], [sflag:$0x3] =	stream.linear.gather [spmem:s9], $0x2800, $0x38;
	[tilespmem:$0x1D080] =	vst v63  }
0x1d4: {  	_ =	swait.ge [sflag:s17], $0x2800  }
0x1d5: {  	[sflag:s17] =	ssyncset.done $0x0  }
0x1d6: {  	s11 =	simm.s32 $0x0;
	s12 =	rddreg [dreg:$0x6];
	[sflag:s17] =	ssyncadd.s32 $0xFFFFD800  }
0x1d7: {  	[tilespmem:s11], [sflag:$0x3] =	stream.linear.gather [hbm4b:s12+s11], $0x2710, $0x38;
	[tilespmem:$0x1D080] =	vst v63  }
0x1d8: {  	_ =	swait.ge [sflag:s17], $0x2710  }
0x1d9: {  	[sflag:s17] =	ssyncset.done $0x0  }
0x1da: {  	s2 =	simm.s32 $0x0;
	s1 =	simm.s32 $0x40;
	[sflag:s17] =	ssyncadd.s32 $0xFFFFD8F0  }
.LBB2_46:
0x1db: {  	p1 =	sne.s32 s1, $0x9C00;
	[tilespmem:s2+$0x9E00] =	vst v0;
	s2 =	smov.u32 s1;
	s1 =	sadd.s32 $0x40, s1  }
.Ltmp22:
0x1dc: {  	(pc) =	sbr.rel @p1 .LBB2_46-.Ltmp22, $2  }
0x1dd: {  	_ =	sdelay $0x2  }
0x1de: {  	s2 =	sshra.s32 s2, $0x2  }
0x1df: {  	[tilespmem:s2+$0x9E00] =	vst v0;
	s1 =	simm.s32 $0x0;
	s12 =	rddreg [dreg:$0x7]  }
0x1e0: {  	[tilespmem:s23], [sflag:$0x3] =	stream.linear.gather [hbm4b:s12+s1], $0x2710, $0x38;
	[tilespmem:$0x1D080] =	vst v63  }
0x1e1: {  	_ =	swait.ge [sflag:s17], $0x2710  }
0x1e2: {  	[sflag:s17] =	ssyncset.done $0x0  }
0x1e3: {  	s2 =	simm.s32 $0x0;
	s1 =	simm.s32 $0x40;
	[sflag:s17] =	ssyncadd.s32 $0xFFFFD8F0  }
.LBB2_48:
0x1e4: {  	p1 =	sne.s32 s1, $0x9C00;
	[tilespmem:s2+$0xC600] =	vst v0;
	s2 =	smov.u32 s1;
	s1 =	sadd.s32 $0x40, s1  }
.Ltmp23:
0x1e5: {  	(pc) =	sbr.rel @p1 .LBB2_48-.Ltmp23, $2  }
0x1e6: {  	_ =	sdelay $0x2  }
0x1e7: {  	s2 =	sshra.s32 s2, $0x2  }
0x1e8: {  	[tilespmem:s2+$0xC600] =	vst v0;
	s1 =	simm.s32 $0x0;
	s12 =	rddreg [dreg:$0x8]  }
0x1e9: {  	[tilespmem:s25], [sflag:$0x3] =	stream.linear.gather [hbm4b:s12+s1], $0x2710, $0x38;
	[tilespmem:$0x1D080] =	vst v63  }
0x1ea: {  	_ =	swait.ge [sflag:s17], $0x2710  }
0x1eb: {  	[sflag:s17] =	ssyncset.done $0x0  }
0x1ec: {  	s2 =	simm.s32 $0x0;
	s1 =	simm.s32 $0x40;
	[sflag:s17] =	ssyncadd.s32 $0xFFFFD8F0  }
.LBB2_50:
0x1ed: {  	p1 =	sne.s32 s1, $0x9C00;
	[tilespmem:s2+$0xED80] =	vst v0;
	s2 =	smov.u32 s1;
	s1 =	sadd.s32 $0x40, s1  }
.Ltmp24:
0x1ee: {  	(pc) =	sbr.rel @p1 .LBB2_50-.Ltmp24, $2  }
0x1ef: {  	_ =	sdelay $0x2  }
0x1f0: {  	s2 =	sshra.s32 s2, $0x2  }
0x1f1: {  	[tilespmem:s2+$0xED80] =	vst v0;
	s1 =	simm.s32 $0x0;
	s12 =	rddreg [dreg:$0x9]  }
0x1f2: {  	[tilespmem:s26], [sflag:$0x3] =	stream.linear.gather [hbm4b:s12+s1], $0x2710, $0x38;
	[tilespmem:$0x1D080] =	vst v63  }
0x1f3: {  	_ =	swait.ge [sflag:s17], $0x2710  }
0x1f4: {  	[sflag:s17] =	ssyncset.done $0x0  }
0x1f5: {  	s2 =	simm.s32 $0x0;
	s1 =	simm.s32 $0x40;
	[sflag:s17] =	ssyncadd.s32 $0xFFFFD8F0  }
.LBB2_52:
0x1f6: {  	p1 =	sne.s32 s1, $0x9C00;
	[tilespmem:s2+$0x11500] =	vst v0;
	s2 =	smov.u32 s1;
	s1 =	sadd.s32 $0x40, s1  }
.Ltmp25:
0x1f7: {  	(pc) =	sbr.rel @p1 .LBB2_52-.Ltmp25, $2  }
0x1f8: {  	_ =	sdelay $0x2  }
0x1f9: {  	s2 =	sshra.s32 s2, $0x2  }
0x1fa: {  	[tilespmem:s2+$0x11500] =	vst v0;
	s1 =	simm.s32 $0x0  }
0x1fb: {  	[tilespmem:s16], [sflag:$0x1] =	stream.linear.gather [hbm4b:s0+s1], $0xFA0, $0x38;
	[tilespmem:$0x1D080] =	vst v63  }
0x1fc: {  	s12 =	simm.s32 $0x15C00;
	p1 =	por $0x0, $0x0;
	s2 =	simm.s32 $0x0  }
0x1fd: {  	[tilespmem:s12], [sflag:$0x1] =	stream.linear.gather [hbm4b:s24+s1], $0xFA0, $0x38;
	[tilespmem:$0x1D080] =	vst v63  }
.LBB2_55:
0x1fe: {  	s4 =	sand.u32 $0x1, s2;
	p2 =	seq.s32 s2, $0x27;
	s2 =	sadd.s32 $0x1, s2  }
0x1ff: {  	s6 =	sxor.u32 @!p2 $0x1, s4;
	s9 =	smul.u32 @!p2 $0x1F4, s2  }
0x200: {  	s8 =	simm.s32 $0x1;
	s7 =	smul.u32 @!p2 $0xFA0, s6  }
0x201: {  	s8 =	simm.s32 @!p1 $0x0;
	s12 =	simm.s32 @!p2 $0x0  }
0x202: {  	s10 =	sadd.s32 @!p2 $0x1, s6;
	s11 =	sadd.s32 @!p2 s0, s9;
	s6 =	sadd.s32 @!p2 $0x13C80, s7  }
0x203: {  	[tilespmem:s6], [sflag:s10] =	stream.linear.gather @!p2 [hbm4b:s11+s12], $0xFA0, $0x38;
	[tilespmem:$0x1D080] =	vst v63  }
0x204: {  	s9 =	sadd.s32 @!p2 s24, s9;
	s7 =	sadd.s32 @!p2 $0x15C00, s7;
	s6 =	smul.u32 $0x3E80, s8  }
0x205: {  	[tilespmem:s7], [sflag:s10] =	stream.linear.gather @!p2 [hbm4b:s9+s12], $0xFA0, $0x38;
	[tilespmem:$0x1D080] =	vst v63  }
0x206: {  	s4 =	sadd.s32 $0x1, s4;
	s9 =	sadd.s32 $0x100, s6  }
0x207: {  	_ =	swait.ge [sflag:s4], $0xFA0;
	s7 =	sshrl.u32 s9, $0x2  }
0x208: {  	[sflag:s4] =	ssyncset.done $0x0;
	v2 =	vmov s7  }
0x209: {  	[sflag:s4] =	ssyncadd.s32 $0xFFFFF060  }
0x20a: {  	_ =	swait.ge [sflag:s4], $0xFA0  }
0x20b: {  	[sflag:s4] =	ssyncset.done $0x0  }
0x20c: {  	s10 =	simm.s32 $0x13C80;
	[sflag:s4] =	ssyncadd.s32 $0xFFFFF060  }
0x20d: {  	v4 =	vld.idx.msk [tilespmem:v2+s10+$0x30 ss:$0x1], $0xffff  }
0x20e: {  	v5 =	vld.idx.msk [tilespmem:v2+s10+$0xFFFFFFD0 ss:$0x1], $0xffff  }
0x20f: {  	v6 =	vld.idx.msk [tilespmem:v2+s10+$0xFFFFFFE0 ss:$0x1], $0xffff  }
0x210: {  	v7 =	vld.idx.msk [tilespmem:v2+s10+$0xFFFFFFF0 ss:$0x1], $0xffff  }
0x211: {  	v8 =	vld.idx.msk [tilespmem:v2+s10+$0x0 ss:$0x1], $0xffff  }
0x212: {  	s8 =	sshll.u32 s8, $0x7;
	s11 =	sand.u32 $0x3E00, s6;
	s4 =	simm.s32 $0x15C00;
	v9 =	vld.idx.msk [tilespmem:v2+s10+$0x10 ss:$0x1], $0xffff  }
0x213: {  	s8 =	sor.u32 s8, s11;
	v10 =	vld.idx.msk [tilespmem:v2+s4+$0x30 ss:$0x1], $0xffff  }
0x214: {  	s8 =	sshrl.u32 s8, $0x2;
	v11 =	vld.idx.msk [tilespmem:v2+s10+$0x20 ss:$0x1], $0xffff  }
0x215: {  	v3 =	vmov s8;
	v63 =	vld.idx.msk [tilespmem:v2+s4+$0xFFFFFFD0 ss:$0x1], $0xffff  }
0x216: {  	v35 =	vld.idx.msk [tilespmem:v2+s4+$0xFFFFFFE0 ss:$0x1], $0xffff  }
0x217: {  	v36 =	vld.idx.msk [tilespmem:v2+s4+$0xFFFFFFF0 ss:$0x1], $0xffff  }
0x218: {  	v37 =	vld.idx.msk [tilespmem:v2+s4+$0x0 ss:$0x1], $0xffff  }
0x219: {  	v38 =	vld.idx.msk [tilespmem:v2+s4+$0x10 ss:$0x1], $0xffff  }
0x21a: {  	v15 =	vld.idx.msk [tilespmem:v3+s10+$0x0 ss:$0x1], $0xffff  }
0x21b: {  	v34 =	vld.idx.msk [tilespmem:v3+s4+$0x0 ss:$0x1], $0xffff  }
0x21c: {  	v12 =	vld.idx.msk [tilespmem:v4+s1+$0x0], $0xffff  }
0x21d: {  	v13 =	vld.idx.msk [tilespmem:v4+s23+$0x0], $0xffff  }
0x21e: {  	v14 =	vld.idx.msk [tilespmem:v4+s25+$0x0], $0xffff  }
0x21f: {  	v4 =	vld.idx.msk [tilespmem:v4+s26+$0x0], $0xffff  }
0x220: {  	v16 =	vld.idx.msk [tilespmem:v5+s1+$0x0], $0xffff  }
0x221: {  	v59 =	vld.idx.msk [tilespmem:v5+s23+$0x0], $0xffff  }
0x222: {  	v60 =	vld.idx.msk [tilespmem:v5+s25+$0x0], $0xffff  }
0x223: {  	v18 =	vld.idx.msk [tilespmem:v5+s26+$0x0], $0xffff  }
0x224: {  	v19 =	vld.idx.msk [tilespmem:v6+s1+$0x0], $0xffff  }
0x225: {  	v20 =	vld.idx.msk [tilespmem:v6+s23+$0x0], $0xffff  }
0x226: {  	v21 =	vld.idx.msk [tilespmem:v6+s25+$0x0], $0xffff  }
0x227: {  	v6 =	vld.idx.msk [tilespmem:v6+s26+$0x0], $0xffff  }
0x228: {  	v22 =	vld.idx.msk [tilespmem:v7+s1+$0x0], $0xffff  }
0x229: {  	v23 =	vld.idx.msk [tilespmem:v7+s23+$0x0], $0xffff  }
0x22a: {  	v24 =	vld.idx.msk [tilespmem:v7+s25+$0x0], $0xffff  }
0x22b: {  	v7 =	vld.idx.msk [tilespmem:v7+s26+$0x0], $0xffff  }
0x22c: {  	v25 =	vld.idx.msk [tilespmem:v8+s1+$0x0], $0xffff  }
0x22d: {  	v26 =	vld.idx.msk [tilespmem:v8+s23+$0x0], $0xffff  }
0x22e: {  	v27 =	vld.idx.msk [tilespmem:v8+s25+$0x0], $0xffff  }
0x22f: {  	v8 =	vld.idx.msk [tilespmem:v8+s26+$0x0], $0xffff  }
0x230: {  	v28 =	vld.idx.msk [tilespmem:v9+s1+$0x0], $0xffff  }
0x231: {  	v29 =	vld.idx.msk [tilespmem:v9+s23+$0x0], $0xffff  }
0x232: {  	v30 =	vld.idx.msk [tilespmem:v9+s25+$0x0], $0xffff  }
0x233: {  	v9 =	vld.idx.msk [tilespmem:v9+s26+$0x0], $0xffff  }
0x234: {  	v31 =	vld.idx.msk [tilespmem:v11+s1+$0x0], $0xffff  }
0x235: {  	v32 =	vld.idx.msk [tilespmem:v11+s23+$0x0], $0xffff  }
0x236: {  	v33 =	vld.idx.msk [tilespmem:v11+s25+$0x0], $0xffff  }
0x237: {  	v5 =	vld.idx.msk [tilespmem:v2+s4+$0x20 ss:$0x1], $0xffff  }
0x238: {  	v61 =	vld.idx.msk [tilespmem:v15+s1+$0x0], $0xffff  }
0x239: {  	v62 =	vld.idx.msk [tilespmem:v15+s23+$0x0], $0xffff  }
0x23a: {  	v17 =	vld.idx.msk [tilespmem:v15+s25+$0x0], $0xffff  }
0x23b: {  	v15 =	vld.idx.msk [tilespmem:v15+s26+$0x0], $0xffff  }
0x23c: {  	[tilespmem:v10+s18+$0x0] =	vst.idx.add.f32.msk $0xffff, v12  }
0x23d: {  	[tilespmem:v63+s18+$0x0] =	vst.idx.add.f32.msk $0xffff, v16  }
0x23e: {  	[tilespmem:v35+s18+$0x0] =	vst.idx.add.f32.msk $0xffff, v19  }
0x23f: {  	[tilespmem:v36+s18+$0x0] =	vst.idx.add.f32.msk $0xffff, v22  }
0x240: {  	[tilespmem:v37+s18+$0x0] =	vst.idx.add.f32.msk $0xffff, v25  }
0x241: {  	[tilespmem:v38+s18+$0x0] =	vst.idx.add.f32.msk $0xffff, v28  }
0x242: {  	[tilespmem:v10+s29+$0x0] =	vst.idx.add.f32.msk $0xffff, v13  }
0x243: {  	[tilespmem:v34+s18+$0x0] =	vst.idx.add.f32.msk $0xffff, v61  }
0x244: {  	[tilespmem:v63+s29+$0x0] =	vst.idx.add.f32.msk $0xffff, v59  }
0x245: {  	[tilespmem:v35+s29+$0x0] =	vst.idx.add.f32.msk $0xffff, v20  }
0x246: {  	[tilespmem:v36+s29+$0x0] =	vst.idx.add.f32.msk $0xffff, v23  }
0x247: {  	[tilespmem:v37+s29+$0x0] =	vst.idx.add.f32.msk $0xffff, v26  }
0x248: {  	[tilespmem:v38+s29+$0x0] =	vst.idx.add.f32.msk $0xffff, v29  }
0x249: {  	[tilespmem:v10+s30+$0x0] =	vst.idx.add.f32.msk $0xffff, v14  }
0x24a: {  	[tilespmem:v34+s29+$0x0] =	vst.idx.add.f32.msk $0xffff, v62  }
0x24b: {  	[tilespmem:v63+s30+$0x0] =	vst.idx.add.f32.msk $0xffff, v60  }
0x24c: {  	[tilespmem:v35+s30+$0x0] =	vst.idx.add.f32.msk $0xffff, v21  }
0x24d: {  	[tilespmem:v36+s30+$0x0] =	vst.idx.add.f32.msk $0xffff, v24  }
0x24e: {  	[tilespmem:v37+s30+$0x0] =	vst.idx.add.f32.msk $0xffff, v27  }
0x24f: {  	[tilespmem:v38+s30+$0x0] =	vst.idx.add.f32.msk $0xffff, v30  }
0x250: {  	[tilespmem:v10+s31+$0x0] =	vst.idx.add.f32.msk $0xffff, v4  }
0x251: {  	v4 =	vld.idx.msk [tilespmem:v11+s26+$0x0], $0xffff  }
0x252: {  	[tilespmem:v34+s30+$0x0] =	vst.idx.add.f32.msk $0xffff, v17  }
0x253: {  	[tilespmem:v63+s31+$0x0] =	vst.idx.add.f32.msk $0xffff, v18  }
0x254: {  	[tilespmem:v35+s31+$0x0] =	vst.idx.add.f32.msk $0xffff, v6  }
0x255: {  	[tilespmem:v36+s31+$0x0] =	vst.idx.add.f32.msk $0xffff, v7  }
0x256: {  	[tilespmem:v37+s31+$0x0] =	vst.idx.add.f32.msk $0xffff, v8  }
0x257: {  	[tilespmem:v38+s31+$0x0] =	vst.idx.add.f32.msk $0xffff, v9  }
0x258: {  	[tilespmem:v5+s18+$0x0] =	vst.idx.add.f32.msk $0xffff, v31  }
0x259: {  	s12 =	sshrl.u32 s6, $0x2;
	[tilespmem:v34+s31+$0x0] =	vst.idx.add.f32.msk $0xffff, v15  }
0x25a: {  	s6 =	sadd.s32 $0x14C00, s12;
	[tilespmem:v5+s29+$0x0] =	vst.idx.add.f32.msk $0xffff, v32  }
0x25b: {  	s7 =	sadd.s32 $0x16B80, s12;
	s8 =	simm.s32 $0x0;
	s10 =	simm.s32 $0x13D00;
	[tilespmem:v5+s30+$0x0] =	vst.idx.add.f32.msk $0xffff, v33  }
.LBB2_56:
0x25c: {  	v6 =	vld.idx.msk [tilespmem:v2+s10+$0x30 ss:$0x1], $0xffff  }
0x25d: {  	v7 =	vld.idx.msk [tilespmem:v2+s10+$0xFFFFFFD0 ss:$0x1], $0xffff  }
0x25e: {  	v8 =	vld.idx.msk [tilespmem:v2+s10+$0xFFFFFFE0 ss:$0x1], $0xffff  }
0x25f: {  	s8 =	sadd.s32 $0x8, s8;
	v9 =	vld.idx.msk [tilespmem:v2+s10+$0xFFFFFFF0 ss:$0x1], $0xffff  }
0x260: {  	p2 =	slt.u32 s8, $0xF0;
	v10 =	vld.idx.msk [tilespmem:v2+s10+$0x0 ss:$0x1], $0xffff  }
0x261: {  	s4 =	sadd.s32 $0x80, s4;
	v11 =	vld.idx.msk [tilespmem:v2+s10+$0x10 ss:$0x1], $0xffff  }
0x262: {  	v12 =	vld.idx.msk [tilespmem:v2+s4+$0x30 ss:$0x1], $0xffff  }
0x263: {  	s9 =	simm.s32 $0x0;
	v13 =	vld.idx.msk [tilespmem:v2+s10+$0x20 ss:$0x1], $0xffff  }
0x264: {  	v14 =	vld.idx.msk [tilespmem:v6+s9+$0x0], $0xffff  }
0x265: {  	v15 =	vld.idx.msk [tilespmem:v6+s23+$0x0], $0xffff  }
0x266: {  	v16 =	vld.idx.msk [tilespmem:v6+s25+$0x0], $0xffff  }
0x267: {  	v6 =	vld.idx.msk [tilespmem:v6+s26+$0x0], $0xffff  }
0x268: {  	v17 =	vld.idx.msk [tilespmem:v3+s10+$0x0 ss:$0x1], $0xffff  }
0x269: {  	v18 =	vld.idx.msk [tilespmem:v7+s9+$0x0], $0xffff  }
0x26a: {  	[tilespmem:v12+s18+$0x0] =	vst.idx.add.f32.msk $0xffff, v14  }
0x26b: {  	[tilespmem:v12+s29+$0x0] =	vst.idx.add.f32.msk $0xffff, v15  }
0x26c: {  	[tilespmem:v12+s30+$0x0] =	vst.idx.add.f32.msk $0xffff, v16  }
0x26d: {  	[tilespmem:v12+s31+$0x0] =	vst.idx.add.f32.msk $0xffff, v6  }
0x26e: {  	v6 =	vld.idx.msk [tilespmem:v7+s23+$0x0], $0xffff  }
0x26f: {  	v12 =	vld.idx.msk [tilespmem:v7+s25+$0x0], $0xffff  }
0x270: {  	v14 =	vld.idx.msk [tilespmem:v17+s9+$0x0], $0xffff  }
0x271: {  	v15 =	vld.idx.msk [tilespmem:v17+s23+$0x0], $0xffff  }
0x272: {  	v16 =	vld.idx.msk [tilespmem:v17+s25+$0x0], $0xffff  }
0x273: {  	v17 =	vld.idx.msk [tilespmem:v17+s26+$0x0], $0xffff  }
0x274: {  	v7 =	vld.idx.msk [tilespmem:v7+s26+$0x0], $0xffff  }
0x275: {  	v19 =	vld.idx.msk [tilespmem:v8+s9+$0x0], $0xffff  }
0x276: {  	v20 =	vld.idx.msk [tilespmem:v8+s23+$0x0], $0xffff  }
0x277: {  	v21 =	vld.idx.msk [tilespmem:v8+s25+$0x0], $0xffff  }
0x278: {  	v8 =	vld.idx.msk [tilespmem:v8+s26+$0x0], $0xffff  }
0x279: {  	v22 =	vld.idx.msk [tilespmem:v9+s9+$0x0], $0xffff  }
0x27a: {  	v23 =	vld.idx.msk [tilespmem:v9+s23+$0x0], $0xffff  }
0x27b: {  	v24 =	vld.idx.msk [tilespmem:v9+s25+$0x0], $0xffff  }
0x27c: {  	v9 =	vld.idx.msk [tilespmem:v9+s26+$0x0], $0xffff  }
0x27d: {  	v25 =	vld.idx.msk [tilespmem:v10+s9+$0x0], $0xffff  }
0x27e: {  	v26 =	vld.idx.msk [tilespmem:v10+s23+$0x0], $0xffff  }
0x27f: {  	v27 =	vld.idx.msk [tilespmem:v10+s25+$0x0], $0xffff  }
0x280: {  	v10 =	vld.idx.msk [tilespmem:v10+s26+$0x0], $0xffff  }
0x281: {  	v28 =	vld.idx.msk [tilespmem:v11+s9+$0x0], $0xffff  }
0x282: {  	v29 =	vld.idx.msk [tilespmem:v11+s23+$0x0], $0xffff  }
0x283: {  	v30 =	vld.idx.msk [tilespmem:v11+s25+$0x0], $0xffff  }
0x284: {  	v11 =	vld.idx.msk [tilespmem:v11+s26+$0x0], $0xffff  }
0x285: {  	v31 =	vld.idx.msk [tilespmem:v13+s9+$0x0], $0xffff  }
0x286: {  	v32 =	vld.idx.msk [tilespmem:v13+s23+$0x0], $0xffff  }
0x287: {  	v33 =	vld.idx.msk [tilespmem:v13+s25+$0x0], $0xffff  }
0x288: {  	v13 =	vld.idx.msk [tilespmem:v13+s26+$0x0], $0xffff  }
0x289: {  	v34 =	vld.idx.msk [tilespmem:v3+s4+$0x0 ss:$0x1], $0xffff  }
0x28a: {  	v35 =	vld.idx.msk [tilespmem:v2+s4+$0xFFFFFFD0 ss:$0x1], $0xffff  }
0x28b: {  	v36 =	vld.idx.msk [tilespmem:v2+s4+$0xFFFFFFE0 ss:$0x1], $0xffff  }
0x28c: {  	v37 =	vld.idx.msk [tilespmem:v2+s4+$0xFFFFFFF0 ss:$0x1], $0xffff  }
0x28d: {  	v38 =	vld.idx.msk [tilespmem:v2+s4+$0x0 ss:$0x1], $0xffff  }
0x28e: {  	v39 =	vld.idx.msk [tilespmem:v2+s4+$0x10 ss:$0x1], $0xffff  }
0x28f: {  	v40 =	vld.idx.msk [tilespmem:v2+s4+$0x20 ss:$0x1], $0xffff  }
0x290: {  	[tilespmem:v5+s31+$0x0] =	vst.idx.add.f32.msk $0xffff, v4;
	v4 =	vmov v13  }
0x291: {  	[tilespmem:v34+s18+$0x0] =	vst.idx.add.f32.msk $0xffff, v14  }
0x292: {  	[tilespmem:v34+s29+$0x0] =	vst.idx.add.f32.msk $0xffff, v15  }
0x293: {  	[tilespmem:v34+s30+$0x0] =	vst.idx.add.f32.msk $0xffff, v16  }
0x294: {  	[tilespmem:v34+s31+$0x0] =	vst.idx.add.f32.msk $0xffff, v17;
	v5 =	vmov v40  }
0x295: {  	[tilespmem:v35+s18+$0x0] =	vst.idx.add.f32.msk $0xffff, v18  }
0x296: {  	[tilespmem:v35+s29+$0x0] =	vst.idx.add.f32.msk $0xffff, v6  }
0x297: {  	[tilespmem:v35+s30+$0x0] =	vst.idx.add.f32.msk $0xffff, v12  }
0x298: {  	[tilespmem:v35+s31+$0x0] =	vst.idx.add.f32.msk $0xffff, v7  }
0x299: {  	[tilespmem:v36+s18+$0x0] =	vst.idx.add.f32.msk $0xffff, v19  }
0x29a: {  	[tilespmem:v36+s29+$0x0] =	vst.idx.add.f32.msk $0xffff, v20  }
0x29b: {  	[tilespmem:v36+s30+$0x0] =	vst.idx.add.f32.msk $0xffff, v21  }
0x29c: {  	[tilespmem:v36+s31+$0x0] =	vst.idx.add.f32.msk $0xffff, v8  }
0x29d: {  	[tilespmem:v37+s18+$0x0] =	vst.idx.add.f32.msk $0xffff, v22  }
0x29e: {  	[tilespmem:v37+s29+$0x0] =	vst.idx.add.f32.msk $0xffff, v23  }
0x29f: {  	[tilespmem:v37+s30+$0x0] =	vst.idx.add.f32.msk $0xffff, v24  }
0x2a0: {  	[tilespmem:v37+s31+$0x0] =	vst.idx.add.f32.msk $0xffff, v9  }
0x2a1: {  	[tilespmem:v38+s18+$0x0] =	vst.idx.add.f32.msk $0xffff, v25  }
0x2a2: {  	[tilespmem:v38+s29+$0x0] =	vst.idx.add.f32.msk $0xffff, v26  }
0x2a3: {  	[tilespmem:v38+s30+$0x0] =	vst.idx.add.f32.msk $0xffff, v27  }
0x2a4: {  	[tilespmem:v38+s31+$0x0] =	vst.idx.add.f32.msk $0xffff, v10  }
0x2a5: {  	[tilespmem:v39+s18+$0x0] =	vst.idx.add.f32.msk $0xffff, v28  }
0x2a6: {  	[tilespmem:v39+s29+$0x0] =	vst.idx.add.f32.msk $0xffff, v29  }
.Ltmp26:
0x2a7: {  	[tilespmem:v39+s30+$0x0] =	vst.idx.add.f32.msk $0xffff, v30;
	(pc) =	sbr.rel @p2 .LBB2_56-.Ltmp26, $4  }
0x2a8: {  	[tilespmem:v39+s31+$0x0] =	vst.idx.add.f32.msk $0xffff, v11  }
0x2a9: {  	[tilespmem:v40+s18+$0x0] =	vst.idx.add.f32.msk $0xffff, v31  }
0x2aa: {  	[tilespmem:v40+s29+$0x0] =	vst.idx.add.f32.msk $0xffff, v32  }
0x2ab: {  	s10 =	sadd.s32 $0x80, s10;
	[tilespmem:v40+s30+$0x0] =	vst.idx.add.f32.msk $0xffff, v33  }
0x2ac: {  	_ =	sdelay $0x3  }
0x2ad: {  	[tilespmem:v5+s31+$0x0] =	vst.idx.add.f32.msk $0xffff, v4  }
.LBB2_58:
0x2ae: {  	s4 =	sshra.s32 s9, $0x2  }
0x2af: {  	s8 =	sadd.s32 s4, s6  }
0x2b0: {  	v2 =	vld [tilespmem:s8+$0x0];
	_ =	sdelay $0x3  }
0x2b1: {  	s4 =	sadd.s32 s4, s7  }
0x2b2: {  	v3 =	vld [tilespmem:s4+$0x0];
	_ =	sdelay $0x2  }
0x2b3: {  	v4 =	vld.idx.msk [tilespmem:v2+s22+$0x0], $0xffff  }
0x2b4: {  	v5 =	vld.idx.msk [tilespmem:v2+s23+$0x0], $0xffff  }
0x2b5: {  	v6 =	vld.idx.msk [tilespmem:v2+s25+$0x0], $0xffff  }
0x2b6: {  	p2 =	seq.s32 s9, $0x40;
	v2 =	vld.idx.msk [tilespmem:v2+s26+$0x0], $0xffff  }
.Ltmp27:
0x2b7: {  	_ = 	snop;
	(pc) =	sbr.rel @!p2 .LBB2_58-.Ltmp27, $4  }
0x2b8: {  	[tilespmem:v3+s18+$0x0] =	vst.idx.add.f32.msk $0xffff, v4  }
0x2b9: {  	[tilespmem:v3+s29+$0x0] =	vst.idx.add.f32.msk $0xffff, v5  }
0x2ba: {  	[tilespmem:v3+s30+$0x0] =	vst.idx.add.f32.msk $0xffff, v6  }
0x2bb: {  	s9 =	sadd.s32 $0x40, s9;
	[tilespmem:v3+s31+$0x0] =	vst.idx.add.f32.msk $0xffff, v2  }
0x2bc: {  	p2 =	seq.s32 s2, $0x28  }
.Ltmp28:
0x2bd: {  	_ = 	snop;
	(pc) =	sbr.rel @!p2 .LBB2_55-.Ltmp28, $2  }
0x2be: {  	_ =	sdelay $0x2  }
0x2bf: {  	p1 =	por !p1, !p1  }
0x2c0: {  	s1 =	simm.s32 $0x0  }
0x2c1: {  	s2 =	simm.s32 $0x40;
	v2 =	vld [tilespmem:s1+$0x0]  }
.LBB2_60:
0x2c2: {  	p1 =	sne.s32 s2, $0x9C00;
	v3 =	vld [tilespmem:s1+$0x9E00];
	_ =	sdelay $0x1  }
0x2c3: {  	v4 =	vld [tilespmem:s1+$0x17B80];
	_ =	sdelay $0x2  }
.Ltmp29:
0x2c4: {  	v2 =	vadd.f32 v2, v3;
	(pc) =	sbr.rel @p1 .LBB2_60-.Ltmp29, $4  }
0x2c5: {  	_ = 	snop  }
0x2c6: {  	v3 =	vmul.f32 v4, v2  }
0x2c7: {  	s4 =	sshra.s32 s2, $0x2  }
0x2c8: {  	s2 =	sadd.s32 $0x40, s2;
	v2 =	vld [tilespmem:s4+$0x0];
	[tilespmem:s1+$0x9E00] =	vst v3;
	s1 =	smov.u32 s4  }
0x2c9: {  	v3 =	vld [tilespmem:s1+$0x9E00];
	_ =	sdelay $0x1  }
0x2ca: {  	v4 =	vld [tilespmem:s1+$0x17B80];
	_ =	sdelay $0x2  }
0x2cb: {  	v2 =	vadd.f32 v2, v3;
	_ =	sdelay $0x1  }
0x2cc: {  	v2 =	vmul.f32 v4, v2;
	_ =	sdelay $0x1  }
0x2cd: {  	s12 =	simm.s32 $0x0;
	s2 =	rddreg [dreg:$0xa];
	[tilespmem:s1+$0x9E00] =	vst v2  }
0x2ce: {  	[hbm4b:s2+s12] =	stream.linear.scatter [tilespmem:s18], [sflag:$0x3], $0x2710, $0x38;
	[tilespmem:$0x1D080] =	vst v63  }
0x2cf: {  	_ =	swait.ge [sflag:s17], $0x2710  }
0x2d0: {  	[sflag:s17] =	ssyncset.done $0x0  }
0x2d1: {  	s1 =	simm.s32 $0x0;
	[sflag:s17] =	ssyncadd.s32 $0xFFFFD8F0  }
0x2d2: {  	s2 =	simm.s32 $0x40;
	v2 =	vld [tilespmem:s1+$0x2780]  }
.LBB2_62:
0x2d3: {  	p1 =	sne.s32 s2, $0x9C00;
	v3 =	vld [tilespmem:s1+$0xC600];
	_ =	sdelay $0x1  }
0x2d4: {  	v4 =	vld [tilespmem:s1+$0x17B80];
	_ =	sdelay $0x2  }
.Ltmp30:
0x2d5: {  	v2 =	vadd.f32 v2, v3;
	(pc) =	sbr.rel @p1 .LBB2_62-.Ltmp30, $4  }
0x2d6: {  	_ = 	snop  }
0x2d7: {  	v3 =	vmul.f32 v4, v2  }
0x2d8: {  	s4 =	sshra.s32 s2, $0x2  }
0x2d9: {  	s2 =	sadd.s32 $0x40, s2;
	v2 =	vld [tilespmem:s4+$0x2780];
	[tilespmem:s1+$0xC600] =	vst v3;
	s1 =	smov.u32 s4  }
0x2da: {  	v3 =	vld [tilespmem:s1+$0xC600];
	_ =	sdelay $0x1  }
0x2db: {  	v4 =	vld [tilespmem:s1+$0x17B80];
	_ =	sdelay $0x2  }
0x2dc: {  	v2 =	vadd.f32 v2, v3;
	_ =	sdelay $0x1  }
0x2dd: {  	v2 =	vmul.f32 v4, v2;
	_ =	sdelay $0x1  }
0x2de: {  	s12 =	simm.s32 $0x0;
	s2 =	rddreg [dreg:$0xb];
	[tilespmem:s1+$0xC600] =	vst v2  }
0x2df: {  	[hbm4b:s2+s12] =	stream.linear.scatter [tilespmem:s29], [sflag:$0x3], $0x2710, $0x38;
	[tilespmem:$0x1D080] =	vst v63  }
0x2e0: {  	_ =	swait.ge [sflag:s17], $0x2710  }
0x2e1: {  	[sflag:s17] =	ssyncset.done $0x0  }
0x2e2: {  	s1 =	simm.s32 $0x0;
	[sflag:s17] =	ssyncadd.s32 $0xFFFFD8F0  }
0x2e3: {  	s2 =	simm.s32 $0x40;
	v2 =	vld [tilespmem:s1+$0x4F00]  }
.LBB2_64:
0x2e4: {  	p1 =	sne.s32 s2, $0x9C00;
	v3 =	vld [tilespmem:s1+$0xED80];
	_ =	sdelay $0x1  }
0x2e5: {  	v4 =	vld [tilespmem:s1+$0x17B80];
	_ =	sdelay $0x2  }
.Ltmp31:
0x2e6: {  	v2 =	vadd.f32 v2, v3;
	(pc) =	sbr.rel @p1 .LBB2_64-.Ltmp31, $4  }
0x2e7: {  	_ = 	snop  }
0x2e8: {  	v3 =	vmul.f32 v4, v2  }
0x2e9: {  	s4 =	sshra.s32 s2, $0x2  }
0x2ea: {  	s2 =	sadd.s32 $0x40, s2;
	v2 =	vld [tilespmem:s4+$0x4F00];
	[tilespmem:s1+$0xED80] =	vst v3;
	s1 =	smov.u32 s4  }
0x2eb: {  	v3 =	vld [tilespmem:s1+$0xED80];
	_ =	sdelay $0x1  }
0x2ec: {  	v4 =	vld [tilespmem:s1+$0x17B80];
	_ =	sdelay $0x2  }
0x2ed: {  	v2 =	vadd.f32 v2, v3;
	_ =	sdelay $0x1  }
0x2ee: {  	v2 =	vmul.f32 v4, v2;
	_ =	sdelay $0x1  }
0x2ef: {  	s12 =	simm.s32 $0x0;
	s2 =	rddreg [dreg:$0xc];
	[tilespmem:s1+$0xED80] =	vst v2  }
0x2f0: {  	[hbm4b:s2+s12] =	stream.linear.scatter [tilespmem:s30], [sflag:$0x3], $0x2710, $0x38;
	[tilespmem:$0x1D080] =	vst v63  }
0x2f1: {  	_ =	swait.ge [sflag:s17], $0x2710  }
0x2f2: {  	[sflag:s17] =	ssyncset.done $0x0  }
0x2f3: {  	s1 =	simm.s32 $0x0;
	[sflag:s17] =	ssyncadd.s32 $0xFFFFD8F0  }
0x2f4: {  	s2 =	simm.s32 $0x40;
	v2 =	vld [tilespmem:s1+$0x7680]  }
.LBB2_66:
0x2f5: {  	p1 =	sne.s32 s2, $0x9C00;
	v3 =	vld [tilespmem:s1+$0x11500];
	_ =	sdelay $0x1  }
0x2f6: {  	v4 =	vld [tilespmem:s1+$0x17B80];
	_ =	sdelay $0x2  }
.Ltmp32:
0x2f7: {  	v2 =	vadd.f32 v2, v3;
	(pc) =	sbr.rel @p1 .LBB2_66-.Ltmp32, $4  }
0x2f8: {  	_ = 	snop  }
0x2f9: {  	v3 =	vmul.f32 v4, v2  }
0x2fa: {  	s4 =	sshra.s32 s2, $0x2  }
0x2fb: {  	s2 =	sadd.s32 $0x40, s2;
	v2 =	vld [tilespmem:s4+$0x7680];
	[tilespmem:s1+$0x11500] =	vst v3;
	s1 =	smov.u32 s4  }
0x2fc: {  	v3 =	vld [tilespmem:s1+$0x11500];
	_ =	sdelay $0x1  }
0x2fd: {  	v4 =	vld [tilespmem:s1+$0x17B80];
	_ =	sdelay $0x2  }
0x2fe: {  	v2 =	vadd.f32 v2, v3;
	_ =	sdelay $0x1  }
0x2ff: {  	v2 =	vmul.f32 v4, v2;
	_ =	sdelay $0x1  }
0x300: {  	s11 =	simm.s32 $0x0;
	s2 =	rddreg [dreg:$0xd];
	[tilespmem:s1+$0x11500] =	vst v2  }
0x301: {  	[hbm4b:s2+s11] =	stream.linear.scatter [tilespmem:s31], [sflag:$0x3], $0x2710, $0x38;
	[tilespmem:$0x1D080] =	vst v63  }
0x302: {  	_ =	swait.ge [sflag:s17], $0x2710  }
0x303: {  	[sflag:s17] =	ssyncset.done $0x0  }
0x304: {  	s12 =	rddreg [dreg:$0xe];
	[sflag:s17] =	ssyncadd.s32 $0xFFFFD8F0  }
0x305: {  	[tilespmem:s11], [sflag:$0x3] =	stream.linear.gather [hbm4b:s12+s11], $0x2710, $0x38;
	[tilespmem:$0x1D080] =	vst v63  }
0x306: {  	_ =	swait.ge [sflag:s17], $0x2710  }
0x307: {  	[sflag:s17] =	ssyncset.done $0x0  }
0x308: {  	s1 =	simm.s32 $0x40;
	s2 =	simm.s32 $0x0;
	[sflag:s17] =	ssyncadd.s32 $0xFFFFD8F0  }
.LBB2_68:
0x309: {  	p1 =	sne.s32 s1, $0x9C00;
	[tilespmem:s2+$0x9E00] =	vst v0;
	s2 =	smov.u32 s1;
	s1 =	sadd.s32 $0x40, s1  }
.Ltmp33:
0x30a: {  	(pc) =	sbr.rel @p1 .LBB2_68-.Ltmp33, $2  }
0x30b: {  	_ =	sdelay $0x2  }
0x30c: {  	s2 =	sshra.s32 s2, $0x2  }
0x30d: {  	[tilespmem:s2+$0x9E00] =	vst v0;
	s1 =	simm.s32 $0x0;
	s12 =	rddreg [dreg:$0xf]  }
0x30e: {  	[tilespmem:s23], [sflag:$0x3] =	stream.linear.gather [hbm4b:s12+s1], $0x2710, $0x38;
	[tilespmem:$0x1D080] =	vst v63  }
0x30f: {  	_ =	swait.ge [sflag:s17], $0x2710  }
0x310: {  	[sflag:s17] =	ssyncset.done $0x0  }
0x311: {  	s2 =	simm.s32 $0x0;
	s1 =	simm.s32 $0x40;
	[sflag:s17] =	ssyncadd.s32 $0xFFFFD8F0  }
.LBB2_70:
0x312: {  	p1 =	sne.s32 s1, $0x9C00;
	[tilespmem:s2+$0xC600] =	vst v0;
	s2 =	smov.u32 s1;
	s1 =	sadd.s32 $0x40, s1  }
.Ltmp34:
0x313: {  	(pc) =	sbr.rel @p1 .LBB2_70-.Ltmp34, $2  }
0x314: {  	_ =	sdelay $0x2  }
0x315: {  	s2 =	sshra.s32 s2, $0x2  }
0x316: {  	[tilespmem:s2+$0xC600] =	vst v0;
	s1 =	simm.s32 $0x0;
	s12 =	rddreg [dreg:$0x10]  }
0x317: {  	[tilespmem:s25], [sflag:$0x3] =	stream.linear.gather [hbm4b:s12+s1], $0x2710, $0x38;
	[tilespmem:$0x1D080] =	vst v63  }
0x318: {  	_ =	swait.ge [sflag:s17], $0x2710  }
0x319: {  	[sflag:s17] =	ssyncset.done $0x0  }
0x31a: {  	s2 =	simm.s32 $0x0;
	s1 =	simm.s32 $0x40;
	[sflag:s17] =	ssyncadd.s32 $0xFFFFD8F0  }
.LBB2_72:
0x31b: {  	p1 =	sne.s32 s1, $0x9C00;
	[tilespmem:s2+$0xED80] =	vst v0;
	s2 =	smov.u32 s1;
	s1 =	sadd.s32 $0x40, s1  }
.Ltmp35:
0x31c: {  	(pc) =	sbr.rel @p1 .LBB2_72-.Ltmp35, $2  }
0x31d: {  	_ =	sdelay $0x2  }
0x31e: {  	s2 =	sshra.s32 s2, $0x2  }
0x31f: {  	[tilespmem:s2+$0xED80] =	vst v0;
	s1 =	simm.s32 $0x0;
	s12 =	rddreg [dreg:$0x11]  }
0x320: {  	[tilespmem:s26], [sflag:$0x3] =	stream.linear.gather [hbm4b:s12+s1], $0x2710, $0x38;
	[tilespmem:$0x1D080] =	vst v63  }
0x321: {  	_ =	swait.ge [sflag:s17], $0x2710  }
0x322: {  	[sflag:s17] =	ssyncset.done $0x0  }
0x323: {  	s2 =	simm.s32 $0x0;
	s1 =	simm.s32 $0x40;
	[sflag:s17] =	ssyncadd.s32 $0xFFFFD8F0  }
.LBB2_74:
0x324: {  	p1 =	sne.s32 s1, $0x9C00;
	[tilespmem:s2+$0x11500] =	vst v0;
	s2 =	smov.u32 s1;
	s1 =	sadd.s32 $0x40, s1  }
.Ltmp36:
0x325: {  	(pc) =	sbr.rel @p1 .LBB2_74-.Ltmp36, $2  }
0x326: {  	_ =	sdelay $0x2  }
0x327: {  	s2 =	sshra.s32 s2, $0x2  }
0x328: {  	[tilespmem:s2+$0x11500] =	vst v0;
	s1 =	simm.s32 $0x0  }
0x329: {  	[tilespmem:s16], [sflag:$0x1] =	stream.linear.gather [hbm4b:s0+s1], $0xFA0, $0x38;
	[tilespmem:$0x1D080] =	vst v63  }
0x32a: {  	s12 =	simm.s32 $0x15C00;
	p1 =	por $0x0, $0x0;
	s2 =	simm.s32 $0x0  }
0x32b: {  	[tilespmem:s12], [sflag:$0x1] =	stream.linear.gather [hbm4b:s24+s1], $0xFA0, $0x38;
	[tilespmem:$0x1D080] =	vst v63  }
.LBB2_77:
0x32c: {  	s4 =	sand.u32 $0x1, s2;
	p2 =	seq.s32 s2, $0x27;
	s2 =	sadd.s32 $0x1, s2  }
0x32d: {  	s6 =	sxor.u32 @!p2 $0x1, s4;
	s9 =	smul.u32 @!p2 $0x1F4, s2  }
0x32e: {  	s8 =	simm.s32 $0x1;
	s7 =	smul.u32 @!p2 $0xFA0, s6  }
0x32f: {  	s8 =	simm.s32 @!p1 $0x0;
	s12 =	simm.s32 @!p2 $0x0  }
0x330: {  	s10 =	sadd.s32 @!p2 $0x1, s6;
	s11 =	sadd.s32 @!p2 s0, s9;
	s6 =	sadd.s32 @!p2 $0x13C80, s7  }
0x331: {  	[tilespmem:s6], [sflag:s10] =	stream.linear.gather @!p2 [hbm4b:s11+s12], $0xFA0, $0x38;
	[tilespmem:$0x1D080] =	vst v63  }
0x332: {  	s9 =	sadd.s32 @!p2 s24, s9;
	s7 =	sadd.s32 @!p2 $0x15C00, s7;
	s6 =	smul.u32 $0x3E80, s8  }
0x333: {  	[tilespmem:s7], [sflag:s10] =	stream.linear.gather @!p2 [hbm4b:s9+s12], $0xFA0, $0x38;
	[tilespmem:$0x1D080] =	vst v63  }
0x334: {  	s4 =	sadd.s32 $0x1, s4;
	s9 =	sadd.s32 $0x100, s6  }
0x335: {  	_ =	swait.ge [sflag:s4], $0xFA0;
	s7 =	sshrl.u32 s9, $0x2  }
0x336: {  	[sflag:s4] =	ssyncset.done $0x0;
	v2 =	vmov s7  }
0x337: {  	[sflag:s4] =	ssyncadd.s32 $0xFFFFF060  }
0x338: {  	_ =	swait.ge [sflag:s4], $0xFA0  }
0x339: {  	[sflag:s4] =	ssyncset.done $0x0  }
0x33a: {  	s10 =	simm.s32 $0x13C80;
	[sflag:s4] =	ssyncadd.s32 $0xFFFFF060  }
0x33b: {  	v4 =	vld.idx.msk [tilespmem:v2+s10+$0x30 ss:$0x1], $0xffff  }
0x33c: {  	v5 =	vld.idx.msk [tilespmem:v2+s10+$0xFFFFFFD0 ss:$0x1], $0xffff  }
0x33d: {  	v6 =	vld.idx.msk [tilespmem:v2+s10+$0xFFFFFFE0 ss:$0x1], $0xffff  }
0x33e: {  	v7 =	vld.idx.msk [tilespmem:v2+s10+$0xFFFFFFF0 ss:$0x1], $0xffff  }
0x33f: {  	v8 =	vld.idx.msk [tilespmem:v2+s10+$0x0 ss:$0x1], $0xffff  }
0x340: {  	s8 =	sshll.u32 s8, $0x7;
	s11 =	sand.u32 $0x3E00, s6;
	s4 =	simm.s32 $0x15C00;
	v9 =	vld.idx.msk [tilespmem:v2+s10+$0x10 ss:$0x1], $0xffff  }
0x341: {  	s8 =	sor.u32 s8, s11;
	v10 =	vld.idx.msk [tilespmem:v2+s4+$0x30 ss:$0x1], $0xffff  }
0x342: {  	s8 =	sshrl.u32 s8, $0x2;
	v11 =	vld.idx.msk [tilespmem:v2+s10+$0x20 ss:$0x1], $0xffff  }
0x343: {  	v3 =	vmov s8;
	v63 =	vld.idx.msk [tilespmem:v2+s4+$0xFFFFFFD0 ss:$0x1], $0xffff  }
0x344: {  	v35 =	vld.idx.msk [tilespmem:v2+s4+$0xFFFFFFE0 ss:$0x1], $0xffff  }
0x345: {  	v36 =	vld.idx.msk [tilespmem:v2+s4+$0xFFFFFFF0 ss:$0x1], $0xffff  }
0x346: {  	v37 =	vld.idx.msk [tilespmem:v2+s4+$0x0 ss:$0x1], $0xffff  }
0x347: {  	v38 =	vld.idx.msk [tilespmem:v2+s4+$0x10 ss:$0x1], $0xffff  }
0x348: {  	v15 =	vld.idx.msk [tilespmem:v3+s10+$0x0 ss:$0x1], $0xffff  }
0x349: {  	v34 =	vld.idx.msk [tilespmem:v3+s4+$0x0 ss:$0x1], $0xffff  }
0x34a: {  	v12 =	vld.idx.msk [tilespmem:v4+s1+$0x0], $0xffff  }
0x34b: {  	v13 =	vld.idx.msk [tilespmem:v4+s23+$0x0], $0xffff  }
0x34c: {  	v14 =	vld.idx.msk [tilespmem:v4+s25+$0x0], $0xffff  }
0x34d: {  	v4 =	vld.idx.msk [tilespmem:v4+s26+$0x0], $0xffff  }
0x34e: {  	v16 =	vld.idx.msk [tilespmem:v5+s1+$0x0], $0xffff  }
0x34f: {  	v59 =	vld.idx.msk [tilespmem:v5+s23+$0x0], $0xffff  }
0x350: {  	v60 =	vld.idx.msk [tilespmem:v5+s25+$0x0], $0xffff  }
0x351: {  	v18 =	vld.idx.msk [tilespmem:v5+s26+$0x0], $0xffff  }
0x352: {  	v19 =	vld.idx.msk [tilespmem:v6+s1+$0x0], $0xffff  }
0x353: {  	v20 =	vld.idx.msk [tilespmem:v6+s23+$0x0], $0xffff  }
0x354: {  	v21 =	vld.idx.msk [tilespmem:v6+s25+$0x0], $0xffff  }
0x355: {  	v6 =	vld.idx.msk [tilespmem:v6+s26+$0x0], $0xffff  }
0x356: {  	v22 =	vld.idx.msk [tilespmem:v7+s1+$0x0], $0xffff  }
0x357: {  	v23 =	vld.idx.msk [tilespmem:v7+s23+$0x0], $0xffff  }
0x358: {  	v24 =	vld.idx.msk [tilespmem:v7+s25+$0x0], $0xffff  }
0x359: {  	v7 =	vld.idx.msk [tilespmem:v7+s26+$0x0], $0xffff  }
0x35a: {  	v25 =	vld.idx.msk [tilespmem:v8+s1+$0x0], $0xffff  }
0x35b: {  	v26 =	vld.idx.msk [tilespmem:v8+s23+$0x0], $0xffff  }
0x35c: {  	v27 =	vld.idx.msk [tilespmem:v8+s25+$0x0], $0xffff  }
0x35d: {  	v8 =	vld.idx.msk [tilespmem:v8+s26+$0x0], $0xffff  }
0x35e: {  	v28 =	vld.idx.msk [tilespmem:v9+s1+$0x0], $0xffff  }
0x35f: {  	v29 =	vld.idx.msk [tilespmem:v9+s23+$0x0], $0xffff  }
0x360: {  	v30 =	vld.idx.msk [tilespmem:v9+s25+$0x0], $0xffff  }
0x361: {  	v9 =	vld.idx.msk [tilespmem:v9+s26+$0x0], $0xffff  }
0x362: {  	v31 =	vld.idx.msk [tilespmem:v11+s1+$0x0], $0xffff  }
0x363: {  	v32 =	vld.idx.msk [tilespmem:v11+s23+$0x0], $0xffff  }
0x364: {  	v33 =	vld.idx.msk [tilespmem:v11+s25+$0x0], $0xffff  }
0x365: {  	v5 =	vld.idx.msk [tilespmem:v2+s4+$0x20 ss:$0x1], $0xffff  }
0x366: {  	v61 =	vld.idx.msk [tilespmem:v15+s1+$0x0], $0xffff  }
0x367: {  	v62 =	vld.idx.msk [tilespmem:v15+s23+$0x0], $0xffff  }
0x368: {  	v17 =	vld.idx.msk [tilespmem:v15+s25+$0x0], $0xffff  }
0x369: {  	v15 =	vld.idx.msk [tilespmem:v15+s26+$0x0], $0xffff  }
0x36a: {  	[tilespmem:v10+s18+$0x0] =	vst.idx.add.f32.msk $0xffff, v12  }
0x36b: {  	[tilespmem:v63+s18+$0x0] =	vst.idx.add.f32.msk $0xffff, v16  }
0x36c: {  	[tilespmem:v35+s18+$0x0] =	vst.idx.add.f32.msk $0xffff, v19  }
0x36d: {  	[tilespmem:v36+s18+$0x0] =	vst.idx.add.f32.msk $0xffff, v22  }
0x36e: {  	[tilespmem:v37+s18+$0x0] =	vst.idx.add.f32.msk $0xffff, v25  }
0x36f: {  	[tilespmem:v38+s18+$0x0] =	vst.idx.add.f32.msk $0xffff, v28  }
0x370: {  	[tilespmem:v10+s29+$0x0] =	vst.idx.add.f32.msk $0xffff, v13  }
0x371: {  	[tilespmem:v34+s18+$0x0] =	vst.idx.add.f32.msk $0xffff, v61  }
0x372: {  	[tilespmem:v63+s29+$0x0] =	vst.idx.add.f32.msk $0xffff, v59  }
0x373: {  	[tilespmem:v35+s29+$0x0] =	vst.idx.add.f32.msk $0xffff, v20  }
0x374: {  	[tilespmem:v36+s29+$0x0] =	vst.idx.add.f32.msk $0xffff, v23  }
0x375: {  	[tilespmem:v37+s29+$0x0] =	vst.idx.add.f32.msk $0xffff, v26  }
0x376: {  	[tilespmem:v38+s29+$0x0] =	vst.idx.add.f32.msk $0xffff, v29  }
0x377: {  	[tilespmem:v10+s30+$0x0] =	vst.idx.add.f32.msk $0xffff, v14  }
0x378: {  	[tilespmem:v34+s29+$0x0] =	vst.idx.add.f32.msk $0xffff, v62  }
0x379: {  	[tilespmem:v63+s30+$0x0] =	vst.idx.add.f32.msk $0xffff, v60  }
0x37a: {  	[tilespmem:v35+s30+$0x0] =	vst.idx.add.f32.msk $0xffff, v21  }
0x37b: {  	[tilespmem:v36+s30+$0x0] =	vst.idx.add.f32.msk $0xffff, v24  }
0x37c: {  	[tilespmem:v37+s30+$0x0] =	vst.idx.add.f32.msk $0xffff, v27  }
0x37d: {  	[tilespmem:v38+s30+$0x0] =	vst.idx.add.f32.msk $0xffff, v30  }
0x37e: {  	[tilespmem:v10+s31+$0x0] =	vst.idx.add.f32.msk $0xffff, v4  }
0x37f: {  	v4 =	vld.idx.msk [tilespmem:v11+s26+$0x0], $0xffff  }
0x380: {  	[tilespmem:v34+s30+$0x0] =	vst.idx.add.f32.msk $0xffff, v17  }
0x381: {  	[tilespmem:v63+s31+$0x0] =	vst.idx.add.f32.msk $0xffff, v18  }
0x382: {  	[tilespmem:v35+s31+$0x0] =	vst.idx.add.f32.msk $0xffff, v6  }
0x383: {  	[tilespmem:v36+s31+$0x0] =	vst.idx.add.f32.msk $0xffff, v7  }
0x384: {  	[tilespmem:v37+s31+$0x0] =	vst.idx.add.f32.msk $0xffff, v8  }
0x385: {  	[tilespmem:v38+s31+$0x0] =	vst.idx.add.f32.msk $0xffff, v9  }
0x386: {  	[tilespmem:v5+s18+$0x0] =	vst.idx.add.f32.msk $0xffff, v31  }
0x387: {  	s12 =	sshrl.u32 s6, $0x2;
	[tilespmem:v34+s31+$0x0] =	vst.idx.add.f32.msk $0xffff, v15  }
0x388: {  	s6 =	sadd.s32 $0x14C00, s12;
	[tilespmem:v5+s29+$0x0] =	vst.idx.add.f32.msk $0xffff, v32  }
0x389: {  	s7 =	sadd.s32 $0x16B80, s12;
	s8 =	simm.s32 $0x0;
	s10 =	simm.s32 $0x13D00;
	[tilespmem:v5+s30+$0x0] =	vst.idx.add.f32.msk $0xffff, v33  }
.LBB2_78:
0x38a: {  	v6 =	vld.idx.msk [tilespmem:v2+s10+$0x30 ss:$0x1], $0xffff  }
0x38b: {  	v7 =	vld.idx.msk [tilespmem:v2+s10+$0xFFFFFFD0 ss:$0x1], $0xffff  }
0x38c: {  	v8 =	vld.idx.msk [tilespmem:v2+s10+$0xFFFFFFE0 ss:$0x1], $0xffff  }
0x38d: {  	s8 =	sadd.s32 $0x8, s8;
	v9 =	vld.idx.msk [tilespmem:v2+s10+$0xFFFFFFF0 ss:$0x1], $0xffff  }
0x38e: {  	p2 =	slt.u32 s8, $0xF0;
	v10 =	vld.idx.msk [tilespmem:v2+s10+$0x0 ss:$0x1], $0xffff  }
0x38f: {  	s4 =	sadd.s32 $0x80, s4;
	v11 =	vld.idx.msk [tilespmem:v2+s10+$0x10 ss:$0x1], $0xffff  }
0x390: {  	v12 =	vld.idx.msk [tilespmem:v2+s4+$0x30 ss:$0x1], $0xffff  }
0x391: {  	s9 =	simm.s32 $0x0;
	v13 =	vld.idx.msk [tilespmem:v2+s10+$0x20 ss:$0x1], $0xffff  }
0x392: {  	v14 =	vld.idx.msk [tilespmem:v6+s9+$0x0], $0xffff  }
0x393: {  	v15 =	vld.idx.msk [tilespmem:v6+s23+$0x0], $0xffff  }
0x394: {  	v16 =	vld.idx.msk [tilespmem:v6+s25+$0x0], $0xffff  }
0x395: {  	v6 =	vld.idx.msk [tilespmem:v6+s26+$0x0], $0xffff  }
0x396: {  	v17 =	vld.idx.msk [tilespmem:v3+s10+$0x0 ss:$0x1], $0xffff  }
0x397: {  	v18 =	vld.idx.msk [tilespmem:v7+s9+$0x0], $0xffff  }
0x398: {  	[tilespmem:v12+s18+$0x0] =	vst.idx.add.f32.msk $0xffff, v14  }
0x399: {  	[tilespmem:v12+s29+$0x0] =	vst.idx.add.f32.msk $0xffff, v15  }
0x39a: {  	[tilespmem:v12+s30+$0x0] =	vst.idx.add.f32.msk $0xffff, v16  }
0x39b: {  	[tilespmem:v12+s31+$0x0] =	vst.idx.add.f32.msk $0xffff, v6  }
0x39c: {  	v6 =	vld.idx.msk [tilespmem:v7+s23+$0x0], $0xffff  }
0x39d: {  	v12 =	vld.idx.msk [tilespmem:v7+s25+$0x0], $0xffff  }
0x39e: {  	v14 =	vld.idx.msk [tilespmem:v17+s9+$0x0], $0xffff  }
0x39f: {  	v15 =	vld.idx.msk [tilespmem:v17+s23+$0x0], $0xffff  }
0x3a0: {  	v16 =	vld.idx.msk [tilespmem:v17+s25+$0x0], $0xffff  }
0x3a1: {  	v17 =	vld.idx.msk [tilespmem:v17+s26+$0x0], $0xffff  }
0x3a2: {  	v7 =	vld.idx.msk [tilespmem:v7+s26+$0x0], $0xffff  }
0x3a3: {  	v19 =	vld.idx.msk [tilespmem:v8+s9+$0x0], $0xffff  }
0x3a4: {  	v20 =	vld.idx.msk [tilespmem:v8+s23+$0x0], $0xffff  }
0x3a5: {  	v21 =	vld.idx.msk [tilespmem:v8+s25+$0x0], $0xffff  }
0x3a6: {  	v8 =	vld.idx.msk [tilespmem:v8+s26+$0x0], $0xffff  }
0x3a7: {  	v22 =	vld.idx.msk [tilespmem:v9+s9+$0x0], $0xffff  }
0x3a8: {  	v23 =	vld.idx.msk [tilespmem:v9+s23+$0x0], $0xffff  }
0x3a9: {  	v24 =	vld.idx.msk [tilespmem:v9+s25+$0x0], $0xffff  }
0x3aa: {  	v9 =	vld.idx.msk [tilespmem:v9+s26+$0x0], $0xffff  }
0x3ab: {  	v25 =	vld.idx.msk [tilespmem:v10+s9+$0x0], $0xffff  }
0x3ac: {  	v26 =	vld.idx.msk [tilespmem:v10+s23+$0x0], $0xffff  }
0x3ad: {  	v27 =	vld.idx.msk [tilespmem:v10+s25+$0x0], $0xffff  }
0x3ae: {  	v10 =	vld.idx.msk [tilespmem:v10+s26+$0x0], $0xffff  }
0x3af: {  	v28 =	vld.idx.msk [tilespmem:v11+s9+$0x0], $0xffff  }
0x3b0: {  	v29 =	vld.idx.msk [tilespmem:v11+s23+$0x0], $0xffff  }
0x3b1: {  	v30 =	vld.idx.msk [tilespmem:v11+s25+$0x0], $0xffff  }
0x3b2: {  	v11 =	vld.idx.msk [tilespmem:v11+s26+$0x0], $0xffff  }
0x3b3: {  	v31 =	vld.idx.msk [tilespmem:v13+s9+$0x0], $0xffff  }
0x3b4: {  	v32 =	vld.idx.msk [tilespmem:v13+s23+$0x0], $0xffff  }
0x3b5: {  	v33 =	vld.idx.msk [tilespmem:v13+s25+$0x0], $0xffff  }
0x3b6: {  	v13 =	vld.idx.msk [tilespmem:v13+s26+$0x0], $0xffff  }
0x3b7: {  	v34 =	vld.idx.msk [tilespmem:v3+s4+$0x0 ss:$0x1], $0xffff  }
0x3b8: {  	v35 =	vld.idx.msk [tilespmem:v2+s4+$0xFFFFFFD0 ss:$0x1], $0xffff  }
0x3b9: {  	v36 =	vld.idx.msk [tilespmem:v2+s4+$0xFFFFFFE0 ss:$0x1], $0xffff  }
0x3ba: {  	v37 =	vld.idx.msk [tilespmem:v2+s4+$0xFFFFFFF0 ss:$0x1], $0xffff  }
0x3bb: {  	v38 =	vld.idx.msk [tilespmem:v2+s4+$0x0 ss:$0x1], $0xffff  }
0x3bc: {  	v39 =	vld.idx.msk [tilespmem:v2+s4+$0x10 ss:$0x1], $0xffff  }
0x3bd: {  	v40 =	vld.idx.msk [tilespmem:v2+s4+$0x20 ss:$0x1], $0xffff  }
0x3be: {  	[tilespmem:v5+s31+$0x0] =	vst.idx.add.f32.msk $0xffff, v4;
	v4 =	vmov v13  }
0x3bf: {  	[tilespmem:v34+s18+$0x0] =	vst.idx.add.f32.msk $0xffff, v14  }
0x3c0: {  	[tilespmem:v34+s29+$0x0] =	vst.idx.add.f32.msk $0xffff, v15  }
0x3c1: {  	[tilespmem:v34+s30+$0x0] =	vst.idx.add.f32.msk $0xffff, v16  }
0x3c2: {  	[tilespmem:v34+s31+$0x0] =	vst.idx.add.f32.msk $0xffff, v17;
	v5 =	vmov v40  }
0x3c3: {  	[tilespmem:v35+s18+$0x0] =	vst.idx.add.f32.msk $0xffff, v18  }
0x3c4: {  	[tilespmem:v35+s29+$0x0] =	vst.idx.add.f32.msk $0xffff, v6  }
0x3c5: {  	[tilespmem:v35+s30+$0x0] =	vst.idx.add.f32.msk $0xffff, v12  }
0x3c6: {  	[tilespmem:v35+s31+$0x0] =	vst.idx.add.f32.msk $0xffff, v7  }
0x3c7: {  	[tilespmem:v36+s18+$0x0] =	vst.idx.add.f32.msk $0xffff, v19  }
0x3c8: {  	[tilespmem:v36+s29+$0x0] =	vst.idx.add.f32.msk $0xffff, v20  }
0x3c9: {  	[tilespmem:v36+s30+$0x0] =	vst.idx.add.f32.msk $0xffff, v21  }
0x3ca: {  	[tilespmem:v36+s31+$0x0] =	vst.idx.add.f32.msk $0xffff, v8  }
0x3cb: {  	[tilespmem:v37+s18+$0x0] =	vst.idx.add.f32.msk $0xffff, v22  }
0x3cc: {  	[tilespmem:v37+s29+$0x0] =	vst.idx.add.f32.msk $0xffff, v23  }
0x3cd: {  	[tilespmem:v37+s30+$0x0] =	vst.idx.add.f32.msk $0xffff, v24  }
0x3ce: {  	[tilespmem:v37+s31+$0x0] =	vst.idx.add.f32.msk $0xffff, v9  }
0x3cf: {  	[tilespmem:v38+s18+$0x0] =	vst.idx.add.f32.msk $0xffff, v25  }
0x3d0: {  	[tilespmem:v38+s29+$0x0] =	vst.idx.add.f32.msk $0xffff, v26  }
0x3d1: {  	[tilespmem:v38+s30+$0x0] =	vst.idx.add.f32.msk $0xffff, v27  }
0x3d2: {  	[tilespmem:v38+s31+$0x0] =	vst.idx.add.f32.msk $0xffff, v10  }
0x3d3: {  	[tilespmem:v39+s18+$0x0] =	vst.idx.add.f32.msk $0xffff, v28  }
0x3d4: {  	[tilespmem:v39+s29+$0x0] =	vst.idx.add.f32.msk $0xffff, v29  }
.Ltmp37:
0x3d5: {  	[tilespmem:v39+s30+$0x0] =	vst.idx.add.f32.msk $0xffff, v30;
	(pc) =	sbr.rel @p2 .LBB2_78-.Ltmp37, $4  }
0x3d6: {  	[tilespmem:v39+s31+$0x0] =	vst.idx.add.f32.msk $0xffff, v11  }
0x3d7: {  	[tilespmem:v40+s18+$0x0] =	vst.idx.add.f32.msk $0xffff, v31  }
0x3d8: {  	[tilespmem:v40+s29+$0x0] =	vst.idx.add.f32.msk $0xffff, v32  }
0x3d9: {  	s10 =	sadd.s32 $0x80, s10;
	[tilespmem:v40+s30+$0x0] =	vst.idx.add.f32.msk $0xffff, v33  }
0x3da: {  	_ =	sdelay $0x3  }
0x3db: {  	[tilespmem:v5+s31+$0x0] =	vst.idx.add.f32.msk $0xffff, v4  }
.LBB2_80:
0x3dc: {  	s4 =	sshra.s32 s9, $0x2  }
0x3dd: {  	s8 =	sadd.s32 s4, s6  }
0x3de: {  	v2 =	vld [tilespmem:s8+$0x0];
	_ =	sdelay $0x3  }
0x3df: {  	s4 =	sadd.s32 s4, s7  }
0x3e0: {  	v3 =	vld [tilespmem:s4+$0x0];
	_ =	sdelay $0x2  }
0x3e1: {  	v4 =	vld.idx.msk [tilespmem:v2+s22+$0x0], $0xffff  }
0x3e2: {  	v5 =	vld.idx.msk [tilespmem:v2+s23+$0x0], $0xffff  }
0x3e3: {  	v6 =	vld.idx.msk [tilespmem:v2+s25+$0x0], $0xffff  }
0x3e4: {  	p2 =	seq.s32 s9, $0x40;
	v2 =	vld.idx.msk [tilespmem:v2+s26+$0x0], $0xffff  }
.Ltmp38:
0x3e5: {  	_ = 	snop;
	(pc) =	sbr.rel @!p2 .LBB2_80-.Ltmp38, $4  }
0x3e6: {  	[tilespmem:v3+s18+$0x0] =	vst.idx.add.f32.msk $0xffff, v4  }
0x3e7: {  	[tilespmem:v3+s29+$0x0] =	vst.idx.add.f32.msk $0xffff, v5  }
0x3e8: {  	[tilespmem:v3+s30+$0x0] =	vst.idx.add.f32.msk $0xffff, v6  }
0x3e9: {  	s9 =	sadd.s32 $0x40, s9;
	[tilespmem:v3+s31+$0x0] =	vst.idx.add.f32.msk $0xffff, v2  }
0x3ea: {  	p2 =	seq.s32 s2, $0x28  }
.Ltmp39:
0x3eb: {  	_ = 	snop;
	(pc) =	sbr.rel @!p2 .LBB2_77-.Ltmp39, $2  }
0x3ec: {  	_ =	sdelay $0x2  }
0x3ed: {  	p1 =	por !p1, !p1  }
0x3ee: {  	s1 =	simm.s32 $0x0  }
0x3ef: {  	s2 =	simm.s32 $0x40;
	v2 =	vld [tilespmem:s1+$0x0]  }
.LBB2_82:
0x3f0: {  	p1 =	sne.s32 s2, $0x9C00;
	v3 =	vld [tilespmem:s1+$0x9E00];
	_ =	sdelay $0x1  }
0x3f1: {  	v4 =	vld [tilespmem:s1+$0x17B80];
	_ =	sdelay $0x2  }
.Ltmp40:
0x3f2: {  	v2 =	vadd.f32 v2, v3;
	(pc) =	sbr.rel @p1 .LBB2_82-.Ltmp40, $4  }
0x3f3: {  	_ = 	snop  }
0x3f4: {  	v3 =	vmul.f32 v4, v2  }
0x3f5: {  	s4 =	sshra.s32 s2, $0x2  }
0x3f6: {  	s2 =	sadd.s32 $0x40, s2;
	v2 =	vld [tilespmem:s4+$0x0];
	[tilespmem:s1+$0x9E00] =	vst v3;
	s1 =	smov.u32 s4  }
0x3f7: {  	v3 =	vld [tilespmem:s1+$0x9E00];
	_ =	sdelay $0x1  }
0x3f8: {  	v4 =	vld [tilespmem:s1+$0x17B80];
	_ =	sdelay $0x2  }
0x3f9: {  	v2 =	vadd.f32 v2, v3;
	_ =	sdelay $0x1  }
0x3fa: {  	v2 =	vmul.f32 v4, v2;
	_ =	sdelay $0x1  }
0x3fb: {  	s12 =	simm.s32 $0x0;
	s2 =	rddreg [dreg:$0x12];
	[tilespmem:s1+$0x9E00] =	vst v2  }
0x3fc: {  	[hbm4b:s2+s12] =	stream.linear.scatter [tilespmem:s18], [sflag:$0x3], $0x2710, $0x38;
	[tilespmem:$0x1D080] =	vst v63  }
0x3fd: {  	_ =	swait.ge [sflag:s17], $0x2710  }
0x3fe: {  	[sflag:s17] =	ssyncset.done $0x0  }
0x3ff: {  	s1 =	simm.s32 $0x0;
	[sflag:s17] =	ssyncadd.s32 $0xFFFFD8F0  }
0x400: {  	s2 =	simm.s32 $0x40;
	v2 =	vld [tilespmem:s1+$0x2780]  }
.LBB2_84:
0x401: {  	p1 =	sne.s32 s2, $0x9C00;
	v3 =	vld [tilespmem:s1+$0xC600];
	_ =	sdelay $0x1  }
0x402: {  	v4 =	vld [tilespmem:s1+$0x17B80];
	_ =	sdelay $0x2  }
.Ltmp41:
0x403: {  	v2 =	vadd.f32 v2, v3;
	(pc) =	sbr.rel @p1 .LBB2_84-.Ltmp41, $4  }
0x404: {  	_ = 	snop  }
0x405: {  	v3 =	vmul.f32 v4, v2  }
0x406: {  	s4 =	sshra.s32 s2, $0x2  }
0x407: {  	s2 =	sadd.s32 $0x40, s2;
	v2 =	vld [tilespmem:s4+$0x2780];
	[tilespmem:s1+$0xC600] =	vst v3;
	s1 =	smov.u32 s4  }
0x408: {  	v3 =	vld [tilespmem:s1+$0xC600];
	_ =	sdelay $0x1  }
0x409: {  	v4 =	vld [tilespmem:s1+$0x17B80];
	_ =	sdelay $0x2  }
0x40a: {  	v2 =	vadd.f32 v2, v3;
	_ =	sdelay $0x1  }
0x40b: {  	v2 =	vmul.f32 v4, v2;
	_ =	sdelay $0x1  }
0x40c: {  	s12 =	simm.s32 $0x0;
	s2 =	rddreg [dreg:$0x13];
	[tilespmem:s1+$0xC600] =	vst v2  }
0x40d: {  	[hbm4b:s2+s12] =	stream.linear.scatter [tilespmem:s29], [sflag:$0x3], $0x2710, $0x38;
	[tilespmem:$0x1D080] =	vst v63  }
0x40e: {  	_ =	swait.ge [sflag:s17], $0x2710  }
0x40f: {  	[sflag:s17] =	ssyncset.done $0x0  }
0x410: {  	s1 =	simm.s32 $0x0;
	[sflag:s17] =	ssyncadd.s32 $0xFFFFD8F0  }
0x411: {  	s2 =	simm.s32 $0x40;
	v2 =	vld [tilespmem:s1+$0x4F00]  }
.LBB2_86:
0x412: {  	p1 =	sne.s32 s2, $0x9C00;
	v3 =	vld [tilespmem:s1+$0xED80];
	_ =	sdelay $0x1  }
0x413: {  	v4 =	vld [tilespmem:s1+$0x17B80];
	_ =	sdelay $0x2  }
.Ltmp42:
0x414: {  	v2 =	vadd.f32 v2, v3;
	(pc) =	sbr.rel @p1 .LBB2_86-.Ltmp42, $4  }
0x415: {  	_ = 	snop  }
0x416: {  	v3 =	vmul.f32 v4, v2  }
0x417: {  	s4 =	sshra.s32 s2, $0x2  }
0x418: {  	s2 =	sadd.s32 $0x40, s2;
	v2 =	vld [tilespmem:s4+$0x4F00];
	[tilespmem:s1+$0xED80] =	vst v3;
	s1 =	smov.u32 s4  }
0x419: {  	v3 =	vld [tilespmem:s1+$0xED80];
	_ =	sdelay $0x1  }
0x41a: {  	v4 =	vld [tilespmem:s1+$0x17B80];
	_ =	sdelay $0x2  }
0x41b: {  	v2 =	vadd.f32 v2, v3;
	_ =	sdelay $0x1  }
0x41c: {  	v2 =	vmul.f32 v4, v2;
	_ =	sdelay $0x1  }
0x41d: {  	s12 =	simm.s32 $0x0;
	s2 =	rddreg [dreg:$0x14];
	[tilespmem:s1+$0xED80] =	vst v2  }
0x41e: {  	[hbm4b:s2+s12] =	stream.linear.scatter [tilespmem:s30], [sflag:$0x3], $0x2710, $0x38;
	[tilespmem:$0x1D080] =	vst v63  }
0x41f: {  	_ =	swait.ge [sflag:s17], $0x2710  }
0x420: {  	[sflag:s17] =	ssyncset.done $0x0  }
0x421: {  	s1 =	simm.s32 $0x0;
	[sflag:s17] =	ssyncadd.s32 $0xFFFFD8F0  }
0x422: {  	s2 =	simm.s32 $0x40;
	v2 =	vld [tilespmem:s1+$0x7680]  }
.LBB2_88:
0x423: {  	p1 =	sne.s32 s2, $0x9C00;
	v3 =	vld [tilespmem:s1+$0x11500];
	_ =	sdelay $0x1  }
0x424: {  	v4 =	vld [tilespmem:s1+$0x17B80];
	_ =	sdelay $0x2  }
.Ltmp43:
0x425: {  	v2 =	vadd.f32 v2, v3;
	(pc) =	sbr.rel @p1 .LBB2_88-.Ltmp43, $4  }
0x426: {  	_ = 	snop  }
0x427: {  	v3 =	vmul.f32 v4, v2  }
0x428: {  	s4 =	sshra.s32 s2, $0x2  }
0x429: {  	s2 =	sadd.s32 $0x40, s2;
	v2 =	vld [tilespmem:s4+$0x7680];
	[tilespmem:s1+$0x11500] =	vst v3;
	s1 =	smov.u32 s4  }
0x42a: {  	v3 =	vld [tilespmem:s1+$0x11500];
	_ =	sdelay $0x1  }
0x42b: {  	v4 =	vld [tilespmem:s1+$0x17B80];
	_ =	sdelay $0x2  }
0x42c: {  	v2 =	vadd.f32 v2, v3;
	_ =	sdelay $0x1  }
0x42d: {  	v2 =	vmul.f32 v4, v2;
	_ =	sdelay $0x1  }
0x42e: {  	s11 =	rddreg [dreg:$0x15];
	[tilespmem:s1+$0x11500] =	vst v2  }
0x42f: {  	[hbm4b:s11+s22] =	stream.linear.scatter [tilespmem:s31], [sflag:$0x3], $0x2710, $0x38;
	[tilespmem:$0x1D080] =	vst v63  }
0x430: {  	_ =	swait.ge [sflag:s17], $0x2710  }
0x431: {  	s21 =	sadd.s32 $0x1, s21;
	s12 =	rddreg [dreg:$0x17]  }
0x432: {  	p1 =	sne.s32 s21, s12  }
.Ltmp44:
0x433: {  	_ = 	snop;
	(pc) =	sbr.rel @p1 .LBB2_1-.Ltmp44, $3  }
0x434: {  	_ =	sdelay $0x1  }
0x435: {  	[sflag:s17] =	ssyncset.done $0x0  }
0x436: {  	[sflag:s17] =	ssyncadd.s32 $0xFFFFD8F0  }
0x437: {  	_ =	sfence.sel $0x180000  }
0x438: {  	[bflag:$0x0] =	sbarrier.arrive $0xFFFF  }
0x439: {  	_ =	strace $0x90000047  }
0x43a: {  	s0 =	stileid.u32;
	[bflag:$0x2] =	sbarrier.arrive $0xFFFF  }
0x43b: {  	p0 =	sne.s32 s0, $0x0;
	s0 =	rddreg [dreg:$0x4]  }
0x43c: {  	s0 =	sadd.s32 @!p0 $0x100000, s0  }
0x43d: {  	[sflag:s0] =	ssyncadd.tile.s32 @!p0 $0x1;
	_ =	shalt  }
.Lfunc_end2:
_tile_overlayer_lowered:
.L_overlay_start_2:
0x43e: {  	(tag) =	ssettag $0x2  }
0x43f: {  	s0 =	rddreg [dreg:$0x0];
	s2 =	stileid.u32  }
0x440: {  	s1 =	rddreg [dreg:$0x1];
	p0 =	sne.s32 s2, $0x0  }
0x441: {  	s3 =	rddreg [dreg:$0x2];
	[bflag:$0x3] =	sbarrier.arrive $0xFFFF;
	s2 =	simm.s32 @!p0 $0x1C03  }
0x442: {  	[timem:s3], [sflag:s2] =	dma.local @!p0 [hbm:s0], s1  }
0x443: {  	s0 =	simm.s32 @!p0 $0x3  }
0x444: {  	_ =	swait.ge @!p0 [sflag:s0], s1  }
0x445: {  	s1 =	ssub.s32 @!p0 $0x0, s1;
	[sflag:s0] =	ssyncset.done @!p0 $0x0  }
0x446: {  	[sflag:s0] =	ssyncadd.s32 @!p0 s1  }
0x447: {  	[bflag:$0x3] =	sbarrier.arrive $0xFFFF  }
0x448: {  	_ =	shalt  }

// kernel: kernel.9.cloned.1.call-start
scs
__scs_entry_jumppad:
0x0: {  	(pc) =	sbr.rel $0x88, $3  }
0x1: {  	(tag) =	ssettag $0x0;
	lr =	simm.s32 $0x1  }
0x2: {  	[smem:$0x3F91] =	sst lr;
	_ =	strace $0xD0000000  }
0x3: {  	_ = 	snop  }
0x4: {  	_ = 	snop  }
0x5: {  	_ = 	snop  }
0x6: {  	_ = 	snop  }
0x7: {  	_ = 	snop  }
__scs_overlays_trampoline_lowered:
0x8: {  	[smem:$0x3FA0] =	sst s0  }
0x9: {  	[smem:$0x3FA1] =	sst s1  }
0xa: {  	[smem:$0x3FA2] =	sst s2  }
0xb: {  	[smem:$0x3FA3] =	sst s3  }
0xc: {  	[smem:$0x3FA4] =	sst s4  }
0xd: {  	[smem:$0x3FA5] =	sst s5  }
0xe: {  	[smem:$0x3FA6] =	sst s6  }
0xf: {  	[smem:$0x3FA7] =	sst s7  }
0x10: {  	[smem:$0x3FA8] =	sst s8  }
0x11: {  	[smem:$0x3FA9] =	sst s9;
	s0 =	simm.s32 @!p0 $0x0  }
0x12: {  	s1 =	sld [smem:$0x3F8F];
	s0 =	simm.s32 @p0 $0x1  }
0x13: {  	[smem:$0x3FAA] =	sst s0;
	s0 =	simm.s32 @!p1 $0x0  }
0x14: {  	s2 =	sld [smem:$0x3F8E];
	s0 =	simm.s32 @p1 $0x1  }
0x15: {  	[smem:$0x3FAB] =	sst s0;
	s0 =	simm.s32 @!p2 $0x0  }
0x16: {  	s3 =	sld [smem:$0x3FDB];
	s0 =	simm.s32 @p2 $0x1  }
0x17: {  	s4 =	simm.s32 $0x1BF5;
	[smem:$0x3FAD] =	sst s0  }
0x18: {  	s0 =	sld [smem:$0x3F90];
	_ =	swait.ge [sflag:s4], $0x0  }
0x19: {  	s7 =	sld [smem:$0x3F91]  }
0x1a: {  	s8 =	sadd.s32 $0xFFFFE003, lr  }
0x1b: {  	s9 =	sadd.s32 $0xFFFFFEF7, lr;
	s5 =	simm.s32 $0xFFFFFFFF;
	p2 =	slt.u32 s8, $0xFFFFF086  }
0x1c: {  	p1 =	slt.u32 s9, $0xF7A;
	s5 =	simm.s32 @!p2 $0x0  }
0x1d: {  	s5 =	simm.s32 @p1 $0x1;
	p0 =	seq.s32 s7, s2  }
0x1e: {  	s7 =	smul.u32 @!p0 $0xF7A, s2;
	p2 =	seq.s32 @!p0 s5, $0x0  }
0x1f: {  	s9 =	smul.u32 $0xF7A, s1;
	s8 =	simm.s32 @!p0 $0x1BF5;
	p2 =	por !p2, p0  }
0x20: {  	[sflag:s8] =	ssyncset.s32 @!p0 $0xFFFFF086;
	s6 =	sadd.s32 @!p0 s3, s7;
	s7 =	simm.s32 @!p0 $0x108  }
0x21: {  	s3 =	sadd.s32 s3, s9;
	s6 =	sadd.s32 @!p0 $0x88, s6;
	s7 =	simm.s32 @p2 $0x1082  }
0x22: {  	[simem:s7], [sflag:s8] =	dma.local @!p0 [hbm:s6], $0xF7A  }
0x23: {  	s9 =	sor.u32 $0xD0000000, s2;
	s6 =	simm.s32 $0x108;
	_ =	swait.ge @!p0 [sflag:s8], $0x0  }
0x24: {  	s3 =	sadd.s32 $0x88, s3;
	s6 =	simm.s32 @!p1 $0x1082;
	[sflag:s4] =	ssyncset.s32 $0xFFFFF086  }
0x25: {  	[simem:s6], [sflag:s4] =	dma.local [hbm:s3], $0xF7A  }
0x26: {  	[smem:$0x3F91] =	sst s1;
	(tag) =	ssettag s2;
	_ =	strace s9  }
0x27: {  	s1 =	sld [smem:$0x3FA1]  }
0x28: {  	s2 =	sld [smem:$0x3FA2]  }
0x29: {  	s4 =	sld [smem:$0x3FA4]  }
0x2a: {  	p0 =	seq.s32 s5, $0x0;
	s5 =	sld [smem:$0x3FA5]  }
0x2b: {  	s6 =	sld [smem:$0x3FA6]  }
0x2c: {  	s7 =	sld [smem:$0x3FA7]  }
0x2d: {  	s3 =	simm.s32 $0x108;
	s8 =	sld [smem:$0x3FA8]  }
0x2e: {  	s3 =	simm.s32 @!p0 $0x1082;
	s9 =	sld [smem:$0x3FA9]  }
0x2f: {  	lr =	sadd.s32 s0, s3;
	s0 =	sld [smem:$0x3FA0]  }
0x30: {  	s3 =	sld [smem:$0x3FA3]  }
0x31: {  	[smem:$0x3FAC] =	sst s10  }
0x32: {  	s10 =	sld [smem:$0x3FAA];
	_ =	sdelay $0x3  }
0x33: {  	p0 =	seq.s32 s10, $0x1;
	s10 =	sld [smem:$0x3FAC];
	_ =	sdelay $0x3  }
0x34: {  	[smem:$0x3FAC] =	sst s10  }
0x35: {  	s10 =	sld [smem:$0x3FAB];
	_ =	sdelay $0x3  }
0x36: {  	p1 =	seq.s32 s10, $0x1;
	s10 =	sld [smem:$0x3FAC];
	_ =	sdelay $0x3  }
0x37: {  	[smem:$0x3FAC] =	sst s10  }
0x38: {  	s10 =	sld [smem:$0x3FAD]  }
0x39: {  	_ = 	snop;
	(pc) =	sbr.ind lr, $3  }
0x3a: {  	_ = 	snop  }
0x3b: {  	_ = 	snop  }
0x3c: {  	p2 =	seq.s32 s10, $0x1;
	s10 =	sld [smem:$0x3FAC]  }
0x3d: {  	_ =	shalt  }
0x3e: {  	_ =	shalt  }
0x3f: {  	_ =	shalt  }
0x40: {  	_ =	shalt  }
0x41: {  	_ =	shalt  }
0x42: {  	_ =	shalt  }
0x43: {  	_ =	shalt  }
0x44: {  	_ =	shalt  }
0x45: {  	_ =	shalt  }
0x46: {  	_ =	shalt  }
0x47: {  	_ =	shalt  }
0x48: {  	_ =	shalt  }
0x49: {  	_ =	shalt  }
0x4a: {  	_ =	shalt  }
0x4b: {  	_ =	shalt  }
0x4c: {  	_ =	shalt  }
0x4d: {  	_ =	shalt  }
0x4e: {  	_ =	shalt  }
0x4f: {  	_ =	shalt  }
0x50: {  	_ =	shalt  }
0x51: {  	_ =	shalt  }
0x52: {  	_ =	shalt  }
0x53: {  	_ =	shalt  }
0x54: {  	_ =	shalt  }
0x55: {  	_ =	shalt  }
0x56: {  	_ =	shalt  }
0x57: {  	_ =	shalt  }
0x58: {  	_ =	shalt  }
0x59: {  	_ =	shalt  }
0x5a: {  	_ =	shalt  }
0x5b: {  	_ =	shalt  }
0x5c: {  	_ =	shalt  }
0x5d: {  	_ =	shalt  }
0x5e: {  	_ =	shalt  }
0x5f: {  	_ =	shalt  }
0x60: {  	_ =	shalt  }
0x61: {  	_ =	shalt  }
0x62: {  	_ =	shalt  }
0x63: {  	_ =	shalt  }
0x64: {  	_ =	shalt  }
0x65: {  	_ =	shalt  }
0x66: {  	_ =	shalt  }
0x67: {  	_ =	shalt  }
0x68: {  	_ =	shalt  }
0x69: {  	_ =	shalt  }
0x6a: {  	_ =	shalt  }
0x6b: {  	_ =	shalt  }
0x6c: {  	_ =	shalt  }
0x6d: {  	_ =	shalt  }
0x6e: {  	_ =	shalt  }
0x6f: {  	_ =	shalt  }
0x70: {  	_ =	shalt  }
0x71: {  	_ =	shalt  }
0x72: {  	_ =	shalt  }
0x73: {  	_ =	shalt  }
0x74: {  	_ =	shalt  }
0x75: {  	_ =	shalt  }
0x76: {  	_ =	shalt  }
0x77: {  	_ =	shalt  }
0x78: {  	_ =	shalt  }
0x79: {  	_ =	shalt  }
0x7a: {  	_ =	shalt  }
0x7b: {  	_ =	shalt  }
0x7c: {  	_ =	shalt  }
0x7d: {  	_ =	shalt  }
0x7e: {  	_ =	shalt  }
0x7f: {  	_ =	shalt  }
0x80: {  	_ =	shalt  }
0x81: {  	_ =	shalt  }
0x82: {  	_ =	shalt  }
0x83: {  	_ =	shalt  }
0x84: {  	_ =	shalt  }
0x85: {  	_ =	shalt  }
0x86: {  	_ =	shalt  }
0x87: {  	_ =	shalt  }
.Lfunc_end0:
.L_simem_size_0:
called_computation.1_lowered:
.L_overlay_start_0:
0x88: {  	s2 =	sld [smem:$0x3FD9]  }
0x89: {  	s3 =	sld [smem:$0x3FFE];
	_ =	sdelay $0x1  }
0x8a: {  	s1 =	srdreg.scid  }
0x8b: {  	s0 =	sand.u32 $0x1, s1  }
0x8c: {  	s17 =	sshll.u32 s0, $0xA;
	s2 =	sadd.s32 s3, s2  }
0x8d: {  	s2 =	sadd.s32 s2, s17  }
0x8e: {  	[smem:$0x3FB8] =	sst s2  }
0x8f: {  	_ = 	snop  }
0x90: {  	s2 =	sld [smem:$0x3FD0];
	(tm) =	ssettm $0x1  }
0x91: {  	s18 =	sld [smem:$0x3FFB];
	_ =	sdelay $0x3  }
0x92: {  	_ =	strace s18  }
0x93: {  	s3 =	sld [smem:$0x3FFC];
	_ =	sdelay $0x3  }
0x94: {  	_ =	strace s3  }
0x95: {  	s3 =	sld [smem:$0x3FFD];
	_ =	sdelay $0x3  }
0x96: {  	_ =	strace s3  }
0x97: {  	_ =	strace $0x8FFFFFFF  }
0x98: {  	s19 =	sld [smem:$0x3FDB];
	_ =	sdelay $0x1  }
0x99: {  	s4 =	simm.s32 $_scs_section_size  }
0x9a: {  	s5 =	simm.s32 $_size__tile_overlayer_lowered;
	s6 =	simm.s32 $_tile_overlayer_lowered  }
0x9b: {  	s22 =	simm.s32 $0x1BFF;
	s21 =	sshll.u32 s6, $0x1;
	s3 =	sadd.s32 s4, s19  }
0x9c: {  	s7 =	simm.s32 $0x0;
	s20 =	sshll.u32 s5, $0x1;
	s5 =	sadd.s32 s21, s3  }
0x9d: {  	[timem:s7], [sflag:s22] =	dma.local [hbm:s5], s20  }
0x9e: {  	_ =	swait.ge [sflag:s22], s20  }
0x9f: {  	s4 =	ssub.s32 $0x0, s20;
	[sflag:s22] =	ssyncset.done $0x0  }
0xa0: {  	[sflag:s22] =	ssyncadd.s32 s4;
	_ =	sdelay $0x1  }
0xa1: {  	s23 =	simm.s32 $0x1B8B  }
0xa2: {  	_ =	swait.ge [sflag:s23], $0x1  }
0xa3: {  	[sflag:s23] =	ssyncset.done $0x0  }
0xa4: {  	s25 =	simm.s32 $0x1B8E;
	s24 =	sld [smem:$0x3FFE];
	[sflag:s23] =	ssyncadd.s32 $0xFFFFFFFF  }
0xa5: {  	s26 =	simm.s32 $execute0_lowered;
	[smem:$0x3FD2] =	sst s25  }
0xa6: {  	s5 =	sshll.u32 s26, $0x1;
	_ =	strace $0x80000049;
	[dreg:$0x1] =	wrdreg $0xFFFFFFFF  }
0xa7: {  	s28 =	simm.s32 $_size_execute0_lowered;
	s3 =	sadd.s32 s3, s5;
	[dreg:$0x0] =	wrdreg $0x0  }
0xa8: {  	s5 =	sshll.u32 s28, $0x1;
	[dreg:$0x2] =	wrdreg s3  }
0xa9: {  	[dreg:$0x3] =	wrdreg s5  }
0xaa: {  	[dreg:$0x4] =	wrdreg $0xC0  }
0xab: {  	_ =	task [dreg:s7], $0x5FFFF  }
0xac: {  	[dreg:$0x1] =	wrdreg $0xFFFFFFFF  }
0xad: {  	[dreg:$0x0] =	wrdreg $0x60  }
0xae: {  	[dreg:$0x2] =	wrdreg s24  }
0xaf: {  	[dreg:$0x3] =	wrdreg s2  }
0xb0: {  	[dreg:$0x4] =	wrdreg $0x9  }
0xb1: {  	_ =	task.clear_ibuf [dreg:s7], $0x5FFFF;
	_ =	strace $0x90000049  }
0xb2: {  	s29 =	simm.s32 $0x9;
	_ =	strace $0x8000004B  }
0xb3: {  	_ =	swait.ge [sflag:s29], $0x1  }
0xb4: {  	[sflag:s29] =	ssyncadd.s32 $0xFFFFFFFF  }
0xb5: {  	_ =	strace $0x9000004B  }
0xb6: {  	_ =	sfence  }
0xb7: {  	s30 =	sld [smem:$0x0];
	_ =	sdelay $0x2  }
0xb8: {  	s31 =	sshll.u32 s1, $0xD;
	s1 =	sshrl.u32 s1, $0x2  }
0xb9: {  	s3 =	sand.u32 $0x4000, s31;
	s1 =	sadd.s32 s1, s30  }
0xba: {  	s0 =	sor.u32 s3, s0;
	s1 =	sshll.u32 s1, $0x11  }
0xbb: {  	s0 =	sor.u32 s1, s0  }
0xbc: {  	s0 =	sadd.s32 $0x8F2B, s0  }
0xbd: {  	[sflag:s0] =	ssyncadd.remote.s32 $0x1  }
0xbe: {  	_ =	sfence.sel $0xFFFF  }
0xbf: {  	[dreg:$0x0] =	wrdreg $0xFFFFFFFF;
	(pc) =	sbr.abs _section_cstart, $3  }
0xc0: {  	[dreg:$0x1] =	wrdreg $0xFFFFFFFF  }
0xc1: {  	_ =	task.clear_ibuf [dreg:s7], $0x2FFFF;
	_ =	strace $0x9FFFFFFF  }
0xc2: {  	(tm) =	ssettm $0x7FFFFFFF  }
0xc3: {  	_ =	shalt  }
tec
execute0_lowered:
.L_overlay_start_1:
0x0: {  	(tag) =	ssettag $0x1  }
0x1: {  	s0 =	rddreg [dreg:$0x0]  }
0x2: {  	s1 =	rddreg [dreg:$0x1];
	s2 =	srdreg.scid  }
0x3: {  	s3 =	simm.s32 $0x0;
	s5 =	stileid.u32;
	s28 =	simm.s32 $0x7680  }
0x4: {  	s30 =	simm.s32 $0x15C00;
	s31 =	simm.s32 $0x9E00;
	s2 =	sand.u32 $0x1, s2  }
0x5: {  	[smem:$0x7FF] =	sst s3;
	s14 =	sadd.s32 $0x7E00, s0;
	s4 =	sshll.u32 s2, $0x4  }
0x6: {  	s7 =	sadd.s32 $0xA7E00, s0;
	_ =	strace $0x8000004A;
	s4 =	sor.u32 s5, s4  }
0x7: {  	s2 =	ssub.s32 $0x2, s2;
	[dreg:$0x3] =	wrdreg s7;
	s6 =	smul.u32 $0xA000, s4  }
0x8: {  	s16 =	sshrl.u32 s2, $0x1;
	s5 =	simm.s32 $0x0;
	s4 =	sadd.s32 $0x2E00, s0  }
0x9: {  	s0 =	sadd.s32 $0x57E00, s0;
	s2 =	ssub.s32 s2, s16;
	s6 =	sshrl.u32 s6, $0x3  }
0xa: {  	s17 =	sadd.s32 s14, s6;
	s18 =	sadd.s32 $0x500, s6;
	s8 =	sadd.s32 $0xA00, s6  }
0xb: {  	s20 =	sadd.s32 $0xF00, s6;
	s21 =	sadd.s32 s0, s6;
	s24 =	sadd.s32 $0x28000, s6  }
0xc: {  	s26 =	sadd.s32 $0x28500, s6;
	s29 =	sadd.s32 $0x28A00, s6;
	[dreg:$0x4] =	wrdreg s17  }
0xd: {  	s6 =	sadd.s32 $0x28F00, s6;
	s9 =	sadd.s32 s14, s18;
	[dreg:$0x8] =	wrdreg s21  }
0xe: {  	s19 =	sadd.s32 s14, s8;
	s10 =	sadd.s32 s14, s20;
	[dreg:$0x5] =	wrdreg s9  }
0xf: {  	s7 =	sadd.s32 s0, s18;
	s22 =	sadd.s32 s0, s8;
	[dreg:$0x6] =	wrdreg s19  }
0x10: {  	s23 =	sadd.s32 s0, s20;
	s25 =	sadd.s32 s14, s24;
	[dreg:$0x7] =	wrdreg s10  }
0x11: {  	s15 =	sadd.s32 s14, s26;
	s16 =	sadd.s32 s14, s29;
	[dreg:$0x9] =	wrdreg s7  }
0x12: {  	s17 =	sadd.s32 s14, s6;
	s18 =	sadd.s32 s0, s24;
	[dreg:$0xa] =	wrdreg s22  }
0x13: {  	s20 =	sadd.s32 s0, s29;
	s21 =	sadd.s32 s0, s6;
	[dreg:$0xb] =	wrdreg s23  }
0x14: {  	s24 =	simm.s32 $0x3;
	[dreg:$0xc] =	wrdreg s25;
	s19 =	sadd.s32 s0, s26  }
0x15: {  	s22 =	smax.u32 s2, $0x1;
	s25 =	simm.s32 $0x2780;
	s26 =	simm.s32 $0x4F00  }
0x16: {  	v0 =	vimm.f32 $0.0e+00;
	s0 =	simm.s32 $0xC600;
	s2 =	simm.s32 $0xED80;
	s23 =	simm.s32 $0x11500  }
.LBB2_1:
0x17: {  	s6 =	rddreg [dreg:$0x3];
	s7 =	simm.s32 $0x17B80  }
0x18: {  	[tilespmem:s7], [sflag:$0x3] =	stream.linear.gather [hbm4b:s6+s3], $0x2800, $0x38;
	[tilespmem:$0x1A380] =	vst v63  }
0x19: {  	_ =	swait.ge [sflag:s24], $0x2800  }
0x1a: {  	[sflag:s24] =	ssyncset.done $0x0  }
0x1b: {  	s29 =	rddreg [dreg:$0x4];
	[sflag:s24] =	ssyncadd.s32 $0xFFFFD800  }
0x1c: {  	[tilespmem:s3], [sflag:$0x3] =	stream.linear.gather [hbm4b:s29+s3], $0x2710, $0x38;
	[tilespmem:$0x1A380] =	vst v63  }
0x1d: {  	_ =	swait.ge [sflag:s24], $0x2710  }
0x1e: {  	[sflag:s24] =	ssyncset.done $0x0  }
0x1f: {  	s6 =	simm.s32 $0x40;
	s7 =	simm.s32 $0x0;
	[sflag:s24] =	ssyncadd.s32 $0xFFFFD8F0  }
.LBB2_2:
0x20: {  	p0 =	sne.s32 s6, $0x9C00;
	[tilespmem:s7+$0x9E00] =	vst v0;
	s7 =	smov.u32 s6;
	s6 =	sadd.s32 $0x40, s6  }
.Ltmp0:
0x21: {  	(pc) =	sbr.rel @p0 .LBB2_2-.Ltmp0, $2  }
0x22: {  	_ =	sdelay $0x2  }
0x23: {  	s7 =	sshra.s32 s7, $0x2  }
0x24: {  	[tilespmem:s7+$0x9E00] =	vst v0;
	s6 =	simm.s32 $0x0;
	s29 =	rddreg [dreg:$0x5]  }
0x25: {  	[tilespmem:s25], [sflag:$0x3] =	stream.linear.gather [hbm4b:s29+s6], $0x2710, $0x38;
	[tilespmem:$0x1A380] =	vst v63  }
0x26: {  	_ =	swait.ge [sflag:s24], $0x2710  }
0x27: {  	[sflag:s24] =	ssyncset.done $0x0  }
0x28: {  	s7 =	simm.s32 $0x0;
	s6 =	simm.s32 $0x40;
	[sflag:s24] =	ssyncadd.s32 $0xFFFFD8F0  }
.LBB2_4:
0x29: {  	p0 =	sne.s32 s6, $0x9C00;
	[tilespmem:s7+$0xC600] =	vst v0;
	s7 =	smov.u32 s6;
	s6 =	sadd.s32 $0x40, s6  }
.Ltmp1:
0x2a: {  	(pc) =	sbr.rel @p0 .LBB2_4-.Ltmp1, $2  }
0x2b: {  	_ =	sdelay $0x2  }
0x2c: {  	s7 =	sshra.s32 s7, $0x2  }
0x2d: {  	[tilespmem:s7+$0xC600] =	vst v0;
	s6 =	simm.s32 $0x0;
	s29 =	rddreg [dreg:$0x6]  }
0x2e: {  	[tilespmem:s26], [sflag:$0x3] =	stream.linear.gather [hbm4b:s29+s6], $0x2710, $0x38;
	[tilespmem:$0x1A380] =	vst v63  }
0x2f: {  	_ =	swait.ge [sflag:s24], $0x2710  }
0x30: {  	[sflag:s24] =	ssyncset.done $0x0  }
0x31: {  	s7 =	simm.s32 $0x0;
	s6 =	simm.s32 $0x40;
	[sflag:s24] =	ssyncadd.s32 $0xFFFFD8F0  }
.LBB2_6:
0x32: {  	p0 =	sne.s32 s6, $0x9C00;
	[tilespmem:s7+$0xED80] =	vst v0;
	s7 =	smov.u32 s6;
	s6 =	sadd.s32 $0x40, s6  }
.Ltmp2:
0x33: {  	(pc) =	sbr.rel @p0 .LBB2_6-.Ltmp2, $2  }
0x34: {  	_ =	sdelay $0x2  }
0x35: {  	s7 =	sshra.s32 s7, $0x2  }
0x36: {  	[tilespmem:s7+$0xED80] =	vst v0;
	s6 =	simm.s32 $0x0;
	s29 =	rddreg [dreg:$0x7]  }
0x37: {  	[tilespmem:s28], [sflag:$0x3] =	stream.linear.gather [hbm4b:s29+s6], $0x2710, $0x38;
	[tilespmem:$0x1A380] =	vst v63  }
0x38: {  	_ =	swait.ge [sflag:s24], $0x2710  }
0x39: {  	[sflag:s24] =	ssyncset.done $0x0  }
0x3a: {  	s7 =	simm.s32 $0x0;
	s6 =	simm.s32 $0x40;
	[sflag:s24] =	ssyncadd.s32 $0xFFFFD8F0  }
.LBB2_8:
0x3b: {  	p0 =	sne.s32 s6, $0x9C00;
	[tilespmem:s7+$0x11500] =	vst v0;
	s7 =	smov.u32 s6;
	s6 =	sadd.s32 $0x40, s6  }
.Ltmp3:
0x3c: {  	(pc) =	sbr.rel @p0 .LBB2_8-.Ltmp3, $2  }
0x3d: {  	_ =	sdelay $0x2  }
0x3e: {  	s7 =	sshra.s32 s7, $0x2  }
0x3f: {  	[tilespmem:s7+$0x11500] =	vst v0;
	s6 =	simm.s32 $0x0;
	s29 =	simm.s32 $0x13C80  }
0x40: {  	[tilespmem:s29], [sflag:$0x1] =	stream.linear.gather [hbm4b:s1+s6], $0xFA0, $0x38;
	[tilespmem:$0x1A380] =	vst v63  }
0x41: {  	p0 =	por $0x0, $0x0;
	s7 =	simm.s32 $0x0  }
0x42: {  	[tilespmem:s30], [sflag:$0x1] =	stream.linear.gather [hbm4b:s4+s6], $0xFA0, $0x38;
	[tilespmem:$0x1A380] =	vst v63  }
.LBB2_11:
0x43: {  	s8 =	sand.u32 $0x1, s7;
	p1 =	seq.s32 s7, $0x27;
	s7 =	sadd.s32 $0x1, s7  }
0x44: {  	s9 =	sxor.u32 @!p1 $0x1, s8;
	s12 =	smul.u32 @!p1 $0x1F4, s7  }
0x45: {  	s11 =	simm.s32 $0x1;
	s10 =	smul.u32 @!p1 $0xFA0, s9  }
0x46: {  	s11 =	simm.s32 @!p0 $0x0;
	s14 =	simm.s32 @!p1 $0x0  }
0x47: {  	s13 =	sadd.s32 @!p1 $0x1, s9;
	s29 =	sadd.s32 @!p1 s1, s12;
	s9 =	sadd.s32 @!p1 $0x13C80, s10  }
0x48: {  	[tilespmem:s9], [sflag:s13] =	stream.linear.gather @!p1 [hbm4b:s29+s14], $0xFA0, $0x38;
	[tilespmem:$0x1A380] =	vst v63  }
0x49: {  	s12 =	sadd.s32 @!p1 s4, s12;
	s10 =	sadd.s32 @!p1 $0x15C00, s10;
	s29 =	smul.u32 $0x3E80, s11  }
0x4a: {  	[tilespmem:s10], [sflag:s13] =	stream.linear.gather @!p1 [hbm4b:s12+s14], $0xFA0, $0x38;
	[tilespmem:$0x1A380] =	vst v63  }
0x4b: {  	s8 =	sadd.s32 $0x1, s8;
	s12 =	sadd.s32 $0x100, s29  }
0x4c: {  	_ =	swait.ge [sflag:s8], $0xFA0;
	s10 =	sshrl.u32 s12, $0x2  }
0x4d: {  	[sflag:s8] =	ssyncset.done $0x0;
	v1 =	vmov s10  }
0x4e: {  	[sflag:s8] =	ssyncadd.s32 $0xFFFFF060  }
0x4f: {  	_ =	swait.ge [sflag:s8], $0xFA0  }
0x50: {  	[sflag:s8] =	ssyncset.done $0x0  }
0x51: {  	s13 =	simm.s32 $0x13C80;
	[sflag:s8] =	ssyncadd.s32 $0xFFFFF060  }
0x52: {  	v3 =	vld.idx.msk [tilespmem:v1+s13+$0x30 ss:$0x1], $0xffff  }
0x53: {  	v4 =	vld.idx.msk [tilespmem:v1+s13+$0xFFFFFFD0 ss:$0x1], $0xffff  }
0x54: {  	v5 =	vld.idx.msk [tilespmem:v1+s13+$0xFFFFFFE0 ss:$0x1], $0xffff  }
0x55: {  	v6 =	vld.idx.msk [tilespmem:v1+s13+$0xFFFFFFF0 ss:$0x1], $0xffff  }
0x56: {  	v7 =	vld.idx.msk [tilespmem:v1+s13+$0x0 ss:$0x1], $0xffff  }
0x57: {  	s11 =	sshll.u32 s11, $0x7;
	s14 =	sand.u32 $0x3E00, s29;
	s8 =	simm.s32 $0x15C00;
	v8 =	vld.idx.msk [tilespmem:v1+s13+$0x10 ss:$0x1], $0xffff  }
0x58: {  	s11 =	sor.u32 s11, s14;
	v9 =	vld.idx.msk [tilespmem:v1+s8+$0x30 ss:$0x1], $0xffff  }
0x59: {  	s11 =	sshrl.u32 s11, $0x2;
	v10 =	vld.idx.msk [tilespmem:v1+s13+$0x20 ss:$0x1], $0xffff  }
0x5a: {  	v2 =	vmov s11;
	v63 =	vld.idx.msk [tilespmem:v1+s8+$0xFFFFFFD0 ss:$0x1], $0xffff  }
0x5b: {  	v34 =	vld.idx.msk [tilespmem:v1+s8+$0xFFFFFFE0 ss:$0x1], $0xffff  }
0x5c: {  	v35 =	vld.idx.msk [tilespmem:v1+s8+$0xFFFFFFF0 ss:$0x1], $0xffff  }
0x5d: {  	v36 =	vld.idx.msk [tilespmem:v1+s8+$0x0 ss:$0x1], $0xffff  }
0x5e: {  	v37 =	vld.idx.msk [tilespmem:v1+s8+$0x10 ss:$0x1], $0xffff  }
0x5f: {  	v14 =	vld.idx.msk [tilespmem:v2+s13+$0x0 ss:$0x1], $0xffff  }
0x60: {  	v33 =	vld.idx.msk [tilespmem:v2+s8+$0x0 ss:$0x1], $0xffff  }
0x61: {  	v11 =	vld.idx.msk [tilespmem:v3+s6+$0x0], $0xffff  }
0x62: {  	v12 =	vld.idx.msk [tilespmem:v3+s25+$0x0], $0xffff  }
0x63: {  	v13 =	vld.idx.msk [tilespmem:v3+s26+$0x0], $0xffff  }
0x64: {  	v3 =	vld.idx.msk [tilespmem:v3+s28+$0x0], $0xffff  }
0x65: {  	v15 =	vld.idx.msk [tilespmem:v4+s6+$0x0], $0xffff  }
0x66: {  	v59 =	vld.idx.msk [tilespmem:v4+s25+$0x0], $0xffff  }
0x67: {  	v60 =	vld.idx.msk [tilespmem:v4+s26+$0x0], $0xffff  }
0x68: {  	v17 =	vld.idx.msk [tilespmem:v4+s28+$0x0], $0xffff  }
0x69: {  	v18 =	vld.idx.msk [tilespmem:v5+s6+$0x0], $0xffff  }
0x6a: {  	v19 =	vld.idx.msk [tilespmem:v5+s25+$0x0], $0xffff  }
0x6b: {  	v20 =	vld.idx.msk [tilespmem:v5+s26+$0x0], $0xffff  }
0x6c: {  	v5 =	vld.idx.msk [tilespmem:v5+s28+$0x0], $0xffff  }
0x6d: {  	v21 =	vld.idx.msk [tilespmem:v6+s6+$0x0], $0xffff  }
0x6e: {  	v22 =	vld.idx.msk [tilespmem:v6+s25+$0x0], $0xffff  }
0x6f: {  	v23 =	vld.idx.msk [tilespmem:v6+s26+$0x0], $0xffff  }
0x70: {  	v6 =	vld.idx.msk [tilespmem:v6+s28+$0x0], $0xffff  }
0x71: {  	v24 =	vld.idx.msk [tilespmem:v7+s6+$0x0], $0xffff  }
0x72: {  	v25 =	vld.idx.msk [tilespmem:v7+s25+$0x0], $0xffff  }
0x73: {  	v26 =	vld.idx.msk [tilespmem:v7+s26+$0x0], $0xffff  }
0x74: {  	v7 =	vld.idx.msk [tilespmem:v7+s28+$0x0], $0xffff  }
0x75: {  	v27 =	vld.idx.msk [tilespmem:v8+s6+$0x0], $0xffff  }
0x76: {  	v28 =	vld.idx.msk [tilespmem:v8+s25+$0x0], $0xffff  }
0x77: {  	v29 =	vld.idx.msk [tilespmem:v8+s26+$0x0], $0xffff  }
0x78: {  	v8 =	vld.idx.msk [tilespmem:v8+s28+$0x0], $0xffff  }
0x79: {  	v30 =	vld.idx.msk [tilespmem:v10+s6+$0x0], $0xffff  }
0x7a: {  	v31 =	vld.idx.msk [tilespmem:v10+s25+$0x0], $0xffff  }
0x7b: {  	v32 =	vld.idx.msk [tilespmem:v10+s26+$0x0], $0xffff  }
0x7c: {  	v4 =	vld.idx.msk [tilespmem:v1+s8+$0x20 ss:$0x1], $0xffff  }
0x7d: {  	v61 =	vld.idx.msk [tilespmem:v14+s6+$0x0], $0xffff  }
0x7e: {  	v62 =	vld.idx.msk [tilespmem:v14+s25+$0x0], $0xffff  }
0x7f: {  	v16 =	vld.idx.msk [tilespmem:v14+s26+$0x0], $0xffff  }
0x80: {  	v14 =	vld.idx.msk [tilespmem:v14+s28+$0x0], $0xffff  }
0x81: {  	[tilespmem:v9+s31+$0x0] =	vst.idx.add.f32.msk $0xffff, v11  }
0x82: {  	[tilespmem:v63+s31+$0x0] =	vst.idx.add.f32.msk $0xffff, v15  }
0x83: {  	[tilespmem:v34+s31+$0x0] =	vst.idx.add.f32.msk $0xffff, v18  }
0x84: {  	[tilespmem:v35+s31+$0x0] =	vst.idx.add.f32.msk $0xffff, v21  }
0x85: {  	[tilespmem:v36+s31+$0x0] =	vst.idx.add.f32.msk $0xffff, v24  }
0x86: {  	[tilespmem:v37+s31+$0x0] =	vst.idx.add.f32.msk $0xffff, v27  }
0x87: {  	[tilespmem:v9+s0+$0x0] =	vst.idx.add.f32.msk $0xffff, v12  }
0x88: {  	[tilespmem:v33+s31+$0x0] =	vst.idx.add.f32.msk $0xffff, v61  }
0x89: {  	[tilespmem:v63+s0+$0x0] =	vst.idx.add.f32.msk $0xffff, v59  }
0x8a: {  	[tilespmem:v34+s0+$0x0] =	vst.idx.add.f32.msk $0xffff, v19  }
0x8b: {  	[tilespmem:v35+s0+$0x0] =	vst.idx.add.f32.msk $0xffff, v22  }
0x8c: {  	[tilespmem:v36+s0+$0x0] =	vst.idx.add.f32.msk $0xffff, v25  }
0x8d: {  	[tilespmem:v37+s0+$0x0] =	vst.idx.add.f32.msk $0xffff, v28  }
0x8e: {  	[tilespmem:v9+s2+$0x0] =	vst.idx.add.f32.msk $0xffff, v13  }
0x8f: {  	[tilespmem:v33+s0+$0x0] =	vst.idx.add.f32.msk $0xffff, v62  }
0x90: {  	[tilespmem:v63+s2+$0x0] =	vst.idx.add.f32.msk $0xffff, v60  }
0x91: {  	[tilespmem:v34+s2+$0x0] =	vst.idx.add.f32.msk $0xffff, v20  }
0x92: {  	[tilespmem:v35+s2+$0x0] =	vst.idx.add.f32.msk $0xffff, v23  }
0x93: {  	[tilespmem:v36+s2+$0x0] =	vst.idx.add.f32.msk $0xffff, v26  }
0x94: {  	[tilespmem:v37+s2+$0x0] =	vst.idx.add.f32.msk $0xffff, v29  }
0x95: {  	[tilespmem:v9+s23+$0x0] =	vst.idx.add.f32.msk $0xffff, v3  }
0x96: {  	v3 =	vld.idx.msk [tilespmem:v10+s28+$0x0], $0xffff  }
0x97: {  	[tilespmem:v33+s2+$0x0] =	vst.idx.add.f32.msk $0xffff, v16  }
0x98: {  	[tilespmem:v63+s23+$0x0] =	vst.idx.add.f32.msk $0xffff, v17  }
0x99: {  	[tilespmem:v34+s23+$0x0] =	vst.idx.add.f32.msk $0xffff, v5  }
0x9a: {  	[tilespmem:v35+s23+$0x0] =	vst.idx.add.f32.msk $0xffff, v6  }
0x9b: {  	[tilespmem:v36+s23+$0x0] =	vst.idx.add.f32.msk $0xffff, v7  }
0x9c: {  	[tilespmem:v37+s23+$0x0] =	vst.idx.add.f32.msk $0xffff, v8  }
0x9d: {  	[tilespmem:v4+s31+$0x0] =	vst.idx.add.f32.msk $0xffff, v30  }
0x9e: {  	s29 =	sshrl.u32 s29, $0x2;
	[tilespmem:v33+s23+$0x0] =	vst.idx.add.f32.msk $0xffff, v14  }
0x9f: {  	s9 =	sadd.s32 $0x14C00, s29;
	[tilespmem:v4+s0+$0x0] =	vst.idx.add.f32.msk $0xffff, v31  }
0xa0: {  	s10 =	sadd.s32 $0x16B80, s29;
	s11 =	simm.s32 $0x0;
	s13 =	simm.s32 $0x13D00;
	[tilespmem:v4+s2+$0x0] =	vst.idx.add.f32.msk $0xffff, v32  }
.LBB2_12:
0xa1: {  	v5 =	vld.idx.msk [tilespmem:v1+s13+$0x30 ss:$0x1], $0xffff  }
0xa2: {  	v6 =	vld.idx.msk [tilespmem:v1+s13+$0xFFFFFFD0 ss:$0x1], $0xffff  }
0xa3: {  	v7 =	vld.idx.msk [tilespmem:v1+s13+$0xFFFFFFE0 ss:$0x1], $0xffff  }
0xa4: {  	s11 =	sadd.s32 $0x8, s11;
	v8 =	vld.idx.msk [tilespmem:v1+s13+$0xFFFFFFF0 ss:$0x1], $0xffff  }
0xa5: {  	p1 =	slt.u32 s11, $0xF0;
	v9 =	vld.idx.msk [tilespmem:v1+s13+$0x0 ss:$0x1], $0xffff  }
0xa6: {  	s8 =	sadd.s32 $0x80, s8;
	v10 =	vld.idx.msk [tilespmem:v1+s13+$0x10 ss:$0x1], $0xffff  }
0xa7: {  	v11 =	vld.idx.msk [tilespmem:v1+s8+$0x30 ss:$0x1], $0xffff  }
0xa8: {  	s12 =	simm.s32 $0x0;
	v12 =	vld.idx.msk [tilespmem:v1+s13+$0x20 ss:$0x1], $0xffff  }
0xa9: {  	v13 =	vld.idx.msk [tilespmem:v5+s12+$0x0], $0xffff  }
0xaa: {  	v14 =	vld.idx.msk [tilespmem:v5+s25+$0x0], $0xffff  }
0xab: {  	v15 =	vld.idx.msk [tilespmem:v5+s26+$0x0], $0xffff  }
0xac: {  	v5 =	vld.idx.msk [tilespmem:v5+s28+$0x0], $0xffff  }
0xad: {  	v16 =	vld.idx.msk [tilespmem:v2+s13+$0x0 ss:$0x1], $0xffff  }
0xae: {  	v17 =	vld.idx.msk [tilespmem:v6+s12+$0x0], $0xffff  }
0xaf: {  	[tilespmem:v11+s31+$0x0] =	vst.idx.add.f32.msk $0xffff, v13  }
0xb0: {  	[tilespmem:v11+s0+$0x0] =	vst.idx.add.f32.msk $0xffff, v14  }
0xb1: {  	[tilespmem:v11+s2+$0x0] =	vst.idx.add.f32.msk $0xffff, v15  }
0xb2: {  	[tilespmem:v11+s23+$0x0] =	vst.idx.add.f32.msk $0xffff, v5  }
0xb3: {  	v5 =	vld.idx.msk [tilespmem:v6+s25+$0x0], $0xffff  }
0xb4: {  	v11 =	vld.idx.msk [tilespmem:v6+s26+$0x0], $0xffff  }
0xb5: {  	v13 =	vld.idx.msk [tilespmem:v16+s12+$0x0], $0xffff  }
0xb6: {  	v14 =	vld.idx.msk [tilespmem:v16+s25+$0x0], $0xffff  }
0xb7: {  	v15 =	vld.idx.msk [tilespmem:v16+s26+$0x0], $0xffff  }
0xb8: {  	v16 =	vld.idx.msk [tilespmem:v16+s28+$0x0], $0xffff  }
0xb9: {  	v6 =	vld.idx.msk [tilespmem:v6+s28+$0x0], $0xffff  }
0xba: {  	v18 =	vld.idx.msk [tilespmem:v7+s12+$0x0], $0xffff  }
0xbb: {  	v19 =	vld.idx.msk [tilespmem:v7+s25+$0x0], $0xffff  }
0xbc: {  	v20 =	vld.idx.msk [tilespmem:v7+s26+$0x0], $0xffff  }
0xbd: {  	v7 =	vld.idx.msk [tilespmem:v7+s28+$0x0], $0xffff  }
0xbe: {  	v21 =	vld.idx.msk [tilespmem:v8+s12+$0x0], $0xffff  }
0xbf: {  	v22 =	vld.idx.msk [tilespmem:v8+s25+$0x0], $0xffff  }
0xc0: {  	v23 =	vld.idx.msk [tilespmem:v8+s26+$0x0], $0xffff  }
0xc1: {  	v8 =	vld.idx.msk [tilespmem:v8+s28+$0x0], $0xffff  }
0xc2: {  	v24 =	vld.idx.msk [tilespmem:v9+s12+$0x0], $0xffff  }
0xc3: {  	v25 =	vld.idx.msk [tilespmem:v9+s25+$0x0], $0xffff  }
0xc4: {  	v26 =	vld.idx.msk [tilespmem:v9+s26+$0x0], $0xffff  }
0xc5: {  	v9 =	vld.idx.msk [tilespmem:v9+s28+$0x0], $0xffff  }
0xc6: {  	v27 =	vld.idx.msk [tilespmem:v10+s12+$0x0], $0xffff  }
0xc7: {  	v28 =	vld.idx.msk [tilespmem:v10+s25+$0x0], $0xffff  }
0xc8: {  	v29 =	vld.idx.msk [tilespmem:v10+s26+$0x0], $0xffff  }
0xc9: {  	v10 =	vld.idx.msk [tilespmem:v10+s28+$0x0], $0xffff  }
0xca: {  	v30 =	vld.idx.msk [tilespmem:v12+s12+$0x0], $0xffff  }
0xcb: {  	v31 =	vld.idx.msk [tilespmem:v12+s25+$0x0], $0xffff  }
0xcc: {  	v32 =	vld.idx.msk [tilespmem:v12+s26+$0x0], $0xffff  }
0xcd: {  	v12 =	vld.idx.msk [tilespmem:v12+s28+$0x0], $0xffff  }
0xce: {  	v33 =	vld.idx.msk [tilespmem:v2+s8+$0x0 ss:$0x1], $0xffff  }
0xcf: {  	v34 =	vld.idx.msk [tilespmem:v1+s8+$0xFFFFFFD0 ss:$0x1], $0xffff  }
0xd0: {  	v35 =	vld.idx.msk [tilespmem:v1+s8+$0xFFFFFFE0 ss:$0x1], $0xffff  }
0xd1: {  	v36 =	vld.idx.msk [tilespmem:v1+s8+$0xFFFFFFF0 ss:$0x1], $0xffff  }
0xd2: {  	v37 =	vld.idx.msk [tilespmem:v1+s8+$0x0 ss:$0x1], $0xffff  }
0xd3: {  	v38 =	vld.idx.msk [tilespmem:v1+s8+$0x10 ss:$0x1], $0xffff  }
0xd4: {  	v39 =	vld.idx.msk [tilespmem:v1+s8+$0x20 ss:$0x1], $0xffff  }
0xd5: {  	[tilespmem:v4+s23+$0x0] =	vst.idx.add.f32.msk $0xffff, v3;
	v3 =	vmov v12  }
0xd6: {  	[tilespmem:v33+s31+$0x0] =	vst.idx.add.f32.msk $0xffff, v13  }
0xd7: {  	[tilespmem:v33+s0+$0x0] =	vst.idx.add.f32.msk $0xffff, v14  }
0xd8: {  	[tilespmem:v33+s2+$0x0] =	vst.idx.add.f32.msk $0xffff, v15  }
0xd9: {  	[tilespmem:v33+s23+$0x0] =	vst.idx.add.f32.msk $0xffff, v16;
	v4 =	vmov v39  }
0xda: {  	[tilespmem:v34+s31+$0x0] =	vst.idx.add.f32.msk $0xffff, v17  }
0xdb: {  	[tilespmem:v34+s0+$0x0] =	vst.idx.add.f32.msk $0xffff, v5  }
0xdc: {  	[tilespmem:v34+s2+$0x0] =	vst.idx.add.f32.msk $0xffff, v11  }
0xdd: {  	[tilespmem:v34+s23+$0x0] =	vst.idx.add.f32.msk $0xffff, v6  }
0xde: {  	[tilespmem:v35+s31+$0x0] =	vst.idx.add.f32.msk $0xffff, v18  }
0xdf: {  	[tilespmem:v35+s0+$0x0] =	vst.idx.add.f32.msk $0xffff, v19  }
0xe0: {  	[tilespmem:v35+s2+$0x0] =	vst.idx.add.f32.msk $0xffff, v20  }
0xe1: {  	[tilespmem:v35+s23+$0x0] =	vst.idx.add.f32.msk $0xffff, v7  }
0xe2: {  	[tilespmem:v36+s31+$0x0] =	vst.idx.add.f32.msk $0xffff, v21  }
0xe3: {  	[tilespmem:v36+s0+$0x0] =	vst.idx.add.f32.msk $0xffff, v22  }
0xe4: {  	[tilespmem:v36+s2+$0x0] =	vst.idx.add.f32.msk $0xffff, v23  }
0xe5: {  	[tilespmem:v36+s23+$0x0] =	vst.idx.add.f32.msk $0xffff, v8  }
0xe6: {  	[tilespmem:v37+s31+$0x0] =	vst.idx.add.f32.msk $0xffff, v24  }
0xe7: {  	[tilespmem:v37+s0+$0x0] =	vst.idx.add.f32.msk $0xffff, v25  }
0xe8: {  	[tilespmem:v37+s2+$0x0] =	vst.idx.add.f32.msk $0xffff, v26  }
0xe9: {  	[tilespmem:v37+s23+$0x0] =	vst.idx.add.f32.msk $0xffff, v9  }
0xea: {  	[tilespmem:v38+s31+$0x0] =	vst.idx.add.f32.msk $0xffff, v27  }
0xeb: {  	[tilespmem:v38+s0+$0x0] =	vst.idx.add.f32.msk $0xffff, v28  }
.Ltmp4:
0xec: {  	[tilespmem:v38+s2+$0x0] =	vst.idx.add.f32.msk $0xffff, v29;
	(pc) =	sbr.rel @p1 .LBB2_12-.Ltmp4, $4  }
0xed: {  	[tilespmem:v38+s23+$0x0] =	vst.idx.add.f32.msk $0xffff, v10  }
0xee: {  	[tilespmem:v39+s31+$0x0] =	vst.idx.add.f32.msk $0xffff, v30  }
0xef: {  	[tilespmem:v39+s0+$0x0] =	vst.idx.add.f32.msk $0xffff, v31  }
0xf0: {  	s13 =	sadd.s32 $0x80, s13;
	[tilespmem:v39+s2+$0x0] =	vst.idx.add.f32.msk $0xffff, v32  }
0xf1: {  	_ =	sdelay $0x3  }
0xf2: {  	[tilespmem:v4+s23+$0x0] =	vst.idx.add.f32.msk $0xffff, v3  }
.LBB2_14:
0xf3: {  	s8 =	sshra.s32 s12, $0x2  }
0xf4: {  	s11 =	sadd.s32 s8, s9  }
0xf5: {  	v1 =	vld [tilespmem:s11+$0x0];
	_ =	sdelay $0x3  }
0xf6: {  	s8 =	sadd.s32 s8, s10  }
0xf7: {  	v2 =	vld [tilespmem:s8+$0x0];
	_ =	sdelay $0x2  }
0xf8: {  	v3 =	vld.idx.msk [tilespmem:v1+s3+$0x0], $0xffff  }
0xf9: {  	v4 =	vld.idx.msk [tilespmem:v1+s25+$0x0], $0xffff  }
0xfa: {  	v5 =	vld.idx.msk [tilespmem:v1+s26+$0x0], $0xffff  }
0xfb: {  	p1 =	seq.s32 s12, $0x40;
	v1 =	vld.idx.msk [tilespmem:v1+s28+$0x0], $0xffff  }
.Ltmp5:
0xfc: {  	_ = 	snop;
	(pc) =	sbr.rel @!p1 .LBB2_14-.Ltmp5, $4  }
0xfd: {  	[tilespmem:v2+s31+$0x0] =	vst.idx.add.f32.msk $0xffff, v3  }
0xfe: {  	[tilespmem:v2+s0+$0x0] =	vst.idx.add.f32.msk $0xffff, v4  }
0xff: {  	[tilespmem:v2+s2+$0x0] =	vst.idx.add.f32.msk $0xffff, v5  }
0x100: {  	s12 =	sadd.s32 $0x40, s12;
	[tilespmem:v2+s23+$0x0] =	vst.idx.add.f32.msk $0xffff, v1  }
0x101: {  	p1 =	seq.s32 s7, $0x28  }
.Ltmp6:
0x102: {  	_ = 	snop;
	(pc) =	sbr.rel @!p1 .LBB2_11-.Ltmp6, $2  }
0x103: {  	_ =	sdelay $0x2  }
0x104: {  	p0 =	por !p0, !p0  }
0x105: {  	s6 =	simm.s32 $0x0  }
0x106: {  	s7 =	simm.s32 $0x40;
	v1 =	vld [tilespmem:s6+$0x0]  }
.LBB2_16:
0x107: {  	p0 =	sne.s32 s7, $0x9C00;
	v2 =	vld [tilespmem:s6+$0x9E00];
	_ =	sdelay $0x1  }
0x108: {  	v3 =	vld [tilespmem:s6+$0x17B80];
	_ =	sdelay $0x2  }
.Ltmp7:
0x109: {  	v1 =	vadd.f32 v1, v2;
	(pc) =	sbr.rel @p0 .LBB2_16-.Ltmp7, $4  }
0x10a: {  	_ = 	snop  }
0x10b: {  	v2 =	vmul.f32 v3, v1  }
0x10c: {  	s8 =	sshra.s32 s7, $0x2  }
0x10d: {  	s7 =	sadd.s32 $0x40, s7;
	v1 =	vld [tilespmem:s8+$0x0];
	[tilespmem:s6+$0x9E00] =	vst v2;
	s6 =	smov.u32 s8  }
0x10e: {  	v2 =	vld [tilespmem:s6+$0x9E00];
	_ =	sdelay $0x1  }
0x10f: {  	v3 =	vld [tilespmem:s6+$0x17B80];
	_ =	sdelay $0x2  }
0x110: {  	v1 =	vadd.f32 v1, v2;
	_ =	sdelay $0x1  }
0x111: {  	v1 =	vmul.f32 v3, v1;
	_ =	sdelay $0x1  }
0x112: {  	s29 =	simm.s32 $0x0;
	s7 =	rddreg [dreg:$0x8];
	[tilespmem:s6+$0x9E00] =	vst v1  }
0x113: {  	[hbm4b:s7+s29] =	stream.linear.scatter [tilespmem:s31], [sflag:$0x3], $0x2710, $0x38;
	[tilespmem:$0x1A380] =	vst v63  }
0x114: {  	_ =	swait.ge [sflag:s24], $0x2710  }
0x115: {  	[sflag:s24] =	ssyncset.done $0x0  }
0x116: {  	s6 =	simm.s32 $0x0;
	[sflag:s24] =	ssyncadd.s32 $0xFFFFD8F0  }
0x117: {  	s7 =	simm.s32 $0x40;
	v1 =	vld [tilespmem:s6+$0x2780]  }
.LBB2_18:
0x118: {  	p0 =	sne.s32 s7, $0x9C00;
	v2 =	vld [tilespmem:s6+$0xC600];
	_ =	sdelay $0x1  }
0x119: {  	v3 =	vld [tilespmem:s6+$0x17B80];
	_ =	sdelay $0x2  }
.Ltmp8:
0x11a: {  	v1 =	vadd.f32 v1, v2;
	(pc) =	sbr.rel @p0 .LBB2_18-.Ltmp8, $4  }
0x11b: {  	_ = 	snop  }
0x11c: {  	v2 =	vmul.f32 v3, v1  }
0x11d: {  	s8 =	sshra.s32 s7, $0x2  }
0x11e: {  	s7 =	sadd.s32 $0x40, s7;
	v1 =	vld [tilespmem:s8+$0x2780];
	[tilespmem:s6+$0xC600] =	vst v2;
	s6 =	smov.u32 s8  }
0x11f: {  	v2 =	vld [tilespmem:s6+$0xC600];
	_ =	sdelay $0x1  }
0x120: {  	v3 =	vld [tilespmem:s6+$0x17B80];
	_ =	sdelay $0x2  }
0x121: {  	v1 =	vadd.f32 v1, v2;
	_ =	sdelay $0x1  }
0x122: {  	v1 =	vmul.f32 v3, v1;
	_ =	sdelay $0x1  }
0x123: {  	s29 =	simm.s32 $0x0;
	s7 =	rddreg [dreg:$0x9];
	[tilespmem:s6+$0xC600] =	vst v1  }
0x124: {  	[hbm4b:s7+s29] =	stream.linear.scatter [tilespmem:s0], [sflag:$0x3], $0x2710, $0x38;
	[tilespmem:$0x1A380] =	vst v63  }
0x125: {  	_ =	swait.ge [sflag:s24], $0x2710  }
0x126: {  	[sflag:s24] =	ssyncset.done $0x0  }
0x127: {  	s6 =	simm.s32 $0x0;
	[sflag:s24] =	ssyncadd.s32 $0xFFFFD8F0  }
0x128: {  	s7 =	simm.s32 $0x40;
	v1 =	vld [tilespmem:s6+$0x4F00]  }
.LBB2_20:
0x129: {  	p0 =	sne.s32 s7, $0x9C00;
	v2 =	vld [tilespmem:s6+$0xED80];
	_ =	sdelay $0x1  }
0x12a: {  	v3 =	vld [tilespmem:s6+$0x17B80];
	_ =	sdelay $0x2  }
.Ltmp9:
0x12b: {  	v1 =	vadd.f32 v1, v2;
	(pc) =	sbr.rel @p0 .LBB2_20-.Ltmp9, $4  }
0x12c: {  	_ = 	snop  }
0x12d: {  	v2 =	vmul.f32 v3, v1  }
0x12e: {  	s8 =	sshra.s32 s7, $0x2  }
0x12f: {  	s7 =	sadd.s32 $0x40, s7;
	v1 =	vld [tilespmem:s8+$0x4F00];
	[tilespmem:s6+$0xED80] =	vst v2;
	s6 =	smov.u32 s8  }
0x130: {  	v2 =	vld [tilespmem:s6+$0xED80];
	_ =	sdelay $0x1  }
0x131: {  	v3 =	vld [tilespmem:s6+$0x17B80];
	_ =	sdelay $0x2  }
0x132: {  	v1 =	vadd.f32 v1, v2;
	_ =	sdelay $0x1  }
0x133: {  	v1 =	vmul.f32 v3, v1;
	_ =	sdelay $0x1  }
0x134: {  	s29 =	simm.s32 $0x0;
	s7 =	rddreg [dreg:$0xa];
	[tilespmem:s6+$0xED80] =	vst v1  }
0x135: {  	[hbm4b:s7+s29] =	stream.linear.scatter [tilespmem:s2], [sflag:$0x3], $0x2710, $0x38;
	[tilespmem:$0x1A380] =	vst v63  }
0x136: {  	_ =	swait.ge [sflag:s24], $0x2710  }
0x137: {  	[sflag:s24] =	ssyncset.done $0x0  }
0x138: {  	s6 =	simm.s32 $0x0;
	[sflag:s24] =	ssyncadd.s32 $0xFFFFD8F0  }
0x139: {  	s7 =	simm.s32 $0x40;
	v1 =	vld [tilespmem:s6+$0x7680]  }
.LBB2_22:
0x13a: {  	p0 =	sne.s32 s7, $0x9C00;
	v2 =	vld [tilespmem:s6+$0x11500];
	_ =	sdelay $0x1  }
0x13b: {  	v3 =	vld [tilespmem:s6+$0x17B80];
	_ =	sdelay $0x2  }
.Ltmp10:
0x13c: {  	v1 =	vadd.f32 v1, v2;
	(pc) =	sbr.rel @p0 .LBB2_22-.Ltmp10, $4  }
0x13d: {  	_ = 	snop  }
0x13e: {  	v2 =	vmul.f32 v3, v1  }
0x13f: {  	s8 =	sshra.s32 s7, $0x2  }
0x140: {  	s7 =	sadd.s32 $0x40, s7;
	v1 =	vld [tilespmem:s8+$0x7680];
	[tilespmem:s6+$0x11500] =	vst v2;
	s6 =	smov.u32 s8  }
0x141: {  	v2 =	vld [tilespmem:s6+$0x11500];
	_ =	sdelay $0x1  }
0x142: {  	v3 =	vld [tilespmem:s6+$0x17B80];
	_ =	sdelay $0x2  }
0x143: {  	v1 =	vadd.f32 v1, v2;
	_ =	sdelay $0x1  }
0x144: {  	v1 =	vmul.f32 v3, v1;
	_ =	sdelay $0x1  }
0x145: {  	s14 =	simm.s32 $0x0;
	s7 =	rddreg [dreg:$0xb];
	[tilespmem:s6+$0x11500] =	vst v1  }
0x146: {  	[hbm4b:s7+s14] =	stream.linear.scatter [tilespmem:s23], [sflag:$0x3], $0x2710, $0x38;
	[tilespmem:$0x1A380] =	vst v63  }
0x147: {  	_ =	swait.ge [sflag:s24], $0x2710  }
0x148: {  	[sflag:s24] =	ssyncset.done $0x0  }
0x149: {  	s29 =	rddreg [dreg:$0xc];
	[sflag:s24] =	ssyncadd.s32 $0xFFFFD8F0  }
0x14a: {  	[tilespmem:s14], [sflag:$0x3] =	stream.linear.gather [hbm4b:s29+s14], $0x2710, $0x38;
	[tilespmem:$0x1A380] =	vst v63  }
0x14b: {  	_ =	swait.ge [sflag:s24], $0x2710  }
0x14c: {  	[sflag:s24] =	ssyncset.done $0x0  }
0x14d: {  	s6 =	simm.s32 $0x40;
	s7 =	simm.s32 $0x0;
	[sflag:s24] =	ssyncadd.s32 $0xFFFFD8F0  }
.LBB2_24:
0x14e: {  	p0 =	sne.s32 s6, $0x9C00;
	[tilespmem:s7+$0x9E00] =	vst v0;
	s7 =	smov.u32 s6;
	s6 =	sadd.s32 $0x40, s6  }
.Ltmp11:
0x14f: {  	(pc) =	sbr.rel @p0 .LBB2_24-.Ltmp11, $2  }
0x150: {  	_ =	sdelay $0x2  }
0x151: {  	s7 =	sshra.s32 s7, $0x2  }
0x152: {  	[tilespmem:s7+$0x9E00] =	vst v0;
	s6 =	simm.s32 $0x0  }
0x153: {  	[tilespmem:s25], [sflag:$0x3] =	stream.linear.gather [hbm4b:s15+s6], $0x2710, $0x38;
	[tilespmem:$0x1A380] =	vst v63  }
0x154: {  	_ =	swait.ge [sflag:s24], $0x2710  }
0x155: {  	[sflag:s24] =	ssyncset.done $0x0  }
0x156: {  	s7 =	simm.s32 $0x0;
	s6 =	simm.s32 $0x40;
	[sflag:s24] =	ssyncadd.s32 $0xFFFFD8F0  }
.LBB2_26:
0x157: {  	p0 =	sne.s32 s6, $0x9C00;
	[tilespmem:s7+$0xC600] =	vst v0;
	s7 =	smov.u32 s6;
	s6 =	sadd.s32 $0x40, s6  }
.Ltmp12:
0x158: {  	(pc) =	sbr.rel @p0 .LBB2_26-.Ltmp12, $2  }
0x159: {  	_ =	sdelay $0x2  }
0x15a: {  	s7 =	sshra.s32 s7, $0x2  }
0x15b: {  	[tilespmem:s7+$0xC600] =	vst v0;
	s6 =	simm.s32 $0x0  }
0x15c: {  	[tilespmem:s26], [sflag:$0x3] =	stream.linear.gather [hbm4b:s16+s6], $0x2710, $0x38;
	[tilespmem:$0x1A380] =	vst v63  }
0x15d: {  	_ =	swait.ge [sflag:s24], $0x2710  }
0x15e: {  	[sflag:s24] =	ssyncset.done $0x0  }
0x15f: {  	s7 =	simm.s32 $0x0;
	s6 =	simm.s32 $0x40;
	[sflag:s24] =	ssyncadd.s32 $0xFFFFD8F0  }
.LBB2_28:
0x160: {  	p0 =	sne.s32 s6, $0x9C00;
	[tilespmem:s7+$0xED80] =	vst v0;
	s7 =	smov.u32 s6;
	s6 =	sadd.s32 $0x40, s6  }
.Ltmp13:
0x161: {  	(pc) =	sbr.rel @p0 .LBB2_28-.Ltmp13, $2  }
0x162: {  	_ =	sdelay $0x2  }
0x163: {  	s7 =	sshra.s32 s7, $0x2  }
0x164: {  	[tilespmem:s7+$0xED80] =	vst v0;
	s6 =	simm.s32 $0x0  }
0x165: {  	[tilespmem:s28], [sflag:$0x3] =	stream.linear.gather [hbm4b:s17+s6], $0x2710, $0x38;
	[tilespmem:$0x1A380] =	vst v63  }
0x166: {  	_ =	swait.ge [sflag:s24], $0x2710  }
0x167: {  	[sflag:s24] =	ssyncset.done $0x0  }
0x168: {  	s7 =	simm.s32 $0x0;
	s6 =	simm.s32 $0x40;
	[sflag:s24] =	ssyncadd.s32 $0xFFFFD8F0  }
.LBB2_30:
0x169: {  	p0 =	sne.s32 s6, $0x9C00;
	[tilespmem:s7+$0x11500] =	vst v0;
	s7 =	smov.u32 s6;
	s6 =	sadd.s32 $0x40, s6  }
.Ltmp14:
0x16a: {  	(pc) =	sbr.rel @p0 .LBB2_30-.Ltmp14, $2  }
0x16b: {  	_ =	sdelay $0x2  }
0x16c: {  	s7 =	sshra.s32 s7, $0x2  }
0x16d: {  	[tilespmem:s7+$0x11500] =	vst v0;
	s6 =	simm.s32 $0x0;
	s29 =	simm.s32 $0x13C80  }
0x16e: {  	[tilespmem:s29], [sflag:$0x1] =	stream.linear.gather [hbm4b:s1+s6], $0xFA0, $0x38;
	[tilespmem:$0x1A380] =	vst v63  }
0x16f: {  	p0 =	por $0x0, $0x0;
	s7 =	simm.s32 $0x0  }
0x170: {  	[tilespmem:s30], [sflag:$0x1] =	stream.linear.gather [hbm4b:s4+s6], $0xFA0, $0x38;
	[tilespmem:$0x1A380] =	vst v63  }
.LBB2_33:
0x171: {  	s8 =	sand.u32 $0x1, s7;
	p1 =	seq.s32 s7, $0x27;
	s7 =	sadd.s32 $0x1, s7  }
0x172: {  	s9 =	sxor.u32 @!p1 $0x1, s8;
	s12 =	smul.u32 @!p1 $0x1F4, s7  }
0x173: {  	s11 =	simm.s32 $0x1;
	s10 =	smul.u32 @!p1 $0xFA0, s9  }
0x174: {  	s11 =	simm.s32 @!p0 $0x0;
	s29 =	simm.s32 @!p1 $0x0  }
0x175: {  	s13 =	sadd.s32 @!p1 $0x1, s9;
	s14 =	sadd.s32 @!p1 s1, s12;
	s9 =	sadd.s32 @!p1 $0x13C80, s10  }
0x176: {  	[tilespmem:s9], [sflag:s13] =	stream.linear.gather @!p1 [hbm4b:s14+s29], $0xFA0, $0x38;
	[tilespmem:$0x1A380] =	vst v63  }
0x177: {  	s12 =	sadd.s32 @!p1 s4, s12;
	s10 =	sadd.s32 @!p1 $0x15C00, s10;
	s9 =	smul.u32 $0x3E80, s11  }
0x178: {  	[tilespmem:s10], [sflag:s13] =	stream.linear.gather @!p1 [hbm4b:s12+s29], $0xFA0, $0x38;
	[tilespmem:$0x1A380] =	vst v63  }
0x179: {  	s8 =	sadd.s32 $0x1, s8;
	s12 =	sadd.s32 $0x100, s9  }
0x17a: {  	_ =	swait.ge [sflag:s8], $0xFA0;
	s10 =	sshrl.u32 s12, $0x2  }
0x17b: {  	[sflag:s8] =	ssyncset.done $0x0;
	v1 =	vmov s10  }
0x17c: {  	[sflag:s8] =	ssyncadd.s32 $0xFFFFF060  }
0x17d: {  	_ =	swait.ge [sflag:s8], $0xFA0  }
0x17e: {  	[sflag:s8] =	ssyncset.done $0x0  }
0x17f: {  	s13 =	simm.s32 $0x13C80;
	[sflag:s8] =	ssyncadd.s32 $0xFFFFF060  }
0x180: {  	v3 =	vld.idx.msk [tilespmem:v1+s13+$0x30 ss:$0x1], $0xffff  }
0x181: {  	v4 =	vld.idx.msk [tilespmem:v1+s13+$0xFFFFFFD0 ss:$0x1], $0xffff  }
0x182: {  	v5 =	vld.idx.msk [tilespmem:v1+s13+$0xFFFFFFE0 ss:$0x1], $0xffff  }
0x183: {  	v6 =	vld.idx.msk [tilespmem:v1+s13+$0xFFFFFFF0 ss:$0x1], $0xffff  }
0x184: {  	v7 =	vld.idx.msk [tilespmem:v1+s13+$0x0 ss:$0x1], $0xffff  }
0x185: {  	s11 =	sshll.u32 s11, $0x7;
	s14 =	sand.u32 $0x3E00, s9;
	s8 =	simm.s32 $0x15C00;
	v8 =	vld.idx.msk [tilespmem:v1+s13+$0x10 ss:$0x1], $0xffff  }
0x186: {  	s11 =	sor.u32 s11, s14;
	v9 =	vld.idx.msk [tilespmem:v1+s8+$0x30 ss:$0x1], $0xffff  }
0x187: {  	s11 =	sshrl.u32 s11, $0x2;
	v10 =	vld.idx.msk [tilespmem:v1+s13+$0x20 ss:$0x1], $0xffff  }
0x188: {  	v2 =	vmov s11;
	v63 =	vld.idx.msk [tilespmem:v1+s8+$0xFFFFFFD0 ss:$0x1], $0xffff  }
0x189: {  	v34 =	vld.idx.msk [tilespmem:v1+s8+$0xFFFFFFE0 ss:$0x1], $0xffff  }
0x18a: {  	v35 =	vld.idx.msk [tilespmem:v1+s8+$0xFFFFFFF0 ss:$0x1], $0xffff  }
0x18b: {  	v36 =	vld.idx.msk [tilespmem:v1+s8+$0x0 ss:$0x1], $0xffff  }
0x18c: {  	v37 =	vld.idx.msk [tilespmem:v1+s8+$0x10 ss:$0x1], $0xffff  }
0x18d: {  	v14 =	vld.idx.msk [tilespmem:v2+s13+$0x0 ss:$0x1], $0xffff  }
0x18e: {  	v33 =	vld.idx.msk [tilespmem:v2+s8+$0x0 ss:$0x1], $0xffff  }
0x18f: {  	v11 =	vld.idx.msk [tilespmem:v3+s6+$0x0], $0xffff  }
0x190: {  	v12 =	vld.idx.msk [tilespmem:v3+s25+$0x0], $0xffff  }
0x191: {  	v13 =	vld.idx.msk [tilespmem:v3+s26+$0x0], $0xffff  }
0x192: {  	v3 =	vld.idx.msk [tilespmem:v3+s28+$0x0], $0xffff  }
0x193: {  	v15 =	vld.idx.msk [tilespmem:v4+s6+$0x0], $0xffff  }
0x194: {  	v59 =	vld.idx.msk [tilespmem:v4+s25+$0x0], $0xffff  }
0x195: {  	v60 =	vld.idx.msk [tilespmem:v4+s26+$0x0], $0xffff  }
0x196: {  	v17 =	vld.idx.msk [tilespmem:v4+s28+$0x0], $0xffff  }
0x197: {  	v18 =	vld.idx.msk [tilespmem:v5+s6+$0x0], $0xffff  }
0x198: {  	v19 =	vld.idx.msk [tilespmem:v5+s25+$0x0], $0xffff  }
0x199: {  	v20 =	vld.idx.msk [tilespmem:v5+s26+$0x0], $0xffff  }
0x19a: {  	v5 =	vld.idx.msk [tilespmem:v5+s28+$0x0], $0xffff  }
0x19b: {  	v21 =	vld.idx.msk [tilespmem:v6+s6+$0x0], $0xffff  }
0x19c: {  	v22 =	vld.idx.msk [tilespmem:v6+s25+$0x0], $0xffff  }
0x19d: {  	v23 =	vld.idx.msk [tilespmem:v6+s26+$0x0], $0xffff  }
0x19e: {  	v6 =	vld.idx.msk [tilespmem:v6+s28+$0x0], $0xffff  }
0x19f: {  	v24 =	vld.idx.msk [tilespmem:v7+s6+$0x0], $0xffff  }
0x1a0: {  	v25 =	vld.idx.msk [tilespmem:v7+s25+$0x0], $0xffff  }
0x1a1: {  	v26 =	vld.idx.msk [tilespmem:v7+s26+$0x0], $0xffff  }
0x1a2: {  	v7 =	vld.idx.msk [tilespmem:v7+s28+$0x0], $0xffff  }
0x1a3: {  	v27 =	vld.idx.msk [tilespmem:v8+s6+$0x0], $0xffff  }
0x1a4: {  	v28 =	vld.idx.msk [tilespmem:v8+s25+$0x0], $0xffff  }
0x1a5: {  	v29 =	vld.idx.msk [tilespmem:v8+s26+$0x0], $0xffff  }
0x1a6: {  	v8 =	vld.idx.msk [tilespmem:v8+s28+$0x0], $0xffff  }
0x1a7: {  	v30 =	vld.idx.msk [tilespmem:v10+s6+$0x0], $0xffff  }
0x1a8: {  	v31 =	vld.idx.msk [tilespmem:v10+s25+$0x0], $0xffff  }
0x1a9: {  	v32 =	vld.idx.msk [tilespmem:v10+s26+$0x0], $0xffff  }
0x1aa: {  	v4 =	vld.idx.msk [tilespmem:v1+s8+$0x20 ss:$0x1], $0xffff  }
0x1ab: {  	v61 =	vld.idx.msk [tilespmem:v14+s6+$0x0], $0xffff  }
0x1ac: {  	v62 =	vld.idx.msk [tilespmem:v14+s25+$0x0], $0xffff  }
0x1ad: {  	v16 =	vld.idx.msk [tilespmem:v14+s26+$0x0], $0xffff  }
0x1ae: {  	v14 =	vld.idx.msk [tilespmem:v14+s28+$0x0], $0xffff  }
0x1af: {  	[tilespmem:v9+s31+$0x0] =	vst.idx.add.f32.msk $0xffff, v11  }
0x1b0: {  	[tilespmem:v63+s31+$0x0] =	vst.idx.add.f32.msk $0xffff, v15  }
0x1b1: {  	[tilespmem:v34+s31+$0x0] =	vst.idx.add.f32.msk $0xffff, v18  }
0x1b2: {  	[tilespmem:v35+s31+$0x0] =	vst.idx.add.f32.msk $0xffff, v21  }
0x1b3: {  	[tilespmem:v36+s31+$0x0] =	vst.idx.add.f32.msk $0xffff, v24  }
0x1b4: {  	[tilespmem:v37+s31+$0x0] =	vst.idx.add.f32.msk $0xffff, v27  }
0x1b5: {  	[tilespmem:v9+s0+$0x0] =	vst.idx.add.f32.msk $0xffff, v12  }
0x1b6: {  	[tilespmem:v33+s31+$0x0] =	vst.idx.add.f32.msk $0xffff, v61  }
0x1b7: {  	[tilespmem:v63+s0+$0x0] =	vst.idx.add.f32.msk $0xffff, v59  }
0x1b8: {  	[tilespmem:v34+s0+$0x0] =	vst.idx.add.f32.msk $0xffff, v19  }
0x1b9: {  	[tilespmem:v35+s0+$0x0] =	vst.idx.add.f32.msk $0xffff, v22  }
0x1ba: {  	[tilespmem:v36+s0+$0x0] =	vst.idx.add.f32.msk $0xffff, v25  }
0x1bb: {  	[tilespmem:v37+s0+$0x0] =	vst.idx.add.f32.msk $0xffff, v28  }
0x1bc: {  	[tilespmem:v9+s2+$0x0] =	vst.idx.add.f32.msk $0xffff, v13  }
0x1bd: {  	[tilespmem:v33+s0+$0x0] =	vst.idx.add.f32.msk $0xffff, v62  }
0x1be: {  	[tilespmem:v63+s2+$0x0] =	vst.idx.add.f32.msk $0xffff, v60  }
0x1bf: {  	[tilespmem:v34+s2+$0x0] =	vst.idx.add.f32.msk $0xffff, v20  }
0x1c0: {  	[tilespmem:v35+s2+$0x0] =	vst.idx.add.f32.msk $0xffff, v23  }
0x1c1: {  	[tilespmem:v36+s2+$0x0] =	vst.idx.add.f32.msk $0xffff, v26  }
0x1c2: {  	[tilespmem:v37+s2+$0x0] =	vst.idx.add.f32.msk $0xffff, v29  }
0x1c3: {  	[tilespmem:v9+s23+$0x0] =	vst.idx.add.f32.msk $0xffff, v3  }
0x1c4: {  	v3 =	vld.idx.msk [tilespmem:v10+s28+$0x0], $0xffff  }
0x1c5: {  	[tilespmem:v33+s2+$0x0] =	vst.idx.add.f32.msk $0xffff, v16  }
0x1c6: {  	[tilespmem:v63+s23+$0x0] =	vst.idx.add.f32.msk $0xffff, v17  }
0x1c7: {  	[tilespmem:v34+s23+$0x0] =	vst.idx.add.f32.msk $0xffff, v5  }
0x1c8: {  	[tilespmem:v35+s23+$0x0] =	vst.idx.add.f32.msk $0xffff, v6  }
0x1c9: {  	[tilespmem:v36+s23+$0x0] =	vst.idx.add.f32.msk $0xffff, v7  }
0x1ca: {  	[tilespmem:v37+s23+$0x0] =	vst.idx.add.f32.msk $0xffff, v8  }
0x1cb: {  	[tilespmem:v4+s31+$0x0] =	vst.idx.add.f32.msk $0xffff, v30  }
0x1cc: {  	s29 =	sshrl.u32 s9, $0x2;
	[tilespmem:v33+s23+$0x0] =	vst.idx.add.f32.msk $0xffff, v14  }
0x1cd: {  	s9 =	sadd.s32 $0x14C00, s29;
	[tilespmem:v4+s0+$0x0] =	vst.idx.add.f32.msk $0xffff, v31  }
0x1ce: {  	s10 =	sadd.s32 $0x16B80, s29;
	s11 =	simm.s32 $0x0;
	s13 =	simm.s32 $0x13D00;
	[tilespmem:v4+s2+$0x0] =	vst.idx.add.f32.msk $0xffff, v32  }
.LBB2_34:
0x1cf: {  	v5 =	vld.idx.msk [tilespmem:v1+s13+$0x30 ss:$0x1], $0xffff  }
0x1d0: {  	v6 =	vld.idx.msk [tilespmem:v1+s13+$0xFFFFFFD0 ss:$0x1], $0xffff  }
0x1d1: {  	v7 =	vld.idx.msk [tilespmem:v1+s13+$0xFFFFFFE0 ss:$0x1], $0xffff  }
0x1d2: {  	s11 =	sadd.s32 $0x8, s11;
	v8 =	vld.idx.msk [tilespmem:v1+s13+$0xFFFFFFF0 ss:$0x1], $0xffff  }
0x1d3: {  	p1 =	slt.u32 s11, $0xF0;
	v9 =	vld.idx.msk [tilespmem:v1+s13+$0x0 ss:$0x1], $0xffff  }
0x1d4: {  	s8 =	sadd.s32 $0x80, s8;
	v10 =	vld.idx.msk [tilespmem:v1+s13+$0x10 ss:$0x1], $0xffff  }
0x1d5: {  	v11 =	vld.idx.msk [tilespmem:v1+s8+$0x30 ss:$0x1], $0xffff  }
0x1d6: {  	s12 =	simm.s32 $0x0;
	v12 =	vld.idx.msk [tilespmem:v1+s13+$0x20 ss:$0x1], $0xffff  }
0x1d7: {  	v13 =	vld.idx.msk [tilespmem:v5+s12+$0x0], $0xffff  }
0x1d8: {  	v14 =	vld.idx.msk [tilespmem:v5+s25+$0x0], $0xffff  }
0x1d9: {  	v15 =	vld.idx.msk [tilespmem:v5+s26+$0x0], $0xffff  }
0x1da: {  	v5 =	vld.idx.msk [tilespmem:v5+s28+$0x0], $0xffff  }
0x1db: {  	v16 =	vld.idx.msk [tilespmem:v2+s13+$0x0 ss:$0x1], $0xffff  }
0x1dc: {  	v17 =	vld.idx.msk [tilespmem:v6+s12+$0x0], $0xffff  }
0x1dd: {  	[tilespmem:v11+s31+$0x0] =	vst.idx.add.f32.msk $0xffff, v13  }
0x1de: {  	[tilespmem:v11+s0+$0x0] =	vst.idx.add.f32.msk $0xffff, v14  }
0x1df: {  	[tilespmem:v11+s2+$0x0] =	vst.idx.add.f32.msk $0xffff, v15  }
0x1e0: {  	[tilespmem:v11+s23+$0x0] =	vst.idx.add.f32.msk $0xffff, v5  }
0x1e1: {  	v5 =	vld.idx.msk [tilespmem:v6+s25+$0x0], $0xffff  }
0x1e2: {  	v11 =	vld.idx.msk [tilespmem:v6+s26+$0x0], $0xffff  }
0x1e3: {  	v13 =	vld.idx.msk [tilespmem:v16+s12+$0x0], $0xffff  }
0x1e4: {  	v14 =	vld.idx.msk [tilespmem:v16+s25+$0x0], $0xffff  }
0x1e5: {  	v15 =	vld.idx.msk [tilespmem:v16+s26+$0x0], $0xffff  }
0x1e6: {  	v16 =	vld.idx.msk [tilespmem:v16+s28+$0x0], $0xffff  }
0x1e7: {  	v6 =	vld.idx.msk [tilespmem:v6+s28+$0x0], $0xffff  }
0x1e8: {  	v18 =	vld.idx.msk [tilespmem:v7+s12+$0x0], $0xffff  }
0x1e9: {  	v19 =	vld.idx.msk [tilespmem:v7+s25+$0x0], $0xffff  }
0x1ea: {  	v20 =	vld.idx.msk [tilespmem:v7+s26+$0x0], $0xffff  }
0x1eb: {  	v7 =	vld.idx.msk [tilespmem:v7+s28+$0x0], $0xffff  }
0x1ec: {  	v21 =	vld.idx.msk [tilespmem:v8+s12+$0x0], $0xffff  }
0x1ed: {  	v22 =	vld.idx.msk [tilespmem:v8+s25+$0x0], $0xffff  }
0x1ee: {  	v23 =	vld.idx.msk [tilespmem:v8+s26+$0x0], $0xffff  }
0x1ef: {  	v8 =	vld.idx.msk [tilespmem:v8+s28+$0x0], $0xffff  }
0x1f0: {  	v24 =	vld.idx.msk [tilespmem:v9+s12+$0x0], $0xffff  }
0x1f1: {  	v25 =	vld.idx.msk [tilespmem:v9+s25+$0x0], $0xffff  }
0x1f2: {  	v26 =	vld.idx.msk [tilespmem:v9+s26+$0x0], $0xffff  }
0x1f3: {  	v9 =	vld.idx.msk [tilespmem:v9+s28+$0x0], $0xffff  }
0x1f4: {  	v27 =	vld.idx.msk [tilespmem:v10+s12+$0x0], $0xffff  }
0x1f5: {  	v28 =	vld.idx.msk [tilespmem:v10+s25+$0x0], $0xffff  }
0x1f6: {  	v29 =	vld.idx.msk [tilespmem:v10+s26+$0x0], $0xffff  }
0x1f7: {  	v10 =	vld.idx.msk [tilespmem:v10+s28+$0x0], $0xffff  }
0x1f8: {  	v30 =	vld.idx.msk [tilespmem:v12+s12+$0x0], $0xffff  }
0x1f9: {  	v31 =	vld.idx.msk [tilespmem:v12+s25+$0x0], $0xffff  }
0x1fa: {  	v32 =	vld.idx.msk [tilespmem:v12+s26+$0x0], $0xffff  }
0x1fb: {  	v12 =	vld.idx.msk [tilespmem:v12+s28+$0x0], $0xffff  }
0x1fc: {  	v33 =	vld.idx.msk [tilespmem:v2+s8+$0x0 ss:$0x1], $0xffff  }
0x1fd: {  	v34 =	vld.idx.msk [tilespmem:v1+s8+$0xFFFFFFD0 ss:$0x1], $0xffff  }
0x1fe: {  	v35 =	vld.idx.msk [tilespmem:v1+s8+$0xFFFFFFE0 ss:$0x1], $0xffff  }
0x1ff: {  	v36 =	vld.idx.msk [tilespmem:v1+s8+$0xFFFFFFF0 ss:$0x1], $0xffff  }
0x200: {  	v37 =	vld.idx.msk [tilespmem:v1+s8+$0x0 ss:$0x1], $0xffff  }
0x201: {  	v38 =	vld.idx.msk [tilespmem:v1+s8+$0x10 ss:$0x1], $0xffff  }
0x202: {  	v39 =	vld.idx.msk [tilespmem:v1+s8+$0x20 ss:$0x1], $0xffff  }
0x203: {  	[tilespmem:v4+s23+$0x0] =	vst.idx.add.f32.msk $0xffff, v3;
	v3 =	vmov v12  }
0x204: {  	[tilespmem:v33+s31+$0x0] =	vst.idx.add.f32.msk $0xffff, v13  }
0x205: {  	[tilespmem:v33+s0+$0x0] =	vst.idx.add.f32.msk $0xffff, v14  }
0x206: {  	[tilespmem:v33+s2+$0x0] =	vst.idx.add.f32.msk $0xffff, v15  }
0x207: {  	[tilespmem:v33+s23+$0x0] =	vst.idx.add.f32.msk $0xffff, v16;
	v4 =	vmov v39  }
0x208: {  	[tilespmem:v34+s31+$0x0] =	vst.idx.add.f32.msk $0xffff, v17  }
0x209: {  	[tilespmem:v34+s0+$0x0] =	vst.idx.add.f32.msk $0xffff, v5  }
0x20a: {  	[tilespmem:v34+s2+$0x0] =	vst.idx.add.f32.msk $0xffff, v11  }
0x20b: {  	[tilespmem:v34+s23+$0x0] =	vst.idx.add.f32.msk $0xffff, v6  }
0x20c: {  	[tilespmem:v35+s31+$0x0] =	vst.idx.add.f32.msk $0xffff, v18  }
0x20d: {  	[tilespmem:v35+s0+$0x0] =	vst.idx.add.f32.msk $0xffff, v19  }
0x20e: {  	[tilespmem:v35+s2+$0x0] =	vst.idx.add.f32.msk $0xffff, v20  }
0x20f: {  	[tilespmem:v35+s23+$0x0] =	vst.idx.add.f32.msk $0xffff, v7  }
0x210: {  	[tilespmem:v36+s31+$0x0] =	vst.idx.add.f32.msk $0xffff, v21  }
0x211: {  	[tilespmem:v36+s0+$0x0] =	vst.idx.add.f32.msk $0xffff, v22  }
0x212: {  	[tilespmem:v36+s2+$0x0] =	vst.idx.add.f32.msk $0xffff, v23  }
0x213: {  	[tilespmem:v36+s23+$0x0] =	vst.idx.add.f32.msk $0xffff, v8  }
0x214: {  	[tilespmem:v37+s31+$0x0] =	vst.idx.add.f32.msk $0xffff, v24  }
0x215: {  	[tilespmem:v37+s0+$0x0] =	vst.idx.add.f32.msk $0xffff, v25  }
0x216: {  	[tilespmem:v37+s2+$0x0] =	vst.idx.add.f32.msk $0xffff, v26  }
0x217: {  	[tilespmem:v37+s23+$0x0] =	vst.idx.add.f32.msk $0xffff, v9  }
0x218: {  	[tilespmem:v38+s31+$0x0] =	vst.idx.add.f32.msk $0xffff, v27  }
0x219: {  	[tilespmem:v38+s0+$0x0] =	vst.idx.add.f32.msk $0xffff, v28  }
.Ltmp15:
0x21a: {  	[tilespmem:v38+s2+$0x0] =	vst.idx.add.f32.msk $0xffff, v29;
	(pc) =	sbr.rel @p1 .LBB2_34-.Ltmp15, $4  }
0x21b: {  	[tilespmem:v38+s23+$0x0] =	vst.idx.add.f32.msk $0xffff, v10  }
0x21c: {  	[tilespmem:v39+s31+$0x0] =	vst.idx.add.f32.msk $0xffff, v30  }
0x21d: {  	[tilespmem:v39+s0+$0x0] =	vst.idx.add.f32.msk $0xffff, v31  }
0x21e: {  	s13 =	sadd.s32 $0x80, s13;
	[tilespmem:v39+s2+$0x0] =	vst.idx.add.f32.msk $0xffff, v32  }
0x21f: {  	_ =	sdelay $0x3  }
0x220: {  	[tilespmem:v4+s23+$0x0] =	vst.idx.add.f32.msk $0xffff, v3  }
.LBB2_36:
0x221: {  	s8 =	sshra.s32 s12, $0x2  }
0x222: {  	s11 =	sadd.s32 s8, s9  }
0x223: {  	v1 =	vld [tilespmem:s11+$0x0];
	_ =	sdelay $0x3  }
0x224: {  	s8 =	sadd.s32 s8, s10  }
0x225: {  	v2 =	vld [tilespmem:s8+$0x0];
	_ =	sdelay $0x2  }
0x226: {  	v3 =	vld.idx.msk [tilespmem:v1+s3+$0x0], $0xffff  }
0x227: {  	v4 =	vld.idx.msk [tilespmem:v1+s25+$0x0], $0xffff  }
0x228: {  	v5 =	vld.idx.msk [tilespmem:v1+s26+$0x0], $0xffff  }
0x229: {  	p1 =	seq.s32 s12, $0x40;
	v1 =	vld.idx.msk [tilespmem:v1+s28+$0x0], $0xffff  }
.Ltmp16:
0x22a: {  	_ = 	snop;
	(pc) =	sbr.rel @!p1 .LBB2_36-.Ltmp16, $4  }
0x22b: {  	[tilespmem:v2+s31+$0x0] =	vst.idx.add.f32.msk $0xffff, v3  }
0x22c: {  	[tilespmem:v2+s0+$0x0] =	vst.idx.add.f32.msk $0xffff, v4  }
0x22d: {  	[tilespmem:v2+s2+$0x0] =	vst.idx.add.f32.msk $0xffff, v5  }
0x22e: {  	s12 =	sadd.s32 $0x40, s12;
	[tilespmem:v2+s23+$0x0] =	vst.idx.add.f32.msk $0xffff, v1  }
0x22f: {  	p1 =	seq.s32 s7, $0x28  }
.Ltmp17:
0x230: {  	_ = 	snop;
	(pc) =	sbr.rel @!p1 .LBB2_33-.Ltmp17, $2  }
0x231: {  	_ =	sdelay $0x2  }
0x232: {  	p0 =	por !p0, !p0  }
0x233: {  	s6 =	simm.s32 $0x0  }
0x234: {  	s7 =	simm.s32 $0x40;
	v1 =	vld [tilespmem:s6+$0x0]  }
.LBB2_38:
0x235: {  	p0 =	sne.s32 s7, $0x9C00;
	v2 =	vld [tilespmem:s6+$0x9E00];
	_ =	sdelay $0x1  }
0x236: {  	v3 =	vld [tilespmem:s6+$0x17B80];
	_ =	sdelay $0x2  }
.Ltmp18:
0x237: {  	v1 =	vadd.f32 v1, v2;
	(pc) =	sbr.rel @p0 .LBB2_38-.Ltmp18, $4  }
0x238: {  	_ = 	snop  }
0x239: {  	v2 =	vmul.f32 v3, v1  }
0x23a: {  	s8 =	sshra.s32 s7, $0x2  }
0x23b: {  	s7 =	sadd.s32 $0x40, s7;
	v1 =	vld [tilespmem:s8+$0x0];
	[tilespmem:s6+$0x9E00] =	vst v2;
	s6 =	smov.u32 s8  }
0x23c: {  	v2 =	vld [tilespmem:s6+$0x9E00];
	_ =	sdelay $0x1  }
0x23d: {  	v3 =	vld [tilespmem:s6+$0x17B80];
	_ =	sdelay $0x2  }
0x23e: {  	v1 =	vadd.f32 v1, v2;
	_ =	sdelay $0x1  }
0x23f: {  	v1 =	vmul.f32 v3, v1;
	_ =	sdelay $0x1  }
0x240: {  	s29 =	simm.s32 $0x0;
	[tilespmem:s6+$0x9E00] =	vst v1  }
0x241: {  	[hbm4b:s18+s29] =	stream.linear.scatter [tilespmem:s31], [sflag:$0x3], $0x2710, $0x38;
	[tilespmem:$0x1A380] =	vst v63  }
0x242: {  	_ =	swait.ge [sflag:s24], $0x2710  }
0x243: {  	[sflag:s24] =	ssyncset.done $0x0  }
0x244: {  	s6 =	simm.s32 $0x0;
	[sflag:s24] =	ssyncadd.s32 $0xFFFFD8F0  }
0x245: {  	s7 =	simm.s32 $0x40;
	v1 =	vld [tilespmem:s6+$0x2780]  }
.LBB2_40:
0x246: {  	p0 =	sne.s32 s7, $0x9C00;
	v2 =	vld [tilespmem:s6+$0xC600];
	_ =	sdelay $0x1  }
0x247: {  	v3 =	vld [tilespmem:s6+$0x17B80];
	_ =	sdelay $0x2  }
.Ltmp19:
0x248: {  	v1 =	vadd.f32 v1, v2;
	(pc) =	sbr.rel @p0 .LBB2_40-.Ltmp19, $4  }
0x249: {  	_ = 	snop  }
0x24a: {  	v2 =	vmul.f32 v3, v1  }
0x24b: {  	s8 =	sshra.s32 s7, $0x2  }
0x24c: {  	s7 =	sadd.s32 $0x40, s7;
	v1 =	vld [tilespmem:s8+$0x2780];
	[tilespmem:s6+$0xC600] =	vst v2;
	s6 =	smov.u32 s8  }
0x24d: {  	v2 =	vld [tilespmem:s6+$0xC600];
	_ =	sdelay $0x1  }
0x24e: {  	v3 =	vld [tilespmem:s6+$0x17B80];
	_ =	sdelay $0x2  }
0x24f: {  	v1 =	vadd.f32 v1, v2;
	_ =	sdelay $0x1  }
0x250: {  	v1 =	vmul.f32 v3, v1;
	_ =	sdelay $0x1  }
0x251: {  	s29 =	simm.s32 $0x0;
	[tilespmem:s6+$0xC600] =	vst v1  }
0x252: {  	[hbm4b:s19+s29] =	stream.linear.scatter [tilespmem:s0], [sflag:$0x3], $0x2710, $0x38;
	[tilespmem:$0x1A380] =	vst v63  }
0x253: {  	_ =	swait.ge [sflag:s24], $0x2710  }
0x254: {  	[sflag:s24] =	ssyncset.done $0x0  }
0x255: {  	s6 =	simm.s32 $0x0;
	[sflag:s24] =	ssyncadd.s32 $0xFFFFD8F0  }
0x256: {  	s7 =	simm.s32 $0x40;
	v1 =	vld [tilespmem:s6+$0x4F00]  }
.LBB2_42:
0x257: {  	p0 =	sne.s32 s7, $0x9C00;
	v2 =	vld [tilespmem:s6+$0xED80];
	_ =	sdelay $0x1  }
0x258: {  	v3 =	vld [tilespmem:s6+$0x17B80];
	_ =	sdelay $0x2  }
.Ltmp20:
0x259: {  	v1 =	vadd.f32 v1, v2;
	(pc) =	sbr.rel @p0 .LBB2_42-.Ltmp20, $4  }
0x25a: {  	_ = 	snop  }
0x25b: {  	v2 =	vmul.f32 v3, v1  }
0x25c: {  	s8 =	sshra.s32 s7, $0x2  }
0x25d: {  	s7 =	sadd.s32 $0x40, s7;
	v1 =	vld [tilespmem:s8+$0x4F00];
	[tilespmem:s6+$0xED80] =	vst v2;
	s6 =	smov.u32 s8  }
0x25e: {  	v2 =	vld [tilespmem:s6+$0xED80];
	_ =	sdelay $0x1  }
0x25f: {  	v3 =	vld [tilespmem:s6+$0x17B80];
	_ =	sdelay $0x2  }
0x260: {  	v1 =	vadd.f32 v1, v2;
	_ =	sdelay $0x1  }
0x261: {  	v1 =	vmul.f32 v3, v1;
	_ =	sdelay $0x1  }
0x262: {  	s29 =	simm.s32 $0x0;
	[tilespmem:s6+$0xED80] =	vst v1  }
0x263: {  	[hbm4b:s20+s29] =	stream.linear.scatter [tilespmem:s2], [sflag:$0x3], $0x2710, $0x38;
	[tilespmem:$0x1A380] =	vst v63  }
0x264: {  	_ =	swait.ge [sflag:s24], $0x2710  }
0x265: {  	[sflag:s24] =	ssyncset.done $0x0  }
0x266: {  	s6 =	simm.s32 $0x0;
	[sflag:s24] =	ssyncadd.s32 $0xFFFFD8F0  }
0x267: {  	s7 =	simm.s32 $0x40;
	v1 =	vld [tilespmem:s6+$0x7680]  }
.LBB2_44:
0x268: {  	p0 =	sne.s32 s7, $0x9C00;
	v2 =	vld [tilespmem:s6+$0x11500];
	_ =	sdelay $0x1  }
0x269: {  	v3 =	vld [tilespmem:s6+$0x17B80];
	_ =	sdelay $0x2  }
.Ltmp21:
0x26a: {  	v1 =	vadd.f32 v1, v2;
	(pc) =	sbr.rel @p0 .LBB2_44-.Ltmp21, $4  }
0x26b: {  	_ = 	snop  }
0x26c: {  	v2 =	vmul.f32 v3, v1  }
0x26d: {  	s8 =	sshra.s32 s7, $0x2  }
0x26e: {  	s7 =	sadd.s32 $0x40, s7;
	v1 =	vld [tilespmem:s8+$0x7680];
	[tilespmem:s6+$0x11500] =	vst v2;
	s6 =	smov.u32 s8  }
0x26f: {  	v2 =	vld [tilespmem:s6+$0x11500];
	_ =	sdelay $0x1  }
0x270: {  	v3 =	vld [tilespmem:s6+$0x17B80];
	_ =	sdelay $0x2  }
0x271: {  	v1 =	vadd.f32 v1, v2;
	_ =	sdelay $0x1  }
0x272: {  	s5 =	sadd.s32 $0x1, s5;
	v1 =	vmul.f32 v3, v1  }
0x273: {  	p0 =	sne.s32 s5, s22  }
.Ltmp22:
0x274: {  	[tilespmem:s6+$0x11500] =	vst v1;
	(pc) =	sbr.rel @p0 .LBB2_1-.Ltmp22, $4  }
0x275: {  	[hbm4b:s21+s3] =	stream.linear.scatter [tilespmem:s23], [sflag:$0x3], $0x2710, $0x38;
	[tilespmem:$0x1A380] =	vst v63  }
0x276: {  	_ =	swait.ge [sflag:s24], $0x2710  }
0x277: {  	[sflag:s24] =	ssyncset.done $0x0  }
0x278: {  	[sflag:s24] =	ssyncadd.s32 $0xFFFFD8F0  }
0x279: {  	_ =	sfence.sel $0x180000  }
0x27a: {  	[bflag:$0x0] =	sbarrier.arrive $0xFFFF  }
0x27b: {  	_ =	strace $0x9000004A  }
0x27c: {  	s0 =	stileid.u32;
	[bflag:$0x2] =	sbarrier.arrive $0xFFFF  }
0x27d: {  	p0 =	sne.s32 s0, $0x0;
	s0 =	rddreg [dreg:$0x2]  }
0x27e: {  	s0 =	sadd.s32 @!p0 $0x100000, s0  }
0x27f: {  	[sflag:s0] =	ssyncadd.tile.s32 @!p0 $0x1;
	_ =	shalt  }
.Lfunc_end2:
_tile_overlayer_lowered:
.L_overlay_start_2:
0x280: {  	(tag) =	ssettag $0x2  }
0x281: {  	s0 =	rddreg [dreg:$0x0];
	s2 =	stileid.u32  }
0x282: {  	s1 =	rddreg [dreg:$0x1];
	p0 =	sne.s32 s2, $0x0  }
0x283: {  	s3 =	rddreg [dreg:$0x2];
	[bflag:$0x3] =	sbarrier.arrive $0xFFFF;
	s2 =	simm.s32 @!p0 $0x1C03  }
0x284: {  	[timem:s3], [sflag:s2] =	dma.local @!p0 [hbm:s0], s1  }
0x285: {  	s0 =	simm.s32 @!p0 $0x3  }
0x286: {  	_ =	swait.ge @!p0 [sflag:s0], s1  }
0x287: {  	s1 =	ssub.s32 @!p0 $0x0, s1;
	[sflag:s0] =	ssyncset.done @!p0 $0x0  }
0x288: {  	[sflag:s0] =	ssyncadd.s32 @!p0 s1  }
0x289: {  	[bflag:$0x3] =	sbarrier.arrive $0xFFFF  }
0x28a: {  	_ =	shalt  }

</sc_bundles>
